<compile_context>
chip_gen: v7x
topology: tpu7x:2x2x1
jax: 0.10.2.dev20260603
libtpu: 0.0.44.dev20260713+nightly
codegen_flags: <defaults>
</compile_context>

<pallas_src>
import functools

import jax
import jax.numpy as jnp
from jax import lax
from jax.experimental import pallas as pl
from jax.experimental.pallas import tpu as pltpu
from jax.experimental.pallas import tpu_sc as plsc

F = 26
V = 100000
D = 32
B = 16384
N = B * F
NC, NS, L = 2, 16, 16
NW = NC * NS
N_PER_W = N // NW
B_PER_W = N_PER_W // F
UNROLL = 8
VEC_ITERS = N_PER_W // (L * UNROLL)
NB = 16
CHUNK = NB * F
N_CHUNKS = N_PER_W // CHUNK
NBUF = 2


def _sc_gather(x_flat, table_flat):
  mesh = plsc.VectorSubcoreMesh(core_axis_name="c", subcore_axis_name="s")

  @functools.partial(
      pl.kernel,
      out_type=jax.ShapeDtypeStruct((B, F, D), jnp.float32),
      mesh=mesh,
      scratch_types=[
          pltpu.VMEM((N_PER_W,), jnp.int32),
          pltpu.VMEM((NBUF, CHUNK, D), jnp.float32),
      ] + [pltpu.SemaphoreType.DMA] * NBUF
        + [pltpu.SemaphoreType.DMA] * NBUF,
      compiler_params=pltpu.CompilerParams(use_tc_tiling_on_sc=True),
  )
  def k(x_hbm, tab_hbm, out_hbm, idx_v, rows, *sems):
    gsems = sems[:NBUF]
    wsems = sems[NBUF:]
    wid = lax.axis_index("s") * NC + lax.axis_index("c")
    base = wid * N_PER_W
    b_base = wid * B_PER_W

    pltpu.sync_copy(x_hbm.at[pl.ds(base, N_PER_W)], idx_v)

    lanes = lax.iota(jnp.int32, L)

    def vbody(i, carry):
      for j in range(UNROLL):
        off = (i * UNROLL + j) * L
        fld = lax.rem(off + lanes, F)
        idx_v[pl.ds(off, L)] = idx_v[pl.ds(off, L)] + fld * V
      return carry

    lax.fori_loop(0, VEC_ITERS, vbody, 0)

    def gather(c, b):
      def gbody(vi, carry):
        ivec = idx_v[pl.ds(c * CHUNK + vi * L, L)]
        r0 = vi * L
        for j in range(L):
          pltpu.async_copy(
              tab_hbm.at[ivec[j]], rows.at[b].at[r0 + j], gsems[b])
        return carry

      lax.fori_loop(0, CHUNK // L, gbody, 0)

    def gwait(b):
      pltpu.make_async_copy(
          tab_hbm.at[pl.ds(0, CHUNK)], rows.at[b], gsems[b]).wait()

    def writeout(c, b):
      for bb in range(NB):
        pltpu.async_copy(
            rows.at[b].at[pl.ds(bb * F, F)],
            out_hbm.at[b_base + c * NB + bb], wsems[b])

    def wwait(b):
      for bb in range(NB):
        pltpu.make_async_copy(
            rows.at[b].at[pl.ds(bb * F, F)],
            out_hbm.at[b_base], wsems[b]).wait()

    gather(0, 0)

    def pbody(g, carry):
      for b in range(NBUF):
        c = g * NBUF + b
        nxt = lax.rem(c + 1, N_CHUNKS)
        gwait(b)

        @pl.when(c >= 1)
        def _():
          wwait(1 - b)
        writeout(c, b)
        gather(nxt, 1 - b)
      return carry

    lax.fori_loop(0, N_CHUNKS // NBUF, pbody, 0)
    gwait(0)
    wwait(1)

  return k(x_flat, table_flat)


def kernel(x_cat, tables):
  return _sc_gather(x_cat.reshape(N), tables.reshape(F * V, D))

# --- scband reference (transcript-rebuilt; emitter-appended) ---
"""Pipeline reference for scband-categorical-tokenizer-13855564497557 (READ-ONLY COPY).

The authoritative reference and input builder live on the scoring server;
editing this copy changes nothing except your own understanding.
"""

import jax, jax.numpy as jnp
import numpy as np

NUM_FIELDS = 26
VOCAB = 100000
D_MODEL = 32
BATCH = 16384


def setup_inputs(seed: int = 0) -> dict:
    key = jax.random.key(seed)
    k1, k2 = jax.random.split(key)
    x_cat = jax.random.randint(k1, (BATCH, NUM_FIELDS), 0, VOCAB, dtype=jnp.int32)
    # One embedding table per categorical column, all with embedding_dim=d_model.
    # All tables have the same (vocab, d_model) shape so we stack them: [F, V, D].
    tables = jax.random.normal(k2, (NUM_FIELDS, VOCAB, D_MODEL), dtype=jnp.float32) * 0.02
    return {"x_cat": x_cat, "tables": tables}


def reference(x_cat, tables):
    # tokens[b, f, :] = tables[f][x_cat[b, f]]  == torch.stack([emb_f(x_cat[:, f])], dim=1)
    field_ids = jnp.arange(tables.shape[0])
    tokens = tables[field_ids[None, :], x_cat]  # gather -> [B, F, D]
    return tokens

if __name__ == "__main__":
    import jax
    _d = setup_inputs()
    print(jax.jit(kernel)(*tuple(_d.values())))

</pallas_src>

<mosaic_0001>
#map = affine_map<(d0, d1) -> (0)>
#map1 = affine_map<(d0, d1) -> (0, 0)>
#map2 = affine_map<(d0, d1) -> (0, 0, 0)>
module attributes {stable_mosaic.version = 14 : i64} {
  func.func @k(%arg0: i32, %arg1: i32, %arg2: memref<425984xi32, #tpu.memory_space<hbm>>, %arg3: memref<2600000x32xf32, #tpu.memory_space<hbm>>, %arg4: memref<16384x26x32xf32, #tpu.memory_space<hbm>>, %arg5: memref<13312xi32, #tpu.memory_space<vmem>>, %arg6: memref<2x416x32xf32, #tpu.memory_space<vmem>>, %arg7: memref<!tpu.dma_semaphore, #tpu.memory_space<semaphore_mem>>, %arg8: memref<!tpu.dma_semaphore, #tpu.memory_space<semaphore_mem>>, %arg9: memref<!tpu.dma_semaphore, #tpu.memory_space<semaphore_mem>>, %arg10: memref<!tpu.dma_semaphore, #tpu.memory_space<semaphore_mem>>) attributes {dimension_semantics = [#tpu.dimension_semantics<core_parallel>, #tpu.dimension_semantics<subcore_parallel>], iteration_bounds = array<i64: 2, 16>, scalar_prefetch = 0 : i64, scratch_operands = 6 : i64, tpu.core_type = #tpu.core_type<sc_vector_subcore>, window_params = [{transform_indices = #map}, {transform_indices = #map1}, {transform_indices = #map2}]} {
    %mul3A = arith.constant 2 : i32
    %mul3A_0 = arith.muli %arg1, %mul3A : i32
    %add3A = arith.addi %mul3A_0, %arg0 : i32
    %mul3A_1 = arith.constant 13312 : i32
    %mul3A_2 = arith.muli %add3A, %mul3A_1 : i32
    %mul3A_3 = arith.constant 512 : i32
    %mul3A_4 = arith.muli %add3A, %mul3A_3 : i32
    "tpu.region"() ({
      %run_scoped3A = tpu.sem_alloc : memref<!tpu.dma_semaphore, #tpu.memory_space<semaphore_mem>>
      %dma_start3A = tpu.memref_slice %arg2[%mul3A_2] : memref<425984xi32, #tpu.memory_space<hbm>> -> memref<13312xi32, #tpu.memory_space<hbm>>
      %dma_start3A_404 = tpu.memref_slice %arg2[%mul3A_2] : memref<425984xi32, #tpu.memory_space<hbm>> -> memref<13312xi32, #tpu.memory_space<hbm>>
      tpu.enqueue_dma source(%dma_start3A_404 : memref<13312xi32, #tpu.memory_space<hbm>>) target(%arg5 : memref<13312xi32, #tpu.memory_space<vmem>>) target_semaphore(%run_scoped3A : memref<!tpu.dma_semaphore, #tpu.memory_space<semaphore_mem>>)
      %dma_wait3A_405 = tpu.memref_slice %arg2[%mul3A_2] : memref<425984xi32, #tpu.memory_space<hbm>> -> memref<13312xi32, #tpu.memory_space<hbm>>
      %dma_wait3A_406 = tpu.memref_slice %arg2[%mul3A_2] : memref<425984xi32, #tpu.memory_space<hbm>> -> memref<13312xi32, #tpu.memory_space<hbm>>
      tpu.wait_dma2 semaphore(%run_scoped3A : memref<!tpu.dma_semaphore, #tpu.memory_space<semaphore_mem>>) src(%dma_wait3A_406 : memref<13312xi32, #tpu.memory_space<hbm>>) dst(%arg5 : memref<13312xi32, #tpu.memory_space<vmem>>)
      tpu.yield
    }) : () -> ()
    %iota3A = tpu.iota {dimensions = array<i32: 0>} : vector<16xi32>
    %scan3A = arith.constant 0 : i32
    %scan3A_5 = arith.constant 0 : i32
    %scan3A_6 = arith.constant 104 : i32
    %scan3A_7 = arith.addi %scan3A_5, %scan3A_6 : i32
    %scan3A_8 = arith.constant 1 : i32
    scf.for %scan3A_404 = %scan3A_5 to %scan3A_7 step %scan3A_8  : i32 {
      %mul3A_405 = arith.constant 8 : i32
      %mul3A_406 = arith.muli %scan3A_404, %mul3A_405 : i32
      %add3A_407 = arith.constant 0 : i32
      %add3A_408 = arith.addi %mul3A_406, %add3A_407 : i32
      %mul3A_409 = arith.constant 16 : i32
      %mul3A_410 = arith.muli %add3A_408, %mul3A_409 : i32
      %add3A_411 = vector.broadcast %mul3A_410 : i32 to vector<16xi32>
      %add3A_412 = arith.addi %add3A_411, %iota3A : vector<16xi32>
      %rem3A = arith.constant 26 : i32
      %rem3A_413 = vector.broadcast %rem3A : i32 to vector<16xi32>
      %rem3A_414 = arith.remsi %add3A_412, %rem3A_413 : vector<16xi32>
      %get3A = arith.index_cast %mul3A_410 : i32 to index
      %get3A_415 = tpu.vector_load %arg5[%get3A] {strides = array<i32>} : memref<13312xi32, #tpu.memory_space<vmem>>, vector<16xi32>,
      %get3A_416 = vector.shape_cast %get3A_415 : vector<16xi32> to vector<16xi32>
      %mul3A_417 = arith.constant 100000 : i32
      %mul3A_418 = vector.broadcast %mul3A_417 : i32 to vector<16xi32>
      %mul3A_419 = arith.muli %rem3A_414, %mul3A_418 : vector<16xi32>
      %add3A_420 = arith.addi %get3A_416, %mul3A_419 : vector<16xi32>
      %swap3A = arith.index_cast %mul3A_410 : i32 to index
      %swap3A_421 = tpu.vector_load %arg5[%swap3A] {strides = array<i32>} : memref<13312xi32, #tpu.memory_space<vmem>>, vector<16xi32>,
      %swap3A_422 = vector.shape_cast %swap3A_421 : vector<16xi32> to vector<16xi32>
      %swap3A_423 = vector.shape_cast %add3A_420 : vector<16xi32> to vector<16xi32>
      tpu.vector_store %arg5[%swap3A], %swap3A_423 {strides = array<i32>} : memref<13312xi32, #tpu.memory_space<vmem>>, vector<16xi32>,
      %mul3A_424 = arith.constant 8 : i32
      %mul3A_425 = arith.muli %scan3A_404, %mul3A_424 : i32
      %add3A_426 = arith.constant 1 : i32
      %add3A_427 = arith.addi %mul3A_425, %add3A_426 : i32
      %mul3A_428 = arith.constant 16 : i32
      %mul3A_429 = arith.muli %add3A_427, %mul3A_428 : i32
      %add3A_430 = vector.broadcast %mul3A_429 : i32 to vector<16xi32>
      %add3A_431 = arith.addi %add3A_430, %iota3A : vector<16xi32>
      %rem3A_432 = arith.constant 26 : i32
      %rem3A_433 = vector.broadcast %rem3A_432 : i32 to vector<16xi32>
      %rem3A_434 = arith.remsi %add3A_431, %rem3A_433 : vector<16xi32>
      %get3A_435 = arith.index_cast %mul3A_429 : i32 to index
      %get3A_436 = tpu.vector_load %arg5[%get3A_435] {strides = array<i32>} : memref<13312xi32, #tpu.memory_space<vmem>>, vector<16xi32>,
      %get3A_437 = vector.shape_cast %get3A_436 : vector<16xi32> to vector<16xi32>
      %mul3A_438 = arith.constant 100000 : i32
      %mul3A_439 = vector.broadcast %mul3A_438 : i32 to vector<16xi32>
      %mul3A_440 = arith.muli %rem3A_434, %mul3A_439 : vector<16xi32>
      %add3A_441 = arith.addi %get3A_437, %mul3A_440 : vector<16xi32>
      %swap3A_442 = arith.index_cast %mul3A_429 : i32 to index
      %swap3A_443 = tpu.vector_load %arg5[%swap3A_442] {strides = array<i32>} : memref<13312xi32, #tpu.memory_space<vmem>>, vector<16xi32>,
      %swap3A_444 = vector.shape_cast %swap3A_443 : vector<16xi32> to vector<16xi32>
      %swap3A_445 = vector.shape_cast %add3A_441 : vector<16xi32> to vector<16xi32>
      tpu.vector_store %arg5[%swap3A_442], %swap3A_445 {strides = array<i32>} : memref<13312xi32, #tpu.memory_space<vmem>>, vector<16xi32>,
      %mul3A_446 = arith.constant 8 : i32
      %mul3A_447 = arith.muli %scan3A_404, %mul3A_446 : i32
      %add3A_448 = arith.constant 2 : i32
      %add3A_449 = arith.addi %mul3A_447, %add3A_448 : i32
      %mul3A_450 = arith.constant 16 : i32
      %mul3A_451 = arith.muli %add3A_449, %mul3A_450 : i32
      %add3A_452 = vector.broadcast %mul3A_451 : i32 to vector<16xi32>
      %add3A_453 = arith.addi %add3A_452, %iota3A : vector<16xi32>
      %rem3A_454 = arith.constant 26 : i32
      %rem3A_455 = vector.broadcast %rem3A_454 : i32 to vector<16xi32>
      %rem3A_456 = arith.remsi %add3A_453, %rem3A_455 : vector<16xi32>
      %get3A_457 = arith.index_cast %mul3A_451 : i32 to index
      %get3A_458 = tpu.vector_load %arg5[%get3A_457] {strides = array<i32>} : memref<13312xi32, #tpu.memory_space<vmem>>, vector<16xi32>,
      %get3A_459 = vector.shape_cast %get3A_458 : vector<16xi32> to vector<16xi32>
      %mul3A_460 = arith.constant 100000 : i32
      %mul3A_461 = vector.broadcast %mul3A_460 : i32 to vector<16xi32>
      %mul3A_462 = arith.muli %rem3A_456, %mul3A_461 : vector<16xi32>
      %add3A_463 = arith.addi %get3A_459, %mul3A_462 : vector<16xi32>
      %swap3A_464 = arith.index_cast %mul3A_451 : i32 to index
      %swap3A_465 = tpu.vector_load %arg5[%swap3A_464] {strides = array<i32>} : memref<13312xi32, #tpu.memory_space<vmem>>, vector<16xi32>,
      %swap3A_466 = vector.shape_cast %swap3A_465 : vector<16xi32> to vector<16xi32>
      %swap3A_467 = vector.shape_cast %add3A_463 : vector<16xi32> to vector<16xi32>
      tpu.vector_store %arg5[%swap3A_464], %swap3A_467 {strides = array<i32>} : memref<13312xi32, #tpu.memory_space<vmem>>, vector<16xi32>,
      %mul3A_468 = arith.constant 8 : i32
      %mul3A_469 = arith.muli %scan3A_404, %mul3A_468 : i32
      %add3A_470 = arith.constant 3 : i32
      %add3A_471 = arith.addi %mul3A_469, %add3A_470 : i32
      %mul3A_472 = arith.constant 16 : i32
      %mul3A_473 = arith.muli %add3A_471, %mul3A_472 : i32
      %add3A_474 = vector.broadcast %mul3A_473 : i32 to vector<16xi32>
      %add3A_475 = arith.addi %add3A_474, %iota3A : vector<16xi32>
      %rem3A_476 = arith.constant 26 : i32
      %rem3A_477 = vector.broadcast %rem3A_476 : i32 to vector<16xi32>
      %rem3A_478 = arith.remsi %add3A_475, %rem3A_477 : vector<16xi32>
      %get3A_479 = arith.index_cast %mul3A_473 : i32 to index
      %get3A_480 = tpu.vector_load %arg5[%get3A_479] {strides = array<i32>} : memref<13312xi32, #tpu.memory_space<vmem>>, vector<16xi32>,
      %get3A_481 = vector.shape_cast %get3A_480 : vector<16xi32> to vector<16xi32>
      %mul3A_482 = arith.constant 100000 : i32
      %mul3A_483 = vector.broadcast %mul3A_482 : i32 to vector<16xi32>
      %mul3A_484 = arith.muli %rem3A_478, %mul3A_483 : vector<16xi32>
      %add3A_485 = arith.addi %get3A_481, %mul3A_484 : vector<16xi32>
      %swap3A_486 = arith.index_cast %mul3A_473 : i32 to index
      %swap3A_487 = tpu.vector_load %arg5[%swap3A_486] {strides = array<i32>} : memref<13312xi32, #tpu.memory_space<vmem>>, vector<16xi32>,
      %swap3A_488 = vector.shape_cast %swap3A_487 : vector<16xi32> to vector<16xi32>
      %swap3A_489 = vector.shape_cast %add3A_485 : vector<16xi32> to vector<16xi32>
      tpu.vector_store %arg5[%swap3A_486], %swap3A_489 {strides = array<i32>} : memref<13312xi32, #tpu.memory_space<vmem>>, vector<16xi32>,
      %mul3A_490 = arith.constant 8 : i32
      %mul3A_491 = arith.muli %scan3A_404, %mul3A_490 : i32
      %add3A_492 = arith.constant 4 : i32
      %add3A_493 = arith.addi %mul3A_491, %add3A_492 : i32
      %mul3A_494 = arith.constant 16 : i32
      %mul3A_495 = arith.muli %add3A_493, %mul3A_494 : i32
      %add3A_496 = vector.broadcast %mul3A_495 : i32 to vector<16xi32>
      %add3A_497 = arith.addi %add3A_496, %iota3A : vector<16xi32>
      %rem3A_498 = arith.constant 26 : i32
      %rem3A_499 = vector.broadcast %rem3A_498 : i32 to vector<16xi32>
      %rem3A_500 = arith.remsi %add3A_497, %rem3A_499 : vector<16xi32>
      %get3A_501 = arith.index_cast %mul3A_495 : i32 to index
      %get3A_502 = tpu.vector_load %arg5[%get3A_501] {strides = array<i32>} : memref<13312xi32, #tpu.memory_space<vmem>>, vector<16xi32>,
      %get3A_503 = vector.shape_cast %get3A_502 : vector<16xi32> to vector<16xi32>
      %mul3A_504 = arith.constant 100000 : i32
      %mul3A_505 = vector.broadcast %mul3A_504 : i32 to vector<16xi32>
      %mul3A_506 = arith.muli %rem3A_500, %mul3A_505 : vector<16xi32>
      %add3A_507 = arith.addi %get3A_503, %mul3A_506 : vector<16xi32>
      %swap3A_508 = arith.index_cast %mul3A_495 : i32 to index
      %swap3A_509 = tpu.vector_load %arg5[%swap3A_508] {strides = array<i32>} : memref<13312xi32, #tpu.memory_space<vmem>>, vector<16xi32>,
      %swap3A_510 = vector.shape_cast %swap3A_509 : vector<16xi32> to vector<16xi32>
      %swap3A_511 = vector.shape_cast %add3A_507 : vector<16xi32> to vector<16xi32>
      tpu.vector_store %arg5[%swap3A_508], %swap3A_511 {strides = array<i32>} : memref<13312xi32, #tpu.memory_space<vmem>>, vector<16xi32>,
      %mul3A_512 = arith.constant 8 : i32
      %mul3A_513 = arith.muli %scan3A_404, %mul3A_512 : i32
      %add3A_514 = arith.constant 5 : i32
      %add3A_515 = arith.addi %mul3A_513, %add3A_514 : i32
      %mul3A_516 = arith.constant 16 : i32
      %mul3A_517 = arith.muli %add3A_515, %mul3A_516 : i32
      %add3A_518 = vector.broadcast %mul3A_517 : i32 to vector<16xi32>
      %add3A_519 = arith.addi %add3A_518, %iota3A : vector<16xi32>
      %rem3A_520 = arith.constant 26 : i32
      %rem3A_521 = vector.broadcast %rem3A_520 : i32 to vector<16xi32>
      %rem3A_522 = arith.remsi %add3A_519, %rem3A_521 : vector<16xi32>
      %get3A_523 = arith.index_cast %mul3A_517 : i32 to index
      %get3A_524 = tpu.vector_load %arg5[%get3A_523] {strides = array<i32>} : memref<13312xi32, #tpu.memory_space<vmem>>, vector<16xi32>,
      %get3A_525 = vector.shape_cast %get3A_524 : vector<16xi32> to vector<16xi32>
      %mul3A_526 = arith.constant 100000 : i32
      %mul3A_527 = vector.broadcast %mul3A_526 : i32 to vector<16xi32>
      %mul3A_528 = arith.muli %rem3A_522, %mul3A_527 : vector<16xi32>
      %add3A_529 = arith.addi %get3A_525, %mul3A_528 : vector<16xi32>
      %swap3A_530 = arith.index_cast %mul3A_517 : i32 to index
      %swap3A_531 = tpu.vector_load %arg5[%swap3A_530] {strides = array<i32>} : memref<13312xi32, #tpu.memory_space<vmem>>, vector<16xi32>,
      %swap3A_532 = vector.shape_cast %swap3A_531 : vector<16xi32> to vector<16xi32>
      %swap3A_533 = vector.shape_cast %add3A_529 : vector<16xi32> to vector<16xi32>
      tpu.vector_store %arg5[%swap3A_530], %swap3A_533 {strides = array<i32>} : memref<13312xi32, #tpu.memory_space<vmem>>, vector<16xi32>,
      %mul3A_534 = arith.constant 8 : i32
      %mul3A_535 = arith.muli %scan3A_404, %mul3A_534 : i32
      %add3A_536 = arith.constant 6 : i32
      %add3A_537 = arith.addi %mul3A_535, %add3A_536 : i32
      %mul3A_538 = arith.constant 16 : i32
      %mul3A_539 = arith.muli %add3A_537, %mul3A_538 : i32
      %add3A_540 = vector.broadcast %mul3A_539 : i32 to vector<16xi32>
      %add3A_541 = arith.addi %add3A_540, %iota3A : vector<16xi32>
      %rem3A_542 = arith.constant 26 : i32
      %rem3A_543 = vector.broadcast %rem3A_542 : i32 to vector<16xi32>
      %rem3A_544 = arith.remsi %add3A_541, %rem3A_543 : vector<16xi32>
      %get3A_545 = arith.index_cast %mul3A_539 : i32 to index
      %get3A_546 = tpu.vector_load %arg5[%get3A_545] {strides = array<i32>} : memref<13312xi32, #tpu.memory_space<vmem>>, vector<16xi32>,
      %get3A_547 = vector.shape_cast %get3A_546 : vector<16xi32> to vector<16xi32>
      %mul3A_548 = arith.constant 100000 : i32
      %mul3A_549 = vector.broadcast %mul3A_548 : i32 to vector<16xi32>
      %mul3A_550 = arith.muli %rem3A_544, %mul3A_549 : vector<16xi32>
      %add3A_551 = arith.addi %get3A_547, %mul3A_550 : vector<16xi32>
      %swap3A_552 = arith.index_cast %mul3A_539 : i32 to index
      %swap3A_553 = tpu.vector_load %arg5[%swap3A_552] {strides = array<i32>} : memref<13312xi32, #tpu.memory_space<vmem>>, vector<16xi32>,
      %swap3A_554 = vector.shape_cast %swap3A_553 : vector<16xi32> to vector<16xi32>
      %swap3A_555 = vector.shape_cast %add3A_551 : vector<16xi32> to vector<16xi32>
      tpu.vector_store %arg5[%swap3A_552], %swap3A_555 {strides = array<i32>} : memref<13312xi32, #tpu.memory_space<vmem>>, vector<16xi32>,
      %mul3A_556 = arith.constant 8 : i32
      %mul3A_557 = arith.muli %scan3A_404, %mul3A_556 : i32
      %add3A_558 = arith.constant 7 : i32
      %add3A_559 = arith.addi %mul3A_557, %add3A_558 : i32
      %mul3A_560 = arith.constant 16 : i32
      %mul3A_561 = arith.muli %add3A_559, %mul3A_560 : i32
      %add3A_562 = vector.broadcast %mul3A_561 : i32 to vector<16xi32>
      %add3A_563 = arith.addi %add3A_562, %iota3A : vector<16xi32>
      %rem3A_564 = arith.constant 26 : i32
      %rem3A_565 = vector.broadcast %rem3A_564 : i32 to vector<16xi32>
      %rem3A_566 = arith.remsi %add3A_563, %rem3A_565 : vector<16xi32>
      %get3A_567 = arith.index_cast %mul3A_561 : i32 to index
      %get3A_568 = tpu.vector_load %arg5[%get3A_567] {strides = array<i32>} : memref<13312xi32, #tpu.memory_space<vmem>>, vector<16xi32>,
      %get3A_569 = vector.shape_cast %get3A_568 : vector<16xi32> to vector<16xi32>
      %mul3A_570 = arith.constant 100000 : i32
      %mul3A_571 = vector.broadcast %mul3A_570 : i32 to vector<16xi32>
      %mul3A_572 = arith.muli %rem3A_566, %mul3A_571 : vector<16xi32>
      %add3A_573 = arith.addi %get3A_569, %mul3A_572 : vector<16xi32>
      %swap3A_574 = arith.index_cast %mul3A_561 : i32 to index
      %swap3A_575 = tpu.vector_load %arg5[%swap3A_574] {strides = array<i32>} : memref<13312xi32, #tpu.memory_space<vmem>>, vector<16xi32>,
      %swap3A_576 = vector.shape_cast %swap3A_575 : vector<16xi32> to vector<16xi32>
      %swap3A_577 = vector.shape_cast %add3A_573 : vector<16xi32> to vector<16xi32>
      tpu.vector_store %arg5[%swap3A_574], %swap3A_577 {strides = array<i32>} : memref<13312xi32, #tpu.memory_space<vmem>>, vector<16xi32>,
    }
    %scan3A_9 = arith.constant 104 : i32
    %scan3A_10 = arith.constant 0 : i32
    %scan3A_11 = arith.constant 0 : i32
    %scan3A_12 = arith.constant 26 : i32
    %scan3A_13 = arith.addi %scan3A_11, %scan3A_12 : i32
    %scan3A_14 = arith.constant 1 : i32
    scf.for %scan3A_404 = %scan3A_11 to %scan3A_13 step %scan3A_14  : i32 {
      %mul3A_405 = arith.constant 16 : i32
      %mul3A_406 = arith.muli %scan3A_404, %mul3A_405 : i32
      %add3A_407 = arith.constant 0 : i32
      %add3A_408 = arith.addi %add3A_407, %mul3A_406 : i32
      %get3A = arith.index_cast %add3A_408 : i32 to index
      %get3A_409 = tpu.vector_load %arg5[%get3A] {strides = array<i32>} : memref<13312xi32, #tpu.memory_space<vmem>>, vector<16xi32>,
      %get3A_410 = vector.shape_cast %get3A_409 : vector<16xi32> to vector<16xi32>
      %mul3A_411 = arith.constant 16 : i32
      %mul3A_412 = arith.muli %scan3A_404, %mul3A_411 : i32
      %slice3A = vector.extract_strided_slice %get3A_410 {offsets = [0], sizes = [1], strides = [1]} : vector<16xi32> to vector<1xi32>
      %squeeze3A = vector.extract %slice3A[0] : i32 from vector<1xi32>
      %add3A_413 = arith.constant 0 : i32
      %add3A_414 = arith.addi %mul3A_412, %add3A_413 : i32
      %dma_start3A = arith.constant 0 : i32
      %dma_start3A_415 = arith.constant 0 : i32
      %dma_start3A_416 = arith.constant 0 : i32
      %dma_start3A_417 = tpu.memref_slice %arg6[%dma_start3A, %dma_start3A_415, %dma_start3A_416] : memref<2x416x32xf32, #tpu.memory_space<vmem>> -> memref<1x416x32xf32, #tpu.memory_space<vmem>>
      %dma_start3A_418 = tpu.memref_squeeze %dma_start3A_417 : memref<1x416x32xf32, #tpu.memory_space<vmem>> -> memref<416x32xf32, #tpu.memory_space<vmem>>
      %dma_start3A_419 = arith.constant 0 : i32
      %dma_start3A_420 = tpu.memref_slice %dma_start3A_418[%add3A_414, %dma_start3A_419] : memref<416x32xf32, #tpu.memory_space<vmem>> -> memref<1x32xf32, #tpu.memory_space<vmem>>
      %dma_start3A_421 = tpu.memref_squeeze %dma_start3A_420 : memref<1x32xf32, #tpu.memory_space<vmem>> -> memref<32xf32, #tpu.memory_space<vmem>>
      %dma_start3A_422 = arith.constant 0 : i32
      %dma_start3A_423 = tpu.memref_slice %arg3[%squeeze3A, %dma_start3A_422] : memref<2600000x32xf32, #tpu.memory_space<hbm>> -> memref<1x32xf32, #tpu.memory_space<hbm>>
      %dma_start3A_424 = tpu.memref_squeeze %dma_start3A_423 : memref<1x32xf32, #tpu.memory_space<hbm>> -> memref<32xf32, #tpu.memory_space<hbm>>
      %dma_start3A_425 = arith.constant 0 : i32
      %dma_start3A_426 = arith.constant 0 : i32
      %dma_start3A_427 = tpu.memref_slice %arg6[%dma_start3A, %dma_start3A_425, %dma_start3A_426] : memref<2x416x32xf32, #tpu.memory_space<vmem>> -> memref<1x416x32xf32, #tpu.memory_space<vmem>>
      %dma_start3A_428 = tpu.memref_squeeze %dma_start3A_427 : memref<1x416x32xf32, #tpu.memory_space<vmem>> -> memref<416x32xf32, #tpu.memory_space<vmem>>
      %dma_start3A_429 = arith.constant 0 : i32
      %dma_start3A_430 = tpu.memref_slice %dma_start3A_428[%add3A_414, %dma_start3A_429] : memref<416x32xf32, #tpu.memory_space<vmem>> -> memref<1x32xf32, #tpu.memory_space<vmem>>
      %dma_start3A_431 = tpu.memref_squeeze %dma_start3A_430 : memref<1x32xf32, #tpu.memory_space<vmem>> -> memref<32xf32, #tpu.memory_space<vmem>>
      %dma_start3A_432 = arith.constant 0 : i32
      %dma_start3A_433 = tpu.memref_slice %arg3[%squeeze3A, %dma_start3A_432] : memref<2600000x32xf32, #tpu.memory_space<hbm>> -> memref<1x32xf32, #tpu.memory_space<hbm>>
      %dma_start3A_434 = tpu.memref_squeeze %dma_start3A_433 : memref<1x32xf32, #tpu.memory_space<hbm>> -> memref<32xf32, #tpu.memory_space<hbm>>
      tpu.enqueue_dma source(%dma_start3A_434 : memref<32xf32, #tpu.memory_space<hbm>>) target(%dma_start3A_431 : memref<32xf32, #tpu.memory_space<vmem>>) target_semaphore(%arg7 : memref<!tpu.dma_semaphore, #tpu.memory_space<semaphore_mem>>)
      %slice3A_435 = vector.extract_strided_slice %get3A_410 {offsets = [1], sizes = [1], strides = [1]} : vector<16xi32> to vector<1xi32>
      %squeeze3A_436 = vector.extract %slice3A_435[0] : i32 from vector<1xi32>
      %add3A_437 = arith.constant 1 : i32
      %add3A_438 = arith.addi %mul3A_412, %add3A_437 : i32
      %dma_start3A_439 = arith.constant 0 : i32
      %dma_start3A_440 = arith.constant 0 : i32
      %dma_start3A_441 = arith.constant 0 : i32
      %dma_start3A_442 = tpu.memref_slice %arg6[%dma_start3A_439, %dma_start3A_440, %dma_start3A_441] : memref<2x416x32xf32, #tpu.memory_space<vmem>> -> memref<1x416x32xf32, #tpu.memory_space<vmem>>
      %dma_start3A_443 = tpu.memref_squeeze %dma_start3A_442 : memref<1x416x32xf32, #tpu.memory_space<vmem>> -> memref<416x32xf32, #tpu.memory_space<vmem>>
      %dma_start3A_444 = arith.constant 0 : i32
      %dma_start3A_445 = tpu.memref_slice %dma_start3A_443[%add3A_438, %dma_start3A_444] : memref<416x32xf32, #tpu.memory_space<vmem>> -> memref<1x32xf32, #tpu.memory_space<vmem>>
      %dma_start3A_446 = tpu.memref_squeeze %dma_start3A_445 : memref<1x32xf32, #tpu.memory_space<vmem>> -> memref<32xf32, #tpu.memory_space<vmem>>
      %dma_start3A_447 = arith.constant 0 : i32
      %dma_start3A_448 = tpu.memref_slice %arg3[%squeeze3A_436, %dma_start3A_447] : memref<2600000x32xf32, #tpu.memory_space<hbm>> -> memref<1x32xf32, #tpu.memory_space<hbm>>
      %dma_start3A_449 = tpu.memref_squeeze %dma_start3A_448 : memref<1x32xf32, #tpu.memory_space<hbm>> -> memref<32xf32, #tpu.memory_space<hbm>>
      %dma_start3A_450 = arith.constant 0 : i32
      %dma_start3A_451 = arith.constant 0 : i32
      %dma_start3A_452 = tpu.memref_slice %arg6[%dma_start3A_439, %dma_start3A_450, %dma_start3A_451] : memref<2x416x32xf32, #tpu.memory_space<vmem>> -> memref<1x416x32xf32, #tpu.memory_space<vmem>>
      %dma_start3A_453 = tpu.memref_squeeze %dma_start3A_452 : memref<1x416x32xf32, #tpu.memory_space<vmem>> -> memref<416x32xf32, #tpu.memory_space<vmem>>
      %dma_start3A_454 = arith.constant 0 : i32
      %dma_start3A_455 = tpu.memref_slice %dma_start3A_453[%add3A_438, %dma_start3A_454] : memref<416x32xf32, #tpu.memory_space<vmem>> -> memref<1x32xf32, #tpu.memory_space<vmem>>
      %dma_start3A_456 = tpu.memref_squeeze %dma_start3A_455 : memref<1x32xf32, #tpu.memory_space<vmem>> -> memref<32xf32, #tpu.memory_space<vmem>>
      %dma_start3A_457 = arith.constant 0 : i32
      %dma_start3A_458 = tpu.memref_slice %arg3[%squeeze3A_436, %dma_start3A_457] : memref<2600000x32xf32, #tpu.memory_space<hbm>> -> memref<1x32xf32, #tpu.memory_space<hbm>>
      %dma_start3A_459 = tpu.memref_squeeze %dma_start3A_458 : memref<1x32xf32, #tpu.memory_space<hbm>> -> memref<32xf32, #tpu.memory_space<hbm>>
      tpu.enqueue_dma source(%dma_start3A_459 : memref<32xf32, #tpu.memory_space<hbm>>) target(%dma_start3A_456 : memref<32xf32, #tpu.memory_space<vmem>>) target_semaphore(%arg7 : memref<!tpu.dma_semaphore, #tpu.memory_space<semaphore_mem>>)
      %slice3A_460 = vector.extract_strided_slice %get3A_410 {offsets = [2], sizes = [1], strides = [1]} : vector<16xi32> to vector<1xi32>
      %squeeze3A_461 = vector.extract %slice3A_460[0] : i32 from vector<1xi32>
      %add3A_462 = arith.constant 2 : i32
      %add3A_463 = arith.addi %mul3A_412, %add3A_462 : i32
      %dma_start3A_464 = arith.constant 0 : i32
      %dma_start3A_465 = arith.constant 0 : i32
      %dma_start3A_466 = arith.constant 0 : i32
      %dma_start3A_467 = tpu.memref_slice %arg6[%dma_start3A_464, %dma_start3A_465, %dma_start3A_466] : memref<2x416x32xf32, #tpu.memory_space<vmem>> -> memref<1x416x32xf32, #tpu.memory_space<vmem>>
      %dma_start3A_468 = tpu.memref_squeeze %dma_start3A_467 : memref<1x416x32xf32, #tpu.memory_space<vmem>> -> memref<416x32xf32, #tpu.memory_space<vmem>>
      %dma_start3A_469 = arith.constant 0 : i32
      %dma_start3A_470 = tpu.memref_slice %dma_start3A_468[%add3A_463, %dma_start3A_469] : memref<416x32xf32, #tpu.memory_space<vmem>> -> memref<1x32xf32, #tpu.memory_space<vmem>>
      %dma_start3A_471 = tpu.memref_squeeze %dma_start3A_470 : memref<1x32xf32, #tpu.memory_space<vmem>> -> memref<32xf32, #tpu.memory_space<vmem>>
      %dma_start3A_472 = arith.constant 0 : i32
      %dma_start3A_473 = tpu.memref_slice %arg3[%squeeze3A_461, %dma_start3A_472] : memref<2600000x32xf32, #tpu.memory_space<hbm>> -> memref<1x32xf32, #tpu.memory_space<hbm>>
      %dma_start3A_474 = tpu.memref_squeeze %dma_start3A_473 : memref<1x32xf32, #tpu.memory_space<hbm>> -> memref<32xf32, #tpu.memory_space<hbm>>
      %dma_start3A_475 = arith.constant 0 : i32
      %dma_start3A_476 = arith.constant 0 : i32
      %dma_start3A_477 = tpu.memref_slice %arg6[%dma_start3A_464, %dma_start3A_475, %dma_start3A_476] : memref<2x416x32xf32, #tpu.memory_space<vmem>> -> memref<1x416x32xf32, #tpu.memory_space<vmem>>
      %dma_start3A_478 = tpu.memref_squeeze %dma_start3A_477 : memref<1x416x32xf32, #tpu.memory_space<vmem>> -> memref<416x32xf32, #tpu.memory_space<vmem>>
      %dma_start3A_479 = arith.constant 0 : i32
      %dma_start3A_480 = tpu.memref_slice %dma_start3A_478[%add3A_463, %dma_start3A_479] : memref<416x32xf32, #tpu.memory_space<vmem>> -> memref<1x32xf32, #tpu.memory_space<vmem>>
      %dma_start3A_481 = tpu.memref_squeeze %dma_start3A_480 : memref<1x32xf32, #tpu.memory_space<vmem>> -> memref<32xf32, #tpu.memory_space<vmem>>
      %dma_start3A_482 = arith.constant 0 : i32
      %dma_start3A_483 = tpu.memref_slice %arg3[%squeeze3A_461, %dma_start3A_482] : memref<2600000x32xf32, #tpu.memory_space<hbm>> -> memref<1x32xf32, #tpu.memory_space<hbm>>
      %dma_start3A_484 = tpu.memref_squeeze %dma_start3A_483 : memref<1x32xf32, #tpu.memory_space<hbm>> -> memref<32xf32, #tpu.memory_space<hbm>>
      tpu.enqueue_dma source(%dma_start3A_484 : memref<32xf32, #tpu.memory_space<hbm>>) target(%dma_start3A_481 : memref<32xf32, #tpu.memory_space<vmem>>) target_semaphore(%arg7 : memref<!tpu.dma_semaphore, #tpu.memory_space<semaphore_mem>>)
      %slice3A_485 = vector.extract_strided_slice %get3A_410 {offsets = [3], sizes = [1], strides = [1]} : vector<16xi32> to vector<1xi32>
      %squeeze3A_486 = vector.extract %slice3A_485[0] : i32 from vector<1xi32>
      %add3A_487 = arith.constant 3 : i32
      %add3A_488 = arith.addi %mul3A_412, %add3A_487 : i32
      %dma_start3A_489 = arith.constant 0 : i32
      %dma_start3A_490 = arith.constant 0 : i32
      %dma_start3A_491 = arith.constant 0 : i32
      %dma_start3A_492 = tpu.memref_slice %arg6[%dma_start3A_489, %dma_start3A_490, %dma_start3A_491] : memref<2x416x32xf32, #tpu.memory_space<vmem>> -> memref<1x416x32xf32, #tpu.memory_space<vmem>>
      %dma_start3A_493 = tpu.memref_squeeze %dma_start3A_492 : memref<1x416x32xf32, #tpu.memory_space<vmem>> -> memref<416x32xf32, #tpu.memory_space<vmem>>
      %dma_start3A_494 = arith.constant 0 : i32
      %dma_start3A_495 = tpu.memref_slice %dma_start3A_493[%add3A_488, %dma_start3A_494] : memref<416x32xf32, #tpu.memory_space<vmem>> -> memref<1x32xf32, #tpu.memory_space<vmem>>
      %dma_start3A_496 = tpu.memref_squeeze %dma_start3A_495 : memref<1x32xf32, #tpu.memory_space<vmem>> -> memref<32xf32, #tpu.memory_space<vmem>>
      %dma_start3A_497 = arith.constant 0 : i32
      %dma_start3A_498 = tpu.memref_slice %arg3[%squeeze3A_486, %dma_start3A_497] : memref<2600000x32xf32, #tpu.memory_space<hbm>> -> memref<1x32xf32, #tpu.memory_space<hbm>>
      %dma_start3A_499 = tpu.memref_squeeze %dma_start3A_498 : memref<1x32xf32, #tpu.memory_space<hbm>> -> memref<32xf32, #tpu.memory_space<hbm>>
      %dma_start3A_500 = arith.constant 0 : i32
      %dma_start3A_501 = arith.constant 0 : i32
      %dma_start3A_502 = tpu.memref_slice %arg6[%dma_start3A_489, %dma_start3A_500, %dma_start3A_501] : memref<2x416x32xf32, #tpu.memory_space<vmem>> -> memref<1x416x32xf32, #tpu.memory_space<vmem>>
      %dma_start3A_503 = tpu.memref_squeeze %dma_start3A_502 : memref<1x416x32xf32, #tpu.memory_space<vmem>> -> memref<416x32xf32, #tpu.memory_space<vmem>>
      %dma_start3A_504 = arith.constant 0 : i32
      %dma_start3A_505 = tpu.memref_slice %dma_start3A_503[%add3A_488, %dma_start3A_504] : memref<416x32xf32, #tpu.memory_space<vmem>> -> memref<1x32xf32, #tpu.memory_space<vmem>>
      %dma_start3A_506 = tpu.memref_squeeze %dma_start3A_505 : memref<1x32xf32, #tpu.memory_space<vmem>> -> memref<32xf32, #tpu.memory_space<vmem>>
      %dma_start3A_507 = arith.constant 0 : i32
      %dma_start3A_508 = tpu.memref_slice %arg3[%squeeze3A_486, %dma_start3A_507] : memref<2600000x32xf32, #tpu.memory_space<hbm>> -> memref<1x32xf32, #tpu.memory_space<hbm>>
      %dma_start3A_509 = tpu.memref_squeeze %dma_start3A_508 : memref<1x32xf32, #tpu.memory_space<hbm>> -> memref<32xf32, #tpu.memory_space<hbm>>
      tpu.enqueue_dma source(%dma_start3A_509 : memref<32xf32, #tpu.memory_space<hbm>>) target(%dma_start3A_506 : memref<32xf32, #tpu.memory_space<vmem>>) target_semaphore(%arg7 : memref<!tpu.dma_semaphore, #tpu.memory_space<semaphore_mem>>)
      %slice3A_510 = vector.extract_strided_slice %get3A_410 {offsets = [4], sizes = [1], strides = [1]} : vector<16xi32> to vector<1xi32>
      %squeeze3A_511 = vector.extract %slice3A_510[0] : i32 from vector<1xi32>
      %add3A_512 = arith.constant 4 : i32
      %add3A_513 = arith.addi %mul3A_412, %add3A_512 : i32
      %dma_start3A_514 = arith.constant 0 : i32
      %dma_start3A_515 = arith.constant 0 : i32
      %dma_start3A_516 = arith.constant 0 : i32
      %dma_start3A_517 = tpu.memref_slice %arg6[%dma_start3A_514, %dma_start3A_515, %dma_start3A_516] : memref<2x416x32xf32, #tpu.memory_space<vmem>> -> memref<1x416x32xf32, #tpu.memory_space<vmem>>
      %dma_start3A_518 = tpu.memref_squeeze %dma_start3A_517 : memref<1x416x32xf32, #tpu.memory_space<vmem>> -> memref<416x32xf32, #tpu.memory_space<vmem>>
      %dma_start3A_519 = arith.constant 0 : i32
      %dma_start3A_520 = tpu.memref_slice %dma_start3A_518[%add3A_513, %dma_start3A_519] : memref<416x32xf32, #tpu.memory_space<vmem>> -> memref<1x32xf32, #tpu.memory_space<vmem>>
      %dma_start3A_521 = tpu.memref_squeeze %dma_start3A_520 : memref<1x32xf32, #tpu.memory_space<vmem>> -> memref<32xf32, #tpu.memory_space<vmem>>
      %dma_start3A_522 = arith.constant 0 : i32
      %dma_start3A_523 = tpu.memref_slice %arg3[%squeeze3A_511, %dma_start3A_522] : memref<2600000x32xf32, #tpu.memory_space<hbm>> -> memref<1x32xf32, #tpu.memory_space<hbm>>
      %dma_start3A_524 = tpu.memref_squeeze %dma_start3A_523 : memref<1x32xf32, #tpu.memory_space<hbm>> -> memref<32xf32, #tpu.memory_space<hbm>>
      %dma_start3A_525 = arith.constant 0 : i32
      %dma_start3A_526 = arith.constant 0 : i32
      %dma_start3A_527 = tpu.memref_slice %arg6[%dma_start3A_514, %dma_start3A_525, %dma_start3A_526] : memref<2x416x32xf32, #tpu.memory_space<vmem>> -> memref<1x416x32xf32, #tpu.memory_space<vmem>>
      %dma_start3A_528 = tpu.memref_squeeze %dma_start3A_527 : memref<1x416x32xf32, #tpu.memory_space<vmem>> -> memref<416x32xf32, #tpu.memory_space<vmem>>
      %dma_start3A_529 = arith.constant 0 : i32
      %dma_start3A_530 = tpu.memref_slice %dma_start3A_528[%add3A_513, %dma_start3A_529] : memref<416x32xf32, #tpu.memory_space<vmem>> -> memref<1x32xf32, #tpu.memory_space<vmem>>
      %dma_start3A_531 = tpu.memref_squeeze %dma_start3A_530 : memref<1x32xf32, #tpu.memory_space<vmem>> -> memref<32xf32, #tpu.memory_space<vmem>>
      %dma_start3A_532 = arith.constant 0 : i32
      %dma_start3A_533 = tpu.memref_slice %arg3[%squeeze3A_511, %dma_start3A_532] : memref<2600000x32xf32, #tpu.memory_space<hbm>> -> memref<1x32xf32, #tpu.memory_space<hbm>>
      %dma_start3A_534 = tpu.memref_squeeze %dma_start3A_533 : memref<1x32xf32, #tpu.memory_space<hbm>> -> memref<32xf32, #tpu.memory_space<hbm>>
      tpu.enqueue_dma source(%dma_start3A_534 : memref<32xf32, #tpu.memory_space<hbm>>) target(%dma_start3A_531 : memref<32xf32, #tpu.memory_space<vmem>>) target_semaphore(%arg7 : memref<!tpu.dma_semaphore, #tpu.memory_space<semaphore_mem>>)
      %slice3A_535 = vector.extract_strided_slice %get3A_410 {offsets = [5], sizes = [1], strides = [1]} : vector<16xi32> to vector<1xi32>
      %squeeze3A_536 = vector.extract %slice3A_535[0] : i32 from vector<1xi32>
      %add3A_537 = arith.constant 5 : i32
      %add3A_538 = arith.addi %mul3A_412, %add3A_537 : i32
      %dma_start3A_539 = arith.constant 0 : i32
      %dma_start3A_540 = arith.constant 0 : i32
      %dma_start3A_541 = arith.constant 0 : i32
      %dma_start3A_542 = tpu.memref_slice %arg6[%dma_start3A_539, %dma_start3A_540, %dma_start3A_541] : memref<2x416x32xf32, #tpu.memory_space<vmem>> -> memref<1x416x32xf32, #tpu.memory_space<vmem>>
      %dma_start3A_543 = tpu.memref_squeeze %dma_start3A_542 : memref<1x416x32xf32, #tpu.memory_space<vmem>> -> memref<416x32xf32, #tpu.memory_space<vmem>>
      %dma_start3A_544 = arith.constant 0 : i32
      %dma_start3A_545 = tpu.memref_slice %dma_start3A_543[%add3A_538, %dma_start3A_544] : memref<416x32xf32, #tpu.memory_space<vmem>> -> memref<1x32xf32, #tpu.memory_space<vmem>>
      %dma_start3A_546 = tpu.memref_squeeze %dma_start3A_545 : memref<1x32xf32, #tpu.memory_space<vmem>> -> memref<32xf32, #tpu.memory_space<vmem>>
      %dma_start3A_547 = arith.constant 0 : i32
      %dma_start3A_548 = tpu.memref_slice %arg3[%squeeze3A_536, %dma_start3A_547] : memref<2600000x32xf32, #tpu.memory_space<hbm>> -> memref<1x32xf32, #tpu.memory_space<hbm>>
      %dma_start3A_549 = tpu.memref_squeeze %dma_start3A_548 : memref<1x32xf32, #tpu.memory_space<hbm>> -> memref<32xf32, #tpu.memory_space<hbm>>
      %dma_start3A_550 = arith.constant 0 : i32
      %dma_start3A_551 = arith.constant 0 : i32
      %dma_start3A_552 = tpu.memref_slice %arg6[%dma_start3A_539, %dma_start3A_550, %dma_start3A_551] : memref<2x416x32xf32, #tpu.memory_space<vmem>> -> memref<1x416x32xf32, #tpu.memory_space<vmem>>
      %dma_start3A_553 = tpu.memref_squeeze %dma_start3A_552 : memref<1x416x32xf32, #tpu.memory_space<vmem>> -> memref<416x32xf32, #tpu.memory_space<vmem>>
      %dma_start3A_554 = arith.constant 0 : i32
      %dma_start3A_555 = tpu.memref_slice %dma_start3A_553[%add3A_538, %dma_start3A_554] : memref<416x32xf32, #tpu.memory_space<vmem>> -> memref<1x32xf32, #tpu.memory_space<vmem>>
      %dma_start3A_556 = tpu.memref_squeeze %dma_start3A_555 : memref<1x32xf32, #tpu.memory_space<vmem>> -> memref<32xf32, #tpu.memory_space<vmem>>
      %dma_start3A_557 = arith.constant 0 : i32
      %dma_start3A_558 = tpu.memref_slice %arg3[%squeeze3A_536, %dma_start3A_557] : memref<2600000x32xf32, #tpu.memory_space<hbm>> -> memref<1x32xf32, #tpu.memory_space<hbm>>
      %dma_start3A_559 = tpu.memref_squeeze %dma_start3A_558 : memref<1x32xf32, #tpu.memory_space<hbm>> -> memref<32xf32, #tpu.memory_space<hbm>>
      tpu.enqueue_dma source(%dma_start3A_559 : memref<32xf32, #tpu.memory_space<hbm>>) target(%dma_start3A_556 : memref<32xf32, #tpu.memory_space<vmem>>) target_semaphore(%arg7 : memref<!tpu.dma_semaphore, #tpu.memory_space<semaphore_mem>>)
      %slice3A_560 = vector.extract_strided_slice %get3A_410 {offsets = [6], sizes = [1], strides = [1]} : vector<16xi32> to vector<1xi32>
      %squeeze3A_561 = vector.extract %slice3A_560[0] : i32 from vector<1xi32>
      %add3A_562 = arith.constant 6 : i32
      %add3A_563 = arith.addi %mul3A_412, %add3A_562 : i32
      %dma_start3A_564 = arith.constant 0 : i32
      %dma_start3A_565 = arith.constant 0 : i32
      %dma_start3A_566 = arith.constant 0 : i32
      %dma_start3A_567 = tpu.memref_slice %arg6[%dma_start3A_564, %dma_start3A_565, %dma_start3A_566] : memref<2x416x32xf32, #tpu.memory_space<vmem>> -> memref<1x416x32xf32, #tpu.memory_space<vmem>>
      %dma_start3A_568 = tpu.memref_squeeze %dma_start3A_567 : memref<1x416x32xf32, #tpu.memory_space<vmem>> -> memref<416x32xf32, #tpu.memory_space<vmem>>
      %dma_start3A_569 = arith.constant 0 : i32
      %dma_start3A_570 = tpu.memref_slice %dma_start3A_568[%add3A_563, %dma_start3A_569] : memref<416x32xf32, #tpu.memory_space<vmem>> -> memref<1x32xf32, #tpu.memory_space<vmem>>
      %dma_start3A_571 = tpu.memref_squeeze %dma_start3A_570 : memref<1x32xf32, #tpu.memory_space<vmem>> -> memref<32xf32, #tpu.memory_space<vmem>>
      %dma_start3A_572 = arith.constant 0 : i32
      %dma_start3A_573 = tpu.memref_slice %arg3[%squeeze3A_561, %dma_start3A_572] : memref<2600000x32xf32, #tpu.memory_space<hbm>> -> memref<1x32xf32, #tpu.memory_space<hbm>>
      %dma_start3A_574 = tpu.memref_squeeze %dma_start3A_573 : memref<1x32xf32, #tpu.memory_space<hbm>> -> memref<32xf32, #tpu.memory_space<hbm>>
      %dma_start3A_575 = arith.constant 0 : i32
      %dma_start3A_576 = arith.constant 0 : i32
      %dma_start3A_577 = tpu.memref_slice %arg6[%dma_start3A_564, %dma_start3A_575, %dma_start3A_576] : memref<2x416x32xf32, #tpu.memory_space<vmem>> -> memref<1x416x32xf32, #tpu.memory_space<vmem>>
      %dma_start3A_578 = tpu.memref_squeeze %dma_start3A_577 : memref<1x416x32xf32, #tpu.memory_space<vmem>> -> memref<416x32xf32, #tpu.memory_space<vmem>>
      %dma_start3A_579 = arith.constant 0 : i32
      %dma_start3A_580 = tpu.memref_slice %dma_start3A_578[%add3A_563, %dma_start3A_579] : memref<416x32xf32, #tpu.memory_space<vmem>> -> memref<1x32xf32, #tpu.memory_space<vmem>>
      %dma_start3A_581 = tpu.memref_squeeze %dma_start3A_580 : memref<1x32xf32, #tpu.memory_space<vmem>> -> memref<32xf32, #tpu.memory_space<vmem>>
      %dma_start3A_582 = arith.constant 0 : i32
      %dma_start3A_583 = tpu.memref_slice %arg3[%squeeze3A_561, %dma_start3A_582] : memref<2600000x32xf32, #tpu.memory_space<hbm>> -> memref<1x32xf32, #tpu.memory_space<hbm>>
      %dma_start3A_584 = tpu.memref_squeeze %dma_start3A_583 : memref<1x32xf32, #tpu.memory_space<hbm>> -> memref<32xf32, #tpu.memory_space<hbm>>
      tpu.enqueue_dma source(%dma_start3A_584 : memref<32xf32, #tpu.memory_space<hbm>>) target(%dma_start3A_581 : memref<32xf32, #tpu.memory_space<vmem>>) target_semaphore(%arg7 : memref<!tpu.dma_semaphore, #tpu.memory_space<semaphore_mem>>)
      %slice3A_585 = vector.extract_strided_slice %get3A_410 {offsets = [7], sizes = [1], strides = [1]} : vector<16xi32> to vector<1xi32>
      %squeeze3A_586 = vector.extract %slice3A_585[0] : i32 from vector<1xi32>
      %add3A_587 = arith.constant 7 : i32
      %add3A_588 = arith.addi %mul3A_412, %add3A_587 : i32
      %dma_start3A_589 = arith.constant 0 : i32
      %dma_start3A_590 = arith.constant 0 : i32
      %dma_start3A_591 = arith.constant 0 : i32
      %dma_start3A_592 = tpu.memref_slice %arg6[%dma_start3A_589, %dma_start3A_590, %dma_start3A_591] : memref<2x416x32xf32, #tpu.memory_space<vmem>> -> memref<1x416x32xf32, #tpu.memory_space<vmem>>
      %dma_start3A_593 = tpu.memref_squeeze %dma_start3A_592 : memref<1x416x32xf32, #tpu.memory_space<vmem>> -> memref<416x32xf32, #tpu.memory_space<vmem>>
      %dma_start3A_594 = arith.constant 0 : i32
      %dma_start3A_595 = tpu.memref_slice %dma_start3A_593[%add3A_588, %dma_start3A_594] : memref<416x32xf32, #tpu.memory_space<vmem>> -> memref<1x32xf32, #tpu.memory_space<vmem>>
      %dma_start3A_596 = tpu.memref_squeeze %dma_start3A_595 : memref<1x32xf32, #tpu.memory_space<vmem>> -> memref<32xf32, #tpu.memory_space<vmem>>
      %dma_start3A_597 = arith.constant 0 : i32
      %dma_start3A_598 = tpu.memref_slice %arg3[%squeeze3A_586, %dma_start3A_597] : memref<2600000x32xf32, #tpu.memory_space<hbm>> -> memref<1x32xf32, #tpu.memory_space<hbm>>
      %dma_start3A_599 = tpu.memref_squeeze %dma_start3A_598 : memref<1x32xf32, #tpu.memory_space<hbm>> -> memref<32xf32, #tpu.memory_space<hbm>>
      %dma_start3A_600 = arith.constant 0 : i32
      %dma_start3A_601 = arith.constant 0 : i32
      %dma_start3A_602 = tpu.memref_slice %arg6[%dma_start3A_589, %dma_start3A_600, %dma_start3A_601] : memref<2x416x32xf32, #tpu.memory_space<vmem>> -> memref<1x416x32xf32, #tpu.memory_space<vmem>>
      %dma_start3A_603 = tpu.memref_squeeze %dma_start3A_602 : memref<1x416x32xf32, #tpu.memory_space<vmem>> -> memref<416x32xf32, #tpu.memory_space<vmem>>
      %dma_start3A_604 = arith.constant 0 : i32
      %dma_start3A_605 = tpu.memref_slice %dma_start3A_603[%add3A_588, %dma_start3A_604] : memref<416x32xf32, #tpu.memory_space<vmem>> -> memref<1x32xf32, #tpu.memory_space<vmem>>
      %dma_start3A_606 = tpu.memref_squeeze %dma_start3A_605 : memref<1x32xf32, #tpu.memory_space<vmem>> -> memref<32xf32, #tpu.memory_space<vmem>>
      %dma_start3A_607 = arith.constant 0 : i32
      %dma_start3A_608 = tpu.memref_slice %arg3[%squeeze3A_586, %dma_start3A_607] : memref<2600000x32xf32, #tpu.memory_space<hbm>> -> memref<1x32xf32, #tpu.memory_space<hbm>>
      %dma_start3A_609 = tpu.memref_squeeze %dma_start3A_608 : memref<1x32xf32, #tpu.memory_space<hbm>> -> memref<32xf32, #tpu.memory_space<hbm>>
      tpu.enqueue_dma source(%dma_start3A_609 : memref<32xf32, #tpu.memory_space<hbm>>) target(%dma_start3A_606 : memref<32xf32, #tpu.memory_space<vmem>>) target_semaphore(%arg7 : memref<!tpu.dma_semaphore, #tpu.memory_space<semaphore_mem>>)
      %slice3A_610 = vector.extract_strided_slice %get3A_410 {offsets = [8], sizes = [1], strides = [1]} : vector<16xi32> to vector<1xi32>
      %squeeze3A_611 = vector.extract %slice3A_610[0] : i32 from vector<1xi32>
      %add3A_612 = arith.constant 8 : i32
      %add3A_613 = arith.addi %mul3A_412, %add3A_612 : i32
      %dma_start3A_614 = arith.constant 0 : i32
      %dma_start3A_615 = arith.constant 0 : i32
      %dma_start3A_616 = arith.constant 0 : i32
      %dma_start3A_617 = tpu.memref_slice %arg6[%dma_start3A_614, %dma_start3A_615, %dma_start3A_616] : memref<2x416x32xf32, #tpu.memory_space<vmem>> -> memref<1x416x32xf32, #tpu.memory_space<vmem>>
      %dma_start3A_618 = tpu.memref_squeeze %dma_start3A_617 : memref<1x416x32xf32, #tpu.memory_space<vmem>> -> memref<416x32xf32, #tpu.memory_space<vmem>>
      %dma_start3A_619 = arith.constant 0 : i32
      %dma_start3A_620 = tpu.memref_slice %dma_start3A_618[%add3A_613, %dma_start3A_619] : memref<416x32xf32, #tpu.memory_space<vmem>> -> memref<1x32xf32, #tpu.memory_space<vmem>>
      %dma_start3A_621 = tpu.memref_squeeze %dma_start3A_620 : memref<1x32xf32, #tpu.memory_space<vmem>> -> memref<32xf32, #tpu.memory_space<vmem>>
      %dma_start3A_622 = arith.constant 0 : i32
      %dma_start3A_623 = tpu.memref_slice %arg3[%squeeze3A_611, %dma_start3A_622] : memref<2600000x32xf32, #tpu.memory_space<hbm>> -> memref<1x32xf32, #tpu.memory_space<hbm>>
      %dma_start3A_624 = tpu.memref_squeeze %dma_start3A_623 : memref<1x32xf32, #tpu.memory_space<hbm>> -> memref<32xf32, #tpu.memory_space<hbm>>
      %dma_start3A_625 = arith.constant 0 : i32
      %dma_start3A_626 = arith.constant 0 : i32
      %dma_start3A_627 = tpu.memref_slice %arg6[%dma_start3A_614, %dma_start3A_625, %dma_start3A_626] : memref<2x416x32xf32, #tpu.memory_space<vmem>> -> memref<1x416x32xf32, #tpu.memory_space<vmem>>
      %dma_start3A_628 = tpu.memref_squeeze %dma_start3A_627 : memref<1x416x32xf32, #tpu.memory_space<vmem>> -> memref<416x32xf32, #tpu.memory_space<vmem>>
      %dma_start3A_629 = arith.constant 0 : i32
      %dma_start3A_630 = tpu.memref_slice %dma_start3A_628[%add3A_613, %dma_start3A_629] : memref<416x32xf32, #tpu.memory_space<vmem>> -> memref<1x32xf32, #tpu.memory_space<vmem>>
      %dma_start3A_631 = tpu.memref_squeeze %dma_start3A_630 : memref<1x32xf32, #tpu.memory_space<vmem>> -> memref<32xf32, #tpu.memory_space<vmem>>
      %dma_start3A_632 = arith.constant 0 : i32
      %dma_start3A_633 = tpu.memref_slice %arg3[%squeeze3A_611, %dma_start3A_632] : memref<2600000x32xf32, #tpu.memory_space<hbm>> -> memref<1x32xf32, #tpu.memory_space<hbm>>
      %dma_start3A_634 = tpu.memref_squeeze %dma_start3A_633 : memref<1x32xf32, #tpu.memory_space<hbm>> -> memref<32xf32, #tpu.memory_space<hbm>>
      tpu.enqueue_dma source(%dma_start3A_634 : memref<32xf32, #tpu.memory_space<hbm>>) target(%dma_start3A_631 : memref<32xf32, #tpu.memory_space<vmem>>) target_semaphore(%arg7 : memref<!tpu.dma_semaphore, #tpu.memory_space<semaphore_mem>>)
      %slice3A_635 = vector.extract_strided_slice %get3A_410 {offsets = [9], sizes = [1], strides = [1]} : vector<16xi32> to vector<1xi32>
      %squeeze3A_636 = vector.extract %slice3A_635[0] : i32 from vector<1xi32>
      %add3A_637 = arith.constant 9 : i32
      %add3A_638 = arith.addi %mul3A_412, %add3A_637 : i32
      %dma_start3A_639 = arith.constant 0 : i32
      %dma_start3A_640 = arith.constant 0 : i32
      %dma_start3A_641 = arith.constant 0 : i32
      %dma_start3A_642 = tpu.memref_slice %arg6[%dma_start3A_639, %dma_start3A_640, %dma_start3A_641] : memref<2x416x32xf32, #tpu.memory_space<vmem>> -> memref<1x416x32xf32, #tpu.memory_space<vmem>>
      %dma_start3A_643 = tpu.memref_squeeze %dma_start3A_642 : memref<1x416x32xf32, #tpu.memory_space<vmem>> -> memref<416x32xf32, #tpu.memory_space<vmem>>
      %dma_start3A_644 = arith.constant 0 : i32
      %dma_start3A_645 = tpu.memref_slice %dma_start3A_643[%add3A_638, %dma_start3A_644] : memref<416x32xf32, #tpu.memory_space<vmem>> -> memref<1x32xf32, #tpu.memory_space<vmem>>
      %dma_start3A_646 = tpu.memref_squeeze %dma_start3A_645 : memref<1x32xf32, #tpu.memory_space<vmem>> -> memref<32xf32, #tpu.memory_space<vmem>>
      %dma_start3A_647 = arith.constant 0 : i32
      %dma_start3A_648 = tpu.memref_slice %arg3[%squeeze3A_636, %dma_start3A_647] : memref<2600000x32xf32, #tpu.memory_space<hbm>> -> memref<1x32xf32, #tpu.memory_space<hbm>>
      %dma_start3A_649 = tpu.memref_squeeze %dma_start3A_648 : memref<1x32xf32, #tpu.memory_space<hbm>> -> memref<32xf32, #tpu.memory_space<hbm>>
      %dma_start3A_650 = arith.constant 0 : i32
      %dma_start3A_651 = arith.constant 0 : i32
      %dma_start3A_652 = tpu.memref_slice %arg6[%dma_start3A_639, %dma_start3A_650, %dma_start3A_651] : memref<2x416x32xf32, #tpu.memory_space<vmem>> -> memref<1x416x32xf32, #tpu.memory_space<vmem>>
      %dma_start3A_653 = tpu.memref_squeeze %dma_start3A_652 : memref<1x416x32xf32, #tpu.memory_space<vmem>> -> memref<416x32xf32, #tpu.memory_space<vmem>>
      %dma_start3A_654 = arith.constant 0 : i32
      %dma_start3A_655 = tpu.memref_slice %dma_start3A_653[%add3A_638, %dma_start3A_654] : memref<416x32xf32, #tpu.memory_space<vmem>> -> memref<1x32xf32, #tpu.memory_space<vmem>>
      %dma_start3A_656 = tpu.memref_squeeze %dma_start3A_655 : memref<1x32xf32, #tpu.memory_space<vmem>> -> memref<32xf32, #tpu.memory_space<vmem>>
      %dma_start3A_657 = arith.constant 0 : i32
      %dma_start3A_658 = tpu.memref_slice %arg3[%squeeze3A_636, %dma_start3A_657] : memref<2600000x32xf32, #tpu.memory_space<hbm>> -> memref<1x32xf32, #tpu.memory_space<hbm>>
      %dma_start3A_659 = tpu.memref_squeeze %dma_start3A_658 : memref<1x32xf32, #tpu.memory_space<hbm>> -> memref<32xf32, #tpu.memory_space<hbm>>
      tpu.enqueue_dma source(%dma_start3A_659 : memref<32xf32, #tpu.memory_space<hbm>>) target(%dma_start3A_656 : memref<32xf32, #tpu.memory_space<vmem>>) target_semaphore(%arg7 : memref<!tpu.dma_semaphore, #tpu.memory_space<semaphore_mem>>)
      %slice3A_660 = vector.extract_strided_slice %get3A_410 {offsets = [10], sizes = [1], strides = [1]} : vector<16xi32> to vector<1xi32>
      %squeeze3A_661 = vector.extract %slice3A_660[0] : i32 from vector<1xi32>
      %add3A_662 = arith.constant 10 : i32
      %add3A_663 = arith.addi %mul3A_412, %add3A_662 : i32
      %dma_start3A_664 = arith.constant 0 : i32
      %dma_start3A_665 = arith.constant 0 : i32
      %dma_start3A_666 = arith.constant 0 : i32
      %dma_start3A_667 = tpu.memref_slice %arg6[%dma_start3A_664, %dma_start3A_665, %dma_start3A_666] : memref<2x416x32xf32, #tpu.memory_space<vmem>> -> memref<1x416x32xf32, #tpu.memory_space<vmem>>
      %dma_start3A_668 = tpu.memref_squeeze %dma_start3A_667 : memref<1x416x32xf32, #tpu.memory_space<vmem>> -> memref<416x32xf32, #tpu.memory_space<vmem>>
      %dma_start3A_669 = arith.constant 0 : i32
      %dma_start3A_670 = tpu.memref_slice %dma_start3A_668[%add3A_663, %dma_start3A_669] : memref<416x32xf32, #tpu.memory_space<vmem>> -> memref<1x32xf32, #tpu.memory_space<vmem>>
      %dma_start3A_671 = tpu.memref_squeeze %dma_start3A_670 : memref<1x32xf32, #tpu.memory_space<vmem>> -> memref<32xf32, #tpu.memory_space<vmem>>
      %dma_start3A_672 = arith.constant 0 : i32
      %dma_start3A_673 = tpu.memref_slice %arg3[%squeeze3A_661, %dma_start3A_672] : memref<2600000x32xf32, #tpu.memory_space<hbm>> -> memref<1x32xf32, #tpu.memory_space<hbm>>
      %dma_start3A_674 = tpu.memref_squeeze %dma_start3A_673 : memref<1x32xf32, #tpu.memory_space<hbm>> -> memref<32xf32, #tpu.memory_space<hbm>>
      %dma_start3A_675 = arith.constant 0 : i32
      %dma_start3A_676 = arith.constant 0 : i32
      %dma_start3A_677 = tpu.memref_slice %arg6[%dma_start3A_664, %dma_start3A_675, %dma_start3A_676] : memref<2x416x32xf32, #tpu.memory_space<vmem>> -> memref<1x416x32xf32, #tpu.memory_space<vmem>>
      %dma_start3A_678 = tpu.memref_squeeze %dma_start3A_677 : memref<1x416x32xf32, #tpu.memory_space<vmem>> -> memref<416x32xf32, #tpu.memory_space<vmem>>
      %dma_start3A_679 = arith.constant 0 : i32
      %dma_start3A_680 = tpu.memref_slice %dma_start3A_678[%add3A_663, %dma_start3A_679] : memref<416x32xf32, #tpu.memory_space<vmem>> -> memref<1x32xf32, #tpu.memory_space<vmem>>
      %dma_start3A_681 = tpu.memref_squeeze %dma_start3A_680 : memref<1x32xf32, #tpu.memory_space<vmem>> -> memref<32xf32, #tpu.memory_space<vmem>>
      %dma_start3A_682 = arith.constant 0 : i32
      %dma_start3A_683 = tpu.memref_slice %arg3[%squeeze3A_661, %dma_start3A_682] : memref<2600000x32xf32, #tpu.memory_space<hbm>> -> memref<1x32xf32, #tpu.memory_space<hbm>>
      %dma_start3A_684 = tpu.memref_squeeze %dma_start3A_683 : memref<1x32xf32, #tpu.memory_space<hbm>> -> memref<32xf32, #tpu.memory_space<hbm>>
      tpu.enqueue_dma source(%dma_start3A_684 : memref<32xf32, #tpu.memory_space<hbm>>) target(%dma_start3A_681 : memref<32xf32, #tpu.memory_space<vmem>>) target_semaphore(%arg7 : memref<!tpu.dma_semaphore, #tpu.memory_space<semaphore_mem>>)
      %slice3A_685 = vector.extract_strided_slice %get3A_410 {offsets = [11], sizes = [1], strides = [1]} : vector<16xi32> to vector<1xi32>
      %squeeze3A_686 = vector.extract %slice3A_685[0] : i32 from vector<1xi32>
      %add3A_687 = arith.constant 11 : i32
      %add3A_688 = arith.addi %mul3A_412, %add3A_687 : i32
      %dma_start3A_689 = arith.constant 0 : i32
      %dma_start3A_690 = arith.constant 0 : i32
      %dma_start3A_691 = arith.constant 0 : i32
      %dma_start3A_692 = tpu.memref_slice %arg6[%dma_start3A_689, %dma_start3A_690, %dma_start3A_691] : memref<2x416x32xf32, #tpu.memory_space<vmem>> -> memref<1x416x32xf32, #tpu.memory_space<vmem>>
      %dma_start3A_693 = tpu.memref_squeeze %dma_start3A_692 : memref<1x416x32xf32, #tpu.memory_space<vmem>> -> memref<416x32xf32, #tpu.memory_space<vmem>>
      %dma_start3A_694 = arith.constant 0 : i32
      %dma_start3A_695 = tpu.memref_slice %dma_start3A_693[%add3A_688, %dma_start3A_694] : memref<416x32xf32, #tpu.memory_space<vmem>> -> memref<1x32xf32, #tpu.memory_space<vmem>>
      %dma_start3A_696 = tpu.memref_squeeze %dma_start3A_695 : memref<1x32xf32, #tpu.memory_space<vmem>> -> memref<32xf32, #tpu.memory_space<vmem>>
      %dma_start3A_697 = arith.constant 0 : i32
      %dma_start3A_698 = tpu.memref_slice %arg3[%squeeze3A_686, %dma_start3A_697] : memref<2600000x32xf32, #tpu.memory_space<hbm>> -> memref<1x32xf32, #tpu.memory_space<hbm>>
      %dma_start3A_699 = tpu.memref_squeeze %dma_start3A_698 : memref<1x32xf32, #tpu.memory_space<hbm>> -> memref<32xf32, #tpu.memory_space<hbm>>
      %dma_start3A_700 = arith.constant 0 : i32
      %dma_start3A_701 = arith.constant 0 : i32
      %dma_start3A_702 = tpu.memref_slice %arg6[%dma_start3A_689, %dma_start3A_700, %dma_start3A_701] : memref<2x416x32xf32, #tpu.memory_space<vmem>> -> memref<1x416x32xf32, #tpu.memory_space<vmem>>
      %dma_start3A_703 = tpu.memref_squeeze %dma_start3A_702 : memref<1x416x32xf32, #tpu.memory_space<vmem>> -> memref<416x32xf32, #tpu.memory_space<vmem>>
      %dma_start3A_704 = arith.constant 0 : i32
      %dma_start3A_705 = tpu.memref_slice %dma_start3A_703[%add3A_688, %dma_start3A_704] : memref<416x32xf32, #tpu.memory_space<vmem>> -> memref<1x32xf32, #tpu.memory_space<vmem>>
      %dma_start3A_706 = tpu.memref_squeeze %dma_start3A_705 : memref<1x32xf32, #tpu.memory_space<vmem>> -> memref<32xf32, #tpu.memory_space<vmem>>
      %dma_start3A_707 = arith.constant 0 : i32
      %dma_start3A_708 = tpu.memref_slice %arg3[%squeeze3A_686, %dma_start3A_707] : memref<2600000x32xf32, #tpu.memory_space<hbm>> -> memref<1x32xf32, #tpu.memory_space<hbm>>
      %dma_start3A_709 = tpu.memref_squeeze %dma_start3A_708 : memref<1x32xf32, #tpu.memory_space<hbm>> -> memref<32xf32, #tpu.memory_space<hbm>>
      tpu.enqueue_dma source(%dma_start3A_709 : memref<32xf32, #tpu.memory_space<hbm>>) target(%dma_start3A_706 : memref<32xf32, #tpu.memory_space<vmem>>) target_semaphore(%arg7 : memref<!tpu.dma_semaphore, #tpu.memory_space<semaphore_mem>>)
      %slice3A_710 = vector.extract_strided_slice %get3A_410 {offsets = [12], sizes = [1], strides = [1]} : vector<16xi32> to vector<1xi32>
      %squeeze3A_711 = vector.extract %slice3A_710[0] : i32 from vector<1xi32>
      %add3A_712 = arith.constant 12 : i32
      %add3A_713 = arith.addi %mul3A_412, %add3A_712 : i32
      %dma_start3A_714 = arith.constant 0 : i32
      %dma_start3A_715 = arith.constant 0 : i32
      %dma_start3A_716 = arith.constant 0 : i32
      %dma_start3A_717 = tpu.memref_slice %arg6[%dma_start3A_714, %dma_start3A_715, %dma_start3A_716] : memref<2x416x32xf32, #tpu.memory_space<vmem>> -> memref<1x416x32xf32, #tpu.memory_space<vmem>>
      %dma_start3A_718 = tpu.memref_squeeze %dma_start3A_717 : memref<1x416x32xf32, #tpu.memory_space<vmem>> -> memref<416x32xf32, #tpu.memory_space<vmem>>
      %dma_start3A_719 = arith.constant 0 : i32
      %dma_start3A_720 = tpu.memref_slice %dma_start3A_718[%add3A_713, %dma_start3A_719] : memref<416x32xf32, #tpu.memory_space<vmem>> -> memref<1x32xf32, #tpu.memory_space<vmem>>
      %dma_start3A_721 = tpu.memref_squeeze %dma_start3A_720 : memref<1x32xf32, #tpu.memory_space<vmem>> -> memref<32xf32, #tpu.memory_space<vmem>>
      %dma_start3A_722 = arith.constant 0 : i32
      %dma_start3A_723 = tpu.memref_slice %arg3[%squeeze3A_711, %dma_start3A_722] : memref<2600000x32xf32, #tpu.memory_space<hbm>> -> memref<1x32xf32, #tpu.memory_space<hbm>>
      %dma_start3A_724 = tpu.memref_squeeze %dma_start3A_723 : memref<1x32xf32, #tpu.memory_space<hbm>> -> memref<32xf32, #tpu.memory_space<hbm>>
      %dma_start3A_725 = arith.constant 0 : i32
      %dma_start3A_726 = arith.constant 0 : i32
      %dma_start3A_727 = tpu.memref_slice %arg6[%dma_start3A_714, %dma_start3A_725, %dma_start3A_726] : memref<2x416x32xf32, #tpu.memory_space<vmem>> -> memref<1x416x32xf32, #tpu.memory_space<vmem>>
      %dma_start3A_728 = tpu.memref_squeeze %dma_start3A_727 : memref<1x416x32xf32, #tpu.memory_space<vmem>> -> memref<416x32xf32, #tpu.memory_space<vmem>>
      %dma_start3A_729 = arith.constant 0 : i32
      %dma_start3A_730 = tpu.memref_slice %dma_start3A_728[%add3A_713, %dma_start3A_729] : memref<416x32xf32, #tpu.memory_space<vmem>> -> memref<1x32xf32, #tpu.memory_space<vmem>>
      %dma_start3A_731 = tpu.memref_squeeze %dma_start3A_730 : memref<1x32xf32, #tpu.memory_space<vmem>> -> memref<32xf32, #tpu.memory_space<vmem>>
      %dma_start3A_732 = arith.constant 0 : i32
      %dma_start3A_733 = tpu.memref_slice %arg3[%squeeze3A_711, %dma_start3A_732] : memref<2600000x32xf32, #tpu.memory_space<hbm>> -> memref<1x32xf32, #tpu.memory_space<hbm>>
      %dma_start3A_734 = tpu.memref_squeeze %dma_start3A_733 : memref<1x32xf32, #tpu.memory_space<hbm>> -> memref<32xf32, #tpu.memory_space<hbm>>
      tpu.enqueue_dma source(%dma_start3A_734 : memref<32xf32, #tpu.memory_space<hbm>>) target(%dma_start3A_731 : memref<32xf32, #tpu.memory_space<vmem>>) target_semaphore(%arg7 : memref<!tpu.dma_semaphore, #tpu.memory_space<semaphore_mem>>)
      %slice3A_735 = vector.extract_strided_slice %get3A_410 {offsets = [13], sizes = [1], strides = [1]} : vector<16xi32> to vector<1xi32>
      %squeeze3A_736 = vector.extract %slice3A_735[0] : i32 from vector<1xi32>
      %add3A_737 = arith.constant 13 : i32
      %add3A_738 = arith.addi %mul3A_412, %add3A_737 : i32
      %dma_start3A_739 = arith.constant 0 : i32
      %dma_start3A_740 = arith.constant 0 : i32
      %dma_start3A_741 = arith.constant 0 : i32
      %dma_start3A_742 = tpu.memref_slice %arg6[%dma_start3A_739, %dma_start3A_740, %dma_start3A_741] : memref<2x416x32xf32, #tpu.memory_space<vmem>> -> memref<1x416x32xf32, #tpu.memory_space<vmem>>
      %dma_start3A_743 = tpu.memref_squeeze %dma_start3A_742 : memref<1x416x32xf32, #tpu.memory_space<vmem>> -> memref<416x32xf32, #tpu.memory_space<vmem>>
      %dma_start3A_744 = arith.constant 0 : i32
      %dma_start3A_745 = tpu.memref_slice %dma_start3A_743[%add3A_738, %dma_start3A_744] : memref<416x32xf32, #tpu.memory_space<vmem>> -> memref<1x32xf32, #tpu.memory_space<vmem>>
      %dma_start3A_746 = tpu.memref_squeeze %dma_start3A_745 : memref<1x32xf32, #tpu.memory_space<vmem>> -> memref<32xf32, #tpu.memory_space<vmem>>
      %dma_start3A_747 = arith.constant 0 : i32
      %dma_start3A_748 = tpu.memref_slice %arg3[%squeeze3A_736, %dma_start3A_747] : memref<2600000x32xf32, #tpu.memory_space<hbm>> -> memref<1x32xf32, #tpu.memory_space<hbm>>
      %dma_start3A_749 = tpu.memref_squeeze %dma_start3A_748 : memref<1x32xf32, #tpu.memory_space<hbm>> -> memref<32xf32, #tpu.memory_space<hbm>>
      %dma_start3A_750 = arith.constant 0 : i32
      %dma_start3A_751 = arith.constant 0 : i32
      %dma_start3A_752 = tpu.memref_slice %arg6[%dma_start3A_739, %dma_start3A_750, %dma_start3A_751] : memref<2x416x32xf32, #tpu.memory_space<vmem>> -> memref<1x416x32xf32, #tpu.memory_space<vmem>>
      %dma_start3A_753 = tpu.memref_squeeze %dma_start3A_752 : memref<1x416x32xf32, #tpu.memory_space<vmem>> -> memref<416x32xf32, #tpu.memory_space<vmem>>
      %dma_start3A_754 = arith.constant 0 : i32
      %dma_start3A_755 = tpu.memref_slice %dma_start3A_753[%add3A_738, %dma_start3A_754] : memref<416x32xf32, #tpu.memory_space<vmem>> -> memref<1x32xf32, #tpu.memory_space<vmem>>
      %dma_start3A_756 = tpu.memref_squeeze %dma_start3A_755 : memref<1x32xf32, #tpu.memory_space<vmem>> -> memref<32xf32, #tpu.memory_space<vmem>>
      %dma_start3A_757 = arith.constant 0 : i32
      %dma_start3A_758 = tpu.memref_slice %arg3[%squeeze3A_736, %dma_start3A_757] : memref<2600000x32xf32, #tpu.memory_space<hbm>> -> memref<1x32xf32, #tpu.memory_space<hbm>>
      %dma_start3A_759 = tpu.memref_squeeze %dma_start3A_758 : memref<1x32xf32, #tpu.memory_space<hbm>> -> memref<32xf32, #tpu.memory_space<hbm>>
      tpu.enqueue_dma source(%dma_start3A_759 : memref<32xf32, #tpu.memory_space<hbm>>) target(%dma_start3A_756 : memref<32xf32, #tpu.memory_space<vmem>>) target_semaphore(%arg7 : memref<!tpu.dma_semaphore, #tpu.memory_space<semaphore_mem>>)
      %slice3A_760 = vector.extract_strided_slice %get3A_410 {offsets = [14], sizes = [1], strides = [1]} : vector<16xi32> to vector<1xi32>
      %squeeze3A_761 = vector.extract %slice3A_760[0] : i32 from vector<1xi32>
      %add3A_762 = arith.constant 14 : i32
      %add3A_763 = arith.addi %mul3A_412, %add3A_762 : i32
      %dma_start3A_764 = arith.constant 0 : i32
      %dma_start3A_765 = arith.constant 0 : i32
      %dma_start3A_766 = arith.constant 0 : i32
      %dma_start3A_767 = tpu.memref_slice %arg6[%dma_start3A_764, %dma_start3A_765, %dma_start3A_766] : memref<2x416x32xf32, #tpu.memory_space<vmem>> -> memref<1x416x32xf32, #tpu.memory_space<vmem>>
      %dma_start3A_768 = tpu.memref_squeeze %dma_start3A_767 : memref<1x416x32xf32, #tpu.memory_space<vmem>> -> memref<416x32xf32, #tpu.memory_space<vmem>>
      %dma_start3A_769 = arith.constant 0 : i32
      %dma_start3A_770 = tpu.memref_slice %dma_start3A_768[%add3A_763, %dma_start3A_769] : memref<416x32xf32, #tpu.memory_space<vmem>> -> memref<1x32xf32, #tpu.memory_space<vmem>>
      %dma_start3A_771 = tpu.memref_squeeze %dma_start3A_770 : memref<1x32xf32, #tpu.memory_space<vmem>> -> memref<32xf32, #tpu.memory_space<vmem>>
      %dma_start3A_772 = arith.constant 0 : i32
      %dma_start3A_773 = tpu.memref_slice %arg3[%squeeze3A_761, %dma_start3A_772] : memref<2600000x32xf32, #tpu.memory_space<hbm>> -> memref<1x32xf32, #tpu.memory_space<hbm>>
      %dma_start3A_774 = tpu.memref_squeeze %dma_start3A_773 : memref<1x32xf32, #tpu.memory_space<hbm>> -> memref<32xf32, #tpu.memory_space<hbm>>
      %dma_start3A_775 = arith.constant 0 : i32
      %dma_start3A_776 = arith.constant 0 : i32
      %dma_start3A_777 = tpu.memref_slice %arg6[%dma_start3A_764, %dma_start3A_775, %dma_start3A_776] : memref<2x416x32xf32, #tpu.memory_space<vmem>> -> memref<1x416x32xf32, #tpu.memory_space<vmem>>
      %dma_start3A_778 = tpu.memref_squeeze %dma_start3A_777 : memref<1x416x32xf32, #tpu.memory_space<vmem>> -> memref<416x32xf32, #tpu.memory_space<vmem>>
      %dma_start3A_779 = arith.constant 0 : i32
      %dma_start3A_780 = tpu.memref_slice %dma_start3A_778[%add3A_763, %dma_start3A_779] : memref<416x32xf32, #tpu.memory_space<vmem>> -> memref<1x32xf32, #tpu.memory_space<vmem>>
      %dma_start3A_781 = tpu.memref_squeeze %dma_start3A_780 : memref<1x32xf32, #tpu.memory_space<vmem>> -> memref<32xf32, #tpu.memory_space<vmem>>
      %dma_start3A_782 = arith.constant 0 : i32
      %dma_start3A_783 = tpu.memref_slice %arg3[%squeeze3A_761, %dma_start3A_782] : memref<2600000x32xf32, #tpu.memory_space<hbm>> -> memref<1x32xf32, #tpu.memory_space<hbm>>
      %dma_start3A_784 = tpu.memref_squeeze %dma_start3A_783 : memref<1x32xf32, #tpu.memory_space<hbm>> -> memref<32xf32, #tpu.memory_space<hbm>>
      tpu.enqueue_dma source(%dma_start3A_784 : memref<32xf32, #tpu.memory_space<hbm>>) target(%dma_start3A_781 : memref<32xf32, #tpu.memory_space<vmem>>) target_semaphore(%arg7 : memref<!tpu.dma_semaphore, #tpu.memory_space<semaphore_mem>>)
      %slice3A_785 = vector.extract_strided_slice %get3A_410 {offsets = [15], sizes = [1], strides = [1]} : vector<16xi32> to vector<1xi32>
      %squeeze3A_786 = vector.extract %slice3A_785[0] : i32 from vector<1xi32>
      %add3A_787 = arith.constant 15 : i32
      %add3A_788 = arith.addi %mul3A_412, %add3A_787 : i32
      %dma_start3A_789 = arith.constant 0 : i32
      %dma_start3A_790 = arith.constant 0 : i32
      %dma_start3A_791 = arith.constant 0 : i32
      %dma_start3A_792 = tpu.memref_slice %arg6[%dma_start3A_789, %dma_start3A_790, %dma_start3A_791] : memref<2x416x32xf32, #tpu.memory_space<vmem>> -> memref<1x416x32xf32, #tpu.memory_space<vmem>>
      %dma_start3A_793 = tpu.memref_squeeze %dma_start3A_792 : memref<1x416x32xf32, #tpu.memory_space<vmem>> -> memref<416x32xf32, #tpu.memory_space<vmem>>
      %dma_start3A_794 = arith.constant 0 : i32
      %dma_start3A_795 = tpu.memref_slice %dma_start3A_793[%add3A_788, %dma_start3A_794] : memref<416x32xf32, #tpu.memory_space<vmem>> -> memref<1x32xf32, #tpu.memory_space<vmem>>
      %dma_start3A_796 = tpu.memref_squeeze %dma_start3A_795 : memref<1x32xf32, #tpu.memory_space<vmem>> -> memref<32xf32, #tpu.memory_space<vmem>>
      %dma_start3A_797 = arith.constant 0 : i32
      %dma_start3A_798 = tpu.memref_slice %arg3[%squeeze3A_786, %dma_start3A_797] : memref<2600000x32xf32, #tpu.memory_space<hbm>> -> memref<1x32xf32, #tpu.memory_space<hbm>>
      %dma_start3A_799 = tpu.memref_squeeze %dma_start3A_798 : memref<1x32xf32, #tpu.memory_space<hbm>> -> memref<32xf32, #tpu.memory_space<hbm>>
      %dma_start3A_800 = arith.constant 0 : i32
      %dma_start3A_801 = arith.constant 0 : i32
      %dma_start3A_802 = tpu.memref_slice %arg6[%dma_start3A_789, %dma_start3A_800, %dma_start3A_801] : memref<2x416x32xf32, #tpu.memory_space<vmem>> -> memref<1x416x32xf32, #tpu.memory_space<vmem>>
      %dma_start3A_803 = tpu.memref_squeeze %dma_start3A_802 : memref<1x416x32xf32, #tpu.memory_space<vmem>> -> memref<416x32xf32, #tpu.memory_space<vmem>>
      %dma_start3A_804 = arith.constant 0 : i32
      %dma_start3A_805 = tpu.memref_slice %dma_start3A_803[%add3A_788, %dma_start3A_804] : memref<416x32xf32, #tpu.memory_space<vmem>> -> memref<1x32xf32, #tpu.memory_space<vmem>>
      %dma_start3A_806 = tpu.memref_squeeze %dma_start3A_805 : memref<1x32xf32, #tpu.memory_space<vmem>> -> memref<32xf32, #tpu.memory_space<vmem>>
      %dma_start3A_807 = arith.constant 0 : i32
      %dma_start3A_808 = tpu.memref_slice %arg3[%squeeze3A_786, %dma_start3A_807] : memref<2600000x32xf32, #tpu.memory_space<hbm>> -> memref<1x32xf32, #tpu.memory_space<hbm>>
      %dma_start3A_809 = tpu.memref_squeeze %dma_start3A_808 : memref<1x32xf32, #tpu.memory_space<hbm>> -> memref<32xf32, #tpu.memory_space<hbm>>
      tpu.enqueue_dma source(%dma_start3A_809 : memref<32xf32, #tpu.memory_space<hbm>>) target(%dma_start3A_806 : memref<32xf32, #tpu.memory_space<vmem>>) target_semaphore(%arg7 : memref<!tpu.dma_semaphore, #tpu.memory_space<semaphore_mem>>)
    }
    %scan3A_15 = arith.constant 26 : i32
    %scan3A_16 = arith.constant 0 : i32
    %scan3A_17 = arith.constant 0 : i32
    %scan3A_18 = arith.constant 16 : i32
    %scan3A_19 = arith.addi %scan3A_17, %scan3A_18 : i32
    %scan3A_20 = arith.constant 1 : i32
    scf.for %scan3A_404 = %scan3A_17 to %scan3A_19 step %scan3A_20  : i32 {
      %mul3A_405 = arith.constant 2 : i32
      %mul3A_406 = arith.muli %scan3A_404, %mul3A_405 : i32
      %add3A_407 = arith.constant 0 : i32
      %add3A_408 = arith.addi %mul3A_406, %add3A_407 : i32
      %add3A_409 = arith.constant 1 : i32
      %add3A_410 = arith.addi %add3A_408, %add3A_409 : i32
      %rem3A = arith.constant 32 : i32
      %rem3A_411 = arith.remsi %add3A_410, %rem3A : i32
      %dma_wait3A_412 = arith.constant 0 : i32
      %dma_wait3A_413 = arith.constant 0 : i32
      %dma_wait3A_414 = arith.constant 0 : i32
      %dma_wait3A_415 = tpu.memref_slice %arg6[%dma_wait3A_412, %dma_wait3A_413, %dma_wait3A_414] : memref<2x416x32xf32, #tpu.memory_space<vmem>> -> memref<1x416x32xf32, #tpu.memory_space<vmem>>
      %dma_wait3A_416 = tpu.memref_squeeze %dma_wait3A_415 : memref<1x416x32xf32, #tpu.memory_space<vmem>> -> memref<416x32xf32, #tpu.memory_space<vmem>>
      %dma_wait3A_417 = arith.constant 0 : i32
      %dma_wait3A_418 = arith.constant 0 : i32
      %dma_wait3A_419 = tpu.memref_slice %arg3[%dma_wait3A_417, %dma_wait3A_418] : memref<2600000x32xf32, #tpu.memory_space<hbm>> -> memref<416x32xf32, #tpu.memory_space<hbm>>
      %dma_wait3A_420 = arith.constant 0 : i32
      %dma_wait3A_421 = arith.constant 0 : i32
      %dma_wait3A_422 = tpu.memref_slice %arg6[%dma_wait3A_412, %dma_wait3A_420, %dma_wait3A_421] : memref<2x416x32xf32, #tpu.memory_space<vmem>> -> memref<1x416x32xf32, #tpu.memory_space<vmem>>
      %dma_wait3A_423 = tpu.memref_squeeze %dma_wait3A_422 : memref<1x416x32xf32, #tpu.memory_space<vmem>> -> memref<416x32xf32, #tpu.memory_space<vmem>>
      %dma_wait3A_424 = arith.constant 0 : i32
      %dma_wait3A_425 = arith.constant 0 : i32
      %dma_wait3A_426 = tpu.memref_slice %arg3[%dma_wait3A_424, %dma_wait3A_425] : memref<2600000x32xf32, #tpu.memory_space<hbm>> -> memref<416x32xf32, #tpu.memory_space<hbm>>
      tpu.wait_dma2 semaphore(%arg7 : memref<!tpu.dma_semaphore, #tpu.memory_space<semaphore_mem>>) src(%dma_wait3A_426 : memref<416x32xf32, #tpu.memory_space<hbm>>) dst(%dma_wait3A_423 : memref<416x32xf32, #tpu.memory_space<vmem>>)
      %ge3A = arith.constant 1 : i32
      %ge3A_427 = arith.cmpi sge, %add3A_408, %ge3A : i32
      %convert_element_type3A = arith.extui %ge3A_427 : i1 to i32
      %cond3A = arith.constant 0 : i32
      %cond3A_428 = arith.cmpi ne, %convert_element_type3A, %cond3A : i32
      scf.if %cond3A_428 {
        %dma_wait3A_1364 = arith.constant 1 : i32
        %dma_wait3A_1365 = arith.constant 0 : i32
        %dma_wait3A_1366 = arith.constant 0 : i32
        %dma_wait3A_1367 = tpu.memref_slice %arg6[%dma_wait3A_1364, %dma_wait3A_1365, %dma_wait3A_1366] : memref<2x416x32xf32, #tpu.memory_space<vmem>> -> memref<1x416x32xf32, #tpu.memory_space<vmem>>
        %dma_wait3A_1368 = tpu.memref_squeeze %dma_wait3A_1367 : memref<1x416x32xf32, #tpu.memory_space<vmem>> -> memref<416x32xf32, #tpu.memory_space<vmem>>
        %dma_wait3A_1369 = arith.constant 0 : i32
        %dma_wait3A_1370 = arith.constant 0 : i32
        %dma_wait3A_1371 = tpu.memref_slice %dma_wait3A_1368[%dma_wait3A_1369, %dma_wait3A_1370] : memref<416x32xf32, #tpu.memory_space<vmem>> -> memref<26x32xf32, #tpu.memory_space<vmem>>
        %dma_wait3A_1372 = arith.constant 0 : i32
        %dma_wait3A_1373 = arith.constant 0 : i32
        %dma_wait3A_1374 = tpu.memref_slice %arg4[%mul3A_4, %dma_wait3A_1372, %dma_wait3A_1373] : memref<16384x26x32xf32, #tpu.memory_space<hbm>> -> memref<1x26x32xf32, #tpu.memory_space<hbm>>
        %dma_wait3A_1375 = tpu.memref_squeeze %dma_wait3A_1374 : memref<1x26x32xf32, #tpu.memory_space<hbm>> -> memref<26x32xf32, #tpu.memory_space<hbm>>
        %dma_wait3A_1376 = arith.constant 0 : i32
        %dma_wait3A_1377 = arith.constant 0 : i32
        %dma_wait3A_1378 = tpu.memref_slice %arg4[%mul3A_4, %dma_wait3A_1376, %dma_wait3A_1377] : memref<16384x26x32xf32, #tpu.memory_space<hbm>> -> memref<1x26x32xf32, #tpu.memory_space<hbm>>
        %dma_wait3A_1379 = tpu.memref_squeeze %dma_wait3A_1378 : memref<1x26x32xf32, #tpu.memory_space<hbm>> -> memref<26x32xf32, #tpu.memory_space<hbm>>
        %dma_wait3A_1380 = arith.constant 0 : i32
        %dma_wait3A_1381 = arith.constant 0 : i32
        %dma_wait3A_1382 = tpu.memref_slice %arg6[%dma_wait3A_1364, %dma_wait3A_1380, %dma_wait3A_1381] : memref<2x416x32xf32, #tpu.memory_space<vmem>> -> memref<1x416x32xf32, #tpu.memory_space<vmem>>
        %dma_wait3A_1383 = tpu.memref_squeeze %dma_wait3A_1382 : memref<1x416x32xf32, #tpu.memory_space<vmem>> -> memref<416x32xf32, #tpu.memory_space<vmem>>
        %dma_wait3A_1384 = arith.constant 0 : i32
        %dma_wait3A_1385 = arith.constant 0 : i32
        %dma_wait3A_1386 = tpu.memref_slice %dma_wait3A_1383[%dma_wait3A_1384, %dma_wait3A_1385] : memref<416x32xf32, #tpu.memory_space<vmem>> -> memref<26x32xf32, #tpu.memory_space<vmem>>
        tpu.wait_dma2 semaphore(%arg10 : memref<!tpu.dma_semaphore, #tpu.memory_space<semaphore_mem>>) src(%dma_wait3A_1386 : memref<26x32xf32, #tpu.memory_space<vmem>>) dst(%dma_wait3A_1379 : memref<26x32xf32, #tpu.memory_space<hbm>>)
        %dma_wait3A_1387 = arith.constant 1 : i32
        %dma_wait3A_1388 = arith.constant 0 : i32
        %dma_wait3A_1389 = arith.constant 0 : i32
        %dma_wait3A_1390 = tpu.memref_slice %arg6[%dma_wait3A_1387, %dma_wait3A_1388, %dma_wait3A_1389] : memref<2x416x32xf32, #tpu.memory_space<vmem>> -> memref<1x416x32xf32, #tpu.memory_space<vmem>>
        %dma_wait3A_1391 = tpu.memref_squeeze %dma_wait3A_1390 : memref<1x416x32xf32, #tpu.memory_space<vmem>> -> memref<416x32xf32, #tpu.memory_space<vmem>>
        %dma_wait3A_1392 = arith.constant 26 : i32
        %dma_wait3A_1393 = arith.constant 0 : i32
        %dma_wait3A_1394 = tpu.memref_slice %dma_wait3A_1391[%dma_wait3A_1392, %dma_wait3A_1393] : memref<416x32xf32, #tpu.memory_space<vmem>> -> memref<26x32xf32, #tpu.memory_space<vmem>>
        %dma_wait3A_1395 = arith.constant 0 : i32
        %dma_wait3A_1396 = arith.constant 0 : i32
        %dma_wait3A_1397 = tpu.memref_slice %arg4[%mul3A_4, %dma_wait3A_1395, %dma_wait3A_1396] : memref<16384x26x32xf32, #tpu.memory_space<hbm>> -> memref<1x26x32xf32, #tpu.memory_space<hbm>>
        %dma_wait3A_1398 = tpu.memref_squeeze %dma_wait3A_1397 : memref<1x26x32xf32, #tpu.memory_space<hbm>> -> memref<26x32xf32, #tpu.memory_space<hbm>>
        %dma_wait3A_1399 = arith.constant 0 : i32
        %dma_wait3A_1400 = arith.constant 0 : i32
        %dma_wait3A_1401 = tpu.memref_slice %arg4[%mul3A_4, %dma_wait3A_1399, %dma_wait3A_1400] : memref<16384x26x32xf32, #tpu.memory_space<hbm>> -> memref<1x26x32xf32, #tpu.memory_space<hbm>>
        %dma_wait3A_1402 = tpu.memref_squeeze %dma_wait3A_1401 : memref<1x26x32xf32, #tpu.memory_space<hbm>> -> memref<26x32xf32, #tpu.memory_space<hbm>>
        %dma_wait3A_1403 = arith.constant 0 : i32
        %dma_wait3A_1404 = arith.constant 0 : i32
        %dma_wait3A_1405 = tpu.memref_slice %arg6[%dma_wait3A_1387, %dma_wait3A_1403, %dma_wait3A_1404] : memref<2x416x32xf32, #tpu.memory_space<vmem>> -> memref<1x416x32xf32, #tpu.memory_space<vmem>>
        %dma_wait3A_1406 = tpu.memref_squeeze %dma_wait3A_1405 : memref<1x416x32xf32, #tpu.memory_space<vmem>> -> memref<416x32xf32, #tpu.memory_space<vmem>>
        %dma_wait3A_1407 = arith.constant 26 : i32
        %dma_wait3A_1408 = arith.constant 0 : i32
        %dma_wait3A_1409 = tpu.memref_slice %dma_wait3A_1406[%dma_wait3A_1407, %dma_wait3A_1408] : memref<416x32xf32, #tpu.memory_space<vmem>> -> memref<26x32xf32, #tpu.memory_space<vmem>>
        tpu.wait_dma2 semaphore(%arg10 : memref<!tpu.dma_semaphore, #tpu.memory_space<semaphore_mem>>) src(%dma_wait3A_1409 : memref<26x32xf32, #tpu.memory_space<vmem>>) dst(%dma_wait3A_1402 : memref<26x32xf32, #tpu.memory_space<hbm>>)
        %dma_wait3A_1410 = arith.constant 1 : i32
        %dma_wait3A_1411 = arith.constant 0 : i32
        %dma_wait3A_1412 = arith.constant 0 : i32
        %dma_wait3A_1413 = tpu.memref_slice %arg6[%dma_wait3A_1410, %dma_wait3A_1411, %dma_wait3A_1412] : memref<2x416x32xf32, #tpu.memory_space<vmem>> -> memref<1x416x32xf32, #tpu.memory_space<vmem>>
        %dma_wait3A_1414 = tpu.memref_squeeze %dma_wait3A_1413 : memref<1x416x32xf32, #tpu.memory_space<vmem>> -> memref<416x32xf32, #tpu.memory_space<vmem>>
        %dma_wait3A_1415 = arith.constant 52 : i32
        %dma_wait3A_1416 = arith.constant 0 : i32
        %dma_wait3A_1417 = tpu.memref_slice %dma_wait3A_1414[%dma_wait3A_1415, %dma_wait3A_1416] : memref<416x32xf32, #tpu.memory_space<vmem>> -> memref<26x32xf32, #tpu.memory_space<vmem>>
        %dma_wait3A_1418 = arith.constant 0 : i32
        %dma_wait3A_1419 = arith.constant 0 : i32
        %dma_wait3A_1420 = tpu.memref_slice %arg4[%mul3A_4, %dma_wait3A_1418, %dma_wait3A_1419] : memref<16384x26x32xf32, #tpu.memory_space<hbm>> -> memref<1x26x32xf32, #tpu.memory_space<hbm>>
        %dma_wait3A_1421 = tpu.memref_squeeze %dma_wait3A_1420 : memref<1x26x32xf32, #tpu.memory_space<hbm>> -> memref<26x32xf32, #tpu.memory_space<hbm>>
        %dma_wait3A_1422 = arith.constant 0 : i32
        %dma_wait3A_1423 = arith.constant 0 : i32
        %dma_wait3A_1424 = tpu.memref_slice %arg4[%mul3A_4, %dma_wait3A_1422, %dma_wait3A_1423] : memref<16384x26x32xf32, #tpu.memory_space<hbm>> -> memref<1x26x32xf32, #tpu.memory_space<hbm>>
        %dma_wait3A_1425 = tpu.memref_squeeze %dma_wait3A_1424 : memref<1x26x32xf32, #tpu.memory_space<hbm>> -> memref<26x32xf32, #tpu.memory_space<hbm>>
        %dma_wait3A_1426 = arith.constant 0 : i32
        %dma_wait3A_1427 = arith.constant 0 : i32
        %dma_wait3A_1428 = tpu.memref_slice %arg6[%dma_wait3A_1410, %dma_wait3A_1426, %dma_wait3A_1427] : memref<2x416x32xf32, #tpu.memory_space<vmem>> -> memref<1x416x32xf32, #tpu.memory_space<vmem>>
        %dma_wait3A_1429 = tpu.memref_squeeze %dma_wait3A_1428 : memref<1x416x32xf32, #tpu.memory_space<vmem>> -> memref<416x32xf32, #tpu.memory_space<vmem>>
        %dma_wait3A_1430 = arith.constant 52 : i32
        %dma_wait3A_1431 = arith.constant 0 : i32
        %dma_wait3A_1432 = tpu.memref_slice %dma_wait3A_1429[%dma_wait3A_1430, %dma_wait3A_1431] : memref<416x32xf32, #tpu.memory_space<vmem>> -> memref<26x32xf32, #tpu.memory_space<vmem>>
        tpu.wait_dma2 semaphore(%arg10 : memref<!tpu.dma_semaphore, #tpu.memory_space<semaphore_mem>>) src(%dma_wait3A_1432 : memref<26x32xf32, #tpu.memory_space<vmem>>) dst(%dma_wait3A_1425 : memref<26x32xf32, #tpu.memory_space<hbm>>)
        %dma_wait3A_1433 = arith.constant 1 : i32
        %dma_wait3A_1434 = arith.constant 0 : i32
        %dma_wait3A_1435 = arith.constant 0 : i32
        %dma_wait3A_1436 = tpu.memref_slice %arg6[%dma_wait3A_1433, %dma_wait3A_1434, %dma_wait3A_1435] : memref<2x416x32xf32, #tpu.memory_space<vmem>> -> memref<1x416x32xf32, #tpu.memory_space<vmem>>
        %dma_wait3A_1437 = tpu.memref_squeeze %dma_wait3A_1436 : memref<1x416x32xf32, #tpu.memory_space<vmem>> -> memref<416x32xf32, #tpu.memory_space<vmem>>
        %dma_wait3A_1438 = arith.constant 78 : i32
        %dma_wait3A_1439 = arith.constant 0 : i32
        %dma_wait3A_1440 = tpu.memref_slice %dma_wait3A_1437[%dma_wait3A_1438, %dma_wait3A_1439] : memref<416x32xf32, #tpu.memory_space<vmem>> -> memref<26x32xf32, #tpu.memory_space<vmem>>
        %dma_wait3A_1441 = arith.constant 0 : i32
        %dma_wait3A_1442 = arith.constant 0 : i32
        %dma_wait3A_1443 = tpu.memref_slice %arg4[%mul3A_4, %dma_wait3A_1441, %dma_wait3A_1442] : memref<16384x26x32xf32, #tpu.memory_space<hbm>> -> memref<1x26x32xf32, #tpu.memory_space<hbm>>
        %dma_wait3A_1444 = tpu.memref_squeeze %dma_wait3A_1443 : memref<1x26x32xf32, #tpu.memory_space<hbm>> -> memref<26x32xf32, #tpu.memory_space<hbm>>
        %dma_wait3A_1445 = arith.constant 0 : i32
        %dma_wait3A_1446 = arith.constant 0 : i32
        %dma_wait3A_1447 = tpu.memref_slice %arg4[%mul3A_4, %dma_wait3A_1445, %dma_wait3A_1446] : memref<16384x26x32xf32, #tpu.memory_space<hbm>> -> memref<1x26x32xf32, #tpu.memory_space<hbm>>
        %dma_wait3A_1448 = tpu.memref_squeeze %dma_wait3A_1447 : memref<1x26x32xf32, #tpu.memory_space<hbm>> -> memref<26x32xf32, #tpu.memory_space<hbm>>
        %dma_wait3A_1449 = arith.constant 0 : i32
        %dma_wait3A_1450 = arith.constant 0 : i32
        %dma_wait3A_1451 = tpu.memref_slice %arg6[%dma_wait3A_1433, %dma_wait3A_1449, %dma_wait3A_1450] : memref<2x416x32xf32, #tpu.memory_space<vmem>> -> memref<1x416x32xf32, #tpu.memory_space<vmem>>
        %dma_wait3A_1452 = tpu.memref_squeeze %dma_wait3A_1451 : memref<1x416x32xf32, #tpu.memory_space<vmem>> -> memref<416x32xf32, #tpu.memory_space<vmem>>
        %dma_wait3A_1453 = arith.constant 78 : i32
        %dma_wait3A_1454 = arith.constant 0 : i32
        %dma_wait3A_1455 = tpu.memref_slice %dma_wait3A_1452[%dma_wait3A_1453, %dma_wait3A_1454] : memref<416x32xf32, #tpu.memory_space<vmem>> -> memref<26x32xf32, #tpu.memory_space<vmem>>
        tpu.wait_dma2 semaphore(%arg10 : memref<!tpu.dma_semaphore, #tpu.memory_space<semaphore_mem>>) src(%dma_wait3A_1455 : memref<26x32xf32, #tpu.memory_space<vmem>>) dst(%dma_wait3A_1448 : memref<26x32xf32, #tpu.memory_space<hbm>>)
        %dma_wait3A_1456 = arith.constant 1 : i32
        %dma_wait3A_1457 = arith.constant 0 : i32
        %dma_wait3A_1458 = arith.constant 0 : i32
        %dma_wait3A_1459 = tpu.memref_slice %arg6[%dma_wait3A_1456, %dma_wait3A_1457, %dma_wait3A_1458] : memref<2x416x32xf32, #tpu.memory_space<vmem>> -> memref<1x416x32xf32, #tpu.memory_space<vmem>>
        %dma_wait3A_1460 = tpu.memref_squeeze %dma_wait3A_1459 : memref<1x416x32xf32, #tpu.memory_space<vmem>> -> memref<416x32xf32, #tpu.memory_space<vmem>>
        %dma_wait3A_1461 = arith.constant 104 : i32
        %dma_wait3A_1462 = arith.constant 0 : i32
        %dma_wait3A_1463 = tpu.memref_slice %dma_wait3A_1460[%dma_wait3A_1461, %dma_wait3A_1462] : memref<416x32xf32, #tpu.memory_space<vmem>> -> memref<26x32xf32, #tpu.memory_space<vmem>>
        %dma_wait3A_1464 = arith.constant 0 : i32
        %dma_wait3A_1465 = arith.constant 0 : i32
        %dma_wait3A_1466 = tpu.memref_slice %arg4[%mul3A_4, %dma_wait3A_1464, %dma_wait3A_1465] : memref<16384x26x32xf32, #tpu.memory_space<hbm>> -> memref<1x26x32xf32, #tpu.memory_space<hbm>>
        %dma_wait3A_1467 = tpu.memref_squeeze %dma_wait3A_1466 : memref<1x26x32xf32, #tpu.memory_space<hbm>> -> memref<26x32xf32, #tpu.memory_space<hbm>>
        %dma_wait3A_1468 = arith.constant 0 : i32
        %dma_wait3A_1469 = arith.constant 0 : i32
        %dma_wait3A_1470 = tpu.memref_slice %arg4[%mul3A_4, %dma_wait3A_1468, %dma_wait3A_1469] : memref<16384x26x32xf32, #tpu.memory_space<hbm>> -> memref<1x26x32xf32, #tpu.memory_space<hbm>>
        %dma_wait3A_1471 = tpu.memref_squeeze %dma_wait3A_1470 : memref<1x26x32xf32, #tpu.memory_space<hbm>> -> memref<26x32xf32, #tpu.memory_space<hbm>>
        %dma_wait3A_1472 = arith.constant 0 : i32
        %dma_wait3A_1473 = arith.constant 0 : i32
        %dma_wait3A_1474 = tpu.memref_slice %arg6[%dma_wait3A_1456, %dma_wait3A_1472, %dma_wait3A_1473] : memref<2x416x32xf32, #tpu.memory_space<vmem>> -> memref<1x416x32xf32, #tpu.memory_space<vmem>>
        %dma_wait3A_1475 = tpu.memref_squeeze %dma_wait3A_1474 : memref<1x416x32xf32, #tpu.memory_space<vmem>> -> memref<416x32xf32, #tpu.memory_space<vmem>>
        %dma_wait3A_1476 = arith.constant 104 : i32
        %dma_wait3A_1477 = arith.constant 0 : i32
        %dma_wait3A_1478 = tpu.memref_slice %dma_wait3A_1475[%dma_wait3A_1476, %dma_wait3A_1477] : memref<416x32xf32, #tpu.memory_space<vmem>> -> memref<26x32xf32, #tpu.memory_space<vmem>>
        tpu.wait_dma2 semaphore(%arg10 : memref<!tpu.dma_semaphore, #tpu.memory_space<semaphore_mem>>) src(%dma_wait3A_1478 : memref<26x32xf32, #tpu.memory_space<vmem>>) dst(%dma_wait3A_1471 : memref<26x32xf32, #tpu.memory_space<hbm>>)
        %dma_wait3A_1479 = arith.constant 1 : i32
        %dma_wait3A_1480 = arith.constant 0 : i32
        %dma_wait3A_1481 = arith.constant 0 : i32
        %dma_wait3A_1482 = tpu.memref_slice %arg6[%dma_wait3A_1479, %dma_wait3A_1480, %dma_wait3A_1481] : memref<2x416x32xf32, #tpu.memory_space<vmem>> -> memref<1x416x32xf32, #tpu.memory_space<vmem>>
        %dma_wait3A_1483 = tpu.memref_squeeze %dma_wait3A_1482 : memref<1x416x32xf32, #tpu.memory_space<vmem>> -> memref<416x32xf32, #tpu.memory_space<vmem>>
        %dma_wait3A_1484 = arith.constant 130 : i32
        %dma_wait3A_1485 = arith.constant 0 : i32
        %dma_wait3A_1486 = tpu.memref_slice %dma_wait3A_1483[%dma_wait3A_1484, %dma_wait3A_1485] : memref<416x32xf32, #tpu.memory_space<vmem>> -> memref<26x32xf32, #tpu.memory_space<vmem>>
        %dma_wait3A_1487 = arith.constant 0 : i32
        %dma_wait3A_1488 = arith.constant 0 : i32
        %dma_wait3A_1489 = tpu.memref_slice %arg4[%mul3A_4, %dma_wait3A_1487, %dma_wait3A_1488] : memref<16384x26x32xf32, #tpu.memory_space<hbm>> -> memref<1x26x32xf32, #tpu.memory_space<hbm>>
        %dma_wait3A_1490 = tpu.memref_squeeze %dma_wait3A_1489 : memref<1x26x32xf32, #tpu.memory_space<hbm>> -> memref<26x32xf32, #tpu.memory_space<hbm>>
        %dma_wait3A_1491 = arith.constant 0 : i32
        %dma_wait3A_1492 = arith.constant 0 : i32
        %dma_wait3A_1493 = tpu.memref_slice %arg4[%mul3A_4, %dma_wait3A_1491, %dma_wait3A_1492] : memref<16384x26x32xf32, #tpu.memory_space<hbm>> -> memref<1x26x32xf32, #tpu.memory_space<hbm>>
        %dma_wait3A_1494 = tpu.memref_squeeze %dma_wait3A_1493 : memref<1x26x32xf32, #tpu.memory_space<hbm>> -> memref<26x32xf32, #tpu.memory_space<hbm>>
        %dma_wait3A_1495 = arith.constant 0 : i32
        %dma_wait3A_1496 = arith.constant 0 : i32
        %dma_wait3A_1497 = tpu.memref_slice %arg6[%dma_wait3A_1479, %dma_wait3A_1495, %dma_wait3A_1496] : memref<2x416x32xf32, #tpu.memory_space<vmem>> -> memref<1x416x32xf32, #tpu.memory_space<vmem>>
        %dma_wait3A_1498 = tpu.memref_squeeze %dma_wait3A_1497 : memref<1x416x32xf32, #tpu.memory_space<vmem>> -> memref<416x32xf32, #tpu.memory_space<vmem>>
        %dma_wait3A_1499 = arith.constant 130 : i32
        %dma_wait3A_1500 = arith.constant 0 : i32
        %dma_wait3A_1501 = tpu.memref_slice %dma_wait3A_1498[%dma_wait3A_1499, %dma_wait3A_1500] : memref<416x32xf32, #tpu.memory_space<vmem>> -> memref<26x32xf32, #tpu.memory_space<vmem>>
        tpu.wait_dma2 semaphore(%arg10 : memref<!tpu.dma_semaphore, #tpu.memory_space<semaphore_mem>>) src(%dma_wait3A_1501 : memref<26x32xf32, #tpu.memory_space<vmem>>) dst(%dma_wait3A_1494 : memref<26x32xf32, #tpu.memory_space<hbm>>)
        %dma_wait3A_1502 = arith.constant 1 : i32
        %dma_wait3A_1503 = arith.constant 0 : i32
        %dma_wait3A_1504 = arith.constant 0 : i32
        %dma_wait3A_1505 = tpu.memref_slice %arg6[%dma_wait3A_1502, %dma_wait3A_1503, %dma_wait3A_1504] : memref<2x416x32xf32, #tpu.memory_space<vmem>> -> memref<1x416x32xf32, #tpu.memory_space<vmem>>
        %dma_wait3A_1506 = tpu.memref_squeeze %dma_wait3A_1505 : memref<1x416x32xf32, #tpu.memory_space<vmem>> -> memref<416x32xf32, #tpu.memory_space<vmem>>
        %dma_wait3A_1507 = arith.constant 156 : i32
        %dma_wait3A_1508 = arith.constant 0 : i32
        %dma_wait3A_1509 = tpu.memref_slice %dma_wait3A_1506[%dma_wait3A_1507, %dma_wait3A_1508] : memref<416x32xf32, #tpu.memory_space<vmem>> -> memref<26x32xf32, #tpu.memory_space<vmem>>
        %dma_wait3A_1510 = arith.constant 0 : i32
        %dma_wait3A_1511 = arith.constant 0 : i32
        %dma_wait3A_1512 = tpu.memref_slice %arg4[%mul3A_4, %dma_wait3A_1510, %dma_wait3A_1511] : memref<16384x26x32xf32, #tpu.memory_space<hbm>> -> memref<1x26x32xf32, #tpu.memory_space<hbm>>
        %dma_wait3A_1513 = tpu.memref_squeeze %dma_wait3A_1512 : memref<1x26x32xf32, #tpu.memory_space<hbm>> -> memref<26x32xf32, #tpu.memory_space<hbm>>
        %dma_wait3A_1514 = arith.constant 0 : i32
        %dma_wait3A_1515 = arith.constant 0 : i32
        %dma_wait3A_1516 = tpu.memref_slice %arg4[%mul3A_4, %dma_wait3A_1514, %dma_wait3A_1515] : memref<16384x26x32xf32, #tpu.memory_space<hbm>> -> memref<1x26x32xf32, #tpu.memory_space<hbm>>
        %dma_wait3A_1517 = tpu.memref_squeeze %dma_wait3A_1516 : memref<1x26x32xf32, #tpu.memory_space<hbm>> -> memref<26x32xf32, #tpu.memory_space<hbm>>
        %dma_wait3A_1518 = arith.constant 0 : i32
        %dma_wait3A_1519 = arith.constant 0 : i32
        %dma_wait3A_1520 = tpu.memref_slice %arg6[%dma_wait3A_1502, %dma_wait3A_1518, %dma_wait3A_1519] : memref<2x416x32xf32, #tpu.memory_space<vmem>> -> memref<1x416x32xf32, #tpu.memory_space<vmem>>
        %dma_wait3A_1521 = tpu.memref_squeeze %dma_wait3A_1520 : memref<1x416x32xf32, #tpu.memory_space<vmem>> -> memref<416x32xf32, #tpu.memory_space<vmem>>
        %dma_wait3A_1522 = arith.constant 156 : i32
        %dma_wait3A_1523 = arith.constant 0 : i32
        %dma_wait3A_1524 = tpu.memref_slice %dma_wait3A_1521[%dma_wait3A_1522, %dma_wait3A_1523] : memref<416x32xf32, #tpu.memory_space<vmem>> -> memref<26x32xf32, #tpu.memory_space<vmem>>
        tpu.wait_dma2 semaphore(%arg10 : memref<!tpu.dma_semaphore, #tpu.memory_space<semaphore_mem>>) src(%dma_wait3A_1524 : memref<26x32xf32, #tpu.memory_space<vmem>>) dst(%dma_wait3A_1517 : memref<26x32xf32, #tpu.memory_space<hbm>>)
        %dma_wait3A_1525 = arith.constant 1 : i32
        %dma_wait3A_1526 = arith.constant 0 : i32
        %dma_wait3A_1527 = arith.constant 0 : i32
        %dma_wait3A_1528 = tpu.memref_slice %arg6[%dma_wait3A_1525, %dma_wait3A_1526, %dma_wait3A_1527] : memref<2x416x32xf32, #tpu.memory_space<vmem>> -> memref<1x416x32xf32, #tpu.memory_space<vmem>>
        %dma_wait3A_1529 = tpu.memref_squeeze %dma_wait3A_1528 : memref<1x416x32xf32, #tpu.memory_space<vmem>> -> memref<416x32xf32, #tpu.memory_space<vmem>>
        %dma_wait3A_1530 = arith.constant 182 : i32
        %dma_wait3A_1531 = arith.constant 0 : i32
        %dma_wait3A_1532 = tpu.memref_slice %dma_wait3A_1529[%dma_wait3A_1530, %dma_wait3A_1531] : memref<416x32xf32, #tpu.memory_space<vmem>> -> memref<26x32xf32, #tpu.memory_space<vmem>>
        %dma_wait3A_1533 = arith.constant 0 : i32
        %dma_wait3A_1534 = arith.constant 0 : i32
        %dma_wait3A_1535 = tpu.memref_slice %arg4[%mul3A_4, %dma_wait3A_1533, %dma_wait3A_1534] : memref<16384x26x32xf32, #tpu.memory_space<hbm>> -> memref<1x26x32xf32, #tpu.memory_space<hbm>>
        %dma_wait3A_1536 = tpu.memref_squeeze %dma_wait3A_1535 : memref<1x26x32xf32, #tpu.memory_space<hbm>> -> memref<26x32xf32, #tpu.memory_space<hbm>>
        %dma_wait3A_1537 = arith.constant 0 : i32
        %dma_wait3A_1538 = arith.constant 0 : i32
        %dma_wait3A_1539 = tpu.memref_slice %arg4[%mul3A_4, %dma_wait3A_1537, %dma_wait3A_1538] : memref<16384x26x32xf32, #tpu.memory_space<hbm>> -> memref<1x26x32xf32, #tpu.memory_space<hbm>>
        %dma_wait3A_1540 = tpu.memref_squeeze %dma_wait3A_1539 : memref<1x26x32xf32, #tpu.memory_space<hbm>> -> memref<26x32xf32, #tpu.memory_space<hbm>>
        %dma_wait3A_1541 = arith.constant 0 : i32
        %dma_wait3A_1542 = arith.constant 0 : i32
        %dma_wait3A_1543 = tpu.memref_slice %arg6[%dma_wait3A_1525, %dma_wait3A_1541, %dma_wait3A_1542] : memref<2x416x32xf32, #tpu.memory_space<vmem>> -> memref<1x416x32xf32, #tpu.memory_space<vmem>>
        %dma_wait3A_1544 = tpu.memref_squeeze %dma_wait3A_1543 : memref<1x416x32xf32, #tpu.memory_space<vmem>> -> memref<416x32xf32, #tpu.memory_space<vmem>>
        %dma_wait3A_1545 = arith.constant 182 : i32
        %dma_wait3A_1546 = arith.constant 0 : i32
        %dma_wait3A_1547 = tpu.memref_slice %dma_wait3A_1544[%dma_wait3A_1545, %dma_wait3A_1546] : memref<416x32xf32, #tpu.memory_space<vmem>> -> memref<26x32xf32, #tpu.memory_space<vmem>>
        tpu.wait_dma2 semaphore(%arg10 : memref<!tpu.dma_semaphore, #tpu.memory_space<semaphore_mem>>) src(%dma_wait3A_1547 : memref<26x32xf32, #tpu.memory_space<vmem>>) dst(%dma_wait3A_1540 : memref<26x32xf32, #tpu.memory_space<hbm>>)
        %dma_wait3A_1548 = arith.constant 1 : i32
        %dma_wait3A_1549 = arith.constant 0 : i32
        %dma_wait3A_1550 = arith.constant 0 : i32
        %dma_wait3A_1551 = tpu.memref_slice %arg6[%dma_wait3A_1548, %dma_wait3A_1549, %dma_wait3A_1550] : memref<2x416x32xf32, #tpu.memory_space<vmem>> -> memref<1x416x32xf32, #tpu.memory_space<vmem>>
        %dma_wait3A_1552 = tpu.memref_squeeze %dma_wait3A_1551 : memref<1x416x32xf32, #tpu.memory_space<vmem>> -> memref<416x32xf32, #tpu.memory_space<vmem>>
        %dma_wait3A_1553 = arith.constant 208 : i32
        %dma_wait3A_1554 = arith.constant 0 : i32
        %dma_wait3A_1555 = tpu.memref_slice %dma_wait3A_1552[%dma_wait3A_1553, %dma_wait3A_1554] : memref<416x32xf32, #tpu.memory_space<vmem>> -> memref<26x32xf32, #tpu.memory_space<vmem>>
        %dma_wait3A_1556 = arith.constant 0 : i32
        %dma_wait3A_1557 = arith.constant 0 : i32
        %dma_wait3A_1558 = tpu.memref_slice %arg4[%mul3A_4, %dma_wait3A_1556, %dma_wait3A_1557] : memref<16384x26x32xf32, #tpu.memory_space<hbm>> -> memref<1x26x32xf32, #tpu.memory_space<hbm>>
        %dma_wait3A_1559 = tpu.memref_squeeze %dma_wait3A_1558 : memref<1x26x32xf32, #tpu.memory_space<hbm>> -> memref<26x32xf32, #tpu.memory_space<hbm>>
        %dma_wait3A_1560 = arith.constant 0 : i32
        %dma_wait3A_1561 = arith.constant 0 : i32
        %dma_wait3A_1562 = tpu.memref_slice %arg4[%mul3A_4, %dma_wait3A_1560, %dma_wait3A_1561] : memref<16384x26x32xf32, #tpu.memory_space<hbm>> -> memref<1x26x32xf32, #tpu.memory_space<hbm>>
        %dma_wait3A_1563 = tpu.memref_squeeze %dma_wait3A_1562 : memref<1x26x32xf32, #tpu.memory_space<hbm>> -> memref<26x32xf32, #tpu.memory_space<hbm>>
        %dma_wait3A_1564 = arith.constant 0 : i32
        %dma_wait3A_1565 = arith.constant 0 : i32
        %dma_wait3A_1566 = tpu.memref_slice %arg6[%dma_wait3A_1548, %dma_wait3A_1564, %dma_wait3A_1565] : memref<2x416x32xf32, #tpu.memory_space<vmem>> -> memref<1x416x32xf32, #tpu.memory_space<vmem>>
        %dma_wait3A_1567 = tpu.memref_squeeze %dma_wait3A_1566 : memref<1x416x32xf32, #tpu.memory_space<vmem>> -> memref<416x32xf32, #tpu.memory_space<vmem>>
        %dma_wait3A_1568 = arith.constant 208 : i32
        %dma_wait3A_1569 = arith.constant 0 : i32
        %dma_wait3A_1570 = tpu.memref_slice %dma_wait3A_1567[%dma_wait3A_1568, %dma_wait3A_1569] : memref<416x32xf32, #tpu.memory_space<vmem>> -> memref<26x32xf32, #tpu.memory_space<vmem>>
        tpu.wait_dma2 semaphore(%arg10 : memref<!tpu.dma_semaphore, #tpu.memory_space<semaphore_mem>>) src(%dma_wait3A_1570 : memref<26x32xf32, #tpu.memory_space<vmem>>) dst(%dma_wait3A_1563 : memref<26x32xf32, #tpu.memory_space<hbm>>)
        %dma_wait3A_1571 = arith.constant 1 : i32
        %dma_wait3A_1572 = arith.constant 0 : i32
        %dma_wait3A_1573 = arith.constant 0 : i32
        %dma_wait3A_1574 = tpu.memref_slice %arg6[%dma_wait3A_1571, %dma_wait3A_1572, %dma_wait3A_1573] : memref<2x416x32xf32, #tpu.memory_space<vmem>> -> memref<1x416x32xf32, #tpu.memory_space<vmem>>
        %dma_wait3A_1575 = tpu.memref_squeeze %dma_wait3A_1574 : memref<1x416x32xf32, #tpu.memory_space<vmem>> -> memref<416x32xf32, #tpu.memory_space<vmem>>
        %dma_wait3A_1576 = arith.constant 234 : i32
        %dma_wait3A_1577 = arith.constant 0 : i32
        %dma_wait3A_1578 = tpu.memref_slice %dma_wait3A_1575[%dma_wait3A_1576, %dma_wait3A_1577] : memref<416x32xf32, #tpu.memory_space<vmem>> -> memref<26x32xf32, #tpu.memory_space<vmem>>
        %dma_wait3A_1579 = arith.constant 0 : i32
        %dma_wait3A_1580 = arith.constant 0 : i32
        %dma_wait3A_1581 = tpu.memref_slice %arg4[%mul3A_4, %dma_wait3A_1579, %dma_wait3A_1580] : memref<16384x26x32xf32, #tpu.memory_space<hbm>> -> memref<1x26x32xf32, #tpu.memory_space<hbm>>
        %dma_wait3A_1582 = tpu.memref_squeeze %dma_wait3A_1581 : memref<1x26x32xf32, #tpu.memory_space<hbm>> -> memref<26x32xf32, #tpu.memory_space<hbm>>
        %dma_wait3A_1583 = arith.constant 0 : i32
        %dma_wait3A_1584 = arith.constant 0 : i32
        %dma_wait3A_1585 = tpu.memref_slice %arg4[%mul3A_4, %dma_wait3A_1583, %dma_wait3A_1584] : memref<16384x26x32xf32, #tpu.memory_space<hbm>> -> memref<1x26x32xf32, #tpu.memory_space<hbm>>
        %dma_wait3A_1586 = tpu.memref_squeeze %dma_wait3A_1585 : memref<1x26x32xf32, #tpu.memory_space<hbm>> -> memref<26x32xf32, #tpu.memory_space<hbm>>
        %dma_wait3A_1587 = arith.constant 0 : i32
        %dma_wait3A_1588 = arith.constant 0 : i32
        %dma_wait3A_1589 = tpu.memref_slice %arg6[%dma_wait3A_1571, %dma_wait3A_1587, %dma_wait3A_1588] : memref<2x416x32xf32, #tpu.memory_space<vmem>> -> memref<1x416x32xf32, #tpu.memory_space<vmem>>
        %dma_wait3A_1590 = tpu.memref_squeeze %dma_wait3A_1589 : memref<1x416x32xf32, #tpu.memory_space<vmem>> -> memref<416x32xf32, #tpu.memory_space<vmem>>
        %dma_wait3A_1591 = arith.constant 234 : i32
        %dma_wait3A_1592 = arith.constant 0 : i32
        %dma_wait3A_1593 = tpu.memref_slice %dma_wait3A_1590[%dma_wait3A_1591, %dma_wait3A_1592] : memref<416x32xf32, #tpu.memory_space<vmem>> -> memref<26x32xf32, #tpu.memory_space<vmem>>
        tpu.wait_dma2 semaphore(%arg10 : memref<!tpu.dma_semaphore, #tpu.memory_space<semaphore_mem>>) src(%dma_wait3A_1593 : memref<26x32xf32, #tpu.memory_space<vmem>>) dst(%dma_wait3A_1586 : memref<26x32xf32, #tpu.memory_space<hbm>>)
        %dma_wait3A_1594 = arith.constant 1 : i32
        %dma_wait3A_1595 = arith.constant 0 : i32
        %dma_wait3A_1596 = arith.constant 0 : i32
        %dma_wait3A_1597 = tpu.memref_slice %arg6[%dma_wait3A_1594, %dma_wait3A_1595, %dma_wait3A_1596] : memref<2x416x32xf32, #tpu.memory_space<vmem>> -> memref<1x416x32xf32, #tpu.memory_space<vmem>>
        %dma_wait3A_1598 = tpu.memref_squeeze %dma_wait3A_1597 : memref<1x416x32xf32, #tpu.memory_space<vmem>> -> memref<416x32xf32, #tpu.memory_space<vmem>>
        %dma_wait3A_1599 = arith.constant 260 : i32
        %dma_wait3A_1600 = arith.constant 0 : i32
        %dma_wait3A_1601 = tpu.memref_slice %dma_wait3A_1598[%dma_wait3A_1599, %dma_wait3A_1600] : memref<416x32xf32, #tpu.memory_space<vmem>> -> memref<26x32xf32, #tpu.memory_space<vmem>>
        %dma_wait3A_1602 = arith.constant 0 : i32
        %dma_wait3A_1603 = arith.constant 0 : i32
        %dma_wait3A_1604 = tpu.memref_slice %arg4[%mul3A_4, %dma_wait3A_1602, %dma_wait3A_1603] : memref<16384x26x32xf32, #tpu.memory_space<hbm>> -> memref<1x26x32xf32, #tpu.memory_space<hbm>>
        %dma_wait3A_1605 = tpu.memref_squeeze %dma_wait3A_1604 : memref<1x26x32xf32, #tpu.memory_space<hbm>> -> memref<26x32xf32, #tpu.memory_space<hbm>>
        %dma_wait3A_1606 = arith.constant 0 : i32
        %dma_wait3A_1607 = arith.constant 0 : i32
        %dma_wait3A_1608 = tpu.memref_slice %arg4[%mul3A_4, %dma_wait3A_1606, %dma_wait3A_1607] : memref<16384x26x32xf32, #tpu.memory_space<hbm>> -> memref<1x26x32xf32, #tpu.memory_space<hbm>>
        %dma_wait3A_1609 = tpu.memref_squeeze %dma_wait3A_1608 : memref<1x26x32xf32, #tpu.memory_space<hbm>> -> memref<26x32xf32, #tpu.memory_space<hbm>>
        %dma_wait3A_1610 = arith.constant 0 : i32
        %dma_wait3A_1611 = arith.constant 0 : i32
        %dma_wait3A_1612 = tpu.memref_slice %arg6[%dma_wait3A_1594, %dma_wait3A_1610, %dma_wait3A_1611] : memref<2x416x32xf32, #tpu.memory_space<vmem>> -> memref<1x416x32xf32, #tpu.memory_space<vmem>>
        %dma_wait3A_1613 = tpu.memref_squeeze %dma_wait3A_1612 : memref<1x416x32xf32, #tpu.memory_space<vmem>> -> memref<416x32xf32, #tpu.memory_space<vmem>>
        %dma_wait3A_1614 = arith.constant 260 : i32
        %dma_wait3A_1615 = arith.constant 0 : i32
        %dma_wait3A_1616 = tpu.memref_slice %dma_wait3A_1613[%dma_wait3A_1614, %dma_wait3A_1615] : memref<416x32xf32, #tpu.memory_space<vmem>> -> memref<26x32xf32, #tpu.memory_space<vmem>>
        tpu.wait_dma2 semaphore(%arg10 : memref<!tpu.dma_semaphore, #tpu.memory_space<semaphore_mem>>) src(%dma_wait3A_1616 : memref<26x32xf32, #tpu.memory_space<vmem>>) dst(%dma_wait3A_1609 : memref<26x32xf32, #tpu.memory_space<hbm>>)
        %dma_wait3A_1617 = arith.constant 1 : i32
        %dma_wait3A_1618 = arith.constant 0 : i32
        %dma_wait3A_1619 = arith.constant 0 : i32
        %dma_wait3A_1620 = tpu.memref_slice %arg6[%dma_wait3A_1617, %dma_wait3A_1618, %dma_wait3A_1619] : memref<2x416x32xf32, #tpu.memory_space<vmem>> -> memref<1x416x32xf32, #tpu.memory_space<vmem>>
        %dma_wait3A_1621 = tpu.memref_squeeze %dma_wait3A_1620 : memref<1x416x32xf32, #tpu.memory_space<vmem>> -> memref<416x32xf32, #tpu.memory_space<vmem>>
        %dma_wait3A_1622 = arith.constant 286 : i32
        %dma_wait3A_1623 = arith.constant 0 : i32
        %dma_wait3A_1624 = tpu.memref_slice %dma_wait3A_1621[%dma_wait3A_1622, %dma_wait3A_1623] : memref<416x32xf32, #tpu.memory_space<vmem>> -> memref<26x32xf32, #tpu.memory_space<vmem>>
        %dma_wait3A_1625 = arith.constant 0 : i32
        %dma_wait3A_1626 = arith.constant 0 : i32
        %dma_wait3A_1627 = tpu.memref_slice %arg4[%mul3A_4, %dma_wait3A_1625, %dma_wait3A_1626] : memref<16384x26x32xf32, #tpu.memory_space<hbm>> -> memref<1x26x32xf32, #tpu.memory_space<hbm>>
        %dma_wait3A_1628 = tpu.memref_squeeze %dma_wait3A_1627 : memref<1x26x32xf32, #tpu.memory_space<hbm>> -> memref<26x32xf32, #tpu.memory_space<hbm>>
        %dma_wait3A_1629 = arith.constant 0 : i32
        %dma_wait3A_1630 = arith.constant 0 : i32
        %dma_wait3A_1631 = tpu.memref_slice %arg4[%mul3A_4, %dma_wait3A_1629, %dma_wait3A_1630] : memref<16384x26x32xf32, #tpu.memory_space<hbm>> -> memref<1x26x32xf32, #tpu.memory_space<hbm>>
        %dma_wait3A_1632 = tpu.memref_squeeze %dma_wait3A_1631 : memref<1x26x32xf32, #tpu.memory_space<hbm>> -> memref<26x32xf32, #tpu.memory_space<hbm>>
        %dma_wait3A_1633 = arith.constant 0 : i32
        %dma_wait3A_1634 = arith.constant 0 : i32
        %dma_wait3A_1635 = tpu.memref_slice %arg6[%dma_wait3A_1617, %dma_wait3A_1633, %dma_wait3A_1634] : memref<2x416x32xf32, #tpu.memory_space<vmem>> -> memref<1x416x32xf32, #tpu.memory_space<vmem>>
        %dma_wait3A_1636 = tpu.memref_squeeze %dma_wait3A_1635 : memref<1x416x32xf32, #tpu.memory_space<vmem>> -> memref<416x32xf32, #tpu.memory_space<vmem>>
        %dma_wait3A_1637 = arith.constant 286 : i32
        %dma_wait3A_1638 = arith.constant 0 : i32
        %dma_wait3A_1639 = tpu.memref_slice %dma_wait3A_1636[%dma_wait3A_1637, %dma_wait3A_1638] : memref<416x32xf32, #tpu.memory_space<vmem>> -> memref<26x32xf32, #tpu.memory_space<vmem>>
        tpu.wait_dma2 semaphore(%arg10 : memref<!tpu.dma_semaphore, #tpu.memory_space<semaphore_mem>>) src(%dma_wait3A_1639 : memref<26x32xf32, #tpu.memory_space<vmem>>) dst(%dma_wait3A_1632 : memref<26x32xf32, #tpu.memory_space<hbm>>)
        %dma_wait3A_1640 = arith.constant 1 : i32
        %dma_wait3A_1641 = arith.constant 0 : i32
        %dma_wait3A_1642 = arith.constant 0 : i32
        %dma_wait3A_1643 = tpu.memref_slice %arg6[%dma_wait3A_1640, %dma_wait3A_1641, %dma_wait3A_1642] : memref<2x416x32xf32, #tpu.memory_space<vmem>> -> memref<1x416x32xf32, #tpu.memory_space<vmem>>
        %dma_wait3A_1644 = tpu.memref_squeeze %dma_wait3A_1643 : memref<1x416x32xf32, #tpu.memory_space<vmem>> -> memref<416x32xf32, #tpu.memory_space<vmem>>
        %dma_wait3A_1645 = arith.constant 312 : i32
        %dma_wait3A_1646 = arith.constant 0 : i32
        %dma_wait3A_1647 = tpu.memref_slice %dma_wait3A_1644[%dma_wait3A_1645, %dma_wait3A_1646] : memref<416x32xf32, #tpu.memory_space<vmem>> -> memref<26x32xf32, #tpu.memory_space<vmem>>
        %dma_wait3A_1648 = arith.constant 0 : i32
        %dma_wait3A_1649 = arith.constant 0 : i32
        %dma_wait3A_1650 = tpu.memref_slice %arg4[%mul3A_4, %dma_wait3A_1648, %dma_wait3A_1649] : memref<16384x26x32xf32, #tpu.memory_space<hbm>> -> memref<1x26x32xf32, #tpu.memory_space<hbm>>
        %dma_wait3A_1651 = tpu.memref_squeeze %dma_wait3A_1650 : memref<1x26x32xf32, #tpu.memory_space<hbm>> -> memref<26x32xf32, #tpu.memory_space<hbm>>
        %dma_wait3A_1652 = arith.constant 0 : i32
        %dma_wait3A_1653 = arith.constant 0 : i32
        %dma_wait3A_1654 = tpu.memref_slice %arg4[%mul3A_4, %dma_wait3A_1652, %dma_wait3A_1653] : memref<16384x26x32xf32, #tpu.memory_space<hbm>> -> memref<1x26x32xf32, #tpu.memory_space<hbm>>
        %dma_wait3A_1655 = tpu.memref_squeeze %dma_wait3A_1654 : memref<1x26x32xf32, #tpu.memory_space<hbm>> -> memref<26x32xf32, #tpu.memory_space<hbm>>
        %dma_wait3A_1656 = arith.constant 0 : i32
        %dma_wait3A_1657 = arith.constant 0 : i32
        %dma_wait3A_1658 = tpu.memref_slice %arg6[%dma_wait3A_1640, %dma_wait3A_1656, %dma_wait3A_1657] : memref<2x416x32xf32, #tpu.memory_space<vmem>> -> memref<1x416x32xf32, #tpu.memory_space<vmem>>
        %dma_wait3A_1659 = tpu.memref_squeeze %dma_wait3A_1658 : memref<1x416x32xf32, #tpu.memory_space<vmem>> -> memref<416x32xf32, #tpu.memory_space<vmem>>
        %dma_wait3A_1660 = arith.constant 312 : i32
        %dma_wait3A_1661 = arith.constant 0 : i32
        %dma_wait3A_1662 = tpu.memref_slice %dma_wait3A_1659[%dma_wait3A_1660, %dma_wait3A_1661] : memref<416x32xf32, #tpu.memory_space<vmem>> -> memref<26x32xf32, #tpu.memory_space<vmem>>
        tpu.wait_dma2 semaphore(%arg10 : memref<!tpu.dma_semaphore, #tpu.memory_space<semaphore_mem>>) src(%dma_wait3A_1662 : memref<26x32xf32, #tpu.memory_space<vmem>>) dst(%dma_wait3A_1655 : memref<26x32xf32, #tpu.memory_space<hbm>>)
        %dma_wait3A_1663 = arith.constant 1 : i32
        %dma_wait3A_1664 = arith.constant 0 : i32
        %dma_wait3A_1665 = arith.constant 0 : i32
        %dma_wait3A_1666 = tpu.memref_slice %arg6[%dma_wait3A_1663, %dma_wait3A_1664, %dma_wait3A_1665] : memref<2x416x32xf32, #tpu.memory_space<vmem>> -> memref<1x416x32xf32, #tpu.memory_space<vmem>>
        %dma_wait3A_1667 = tpu.memref_squeeze %dma_wait3A_1666 : memref<1x416x32xf32, #tpu.memory_space<vmem>> -> memref<416x32xf32, #tpu.memory_space<vmem>>
        %dma_wait3A_1668 = arith.constant 338 : i32
        %dma_wait3A_1669 = arith.constant 0 : i32
        %dma_wait3A_1670 = tpu.memref_slice %dma_wait3A_1667[%dma_wait3A_1668, %dma_wait3A_1669] : memref<416x32xf32, #tpu.memory_space<vmem>> -> memref<26x32xf32, #tpu.memory_space<vmem>>
        %dma_wait3A_1671 = arith.constant 0 : i32
        %dma_wait3A_1672 = arith.constant 0 : i32
        %dma_wait3A_1673 = tpu.memref_slice %arg4[%mul3A_4, %dma_wait3A_1671, %dma_wait3A_1672] : memref<16384x26x32xf32, #tpu.memory_space<hbm>> -> memref<1x26x32xf32, #tpu.memory_space<hbm>>
        %dma_wait3A_1674 = tpu.memref_squeeze %dma_wait3A_1673 : memref<1x26x32xf32, #tpu.memory_space<hbm>> -> memref<26x32xf32, #tpu.memory_space<hbm>>
        %dma_wait3A_1675 = arith.constant 0 : i32
        %dma_wait3A_1676 = arith.constant 0 : i32
        %dma_wait3A_1677 = tpu.memref_slice %arg4[%mul3A_4, %dma_wait3A_1675, %dma_wait3A_1676] : memref<16384x26x32xf32, #tpu.memory_space<hbm>> -> memref<1x26x32xf32, #tpu.memory_space<hbm>>
        %dma_wait3A_1678 = tpu.memref_squeeze %dma_wait3A_1677 : memref<1x26x32xf32, #tpu.memory_space<hbm>> -> memref<26x32xf32, #tpu.memory_space<hbm>>
        %dma_wait3A_1679 = arith.constant 0 : i32
        %dma_wait3A_1680 = arith.constant 0 : i32
        %dma_wait3A_1681 = tpu.memref_slice %arg6[%dma_wait3A_1663, %dma_wait3A_1679, %dma_wait3A_1680] : memref<2x416x32xf32, #tpu.memory_space<vmem>> -> memref<1x416x32xf32, #tpu.memory_space<vmem>>
        %dma_wait3A_1682 = tpu.memref_squeeze %dma_wait3A_1681 : memref<1x416x32xf32, #tpu.memory_space<vmem>> -> memref<416x32xf32, #tpu.memory_space<vmem>>
        %dma_wait3A_1683 = arith.constant 338 : i32
        %dma_wait3A_1684 = arith.constant 0 : i32
        %dma_wait3A_1685 = tpu.memref_slice %dma_wait3A_1682[%dma_wait3A_1683, %dma_wait3A_1684] : memref<416x32xf32, #tpu.memory_space<vmem>> -> memref<26x32xf32, #tpu.memory_space<vmem>>
        tpu.wait_dma2 semaphore(%arg10 : memref<!tpu.dma_semaphore, #tpu.memory_space<semaphore_mem>>) src(%dma_wait3A_1685 : memref<26x32xf32, #tpu.memory_space<vmem>>) dst(%dma_wait3A_1678 : memref<26x32xf32, #tpu.memory_space<hbm>>)
        %dma_wait3A_1686 = arith.constant 1 : i32
        %dma_wait3A_1687 = arith.constant 0 : i32
        %dma_wait3A_1688 = arith.constant 0 : i32
        %dma_wait3A_1689 = tpu.memref_slice %arg6[%dma_wait3A_1686, %dma_wait3A_1687, %dma_wait3A_1688] : memref<2x416x32xf32, #tpu.memory_space<vmem>> -> memref<1x416x32xf32, #tpu.memory_space<vmem>>
        %dma_wait3A_1690 = tpu.memref_squeeze %dma_wait3A_1689 : memref<1x416x32xf32, #tpu.memory_space<vmem>> -> memref<416x32xf32, #tpu.memory_space<vmem>>
        %dma_wait3A_1691 = arith.constant 364 : i32
        %dma_wait3A_1692 = arith.constant 0 : i32
        %dma_wait3A_1693 = tpu.memref_slice %dma_wait3A_1690[%dma_wait3A_1691, %dma_wait3A_1692] : memref<416x32xf32, #tpu.memory_space<vmem>> -> memref<26x32xf32, #tpu.memory_space<vmem>>
        %dma_wait3A_1694 = arith.constant 0 : i32
        %dma_wait3A_1695 = arith.constant 0 : i32
        %dma_wait3A_1696 = tpu.memref_slice %arg4[%mul3A_4, %dma_wait3A_1694, %dma_wait3A_1695] : memref<16384x26x32xf32, #tpu.memory_space<hbm>> -> memref<1x26x32xf32, #tpu.memory_space<hbm>>
        %dma_wait3A_1697 = tpu.memref_squeeze %dma_wait3A_1696 : memref<1x26x32xf32, #tpu.memory_space<hbm>> -> memref<26x32xf32, #tpu.memory_space<hbm>>
        %dma_wait3A_1698 = arith.constant 0 : i32
        %dma_wait3A_1699 = arith.constant 0 : i32
        %dma_wait3A_1700 = tpu.memref_slice %arg4[%mul3A_4, %dma_wait3A_1698, %dma_wait3A_1699] : memref<16384x26x32xf32, #tpu.memory_space<hbm>> -> memref<1x26x32xf32, #tpu.memory_space<hbm>>
        %dma_wait3A_1701 = tpu.memref_squeeze %dma_wait3A_1700 : memref<1x26x32xf32, #tpu.memory_space<hbm>> -> memref<26x32xf32, #tpu.memory_space<hbm>>
        %dma_wait3A_1702 = arith.constant 0 : i32
        %dma_wait3A_1703 = arith.constant 0 : i32
        %dma_wait3A_1704 = tpu.memref_slice %arg6[%dma_wait3A_1686, %dma_wait3A_1702, %dma_wait3A_1703] : memref<2x416x32xf32, #tpu.memory_space<vmem>> -> memref<1x416x32xf32, #tpu.memory_space<vmem>>
        %dma_wait3A_1705 = tpu.memref_squeeze %dma_wait3A_1704 : memref<1x416x32xf32, #tpu.memory_space<vmem>> -> memref<416x32xf32, #tpu.memory_space<vmem>>
        %dma_wait3A_1706 = arith.constant 364 : i32
        %dma_wait3A_1707 = arith.constant 0 : i32
        %dma_wait3A_1708 = tpu.memref_slice %dma_wait3A_1705[%dma_wait3A_1706, %dma_wait3A_1707] : memref<416x32xf32, #tpu.memory_space<vmem>> -> memref<26x32xf32, #tpu.memory_space<vmem>>
        tpu.wait_dma2 semaphore(%arg10 : memref<!tpu.dma_semaphore, #tpu.memory_space<semaphore_mem>>) src(%dma_wait3A_1708 : memref<26x32xf32, #tpu.memory_space<vmem>>) dst(%dma_wait3A_1701 : memref<26x32xf32, #tpu.memory_space<hbm>>)
        %dma_wait3A_1709 = arith.constant 1 : i32
        %dma_wait3A_1710 = arith.constant 0 : i32
        %dma_wait3A_1711 = arith.constant 0 : i32
        %dma_wait3A_1712 = tpu.memref_slice %arg6[%dma_wait3A_1709, %dma_wait3A_1710, %dma_wait3A_1711] : memref<2x416x32xf32, #tpu.memory_space<vmem>> -> memref<1x416x32xf32, #tpu.memory_space<vmem>>
        %dma_wait3A_1713 = tpu.memref_squeeze %dma_wait3A_1712 : memref<1x416x32xf32, #tpu.memory_space<vmem>> -> memref<416x32xf32, #tpu.memory_space<vmem>>
        %dma_wait3A_1714 = arith.constant 390 : i32
        %dma_wait3A_1715 = arith.constant 0 : i32
        %dma_wait3A_1716 = tpu.memref_slice %dma_wait3A_1713[%dma_wait3A_1714, %dma_wait3A_1715] : memref<416x32xf32, #tpu.memory_space<vmem>> -> memref<26x32xf32, #tpu.memory_space<vmem>>
        %dma_wait3A_1717 = arith.constant 0 : i32
        %dma_wait3A_1718 = arith.constant 0 : i32
        %dma_wait3A_1719 = tpu.memref_slice %arg4[%mul3A_4, %dma_wait3A_1717, %dma_wait3A_1718] : memref<16384x26x32xf32, #tpu.memory_space<hbm>> -> memref<1x26x32xf32, #tpu.memory_space<hbm>>
        %dma_wait3A_1720 = tpu.memref_squeeze %dma_wait3A_1719 : memref<1x26x32xf32, #tpu.memory_space<hbm>> -> memref<26x32xf32, #tpu.memory_space<hbm>>
        %dma_wait3A_1721 = arith.constant 0 : i32
        %dma_wait3A_1722 = arith.constant 0 : i32
        %dma_wait3A_1723 = tpu.memref_slice %arg4[%mul3A_4, %dma_wait3A_1721, %dma_wait3A_1722] : memref<16384x26x32xf32, #tpu.memory_space<hbm>> -> memref<1x26x32xf32, #tpu.memory_space<hbm>>
        %dma_wait3A_1724 = tpu.memref_squeeze %dma_wait3A_1723 : memref<1x26x32xf32, #tpu.memory_space<hbm>> -> memref<26x32xf32, #tpu.memory_space<hbm>>
        %dma_wait3A_1725 = arith.constant 0 : i32
        %dma_wait3A_1726 = arith.constant 0 : i32
        %dma_wait3A_1727 = tpu.memref_slice %arg6[%dma_wait3A_1709, %dma_wait3A_1725, %dma_wait3A_1726] : memref<2x416x32xf32, #tpu.memory_space<vmem>> -> memref<1x416x32xf32, #tpu.memory_space<vmem>>
        %dma_wait3A_1728 = tpu.memref_squeeze %dma_wait3A_1727 : memref<1x416x32xf32, #tpu.memory_space<vmem>> -> memref<416x32xf32, #tpu.memory_space<vmem>>
        %dma_wait3A_1729 = arith.constant 390 : i32
        %dma_wait3A_1730 = arith.constant 0 : i32
        %dma_wait3A_1731 = tpu.memref_slice %dma_wait3A_1728[%dma_wait3A_1729, %dma_wait3A_1730] : memref<416x32xf32, #tpu.memory_space<vmem>> -> memref<26x32xf32, #tpu.memory_space<vmem>>
        tpu.wait_dma2 semaphore(%arg10 : memref<!tpu.dma_semaphore, #tpu.memory_space<semaphore_mem>>) src(%dma_wait3A_1731 : memref<26x32xf32, #tpu.memory_space<vmem>>) dst(%dma_wait3A_1724 : memref<26x32xf32, #tpu.memory_space<hbm>>)
      } else {
      }
      %mul3A_429 = arith.constant 16 : i32
      %mul3A_430 = arith.muli %add3A_408, %mul3A_429 : i32
      %add3A_431 = arith.addi %mul3A_4, %mul3A_430 : i32
      %add3A_432 = arith.constant 0 : i32
      %add3A_433 = arith.addi %add3A_431, %add3A_432 : i32
      %dma_start3A = arith.constant 0 : i32
      %dma_start3A_434 = arith.constant 0 : i32
      %dma_start3A_435 = arith.constant 0 : i32
      %dma_start3A_436 = tpu.memref_slice %arg6[%dma_start3A, %dma_start3A_434, %dma_start3A_435] : memref<2x416x32xf32, #tpu.memory_space<vmem>> -> memref<1x416x32xf32, #tpu.memory_space<vmem>>
      %dma_start3A_437 = tpu.memref_squeeze %dma_start3A_436 : memref<1x416x32xf32, #tpu.memory_space<vmem>> -> memref<416x32xf32, #tpu.memory_space<vmem>>
      %dma_start3A_438 = arith.constant 0 : i32
      %dma_start3A_439 = arith.constant 0 : i32
      %dma_start3A_440 = tpu.memref_slice %dma_start3A_437[%dma_start3A_438, %dma_start3A_439] : memref<416x32xf32, #tpu.memory_space<vmem>> -> memref<26x32xf32, #tpu.memory_space<vmem>>
      %dma_start3A_441 = arith.constant 0 : i32
      %dma_start3A_442 = arith.constant 0 : i32
      %dma_start3A_443 = tpu.memref_slice %arg4[%add3A_433, %dma_start3A_441, %dma_start3A_442] : memref<16384x26x32xf32, #tpu.memory_space<hbm>> -> memref<1x26x32xf32, #tpu.memory_space<hbm>>
      %dma_start3A_444 = tpu.memref_squeeze %dma_start3A_443 : memref<1x26x32xf32, #tpu.memory_space<hbm>> -> memref<26x32xf32, #tpu.memory_space<hbm>>
      %dma_start3A_445 = arith.constant 0 : i32
      %dma_start3A_446 = arith.constant 0 : i32
      %dma_start3A_447 = tpu.memref_slice %arg4[%add3A_433, %dma_start3A_445, %dma_start3A_446] : memref<16384x26x32xf32, #tpu.memory_space<hbm>> -> memref<1x26x32xf32, #tpu.memory_space<hbm>>
      %dma_start3A_448 = tpu.memref_squeeze %dma_start3A_447 : memref<1x26x32xf32, #tpu.memory_space<hbm>> -> memref<26x32xf32, #tpu.memory_space<hbm>>
      %dma_start3A_449 = arith.constant 0 : i32
      %dma_start3A_450 = arith.constant 0 : i32
      %dma_start3A_451 = tpu.memref_slice %arg6[%dma_start3A, %dma_start3A_449, %dma_start3A_450] : memref<2x416x32xf32, #tpu.memory_space<vmem>> -> memref<1x416x32xf32, #tpu.memory_space<vmem>>
      %dma_start3A_452 = tpu.memref_squeeze %dma_start3A_451 : memref<1x416x32xf32, #tpu.memory_space<vmem>> -> memref<416x32xf32, #tpu.memory_space<vmem>>
      %dma_start3A_453 = arith.constant 0 : i32
      %dma_start3A_454 = arith.constant 0 : i32
      %dma_start3A_455 = tpu.memref_slice %dma_start3A_452[%dma_start3A_453, %dma_start3A_454] : memref<416x32xf32, #tpu.memory_space<vmem>> -> memref<26x32xf32, #tpu.memory_space<vmem>>
      tpu.enqueue_dma source(%dma_start3A_455 : memref<26x32xf32, #tpu.memory_space<vmem>>) target(%dma_start3A_448 : memref<26x32xf32, #tpu.memory_space<hbm>>) target_semaphore(%arg9 : memref<!tpu.dma_semaphore, #tpu.memory_space<semaphore_mem>>)
      %mul3A_456 = arith.constant 16 : i32
      %mul3A_457 = arith.muli %add3A_408, %mul3A_456 : i32
      %add3A_458 = arith.addi %mul3A_4, %mul3A_457 : i32
      %add3A_459 = arith.constant 1 : i32
      %add3A_460 = arith.addi %add3A_458, %add3A_459 : i32
      %dma_start3A_461 = arith.constant 0 : i32
      %dma_start3A_462 = arith.constant 0 : i32
      %dma_start3A_463 = arith.constant 0 : i32
      %dma_start3A_464 = tpu.memref_slice %arg6[%dma_start3A_461, %dma_start3A_462, %dma_start3A_463] : memref<2x416x32xf32, #tpu.memory_space<vmem>> -> memref<1x416x32xf32, #tpu.memory_space<vmem>>
      %dma_start3A_465 = tpu.memref_squeeze %dma_start3A_464 : memref<1x416x32xf32, #tpu.memory_space<vmem>> -> memref<416x32xf32, #tpu.memory_space<vmem>>
      %dma_start3A_466 = arith.constant 26 : i32
      %dma_start3A_467 = arith.constant 0 : i32
      %dma_start3A_468 = tpu.memref_slice %dma_start3A_465[%dma_start3A_466, %dma_start3A_467] : memref<416x32xf32, #tpu.memory_space<vmem>> -> memref<26x32xf32, #tpu.memory_space<vmem>>
      %dma_start3A_469 = arith.constant 0 : i32
      %dma_start3A_470 = arith.constant 0 : i32
      %dma_start3A_471 = tpu.memref_slice %arg4[%add3A_460, %dma_start3A_469, %dma_start3A_470] : memref<16384x26x32xf32, #tpu.memory_space<hbm>> -> memref<1x26x32xf32, #tpu.memory_space<hbm>>
      %dma_start3A_472 = tpu.memref_squeeze %dma_start3A_471 : memref<1x26x32xf32, #tpu.memory_space<hbm>> -> memref<26x32xf32, #tpu.memory_space<hbm>>
      %dma_start3A_473 = arith.constant 0 : i32
      %dma_start3A_474 = arith.constant 0 : i32
      %dma_start3A_475 = tpu.memref_slice %arg4[%add3A_460, %dma_start3A_473, %dma_start3A_474] : memref<16384x26x32xf32, #tpu.memory_space<hbm>> -> memref<1x26x32xf32, #tpu.memory_space<hbm>>
      %dma_start3A_476 = tpu.memref_squeeze %dma_start3A_475 : memref<1x26x32xf32, #tpu.memory_space<hbm>> -> memref<26x32xf32, #tpu.memory_space<hbm>>
      %dma_start3A_477 = arith.constant 0 : i32
      %dma_start3A_478 = arith.constant 0 : i32
      %dma_start3A_479 = tpu.memref_slice %arg6[%dma_start3A_461, %dma_start3A_477, %dma_start3A_478] : memref<2x416x32xf32, #tpu.memory_space<vmem>> -> memref<1x416x32xf32, #tpu.memory_space<vmem>>
      %dma_start3A_480 = tpu.memref_squeeze %dma_start3A_479 : memref<1x416x32xf32, #tpu.memory_space<vmem>> -> memref<416x32xf32, #tpu.memory_space<vmem>>
      %dma_start3A_481 = arith.constant 26 : i32
      %dma_start3A_482 = arith.constant 0 : i32
      %dma_start3A_483 = tpu.memref_slice %dma_start3A_480[%dma_start3A_481, %dma_start3A_482] : memref<416x32xf32, #tpu.memory_space<vmem>> -> memref<26x32xf32, #tpu.memory_space<vmem>>
      tpu.enqueue_dma source(%dma_start3A_483 : memref<26x32xf32, #tpu.memory_space<vmem>>) target(%dma_start3A_476 : memref<26x32xf32, #tpu.memory_space<hbm>>) target_semaphore(%arg9 : memref<!tpu.dma_semaphore, #tpu.memory_space<semaphore_mem>>)
      %mul3A_484 = arith.constant 16 : i32
      %mul3A_485 = arith.muli %add3A_408, %mul3A_484 : i32
      %add3A_486 = arith.addi %mul3A_4, %mul3A_485 : i32
      %add3A_487 = arith.constant 2 : i32
      %add3A_488 = arith.addi %add3A_486, %add3A_487 : i32
      %dma_start3A_489 = arith.constant 0 : i32
      %dma_start3A_490 = arith.constant 0 : i32
      %dma_start3A_491 = arith.constant 0 : i32
      %dma_start3A_492 = tpu.memref_slice %arg6[%dma_start3A_489, %dma_start3A_490, %dma_start3A_491] : memref<2x416x32xf32, #tpu.memory_space<vmem>> -> memref<1x416x32xf32, #tpu.memory_space<vmem>>
      %dma_start3A_493 = tpu.memref_squeeze %dma_start3A_492 : memref<1x416x32xf32, #tpu.memory_space<vmem>> -> memref<416x32xf32, #tpu.memory_space<vmem>>
      %dma_start3A_494 = arith.constant 52 : i32
      %dma_start3A_495 = arith.constant 0 : i32
      %dma_start3A_496 = tpu.memref_slice %dma_start3A_493[%dma_start3A_494, %dma_start3A_495] : memref<416x32xf32, #tpu.memory_space<vmem>> -> memref<26x32xf32, #tpu.memory_space<vmem>>
      %dma_start3A_497 = arith.constant 0 : i32
      %dma_start3A_498 = arith.constant 0 : i32
      %dma_start3A_499 = tpu.memref_slice %arg4[%add3A_488, %dma_start3A_497, %dma_start3A_498] : memref<16384x26x32xf32, #tpu.memory_space<hbm>> -> memref<1x26x32xf32, #tpu.memory_space<hbm>>
      %dma_start3A_500 = tpu.memref_squeeze %dma_start3A_499 : memref<1x26x32xf32, #tpu.memory_space<hbm>> -> memref<26x32xf32, #tpu.memory_space<hbm>>
      %dma_start3A_501 = arith.constant 0 : i32
      %dma_start3A_502 = arith.constant 0 : i32
      %dma_start3A_503 = tpu.memref_slice %arg4[%add3A_488, %dma_start3A_501, %dma_start3A_502] : memref<16384x26x32xf32, #tpu.memory_space<hbm>> -> memref<1x26x32xf32, #tpu.memory_space<hbm>>
      %dma_start3A_504 = tpu.memref_squeeze %dma_start3A_503 : memref<1x26x32xf32, #tpu.memory_space<hbm>> -> memref<26x32xf32, #tpu.memory_space<hbm>>
      %dma_start3A_505 = arith.constant 0 : i32
      %dma_start3A_506 = arith.constant 0 : i32
      %dma_start3A_507 = tpu.memref_slice %arg6[%dma_start3A_489, %dma_start3A_505, %dma_start3A_506] : memref<2x416x32xf32, #tpu.memory_space<vmem>> -> memref<1x416x32xf32, #tpu.memory_space<vmem>>
      %dma_start3A_508 = tpu.memref_squeeze %dma_start3A_507 : memref<1x416x32xf32, #tpu.memory_space<vmem>> -> memref<416x32xf32, #tpu.memory_space<vmem>>
      %dma_start3A_509 = arith.constant 52 : i32
      %dma_start3A_510 = arith.constant 0 : i32
      %dma_start3A_511 = tpu.memref_slice %dma_start3A_508[%dma_start3A_509, %dma_start3A_510] : memref<416x32xf32, #tpu.memory_space<vmem>> -> memref<26x32xf32, #tpu.memory_space<vmem>>
      tpu.enqueue_dma source(%dma_start3A_511 : memref<26x32xf32, #tpu.memory_space<vmem>>) target(%dma_start3A_504 : memref<26x32xf32, #tpu.memory_space<hbm>>) target_semaphore(%arg9 : memref<!tpu.dma_semaphore, #tpu.memory_space<semaphore_mem>>)
      %mul3A_512 = arith.constant 16 : i32
      %mul3A_513 = arith.muli %add3A_408, %mul3A_512 : i32
      %add3A_514 = arith.addi %mul3A_4, %mul3A_513 : i32
      %add3A_515 = arith.constant 3 : i32
      %add3A_516 = arith.addi %add3A_514, %add3A_515 : i32
      %dma_start3A_517 = arith.constant 0 : i32
      %dma_start3A_518 = arith.constant 0 : i32
      %dma_start3A_519 = arith.constant 0 : i32
      %dma_start3A_520 = tpu.memref_slice %arg6[%dma_start3A_517, %dma_start3A_518, %dma_start3A_519] : memref<2x416x32xf32, #tpu.memory_space<vmem>> -> memref<1x416x32xf32, #tpu.memory_space<vmem>>
      %dma_start3A_521 = tpu.memref_squeeze %dma_start3A_520 : memref<1x416x32xf32, #tpu.memory_space<vmem>> -> memref<416x32xf32, #tpu.memory_space<vmem>>
      %dma_start3A_522 = arith.constant 78 : i32
      %dma_start3A_523 = arith.constant 0 : i32
      %dma_start3A_524 = tpu.memref_slice %dma_start3A_521[%dma_start3A_522, %dma_start3A_523] : memref<416x32xf32, #tpu.memory_space<vmem>> -> memref<26x32xf32, #tpu.memory_space<vmem>>
      %dma_start3A_525 = arith.constant 0 : i32
      %dma_start3A_526 = arith.constant 0 : i32
      %dma_start3A_527 = tpu.memref_slice %arg4[%add3A_516, %dma_start3A_525, %dma_start3A_526] : memref<16384x26x32xf32, #tpu.memory_space<hbm>> -> memref<1x26x32xf32, #tpu.memory_space<hbm>>
      %dma_start3A_528 = tpu.memref_squeeze %dma_start3A_527 : memref<1x26x32xf32, #tpu.memory_space<hbm>> -> memref<26x32xf32, #tpu.memory_space<hbm>>
      %dma_start3A_529 = arith.constant 0 : i32
      %dma_start3A_530 = arith.constant 0 : i32
      %dma_start3A_531 = tpu.memref_slice %arg4[%add3A_516, %dma_start3A_529, %dma_start3A_530] : memref<16384x26x32xf32, #tpu.memory_space<hbm>> -> memref<1x26x32xf32, #tpu.memory_space<hbm>>
      %dma_start3A_532 = tpu.memref_squeeze %dma_start3A_531 : memref<1x26x32xf32, #tpu.memory_space<hbm>> -> memref<26x32xf32, #tpu.memory_space<hbm>>
      %dma_start3A_533 = arith.constant 0 : i32
      %dma_start3A_534 = arith.constant 0 : i32
      %dma_start3A_535 = tpu.memref_slice %arg6[%dma_start3A_517, %dma_start3A_533, %dma_start3A_534] : memref<2x416x32xf32, #tpu.memory_space<vmem>> -> memref<1x416x32xf32, #tpu.memory_space<vmem>>
      %dma_start3A_536 = tpu.memref_squeeze %dma_start3A_535 : memref<1x416x32xf32, #tpu.memory_space<vmem>> -> memref<416x32xf32, #tpu.memory_space<vmem>>
      %dma_start3A_537 = arith.constant 78 : i32
      %dma_start3A_538 = arith.constant 0 : i32
      %dma_start3A_539 = tpu.memref_slice %dma_start3A_536[%dma_start3A_537, %dma_start3A_538] : memref<416x32xf32, #tpu.memory_space<vmem>> -> memref<26x32xf32, #tpu.memory_space<vmem>>
      tpu.enqueue_dma source(%dma_start3A_539 : memref<26x32xf32, #tpu.memory_space<vmem>>) target(%dma_start3A_532 : memref<26x32xf32, #tpu.memory_space<hbm>>) target_semaphore(%arg9 : memref<!tpu.dma_semaphore, #tpu.memory_space<semaphore_mem>>)
      %mul3A_540 = arith.constant 16 : i32
      %mul3A_541 = arith.muli %add3A_408, %mul3A_540 : i32
      %add3A_542 = arith.addi %mul3A_4, %mul3A_541 : i32
      %add3A_543 = arith.constant 4 : i32
      %add3A_544 = arith.addi %add3A_542, %add3A_543 : i32
      %dma_start3A_545 = arith.constant 0 : i32
      %dma_start3A_546 = arith.constant 0 : i32
      %dma_start3A_547 = arith.constant 0 : i32
      %dma_start3A_548 = tpu.memref_slice %arg6[%dma_start3A_545, %dma_start3A_546, %dma_start3A_547] : memref<2x416x32xf32, #tpu.memory_space<vmem>> -> memref<1x416x32xf32, #tpu.memory_space<vmem>>
      %dma_start3A_549 = tpu.memref_squeeze %dma_start3A_548 : memref<1x416x32xf32, #tpu.memory_space<vmem>> -> memref<416x32xf32, #tpu.memory_space<vmem>>
      %dma_start3A_550 = arith.constant 104 : i32
      %dma_start3A_551 = arith.constant 0 : i32
      %dma_start3A_552 = tpu.memref_slice %dma_start3A_549[%dma_start3A_550, %dma_start3A_551] : memref<416x32xf32, #tpu.memory_space<vmem>> -> memref<26x32xf32, #tpu.memory_space<vmem>>
      %dma_start3A_553 = arith.constant 0 : i32
      %dma_start3A_554 = arith.constant 0 : i32
      %dma_start3A_555 = tpu.memref_slice %arg4[%add3A_544, %dma_start3A_553, %dma_start3A_554] : memref<16384x26x32xf32, #tpu.memory_space<hbm>> -> memref<1x26x32xf32, #tpu.memory_space<hbm>>
      %dma_start3A_556 = tpu.memref_squeeze %dma_start3A_555 : memref<1x26x32xf32, #tpu.memory_space<hbm>> -> memref<26x32xf32, #tpu.memory_space<hbm>>
      %dma_start3A_557 = arith.constant 0 : i32
      %dma_start3A_558 = arith.constant 0 : i32
      %dma_start3A_559 = tpu.memref_slice %arg4[%add3A_544, %dma_start3A_557, %dma_start3A_558] : memref<16384x26x32xf32, #tpu.memory_space<hbm>> -> memref<1x26x32xf32, #tpu.memory_space<hbm>>
      %dma_start3A_560 = tpu.memref_squeeze %dma_start3A_559 : memref<1x26x32xf32, #tpu.memory_space<hbm>> -> memref<26x32xf32, #tpu.memory_space<hbm>>
      %dma_start3A_561 = arith.constant 0 : i32
      %dma_start3A_562 = arith.constant 0 : i32
      %dma_start3A_563 = tpu.memref_slice %arg6[%dma_start3A_545, %dma_start3A_561, %dma_start3A_562] : memref<2x416x32xf32, #tpu.memory_space<vmem>> -> memref<1x416x32xf32, #tpu.memory_space<vmem>>
      %dma_start3A_564 = tpu.memref_squeeze %dma_start3A_563 : memref<1x416x32xf32, #tpu.memory_space<vmem>> -> memref<416x32xf32, #tpu.memory_space<vmem>>
      %dma_start3A_565 = arith.constant 104 : i32
      %dma_start3A_566 = arith.constant 0 : i32
      %dma_start3A_567 = tpu.memref_slice %dma_start3A_564[%dma_start3A_565, %dma_start3A_566] : memref<416x32xf32, #tpu.memory_space<vmem>> -> memref<26x32xf32, #tpu.memory_space<vmem>>
      tpu.enqueue_dma source(%dma_start3A_567 : memref<26x32xf32, #tpu.memory_space<vmem>>) target(%dma_start3A_560 : memref<26x32xf32, #tpu.memory_space<hbm>>) target_semaphore(%arg9 : memref<!tpu.dma_semaphore, #tpu.memory_space<semaphore_mem>>)
      %mul3A_568 = arith.constant 16 : i32
      %mul3A_569 = arith.muli %add3A_408, %mul3A_568 : i32
      %add3A_570 = arith.addi %mul3A_4, %mul3A_569 : i32
      %add3A_571 = arith.constant 5 : i32
      %add3A_572 = arith.addi %add3A_570, %add3A_571 : i32
      %dma_start3A_573 = arith.constant 0 : i32
      %dma_start3A_574 = arith.constant 0 : i32
      %dma_start3A_575 = arith.constant 0 : i32
      %dma_start3A_576 = tpu.memref_slice %arg6[%dma_start3A_573, %dma_start3A_574, %dma_start3A_575] : memref<2x416x32xf32, #tpu.memory_space<vmem>> -> memref<1x416x32xf32, #tpu.memory_space<vmem>>
      %dma_start3A_577 = tpu.memref_squeeze %dma_start3A_576 : memref<1x416x32xf32, #tpu.memory_space<vmem>> -> memref<416x32xf32, #tpu.memory_space<vmem>>
      %dma_start3A_578 = arith.constant 130 : i32
      %dma_start3A_579 = arith.constant 0 : i32
      %dma_start3A_580 = tpu.memref_slice %dma_start3A_577[%dma_start3A_578, %dma_start3A_579] : memref<416x32xf32, #tpu.memory_space<vmem>> -> memref<26x32xf32, #tpu.memory_space<vmem>>
      %dma_start3A_581 = arith.constant 0 : i32
      %dma_start3A_582 = arith.constant 0 : i32
      %dma_start3A_583 = tpu.memref_slice %arg4[%add3A_572, %dma_start3A_581, %dma_start3A_582] : memref<16384x26x32xf32, #tpu.memory_space<hbm>> -> memref<1x26x32xf32, #tpu.memory_space<hbm>>
      %dma_start3A_584 = tpu.memref_squeeze %dma_start3A_583 : memref<1x26x32xf32, #tpu.memory_space<hbm>> -> memref<26x32xf32, #tpu.memory_space<hbm>>
      %dma_start3A_585 = arith.constant 0 : i32
      %dma_start3A_586 = arith.constant 0 : i32
      %dma_start3A_587 = tpu.memref_slice %arg4[%add3A_572, %dma_start3A_585, %dma_start3A_586] : memref<16384x26x32xf32, #tpu.memory_space<hbm>> -> memref<1x26x32xf32, #tpu.memory_space<hbm>>
      %dma_start3A_588 = tpu.memref_squeeze %dma_start3A_587 : memref<1x26x32xf32, #tpu.memory_space<hbm>> -> memref<26x32xf32, #tpu.memory_space<hbm>>
      %dma_start3A_589 = arith.constant 0 : i32
      %dma_start3A_590 = arith.constant 0 : i32
      %dma_start3A_591 = tpu.memref_slice %arg6[%dma_start3A_573, %dma_start3A_589, %dma_start3A_590] : memref<2x416x32xf32, #tpu.memory_space<vmem>> -> memref<1x416x32xf32, #tpu.memory_space<vmem>>
      %dma_start3A_592 = tpu.memref_squeeze %dma_start3A_591 : memref<1x416x32xf32, #tpu.memory_space<vmem>> -> memref<416x32xf32, #tpu.memory_space<vmem>>
      %dma_start3A_593 = arith.constant 130 : i32
      %dma_start3A_594 = arith.constant 0 : i32
      %dma_start3A_595 = tpu.memref_slice %dma_start3A_592[%dma_start3A_593, %dma_start3A_594] : memref<416x32xf32, #tpu.memory_space<vmem>> -> memref<26x32xf32, #tpu.memory_space<vmem>>
      tpu.enqueue_dma source(%dma_start3A_595 : memref<26x32xf32, #tpu.memory_space<vmem>>) target(%dma_start3A_588 : memref<26x32xf32, #tpu.memory_space<hbm>>) target_semaphore(%arg9 : memref<!tpu.dma_semaphore, #tpu.memory_space<semaphore_mem>>)
      %mul3A_596 = arith.constant 16 : i32
      %mul3A_597 = arith.muli %add3A_408, %mul3A_596 : i32
      %add3A_598 = arith.addi %mul3A_4, %mul3A_597 : i32
      %add3A_599 = arith.constant 6 : i32
      %add3A_600 = arith.addi %add3A_598, %add3A_599 : i32
      %dma_start3A_601 = arith.constant 0 : i32
      %dma_start3A_602 = arith.constant 0 : i32
      %dma_start3A_603 = arith.constant 0 : i32
      %dma_start3A_604 = tpu.memref_slice %arg6[%dma_start3A_601, %dma_start3A_602, %dma_start3A_603] : memref<2x416x32xf32, #tpu.memory_space<vmem>> -> memref<1x416x32xf32, #tpu.memory_space<vmem>>
      %dma_start3A_605 = tpu.memref_squeeze %dma_start3A_604 : memref<1x416x32xf32, #tpu.memory_space<vmem>> -> memref<416x32xf32, #tpu.memory_space<vmem>>
      %dma_start3A_606 = arith.constant 156 : i32
      %dma_start3A_607 = arith.constant 0 : i32
      %dma_start3A_608 = tpu.memref_slice %dma_start3A_605[%dma_start3A_606, %dma_start3A_607] : memref<416x32xf32, #tpu.memory_space<vmem>> -> memref<26x32xf32, #tpu.memory_space<vmem>>
      %dma_start3A_609 = arith.constant 0 : i32
      %dma_start3A_610 = arith.constant 0 : i32
      %dma_start3A_611 = tpu.memref_slice %arg4[%add3A_600, %dma_start3A_609, %dma_start3A_610] : memref<16384x26x32xf32, #tpu.memory_space<hbm>> -> memref<1x26x32xf32, #tpu.memory_space<hbm>>
      %dma_start3A_612 = tpu.memref_squeeze %dma_start3A_611 : memref<1x26x32xf32, #tpu.memory_space<hbm>> -> memref<26x32xf32, #tpu.memory_space<hbm>>
      %dma_start3A_613 = arith.constant 0 : i32
      %dma_start3A_614 = arith.constant 0 : i32
      %dma_start3A_615 = tpu.memref_slice %arg4[%add3A_600, %dma_start3A_613, %dma_start3A_614] : memref<16384x26x32xf32, #tpu.memory_space<hbm>> -> memref<1x26x32xf32, #tpu.memory_space<hbm>>
      %dma_start3A_616 = tpu.memref_squeeze %dma_start3A_615 : memref<1x26x32xf32, #tpu.memory_space<hbm>> -> memref<26x32xf32, #tpu.memory_space<hbm>>
      %dma_start3A_617 = arith.constant 0 : i32
      %dma_start3A_618 = arith.constant 0 : i32
      %dma_start3A_619 = tpu.memref_slice %arg6[%dma_start3A_601, %dma_start3A_617, %dma_start3A_618] : memref<2x416x32xf32, #tpu.memory_space<vmem>> -> memref<1x416x32xf32, #tpu.memory_space<vmem>>
      %dma_start3A_620 = tpu.memref_squeeze %dma_start3A_619 : memref<1x416x32xf32, #tpu.memory_space<vmem>> -> memref<416x32xf32, #tpu.memory_space<vmem>>
      %dma_start3A_621 = arith.constant 156 : i32
      %dma_start3A_622 = arith.constant 0 : i32
      %dma_start3A_623 = tpu.memref_slice %dma_start3A_620[%dma_start3A_621, %dma_start3A_622] : memref<416x32xf32, #tpu.memory_space<vmem>> -> memref<26x32xf32, #tpu.memory_space<vmem>>
      tpu.enqueue_dma source(%dma_start3A_623 : memref<26x32xf32, #tpu.memory_space<vmem>>) target(%dma_start3A_616 : memref<26x32xf32, #tpu.memory_space<hbm>>) target_semaphore(%arg9 : memref<!tpu.dma_semaphore, #tpu.memory_space<semaphore_mem>>)
      %mul3A_624 = arith.constant 16 : i32
      %mul3A_625 = arith.muli %add3A_408, %mul3A_624 : i32
      %add3A_626 = arith.addi %mul3A_4, %mul3A_625 : i32
      %add3A_627 = arith.constant 7 : i32
      %add3A_628 = arith.addi %add3A_626, %add3A_627 : i32
      %dma_start3A_629 = arith.constant 0 : i32
      %dma_start3A_630 = arith.constant 0 : i32
      %dma_start3A_631 = arith.constant 0 : i32
      %dma_start3A_632 = tpu.memref_slice %arg6[%dma_start3A_629, %dma_start3A_630, %dma_start3A_631] : memref<2x416x32xf32, #tpu.memory_space<vmem>> -> memref<1x416x32xf32, #tpu.memory_space<vmem>>
      %dma_start3A_633 = tpu.memref_squeeze %dma_start3A_632 : memref<1x416x32xf32, #tpu.memory_space<vmem>> -> memref<416x32xf32, #tpu.memory_space<vmem>>
      %dma_start3A_634 = arith.constant 182 : i32
      %dma_start3A_635 = arith.constant 0 : i32
      %dma_start3A_636 = tpu.memref_slice %dma_start3A_633[%dma_start3A_634, %dma_start3A_635] : memref<416x32xf32, #tpu.memory_space<vmem>> -> memref<26x32xf32, #tpu.memory_space<vmem>>
      %dma_start3A_637 = arith.constant 0 : i32
      %dma_start3A_638 = arith.constant 0 : i32
      %dma_start3A_639 = tpu.memref_slice %arg4[%add3A_628, %dma_start3A_637, %dma_start3A_638] : memref<16384x26x32xf32, #tpu.memory_space<hbm>> -> memref<1x26x32xf32, #tpu.memory_space<hbm>>
      %dma_start3A_640 = tpu.memref_squeeze %dma_start3A_639 : memref<1x26x32xf32, #tpu.memory_space<hbm>> -> memref<26x32xf32, #tpu.memory_space<hbm>>
      %dma_start3A_641 = arith.constant 0 : i32
      %dma_start3A_642 = arith.constant 0 : i32
      %dma_start3A_643 = tpu.memref_slice %arg4[%add3A_628, %dma_start3A_641, %dma_start3A_642] : memref<16384x26x32xf32, #tpu.memory_space<hbm>> -> memref<1x26x32xf32, #tpu.memory_space<hbm>>
      %dma_start3A_644 = tpu.memref_squeeze %dma_start3A_643 : memref<1x26x32xf32, #tpu.memory_space<hbm>> -> memref<26x32xf32, #tpu.memory_space<hbm>>
      %dma_start3A_645 = arith.constant 0 : i32
      %dma_start3A_646 = arith.constant 0 : i32
      %dma_start3A_647 = tpu.memref_slice %arg6[%dma_start3A_629, %dma_start3A_645, %dma_start3A_646] : memref<2x416x32xf32, #tpu.memory_space<vmem>> -> memref<1x416x32xf32, #tpu.memory_space<vmem>>
      %dma_start3A_648 = tpu.memref_squeeze %dma_start3A_647 : memref<1x416x32xf32, #tpu.memory_space<vmem>> -> memref<416x32xf32, #tpu.memory_space<vmem>>
      %dma_start3A_649 = arith.constant 182 : i32
      %dma_start3A_650 = arith.constant 0 : i32
      %dma_start3A_651 = tpu.memref_slice %dma_start3A_648[%dma_start3A_649, %dma_start3A_650] : memref<416x32xf32, #tpu.memory_space<vmem>> -> memref<26x32xf32, #tpu.memory_space<vmem>>
      tpu.enqueue_dma source(%dma_start3A_651 : memref<26x32xf32, #tpu.memory_space<vmem>>) target(%dma_start3A_644 : memref<26x32xf32, #tpu.memory_space<hbm>>) target_semaphore(%arg9 : memref<!tpu.dma_semaphore, #tpu.memory_space<semaphore_mem>>)
      %mul3A_652 = arith.constant 16 : i32
      %mul3A_653 = arith.muli %add3A_408, %mul3A_652 : i32
      %add3A_654 = arith.addi %mul3A_4, %mul3A_653 : i32
      %add3A_655 = arith.constant 8 : i32
      %add3A_656 = arith.addi %add3A_654, %add3A_655 : i32
      %dma_start3A_657 = arith.constant 0 : i32
      %dma_start3A_658 = arith.constant 0 : i32
      %dma_start3A_659 = arith.constant 0 : i32
      %dma_start3A_660 = tpu.memref_slice %arg6[%dma_start3A_657, %dma_start3A_658, %dma_start3A_659] : memref<2x416x32xf32, #tpu.memory_space<vmem>> -> memref<1x416x32xf32, #tpu.memory_space<vmem>>
      %dma_start3A_661 = tpu.memref_squeeze %dma_start3A_660 : memref<1x416x32xf32, #tpu.memory_space<vmem>> -> memref<416x32xf32, #tpu.memory_space<vmem>>
      %dma_start3A_662 = arith.constant 208 : i32
      %dma_start3A_663 = arith.constant 0 : i32
      %dma_start3A_664 = tpu.memref_slice %dma_start3A_661[%dma_start3A_662, %dma_start3A_663] : memref<416x32xf32, #tpu.memory_space<vmem>> -> memref<26x32xf32, #tpu.memory_space<vmem>>
      %dma_start3A_665 = arith.constant 0 : i32
      %dma_start3A_666 = arith.constant 0 : i32
      %dma_start3A_667 = tpu.memref_slice %arg4[%add3A_656, %dma_start3A_665, %dma_start3A_666] : memref<16384x26x32xf32, #tpu.memory_space<hbm>> -> memref<1x26x32xf32, #tpu.memory_space<hbm>>
      %dma_start3A_668 = tpu.memref_squeeze %dma_start3A_667 : memref<1x26x32xf32, #tpu.memory_space<hbm>> -> memref<26x32xf32, #tpu.memory_space<hbm>>
      %dma_start3A_669 = arith.constant 0 : i32
      %dma_start3A_670 = arith.constant 0 : i32
      %dma_start3A_671 = tpu.memref_slice %arg4[%add3A_656, %dma_start3A_669, %dma_start3A_670] : memref<16384x26x32xf32, #tpu.memory_space<hbm>> -> memref<1x26x32xf32, #tpu.memory_space<hbm>>
      %dma_start3A_672 = tpu.memref_squeeze %dma_start3A_671 : memref<1x26x32xf32, #tpu.memory_space<hbm>> -> memref<26x32xf32, #tpu.memory_space<hbm>>
      %dma_start3A_673 = arith.constant 0 : i32
      %dma_start3A_674 = arith.constant 0 : i32
      %dma_start3A_675 = tpu.memref_slice %arg6[%dma_start3A_657, %dma_start3A_673, %dma_start3A_674] : memref<2x416x32xf32, #tpu.memory_space<vmem>> -> memref<1x416x32xf32, #tpu.memory_space<vmem>>
      %dma_start3A_676 = tpu.memref_squeeze %dma_start3A_675 : memref<1x416x32xf32, #tpu.memory_space<vmem>> -> memref<416x32xf32, #tpu.memory_space<vmem>>
      %dma_start3A_677 = arith.constant 208 : i32
      %dma_start3A_678 = arith.constant 0 : i32
      %dma_start3A_679 = tpu.memref_slice %dma_start3A_676[%dma_start3A_677, %dma_start3A_678] : memref<416x32xf32, #tpu.memory_space<vmem>> -> memref<26x32xf32, #tpu.memory_space<vmem>>
      tpu.enqueue_dma source(%dma_start3A_679 : memref<26x32xf32, #tpu.memory_space<vmem>>) target(%dma_start3A_672 : memref<26x32xf32, #tpu.memory_space<hbm>>) target_semaphore(%arg9 : memref<!tpu.dma_semaphore, #tpu.memory_space<semaphore_mem>>)
      %mul3A_680 = arith.constant 16 : i32
      %mul3A_681 = arith.muli %add3A_408, %mul3A_680 : i32
      %add3A_682 = arith.addi %mul3A_4, %mul3A_681 : i32
      %add3A_683 = arith.constant 9 : i32
      %add3A_684 = arith.addi %add3A_682, %add3A_683 : i32
      %dma_start3A_685 = arith.constant 0 : i32
      %dma_start3A_686 = arith.constant 0 : i32
      %dma_start3A_687 = arith.constant 0 : i32
      %dma_start3A_688 = tpu.memref_slice %arg6[%dma_start3A_685, %dma_start3A_686, %dma_start3A_687] : memref<2x416x32xf32, #tpu.memory_space<vmem>> -> memref<1x416x32xf32, #tpu.memory_space<vmem>>
      %dma_start3A_689 = tpu.memref_squeeze %dma_start3A_688 : memref<1x416x32xf32, #tpu.memory_space<vmem>> -> memref<416x32xf32, #tpu.memory_space<vmem>>
      %dma_start3A_690 = arith.constant 234 : i32
      %dma_start3A_691 = arith.constant 0 : i32
      %dma_start3A_692 = tpu.memref_slice %dma_start3A_689[%dma_start3A_690, %dma_start3A_691] : memref<416x32xf32, #tpu.memory_space<vmem>> -> memref<26x32xf32, #tpu.memory_space<vmem>>
      %dma_start3A_693 = arith.constant 0 : i32
      %dma_start3A_694 = arith.constant 0 : i32
      %dma_start3A_695 = tpu.memref_slice %arg4[%add3A_684, %dma_start3A_693, %dma_start3A_694] : memref<16384x26x32xf32, #tpu.memory_space<hbm>> -> memref<1x26x32xf32, #tpu.memory_space<hbm>>
      %dma_start3A_696 = tpu.memref_squeeze %dma_start3A_695 : memref<1x26x32xf32, #tpu.memory_space<hbm>> -> memref<26x32xf32, #tpu.memory_space<hbm>>
      %dma_start3A_697 = arith.constant 0 : i32
      %dma_start3A_698 = arith.constant 0 : i32
      %dma_start3A_699 = tpu.memref_slice %arg4[%add3A_684, %dma_start3A_697, %dma_start3A_698] : memref<16384x26x32xf32, #tpu.memory_space<hbm>> -> memref<1x26x32xf32, #tpu.memory_space<hbm>>
      %dma_start3A_700 = tpu.memref_squeeze %dma_start3A_699 : memref<1x26x32xf32, #tpu.memory_space<hbm>> -> memref<26x32xf32, #tpu.memory_space<hbm>>
      %dma_start3A_701 = arith.constant 0 : i32
      %dma_start3A_702 = arith.constant 0 : i32
      %dma_start3A_703 = tpu.memref_slice %arg6[%dma_start3A_685, %dma_start3A_701, %dma_start3A_702] : memref<2x416x32xf32, #tpu.memory_space<vmem>> -> memref<1x416x32xf32, #tpu.memory_space<vmem>>
      %dma_start3A_704 = tpu.memref_squeeze %dma_start3A_703 : memref<1x416x32xf32, #tpu.memory_space<vmem>> -> memref<416x32xf32, #tpu.memory_space<vmem>>
      %dma_start3A_705 = arith.constant 234 : i32
      %dma_start3A_706 = arith.constant 0 : i32
      %dma_start3A_707 = tpu.memref_slice %dma_start3A_704[%dma_start3A_705, %dma_start3A_706] : memref<416x32xf32, #tpu.memory_space<vmem>> -> memref<26x32xf32, #tpu.memory_space<vmem>>
      tpu.enqueue_dma source(%dma_start3A_707 : memref<26x32xf32, #tpu.memory_space<vmem>>) target(%dma_start3A_700 : memref<26x32xf32, #tpu.memory_space<hbm>>) target_semaphore(%arg9 : memref<!tpu.dma_semaphore, #tpu.memory_space<semaphore_mem>>)
      %mul3A_708 = arith.constant 16 : i32
      %mul3A_709 = arith.muli %add3A_408, %mul3A_708 : i32
      %add3A_710 = arith.addi %mul3A_4, %mul3A_709 : i32
      %add3A_711 = arith.constant 10 : i32
      %add3A_712 = arith.addi %add3A_710, %add3A_711 : i32
      %dma_start3A_713 = arith.constant 0 : i32
      %dma_start3A_714 = arith.constant 0 : i32
      %dma_start3A_715 = arith.constant 0 : i32
      %dma_start3A_716 = tpu.memref_slice %arg6[%dma_start3A_713, %dma_start3A_714, %dma_start3A_715] : memref<2x416x32xf32, #tpu.memory_space<vmem>> -> memref<1x416x32xf32, #tpu.memory_space<vmem>>
      %dma_start3A_717 = tpu.memref_squeeze %dma_start3A_716 : memref<1x416x32xf32, #tpu.memory_space<vmem>> -> memref<416x32xf32, #tpu.memory_space<vmem>>
      %dma_start3A_718 = arith.constant 260 : i32
      %dma_start3A_719 = arith.constant 0 : i32
      %dma_start3A_720 = tpu.memref_slice %dma_start3A_717[%dma_start3A_718, %dma_start3A_719] : memref<416x32xf32, #tpu.memory_space<vmem>> -> memref<26x32xf32, #tpu.memory_space<vmem>>
      %dma_start3A_721 = arith.constant 0 : i32
      %dma_start3A_722 = arith.constant 0 : i32
      %dma_start3A_723 = tpu.memref_slice %arg4[%add3A_712, %dma_start3A_721, %dma_start3A_722] : memref<16384x26x32xf32, #tpu.memory_space<hbm>> -> memref<1x26x32xf32, #tpu.memory_space<hbm>>
      %dma_start3A_724 = tpu.memref_squeeze %dma_start3A_723 : memref<1x26x32xf32, #tpu.memory_space<hbm>> -> memref<26x32xf32, #tpu.memory_space<hbm>>
      %dma_start3A_725 = arith.constant 0 : i32
      %dma_start3A_726 = arith.constant 0 : i32
      %dma_start3A_727 = tpu.memref_slice %arg4[%add3A_712, %dma_start3A_725, %dma_start3A_726] : memref<16384x26x32xf32, #tpu.memory_space<hbm>> -> memref<1x26x32xf32, #tpu.memory_space<hbm>>
      %dma_start3A_728 = tpu.memref_squeeze %dma_start3A_727 : memref<1x26x32xf32, #tpu.memory_space<hbm>> -> memref<26x32xf32, #tpu.memory_space<hbm>>
      %dma_start3A_729 = arith.constant 0 : i32
      %dma_start3A_730 = arith.constant 0 : i32
      %dma_start3A_731 = tpu.memref_slice %arg6[%dma_start3A_713, %dma_start3A_729, %dma_start3A_730] : memref<2x416x32xf32, #tpu.memory_space<vmem>> -> memref<1x416x32xf32, #tpu.memory_space<vmem>>
      %dma_start3A_732 = tpu.memref_squeeze %dma_start3A_731 : memref<1x416x32xf32, #tpu.memory_space<vmem>> -> memref<416x32xf32, #tpu.memory_space<vmem>>
      %dma_start3A_733 = arith.constant 260 : i32
      %dma_start3A_734 = arith.constant 0 : i32
      %dma_start3A_735 = tpu.memref_slice %dma_start3A_732[%dma_start3A_733, %dma_start3A_734] : memref<416x32xf32, #tpu.memory_space<vmem>> -> memref<26x32xf32, #tpu.memory_space<vmem>>
      tpu.enqueue_dma source(%dma_start3A_735 : memref<26x32xf32, #tpu.memory_space<vmem>>) target(%dma_start3A_728 : memref<26x32xf32, #tpu.memory_space<hbm>>) target_semaphore(%arg9 : memref<!tpu.dma_semaphore, #tpu.memory_space<semaphore_mem>>)
      %mul3A_736 = arith.constant 16 : i32
      %mul3A_737 = arith.muli %add3A_408, %mul3A_736 : i32
      %add3A_738 = arith.addi %mul3A_4, %mul3A_737 : i32
      %add3A_739 = arith.constant 11 : i32
      %add3A_740 = arith.addi %add3A_738, %add3A_739 : i32
      %dma_start3A_741 = arith.constant 0 : i32
      %dma_start3A_742 = arith.constant 0 : i32
      %dma_start3A_743 = arith.constant 0 : i32
      %dma_start3A_744 = tpu.memref_slice %arg6[%dma_start3A_741, %dma_start3A_742, %dma_start3A_743] : memref<2x416x32xf32, #tpu.memory_space<vmem>> -> memref<1x416x32xf32, #tpu.memory_space<vmem>>
      %dma_start3A_745 = tpu.memref_squeeze %dma_start3A_744 : memref<1x416x32xf32, #tpu.memory_space<vmem>> -> memref<416x32xf32, #tpu.memory_space<vmem>>
      %dma_start3A_746 = arith.constant 286 : i32
      %dma_start3A_747 = arith.constant 0 : i32
      %dma_start3A_748 = tpu.memref_slice %dma_start3A_745[%dma_start3A_746, %dma_start3A_747] : memref<416x32xf32, #tpu.memory_space<vmem>> -> memref<26x32xf32, #tpu.memory_space<vmem>>
      %dma_start3A_749 = arith.constant 0 : i32
      %dma_start3A_750 = arith.constant 0 : i32
      %dma_start3A_751 = tpu.memref_slice %arg4[%add3A_740, %dma_start3A_749, %dma_start3A_750] : memref<16384x26x32xf32, #tpu.memory_space<hbm>> -> memref<1x26x32xf32, #tpu.memory_space<hbm>>
      %dma_start3A_752 = tpu.memref_squeeze %dma_start3A_751 : memref<1x26x32xf32, #tpu.memory_space<hbm>> -> memref<26x32xf32, #tpu.memory_space<hbm>>
      %dma_start3A_753 = arith.constant 0 : i32
      %dma_start3A_754 = arith.constant 0 : i32
      %dma_start3A_755 = tpu.memref_slice %arg4[%add3A_740, %dma_start3A_753, %dma_start3A_754] : memref<16384x26x32xf32, #tpu.memory_space<hbm>> -> memref<1x26x32xf32, #tpu.memory_space<hbm>>
      %dma_start3A_756 = tpu.memref_squeeze %dma_start3A_755 : memref<1x26x32xf32, #tpu.memory_space<hbm>> -> memref<26x32xf32, #tpu.memory_space<hbm>>
      %dma_start3A_757 = arith.constant 0 : i32
      %dma_start3A_758 = arith.constant 0 : i32
      %dma_start3A_759 = tpu.memref_slice %arg6[%dma_start3A_741, %dma_start3A_757, %dma_start3A_758] : memref<2x416x32xf32, #tpu.memory_space<vmem>> -> memref<1x416x32xf32, #tpu.memory_space<vmem>>
      %dma_start3A_760 = tpu.memref_squeeze %dma_start3A_759 : memref<1x416x32xf32, #tpu.memory_space<vmem>> -> memref<416x32xf32, #tpu.memory_space<vmem>>
      %dma_start3A_761 = arith.constant 286 : i32
      %dma_start3A_762 = arith.constant 0 : i32
      %dma_start3A_763 = tpu.memref_slice %dma_start3A_760[%dma_start3A_761, %dma_start3A_762] : memref<416x32xf32, #tpu.memory_space<vmem>> -> memref<26x32xf32, #tpu.memory_space<vmem>>
      tpu.enqueue_dma source(%dma_start3A_763 : memref<26x32xf32, #tpu.memory_space<vmem>>) target(%dma_start3A_756 : memref<26x32xf32, #tpu.memory_space<hbm>>) target_semaphore(%arg9 : memref<!tpu.dma_semaphore, #tpu.memory_space<semaphore_mem>>)
      %mul3A_764 = arith.constant 16 : i32
      %mul3A_765 = arith.muli %add3A_408, %mul3A_764 : i32
      %add3A_766 = arith.addi %mul3A_4, %mul3A_765 : i32
      %add3A_767 = arith.constant 12 : i32
      %add3A_768 = arith.addi %add3A_766, %add3A_767 : i32
      %dma_start3A_769 = arith.constant 0 : i32
      %dma_start3A_770 = arith.constant 0 : i32
      %dma_start3A_771 = arith.constant 0 : i32
      %dma_start3A_772 = tpu.memref_slice %arg6[%dma_start3A_769, %dma_start3A_770, %dma_start3A_771] : memref<2x416x32xf32, #tpu.memory_space<vmem>> -> memref<1x416x32xf32, #tpu.memory_space<vmem>>
      %dma_start3A_773 = tpu.memref_squeeze %dma_start3A_772 : memref<1x416x32xf32, #tpu.memory_space<vmem>> -> memref<416x32xf32, #tpu.memory_space<vmem>>
      %dma_start3A_774 = arith.constant 312 : i32
      %dma_start3A_775 = arith.constant 0 : i32
      %dma_start3A_776 = tpu.memref_slice %dma_start3A_773[%dma_start3A_774, %dma_start3A_775] : memref<416x32xf32, #tpu.memory_space<vmem>> -> memref<26x32xf32, #tpu.memory_space<vmem>>
      %dma_start3A_777 = arith.constant 0 : i32
      %dma_start3A_778 = arith.constant 0 : i32
      %dma_start3A_779 = tpu.memref_slice %arg4[%add3A_768, %dma_start3A_777, %dma_start3A_778] : memref<16384x26x32xf32, #tpu.memory_space<hbm>> -> memref<1x26x32xf32, #tpu.memory_space<hbm>>
      %dma_start3A_780 = tpu.memref_squeeze %dma_start3A_779 : memref<1x26x32xf32, #tpu.memory_space<hbm>> -> memref<26x32xf32, #tpu.memory_space<hbm>>
      %dma_start3A_781 = arith.constant 0 : i32
      %dma_start3A_782 = arith.constant 0 : i32
      %dma_start3A_783 = tpu.memref_slice %arg4[%add3A_768, %dma_start3A_781, %dma_start3A_782] : memref<16384x26x32xf32, #tpu.memory_space<hbm>> -> memref<1x26x32xf32, #tpu.memory_space<hbm>>
      %dma_start3A_784 = tpu.memref_squeeze %dma_start3A_783 : memref<1x26x32xf32, #tpu.memory_space<hbm>> -> memref<26x32xf32, #tpu.memory_space<hbm>>
      %dma_start3A_785 = arith.constant 0 : i32
      %dma_start3A_786 = arith.constant 0 : i32
      %dma_start3A_787 = tpu.memref_slice %arg6[%dma_start3A_769, %dma_start3A_785, %dma_start3A_786] : memref<2x416x32xf32, #tpu.memory_space<vmem>> -> memref<1x416x32xf32, #tpu.memory_space<vmem>>
      %dma_start3A_788 = tpu.memref_squeeze %dma_start3A_787 : memref<1x416x32xf32, #tpu.memory_space<vmem>> -> memref<416x32xf32, #tpu.memory_space<vmem>>
      %dma_start3A_789 = arith.constant 312 : i32
      %dma_start3A_790 = arith.constant 0 : i32
      %dma_start3A_791 = tpu.memref_slice %dma_start3A_788[%dma_start3A_789, %dma_start3A_790] : memref<416x32xf32, #tpu.memory_space<vmem>> -> memref<26x32xf32, #tpu.memory_space<vmem>>
      tpu.enqueue_dma source(%dma_start3A_791 : memref<26x32xf32, #tpu.memory_space<vmem>>) target(%dma_start3A_784 : memref<26x32xf32, #tpu.memory_space<hbm>>) target_semaphore(%arg9 : memref<!tpu.dma_semaphore, #tpu.memory_space<semaphore_mem>>)
      %mul3A_792 = arith.constant 16 : i32
      %mul3A_793 = arith.muli %add3A_408, %mul3A_792 : i32
      %add3A_794 = arith.addi %mul3A_4, %mul3A_793 : i32
      %add3A_795 = arith.constant 13 : i32
      %add3A_796 = arith.addi %add3A_794, %add3A_795 : i32
      %dma_start3A_797 = arith.constant 0 : i32
      %dma_start3A_798 = arith.constant 0 : i32
      %dma_start3A_799 = arith.constant 0 : i32
      %dma_start3A_800 = tpu.memref_slice %arg6[%dma_start3A_797, %dma_start3A_798, %dma_start3A_799] : memref<2x416x32xf32, #tpu.memory_space<vmem>> -> memref<1x416x32xf32, #tpu.memory_space<vmem>>
      %dma_start3A_801 = tpu.memref_squeeze %dma_start3A_800 : memref<1x416x32xf32, #tpu.memory_space<vmem>> -> memref<416x32xf32, #tpu.memory_space<vmem>>
      %dma_start3A_802 = arith.constant 338 : i32
      %dma_start3A_803 = arith.constant 0 : i32
      %dma_start3A_804 = tpu.memref_slice %dma_start3A_801[%dma_start3A_802, %dma_start3A_803] : memref<416x32xf32, #tpu.memory_space<vmem>> -> memref<26x32xf32, #tpu.memory_space<vmem>>
      %dma_start3A_805 = arith.constant 0 : i32
      %dma_start3A_806 = arith.constant 0 : i32
      %dma_start3A_807 = tpu.memref_slice %arg4[%add3A_796, %dma_start3A_805, %dma_start3A_806] : memref<16384x26x32xf32, #tpu.memory_space<hbm>> -> memref<1x26x32xf32, #tpu.memory_space<hbm>>
      %dma_start3A_808 = tpu.memref_squeeze %dma_start3A_807 : memref<1x26x32xf32, #tpu.memory_space<hbm>> -> memref<26x32xf32, #tpu.memory_space<hbm>>
      %dma_start3A_809 = arith.constant 0 : i32
      %dma_start3A_810 = arith.constant 0 : i32
      %dma_start3A_811 = tpu.memref_slice %arg4[%add3A_796, %dma_start3A_809, %dma_start3A_810] : memref<16384x26x32xf32, #tpu.memory_space<hbm>> -> memref<1x26x32xf32, #tpu.memory_space<hbm>>
      %dma_start3A_812 = tpu.memref_squeeze %dma_start3A_811 : memref<1x26x32xf32, #tpu.memory_space<hbm>> -> memref<26x32xf32, #tpu.memory_space<hbm>>
      %dma_start3A_813 = arith.constant 0 : i32
      %dma_start3A_814 = arith.constant 0 : i32
      %dma_start3A_815 = tpu.memref_slice %arg6[%dma_start3A_797, %dma_start3A_813, %dma_start3A_814] : memref<2x416x32xf32, #tpu.memory_space<vmem>> -> memref<1x416x32xf32, #tpu.memory_space<vmem>>
      %dma_start3A_816 = tpu.memref_squeeze %dma_start3A_815 : memref<1x416x32xf32, #tpu.memory_space<vmem>> -> memref<416x32xf32, #tpu.memory_space<vmem>>
      %dma_start3A_817 = arith.constant 338 : i32
      %dma_start3A_818 = arith.constant 0 : i32
      %dma_start3A_819 = tpu.memref_slice %dma_start3A_816[%dma_start3A_817, %dma_start3A_818] : memref<416x32xf32, #tpu.memory_space<vmem>> -> memref<26x32xf32, #tpu.memory_space<vmem>>
      tpu.enqueue_dma source(%dma_start3A_819 : memref<26x32xf32, #tpu.memory_space<vmem>>) target(%dma_start3A_812 : memref<26x32xf32, #tpu.memory_space<hbm>>) target_semaphore(%arg9 : memref<!tpu.dma_semaphore, #tpu.memory_space<semaphore_mem>>)
      %mul3A_820 = arith.constant 16 : i32
      %mul3A_821 = arith.muli %add3A_408, %mul3A_820 : i32
      %add3A_822 = arith.addi %mul3A_4, %mul3A_821 : i32
      %add3A_823 = arith.constant 14 : i32
      %add3A_824 = arith.addi %add3A_822, %add3A_823 : i32
      %dma_start3A_825 = arith.constant 0 : i32
      %dma_start3A_826 = arith.constant 0 : i32
      %dma_start3A_827 = arith.constant 0 : i32
      %dma_start3A_828 = tpu.memref_slice %arg6[%dma_start3A_825, %dma_start3A_826, %dma_start3A_827] : memref<2x416x32xf32, #tpu.memory_space<vmem>> -> memref<1x416x32xf32, #tpu.memory_space<vmem>>
      %dma_start3A_829 = tpu.memref_squeeze %dma_start3A_828 : memref<1x416x32xf32, #tpu.memory_space<vmem>> -> memref<416x32xf32, #tpu.memory_space<vmem>>
      %dma_start3A_830 = arith.constant 364 : i32
      %dma_start3A_831 = arith.constant 0 : i32
      %dma_start3A_832 = tpu.memref_slice %dma_start3A_829[%dma_start3A_830, %dma_start3A_831] : memref<416x32xf32, #tpu.memory_space<vmem>> -> memref<26x32xf32, #tpu.memory_space<vmem>>
      %dma_start3A_833 = arith.constant 0 : i32
      %dma_start3A_834 = arith.constant 0 : i32
      %dma_start3A_835 = tpu.memref_slice %arg4[%add3A_824, %dma_start3A_833, %dma_start3A_834] : memref<16384x26x32xf32, #tpu.memory_space<hbm>> -> memref<1x26x32xf32, #tpu.memory_space<hbm>>
      %dma_start3A_836 = tpu.memref_squeeze %dma_start3A_835 : memref<1x26x32xf32, #tpu.memory_space<hbm>> -> memref<26x32xf32, #tpu.memory_space<hbm>>
      %dma_start3A_837 = arith.constant 0 : i32
      %dma_start3A_838 = arith.constant 0 : i32
      %dma_start3A_839 = tpu.memref_slice %arg4[%add3A_824, %dma_start3A_837, %dma_start3A_838] : memref<16384x26x32xf32, #tpu.memory_space<hbm>> -> memref<1x26x32xf32, #tpu.memory_space<hbm>>
      %dma_start3A_840 = tpu.memref_squeeze %dma_start3A_839 : memref<1x26x32xf32, #tpu.memory_space<hbm>> -> memref<26x32xf32, #tpu.memory_space<hbm>>
      %dma_start3A_841 = arith.constant 0 : i32
      %dma_start3A_842 = arith.constant 0 : i32
      %dma_start3A_843 = tpu.memref_slice %arg6[%dma_start3A_825, %dma_start3A_841, %dma_start3A_842] : memref<2x416x32xf32, #tpu.memory_space<vmem>> -> memref<1x416x32xf32, #tpu.memory_space<vmem>>
      %dma_start3A_844 = tpu.memref_squeeze %dma_start3A_843 : memref<1x416x32xf32, #tpu.memory_space<vmem>> -> memref<416x32xf32, #tpu.memory_space<vmem>>
      %dma_start3A_845 = arith.constant 364 : i32
      %dma_start3A_846 = arith.constant 0 : i32
      %dma_start3A_847 = tpu.memref_slice %dma_start3A_844[%dma_start3A_845, %dma_start3A_846] : memref<416x32xf32, #tpu.memory_space<vmem>> -> memref<26x32xf32, #tpu.memory_space<vmem>>
      tpu.enqueue_dma source(%dma_start3A_847 : memref<26x32xf32, #tpu.memory_space<vmem>>) target(%dma_start3A_840 : memref<26x32xf32, #tpu.memory_space<hbm>>) target_semaphore(%arg9 : memref<!tpu.dma_semaphore, #tpu.memory_space<semaphore_mem>>)
      %mul3A_848 = arith.constant 16 : i32
      %mul3A_849 = arith.muli %add3A_408, %mul3A_848 : i32
      %add3A_850 = arith.addi %mul3A_4, %mul3A_849 : i32
      %add3A_851 = arith.constant 15 : i32
      %add3A_852 = arith.addi %add3A_850, %add3A_851 : i32
      %dma_start3A_853 = arith.constant 0 : i32
      %dma_start3A_854 = arith.constant 0 : i32
      %dma_start3A_855 = arith.constant 0 : i32
      %dma_start3A_856 = tpu.memref_slice %arg6[%dma_start3A_853, %dma_start3A_854, %dma_start3A_855] : memref<2x416x32xf32, #tpu.memory_space<vmem>> -> memref<1x416x32xf32, #tpu.memory_space<vmem>>
      %dma_start3A_857 = tpu.memref_squeeze %dma_start3A_856 : memref<1x416x32xf32, #tpu.memory_space<vmem>> -> memref<416x32xf32, #tpu.memory_space<vmem>>
      %dma_start3A_858 = arith.constant 390 : i32
      %dma_start3A_859 = arith.constant 0 : i32
      %dma_start3A_860 = tpu.memref_slice %dma_start3A_857[%dma_start3A_858, %dma_start3A_859] : memref<416x32xf32, #tpu.memory_space<vmem>> -> memref<26x32xf32, #tpu.memory_space<vmem>>
      %dma_start3A_861 = arith.constant 0 : i32
      %dma_start3A_862 = arith.constant 0 : i32
      %dma_start3A_863 = tpu.memref_slice %arg4[%add3A_852, %dma_start3A_861, %dma_start3A_862] : memref<16384x26x32xf32, #tpu.memory_space<hbm>> -> memref<1x26x32xf32, #tpu.memory_space<hbm>>
      %dma_start3A_864 = tpu.memref_squeeze %dma_start3A_863 : memref<1x26x32xf32, #tpu.memory_space<hbm>> -> memref<26x32xf32, #tpu.memory_space<hbm>>
      %dma_start3A_865 = arith.constant 0 : i32
      %dma_start3A_866 = arith.constant 0 : i32
      %dma_start3A_867 = tpu.memref_slice %arg4[%add3A_852, %dma_start3A_865, %dma_start3A_866] : memref<16384x26x32xf32, #tpu.memory_space<hbm>> -> memref<1x26x32xf32, #tpu.memory_space<hbm>>
      %dma_start3A_868 = tpu.memref_squeeze %dma_start3A_867 : memref<1x26x32xf32, #tpu.memory_space<hbm>> -> memref<26x32xf32, #tpu.memory_space<hbm>>
      %dma_start3A_869 = arith.constant 0 : i32
      %dma_start3A_870 = arith.constant 0 : i32
      %dma_start3A_871 = tpu.memref_slice %arg6[%dma_start3A_853, %dma_start3A_869, %dma_start3A_870] : memref<2x416x32xf32, #tpu.memory_space<vmem>> -> memref<1x416x32xf32, #tpu.memory_space<vmem>>
      %dma_start3A_872 = tpu.memref_squeeze %dma_start3A_871 : memref<1x416x32xf32, #tpu.memory_space<vmem>> -> memref<416x32xf32, #tpu.memory_space<vmem>>
      %dma_start3A_873 = arith.constant 390 : i32
      %dma_start3A_874 = arith.constant 0 : i32
      %dma_start3A_875 = tpu.memref_slice %dma_start3A_872[%dma_start3A_873, %dma_start3A_874] : memref<416x32xf32, #tpu.memory_space<vmem>> -> memref<26x32xf32, #tpu.memory_space<vmem>>
      tpu.enqueue_dma source(%dma_start3A_875 : memref<26x32xf32, #tpu.memory_space<vmem>>) target(%dma_start3A_868 : memref<26x32xf32, #tpu.memory_space<hbm>>) target_semaphore(%arg9 : memref<!tpu.dma_semaphore, #tpu.memory_space<semaphore_mem>>)
      %scan3A_876 = arith.constant 0 : i32
      %scan3A_877 = arith.constant 0 : i32
      %scan3A_878 = arith.constant 26 : i32
      %scan3A_879 = arith.addi %scan3A_877, %scan3A_878 : i32
      %scan3A_880 = arith.constant 1 : i32
      scf.for %scan3A_1364 = %scan3A_877 to %scan3A_879 step %scan3A_880  : i32 {
        %mul3A_1365 = arith.constant 416 : i32
        %mul3A_1366 = arith.muli %rem3A_411, %mul3A_1365 : i32
        %mul3A_1367 = arith.constant 16 : i32
        %mul3A_1368 = arith.muli %scan3A_1364, %mul3A_1367 : i32
        %add3A_1369 = arith.addi %mul3A_1366, %mul3A_1368 : i32
        %get3A = arith.index_cast %add3A_1369 : i32 to index
        %get3A_1370 = tpu.vector_load %arg5[%get3A] {strides = array<i32>} : memref<13312xi32, #tpu.memory_space<vmem>>, vector<16xi32>,
        %get3A_1371 = vector.shape_cast %get3A_1370 : vector<16xi32> to vector<16xi32>
        %mul3A_1372 = arith.constant 16 : i32
        %mul3A_1373 = arith.muli %scan3A_1364, %mul3A_1372 : i32
        %slice3A = vector.extract_strided_slice %get3A_1371 {offsets = [0], sizes = [1], strides = [1]} : vector<16xi32> to vector<1xi32>
        %squeeze3A = vector.extract %slice3A[0] : i32 from vector<1xi32>
        %add3A_1374 = arith.constant 0 : i32
        %add3A_1375 = arith.addi %mul3A_1373, %add3A_1374 : i32
        %dma_start3A_1376 = arith.constant 1 : i32
        %dma_start3A_1377 = arith.constant 0 : i32
        %dma_start3A_1378 = arith.constant 0 : i32
        %dma_start3A_1379 = tpu.memref_slice %arg6[%dma_start3A_1376, %dma_start3A_1377, %dma_start3A_1378] : memref<2x416x32xf32, #tpu.memory_space<vmem>> -> memref<1x416x32xf32, #tpu.memory_space<vmem>>
        %dma_start3A_1380 = tpu.memref_squeeze %dma_start3A_1379 : memref<1x416x32xf32, #tpu.memory_space<vmem>> -> memref<416x32xf32, #tpu.memory_space<vmem>>
        %dma_start3A_1381 = arith.constant 0 : i32
        %dma_start3A_1382 = tpu.memref_slice %dma_start3A_1380[%add3A_1375, %dma_start3A_1381] : memref<416x32xf32, #tpu.memory_space<vmem>> -> memref<1x32xf32, #tpu.memory_space<vmem>>
        %dma_start3A_1383 = tpu.memref_squeeze %dma_start3A_1382 : memref<1x32xf32, #tpu.memory_space<vmem>> -> memref<32xf32, #tpu.memory_space<vmem>>
        %dma_start3A_1384 = arith.constant 0 : i32
        %dma_start3A_1385 = tpu.memref_slice %arg3[%squeeze3A, %dma_start3A_1384] : memref<2600000x32xf32, #tpu.memory_space<hbm>> -> memref<1x32xf32, #tpu.memory_space<hbm>>
        %dma_start3A_1386 = tpu.memref_squeeze %dma_start3A_1385 : memref<1x32xf32, #tpu.memory_space<hbm>> -> memref<32xf32, #tpu.memory_space<hbm>>
        %dma_start3A_1387 = arith.constant 0 : i32
        %dma_start3A_1388 = arith.constant 0 : i32
        %dma_start3A_1389 = tpu.memref_slice %arg6[%dma_start3A_1376, %dma_start3A_1387, %dma_start3A_1388] : memref<2x416x32xf32, #tpu.memory_space<vmem>> -> memref<1x416x32xf32, #tpu.memory_space<vmem>>
        %dma_start3A_1390 = tpu.memref_squeeze %dma_start3A_1389 : memref<1x416x32xf32, #tpu.memory_space<vmem>> -> memref<416x32xf32, #tpu.memory_space<vmem>>
        %dma_start3A_1391 = arith.constant 0 : i32
        %dma_start3A_1392 = tpu.memref_slice %dma_start3A_1390[%add3A_1375, %dma_start3A_1391] : memref<416x32xf32, #tpu.memory_space<vmem>> -> memref<1x32xf32, #tpu.memory_space<vmem>>
        %dma_start3A_1393 = tpu.memref_squeeze %dma_start3A_1392 : memref<1x32xf32, #tpu.memory_space<vmem>> -> memref<32xf32, #tpu.memory_space<vmem>>
        %dma_start3A_1394 = arith.constant 0 : i32
        %dma_start3A_1395 = tpu.memref_slice %arg3[%squeeze3A, %dma_start3A_1394] : memref<2600000x32xf32, #tpu.memory_space<hbm>> -> memref<1x32xf32, #tpu.memory_space<hbm>>
        %dma_start3A_1396 = tpu.memref_squeeze %dma_start3A_1395 : memref<1x32xf32, #tpu.memory_space<hbm>> -> memref<32xf32, #tpu.memory_space<hbm>>
        tpu.enqueue_dma source(%dma_start3A_1396 : memref<32xf32, #tpu.memory_space<hbm>>) target(%dma_start3A_1393 : memref<32xf32, #tpu.memory_space<vmem>>) target_semaphore(%arg8 : memref<!tpu.dma_semaphore, #tpu.memory_space<semaphore_mem>>)
        %slice3A_1397 = vector.extract_strided_slice %get3A_1371 {offsets = [1], sizes = [1], strides = [1]} : vector<16xi32> to vector<1xi32>
        %squeeze3A_1398 = vector.extract %slice3A_1397[0] : i32 from vector<1xi32>
        %add3A_1399 = arith.constant 1 : i32
        %add3A_1400 = arith.addi %mul3A_1373, %add3A_1399 : i32
        %dma_start3A_1401 = arith.constant 1 : i32
        %dma_start3A_1402 = arith.constant 0 : i32
        %dma_start3A_1403 = arith.constant 0 : i32
        %dma_start3A_1404 = tpu.memref_slice %arg6[%dma_start3A_1401, %dma_start3A_1402, %dma_start3A_1403] : memref<2x416x32xf32, #tpu.memory_space<vmem>> -> memref<1x416x32xf32, #tpu.memory_space<vmem>>
        %dma_start3A_1405 = tpu.memref_squeeze %dma_start3A_1404 : memref<1x416x32xf32, #tpu.memory_space<vmem>> -> memref<416x32xf32, #tpu.memory_space<vmem>>
        %dma_start3A_1406 = arith.constant 0 : i32
        %dma_start3A_1407 = tpu.memref_slice %dma_start3A_1405[%add3A_1400, %dma_start3A_1406] : memref<416x32xf32, #tpu.memory_space<vmem>> -> memref<1x32xf32, #tpu.memory_space<vmem>>
        %dma_start3A_1408 = tpu.memref_squeeze %dma_start3A_1407 : memref<1x32xf32, #tpu.memory_space<vmem>> -> memref<32xf32, #tpu.memory_space<vmem>>
        %dma_start3A_1409 = arith.constant 0 : i32
        %dma_start3A_1410 = tpu.memref_slice %arg3[%squeeze3A_1398, %dma_start3A_1409] : memref<2600000x32xf32, #tpu.memory_space<hbm>> -> memref<1x32xf32, #tpu.memory_space<hbm>>
        %dma_start3A_1411 = tpu.memref_squeeze %dma_start3A_1410 : memref<1x32xf32, #tpu.memory_space<hbm>> -> memref<32xf32, #tpu.memory_space<hbm>>
        %dma_start3A_1412 = arith.constant 0 : i32
        %dma_start3A_1413 = arith.constant 0 : i32
        %dma_start3A_1414 = tpu.memref_slice %arg6[%dma_start3A_1401, %dma_start3A_1412, %dma_start3A_1413] : memref<2x416x32xf32, #tpu.memory_space<vmem>> -> memref<1x416x32xf32, #tpu.memory_space<vmem>>
        %dma_start3A_1415 = tpu.memref_squeeze %dma_start3A_1414 : memref<1x416x32xf32, #tpu.memory_space<vmem>> -> memref<416x32xf32, #tpu.memory_space<vmem>>
        %dma_start3A_1416 = arith.constant 0 : i32
        %dma_start3A_1417 = tpu.memref_slice %dma_start3A_1415[%add3A_1400, %dma_start3A_1416] : memref<416x32xf32, #tpu.memory_space<vmem>> -> memref<1x32xf32, #tpu.memory_space<vmem>>
        %dma_start3A_1418 = tpu.memref_squeeze %dma_start3A_1417 : memref<1x32xf32, #tpu.memory_space<vmem>> -> memref<32xf32, #tpu.memory_space<vmem>>
        %dma_start3A_1419 = arith.constant 0 : i32
        %dma_start3A_1420 = tpu.memref_slice %arg3[%squeeze3A_1398, %dma_start3A_1419] : memref<2600000x32xf32, #tpu.memory_space<hbm>> -> memref<1x32xf32, #tpu.memory_space<hbm>>
        %dma_start3A_1421 = tpu.memref_squeeze %dma_start3A_1420 : memref<1x32xf32, #tpu.memory_space<hbm>> -> memref<32xf32, #tpu.memory_space<hbm>>
        tpu.enqueue_dma source(%dma_start3A_1421 : memref<32xf32, #tpu.memory_space<hbm>>) target(%dma_start3A_1418 : memref<32xf32, #tpu.memory_space<vmem>>) target_semaphore(%arg8 : memref<!tpu.dma_semaphore, #tpu.memory_space<semaphore_mem>>)
        %slice3A_1422 = vector.extract_strided_slice %get3A_1371 {offsets = [2], sizes = [1], strides = [1]} : vector<16xi32> to vector<1xi32>
        %squeeze3A_1423 = vector.extract %slice3A_1422[0] : i32 from vector<1xi32>
        %add3A_1424 = arith.constant 2 : i32
        %add3A_1425 = arith.addi %mul3A_1373, %add3A_1424 : i32
        %dma_start3A_1426 = arith.constant 1 : i32
        %dma_start3A_1427 = arith.constant 0 : i32
        %dma_start3A_1428 = arith.constant 0 : i32
        %dma_start3A_1429 = tpu.memref_slice %arg6[%dma_start3A_1426, %dma_start3A_1427, %dma_start3A_1428] : memref<2x416x32xf32, #tpu.memory_space<vmem>> -> memref<1x416x32xf32, #tpu.memory_space<vmem>>
        %dma_start3A_1430 = tpu.memref_squeeze %dma_start3A_1429 : memref<1x416x32xf32, #tpu.memory_space<vmem>> -> memref<416x32xf32, #tpu.memory_space<vmem>>
        %dma_start3A_1431 = arith.constant 0 : i32
        %dma_start3A_1432 = tpu.memref_slice %dma_start3A_1430[%add3A_1425, %dma_start3A_1431] : memref<416x32xf32, #tpu.memory_space<vmem>> -> memref<1x32xf32, #tpu.memory_space<vmem>>
        %dma_start3A_1433 = tpu.memref_squeeze %dma_start3A_1432 : memref<1x32xf32, #tpu.memory_space<vmem>> -> memref<32xf32, #tpu.memory_space<vmem>>
        %dma_start3A_1434 = arith.constant 0 : i32
        %dma_start3A_1435 = tpu.memref_slice %arg3[%squeeze3A_1423, %dma_start3A_1434] : memref<2600000x32xf32, #tpu.memory_space<hbm>> -> memref<1x32xf32, #tpu.memory_space<hbm>>
        %dma_start3A_1436 = tpu.memref_squeeze %dma_start3A_1435 : memref<1x32xf32, #tpu.memory_space<hbm>> -> memref<32xf32, #tpu.memory_space<hbm>>
        %dma_start3A_1437 = arith.constant 0 : i32
        %dma_start3A_1438 = arith.constant 0 : i32
        %dma_start3A_1439 = tpu.memref_slice %arg6[%dma_start3A_1426, %dma_start3A_1437, %dma_start3A_1438] : memref<2x416x32xf32, #tpu.memory_space<vmem>> -> memref<1x416x32xf32, #tpu.memory_space<vmem>>
        %dma_start3A_1440 = tpu.memref_squeeze %dma_start3A_1439 : memref<1x416x32xf32, #tpu.memory_space<vmem>> -> memref<416x32xf32, #tpu.memory_space<vmem>>
        %dma_start3A_1441 = arith.constant 0 : i32
        %dma_start3A_1442 = tpu.memref_slice %dma_start3A_1440[%add3A_1425, %dma_start3A_1441] : memref<416x32xf32, #tpu.memory_space<vmem>> -> memref<1x32xf32, #tpu.memory_space<vmem>>
        %dma_start3A_1443 = tpu.memref_squeeze %dma_start3A_1442 : memref<1x32xf32, #tpu.memory_space<vmem>> -> memref<32xf32, #tpu.memory_space<vmem>>
        %dma_start3A_1444 = arith.constant 0 : i32
        %dma_start3A_1445 = tpu.memref_slice %arg3[%squeeze3A_1423, %dma_start3A_1444] : memref<2600000x32xf32, #tpu.memory_space<hbm>> -> memref<1x32xf32, #tpu.memory_space<hbm>>
        %dma_start3A_1446 = tpu.memref_squeeze %dma_start3A_1445 : memref<1x32xf32, #tpu.memory_space<hbm>> -> memref<32xf32, #tpu.memory_space<hbm>>
        tpu.enqueue_dma source(%dma_start3A_1446 : memref<32xf32, #tpu.memory_space<hbm>>) target(%dma_start3A_1443 : memref<32xf32, #tpu.memory_space<vmem>>) target_semaphore(%arg8 : memref<!tpu.dma_semaphore, #tpu.memory_space<semaphore_mem>>)
        %slice3A_1447 = vector.extract_strided_slice %get3A_1371 {offsets = [3], sizes = [1], strides = [1]} : vector<16xi32> to vector<1xi32>
        %squeeze3A_1448 = vector.extract %slice3A_1447[0] : i32 from vector<1xi32>
        %add3A_1449 = arith.constant 3 : i32
        %add3A_1450 = arith.addi %mul3A_1373, %add3A_1449 : i32
        %dma_start3A_1451 = arith.constant 1 : i32
        %dma_start3A_1452 = arith.constant 0 : i32
        %dma_start3A_1453 = arith.constant 0 : i32
        %dma_start3A_1454 = tpu.memref_slice %arg6[%dma_start3A_1451, %dma_start3A_1452, %dma_start3A_1453] : memref<2x416x32xf32, #tpu.memory_space<vmem>> -> memref<1x416x32xf32, #tpu.memory_space<vmem>>
        %dma_start3A_1455 = tpu.memref_squeeze %dma_start3A_1454 : memref<1x416x32xf32, #tpu.memory_space<vmem>> -> memref<416x32xf32, #tpu.memory_space<vmem>>
        %dma_start3A_1456 = arith.constant 0 : i32
        %dma_start3A_1457 = tpu.memref_slice %dma_start3A_1455[%add3A_1450, %dma_start3A_1456] : memref<416x32xf32, #tpu.memory_space<vmem>> -> memref<1x32xf32, #tpu.memory_space<vmem>>
        %dma_start3A_1458 = tpu.memref_squeeze %dma_start3A_1457 : memref<1x32xf32, #tpu.memory_space<vmem>> -> memref<32xf32, #tpu.memory_space<vmem>>
        %dma_start3A_1459 = arith.constant 0 : i32
        %dma_start3A_1460 = tpu.memref_slice %arg3[%squeeze3A_1448, %dma_start3A_1459] : memref<2600000x32xf32, #tpu.memory_space<hbm>> -> memref<1x32xf32, #tpu.memory_space<hbm>>
        %dma_start3A_1461 = tpu.memref_squeeze %dma_start3A_1460 : memref<1x32xf32, #tpu.memory_space<hbm>> -> memref<32xf32, #tpu.memory_space<hbm>>
        %dma_start3A_1462 = arith.constant 0 : i32
        %dma_start3A_1463 = arith.constant 0 : i32
        %dma_start3A_1464 = tpu.memref_slice %arg6[%dma_start3A_1451, %dma_start3A_1462, %dma_start3A_1463] : memref<2x416x32xf32, #tpu.memory_space<vmem>> -> memref<1x416x32xf32, #tpu.memory_space<vmem>>
        %dma_start3A_1465 = tpu.memref_squeeze %dma_start3A_1464 : memref<1x416x32xf32, #tpu.memory_space<vmem>> -> memref<416x32xf32, #tpu.memory_space<vmem>>
        %dma_start3A_1466 = arith.constant 0 : i32
        %dma_start3A_1467 = tpu.memref_slice %dma_start3A_1465[%add3A_1450, %dma_start3A_1466] : memref<416x32xf32, #tpu.memory_space<vmem>> -> memref<1x32xf32, #tpu.memory_space<vmem>>
        %dma_start3A_1468 = tpu.memref_squeeze %dma_start3A_1467 : memref<1x32xf32, #tpu.memory_space<vmem>> -> memref<32xf32, #tpu.memory_space<vmem>>
        %dma_start3A_1469 = arith.constant 0 : i32
        %dma_start3A_1470 = tpu.memref_slice %arg3[%squeeze3A_1448, %dma_start3A_1469] : memref<2600000x32xf32, #tpu.memory_space<hbm>> -> memref<1x32xf32, #tpu.memory_space<hbm>>
        %dma_start3A_1471 = tpu.memref_squeeze %dma_start3A_1470 : memref<1x32xf32, #tpu.memory_space<hbm>> -> memref<32xf32, #tpu.memory_space<hbm>>
        tpu.enqueue_dma source(%dma_start3A_1471 : memref<32xf32, #tpu.memory_space<hbm>>) target(%dma_start3A_1468 : memref<32xf32, #tpu.memory_space<vmem>>) target_semaphore(%arg8 : memref<!tpu.dma_semaphore, #tpu.memory_space<semaphore_mem>>)
        %slice3A_1472 = vector.extract_strided_slice %get3A_1371 {offsets = [4], sizes = [1], strides = [1]} : vector<16xi32> to vector<1xi32>
        %squeeze3A_1473 = vector.extract %slice3A_1472[0] : i32 from vector<1xi32>
        %add3A_1474 = arith.constant 4 : i32
        %add3A_1475 = arith.addi %mul3A_1373, %add3A_1474 : i32
        %dma_start3A_1476 = arith.constant 1 : i32
        %dma_start3A_1477 = arith.constant 0 : i32
        %dma_start3A_1478 = arith.constant 0 : i32
        %dma_start3A_1479 = tpu.memref_slice %arg6[%dma_start3A_1476, %dma_start3A_1477, %dma_start3A_1478] : memref<2x416x32xf32, #tpu.memory_space<vmem>> -> memref<1x416x32xf32, #tpu.memory_space<vmem>>
        %dma_start3A_1480 = tpu.memref_squeeze %dma_start3A_1479 : memref<1x416x32xf32, #tpu.memory_space<vmem>> -> memref<416x32xf32, #tpu.memory_space<vmem>>
        %dma_start3A_1481 = arith.constant 0 : i32
        %dma_start3A_1482 = tpu.memref_slice %dma_start3A_1480[%add3A_1475, %dma_start3A_1481] : memref<416x32xf32, #tpu.memory_space<vmem>> -> memref<1x32xf32, #tpu.memory_space<vmem>>
        %dma_start3A_1483 = tpu.memref_squeeze %dma_start3A_1482 : memref<1x32xf32, #tpu.memory_space<vmem>> -> memref<32xf32, #tpu.memory_space<vmem>>
        %dma_start3A_1484 = arith.constant 0 : i32
        %dma_start3A_1485 = tpu.memref_slice %arg3[%squeeze3A_1473, %dma_start3A_1484] : memref<2600000x32xf32, #tpu.memory_space<hbm>> -> memref<1x32xf32, #tpu.memory_space<hbm>>
        %dma_start3A_1486 = tpu.memref_squeeze %dma_start3A_1485 : memref<1x32xf32, #tpu.memory_space<hbm>> -> memref<32xf32, #tpu.memory_space<hbm>>
        %dma_start3A_1487 = arith.constant 0 : i32
        %dma_start3A_1488 = arith.constant 0 : i32
        %dma_start3A_1489 = tpu.memref_slice %arg6[%dma_start3A_1476, %dma_start3A_1487, %dma_start3A_1488] : memref<2x416x32xf32, #tpu.memory_space<vmem>> -> memref<1x416x32xf32, #tpu.memory_space<vmem>>
        %dma_start3A_1490 = tpu.memref_squeeze %dma_start3A_1489 : memref<1x416x32xf32, #tpu.memory_space<vmem>> -> memref<416x32xf32, #tpu.memory_space<vmem>>
        %dma_start3A_1491 = arith.constant 0 : i32
        %dma_start3A_1492 = tpu.memref_slice %dma_start3A_1490[%add3A_1475, %dma_start3A_1491] : memref<416x32xf32, #tpu.memory_space<vmem>> -> memref<1x32xf32, #tpu.memory_space<vmem>>
        %dma_start3A_1493 = tpu.memref_squeeze %dma_start3A_1492 : memref<1x32xf32, #tpu.memory_space<vmem>> -> memref<32xf32, #tpu.memory_space<vmem>>
        %dma_start3A_1494 = arith.constant 0 : i32
        %dma_start3A_1495 = tpu.memref_slice %arg3[%squeeze3A_1473, %dma_start3A_1494] : memref<2600000x32xf32, #tpu.memory_space<hbm>> -> memref<1x32xf32, #tpu.memory_space<hbm>>
        %dma_start3A_1496 = tpu.memref_squeeze %dma_start3A_1495 : memref<1x32xf32, #tpu.memory_space<hbm>> -> memref<32xf32, #tpu.memory_space<hbm>>
        tpu.enqueue_dma source(%dma_start3A_1496 : memref<32xf32, #tpu.memory_space<hbm>>) target(%dma_start3A_1493 : memref<32xf32, #tpu.memory_space<vmem>>) target_semaphore(%arg8 : memref<!tpu.dma_semaphore, #tpu.memory_space<semaphore_mem>>)
        %slice3A_1497 = vector.extract_strided_slice %get3A_1371 {offsets = [5], sizes = [1], strides = [1]} : vector<16xi32> to vector<1xi32>
        %squeeze3A_1498 = vector.extract %slice3A_1497[0] : i32 from vector<1xi32>
        %add3A_1499 = arith.constant 5 : i32
        %add3A_1500 = arith.addi %mul3A_1373, %add3A_1499 : i32
        %dma_start3A_1501 = arith.constant 1 : i32
        %dma_start3A_1502 = arith.constant 0 : i32
        %dma_start3A_1503 = arith.constant 0 : i32
        %dma_start3A_1504 = tpu.memref_slice %arg6[%dma_start3A_1501, %dma_start3A_1502, %dma_start3A_1503] : memref<2x416x32xf32, #tpu.memory_space<vmem>> -> memref<1x416x32xf32, #tpu.memory_space<vmem>>
        %dma_start3A_1505 = tpu.memref_squeeze %dma_start3A_1504 : memref<1x416x32xf32, #tpu.memory_space<vmem>> -> memref<416x32xf32, #tpu.memory_space<vmem>>
        %dma_start3A_1506 = arith.constant 0 : i32
        %dma_start3A_1507 = tpu.memref_slice %dma_start3A_1505[%add3A_1500, %dma_start3A_1506] : memref<416x32xf32, #tpu.memory_space<vmem>> -> memref<1x32xf32, #tpu.memory_space<vmem>>
        %dma_start3A_1508 = tpu.memref_squeeze %dma_start3A_1507 : memref<1x32xf32, #tpu.memory_space<vmem>> -> memref<32xf32, #tpu.memory_space<vmem>>
        %dma_start3A_1509 = arith.constant 0 : i32
        %dma_start3A_1510 = tpu.memref_slice %arg3[%squeeze3A_1498, %dma_start3A_1509] : memref<2600000x32xf32, #tpu.memory_space<hbm>> -> memref<1x32xf32, #tpu.memory_space<hbm>>
        %dma_start3A_1511 = tpu.memref_squeeze %dma_start3A_1510 : memref<1x32xf32, #tpu.memory_space<hbm>> -> memref<32xf32, #tpu.memory_space<hbm>>
        %dma_start3A_1512 = arith.constant 0 : i32
        %dma_start3A_1513 = arith.constant 0 : i32
        %dma_start3A_1514 = tpu.memref_slice %arg6[%dma_start3A_1501, %dma_start3A_1512, %dma_start3A_1513] : memref<2x416x32xf32, #tpu.memory_space<vmem>> -> memref<1x416x32xf32, #tpu.memory_space<vmem>>
        %dma_start3A_1515 = tpu.memref_squeeze %dma_start3A_1514 : memref<1x416x32xf32, #tpu.memory_space<vmem>> -> memref<416x32xf32, #tpu.memory_space<vmem>>
        %dma_start3A_1516 = arith.constant 0 : i32
        %dma_start3A_1517 = tpu.memref_slice %dma_start3A_1515[%add3A_1500, %dma_start3A_1516] : memref<416x32xf32, #tpu.memory_space<vmem>> -> memref<1x32xf32, #tpu.memory_space<vmem>>
        %dma_start3A_1518 = tpu.memref_squeeze %dma_start3A_1517 : memref<1x32xf32, #tpu.memory_space<vmem>> -> memref<32xf32, #tpu.memory_space<vmem>>
        %dma_start3A_1519 = arith.constant 0 : i32
        %dma_start3A_1520 = tpu.memref_slice %arg3[%squeeze3A_1498, %dma_start3A_1519] : memref<2600000x32xf32, #tpu.memory_space<hbm>> -> memref<1x32xf32, #tpu.memory_space<hbm>>
        %dma_start3A_1521 = tpu.memref_squeeze %dma_start3A_1520 : memref<1x32xf32, #tpu.memory_space<hbm>> -> memref<32xf32, #tpu.memory_space<hbm>>
        tpu.enqueue_dma source(%dma_start3A_1521 : memref<32xf32, #tpu.memory_space<hbm>>) target(%dma_start3A_1518 : memref<32xf32, #tpu.memory_space<vmem>>) target_semaphore(%arg8 : memref<!tpu.dma_semaphore, #tpu.memory_space<semaphore_mem>>)
        %slice3A_1522 = vector.extract_strided_slice %get3A_1371 {offsets = [6], sizes = [1], strides = [1]} : vector<16xi32> to vector<1xi32>
        %squeeze3A_1523 = vector.extract %slice3A_1522[0] : i32 from vector<1xi32>
        %add3A_1524 = arith.constant 6 : i32
        %add3A_1525 = arith.addi %mul3A_1373, %add3A_1524 : i32
        %dma_start3A_1526 = arith.constant 1 : i32
        %dma_start3A_1527 = arith.constant 0 : i32
        %dma_start3A_1528 = arith.constant 0 : i32
        %dma_start3A_1529 = tpu.memref_slice %arg6[%dma_start3A_1526, %dma_start3A_1527, %dma_start3A_1528] : memref<2x416x32xf32, #tpu.memory_space<vmem>> -> memref<1x416x32xf32, #tpu.memory_space<vmem>>
        %dma_start3A_1530 = tpu.memref_squeeze %dma_start3A_1529 : memref<1x416x32xf32, #tpu.memory_space<vmem>> -> memref<416x32xf32, #tpu.memory_space<vmem>>
        %dma_start3A_1531 = arith.constant 0 : i32
        %dma_start3A_1532 = tpu.memref_slice %dma_start3A_1530[%add3A_1525, %dma_start3A_1531] : memref<416x32xf32, #tpu.memory_space<vmem>> -> memref<1x32xf32, #tpu.memory_space<vmem>>
        %dma_start3A_1533 = tpu.memref_squeeze %dma_start3A_1532 : memref<1x32xf32, #tpu.memory_space<vmem>> -> memref<32xf32, #tpu.memory_space<vmem>>
        %dma_start3A_1534 = arith.constant 0 : i32
        %dma_start3A_1535 = tpu.memref_slice %arg3[%squeeze3A_1523, %dma_start3A_1534] : memref<2600000x32xf32, #tpu.memory_space<hbm>> -> memref<1x32xf32, #tpu.memory_space<hbm>>
        %dma_start3A_1536 = tpu.memref_squeeze %dma_start3A_1535 : memref<1x32xf32, #tpu.memory_space<hbm>> -> memref<32xf32, #tpu.memory_space<hbm>>
        %dma_start3A_1537 = arith.constant 0 : i32
        %dma_start3A_1538 = arith.constant 0 : i32
        %dma_start3A_1539 = tpu.memref_slice %arg6[%dma_start3A_1526, %dma_start3A_1537, %dma_start3A_1538] : memref<2x416x32xf32, #tpu.memory_space<vmem>> -> memref<1x416x32xf32, #tpu.memory_space<vmem>>
        %dma_start3A_1540 = tpu.memref_squeeze %dma_start3A_1539 : memref<1x416x32xf32, #tpu.memory_space<vmem>> -> memref<416x32xf32, #tpu.memory_space<vmem>>
        %dma_start3A_1541 = arith.constant 0 : i32
        %dma_start3A_1542 = tpu.memref_slice %dma_start3A_1540[%add3A_1525, %dma_start3A_1541] : memref<416x32xf32, #tpu.memory_space<vmem>> -> memref<1x32xf32, #tpu.memory_space<vmem>>
        %dma_start3A_1543 = tpu.memref_squeeze %dma_start3A_1542 : memref<1x32xf32, #tpu.memory_space<vmem>> -> memref<32xf32, #tpu.memory_space<vmem>>
        %dma_start3A_1544 = arith.constant 0 : i32
        %dma_start3A_1545 = tpu.memref_slice %arg3[%squeeze3A_1523, %dma_start3A_1544] : memref<2600000x32xf32, #tpu.memory_space<hbm>> -> memref<1x32xf32, #tpu.memory_space<hbm>>
        %dma_start3A_1546 = tpu.memref_squeeze %dma_start3A_1545 : memref<1x32xf32, #tpu.memory_space<hbm>> -> memref<32xf32, #tpu.memory_space<hbm>>
        tpu.enqueue_dma source(%dma_start3A_1546 : memref<32xf32, #tpu.memory_space<hbm>>) target(%dma_start3A_1543 : memref<32xf32, #tpu.memory_space<vmem>>) target_semaphore(%arg8 : memref<!tpu.dma_semaphore, #tpu.memory_space<semaphore_mem>>)
        %slice3A_1547 = vector.extract_strided_slice %get3A_1371 {offsets = [7], sizes = [1], strides = [1]} : vector<16xi32> to vector<1xi32>
        %squeeze3A_1548 = vector.extract %slice3A_1547[0] : i32 from vector<1xi32>
        %add3A_1549 = arith.constant 7 : i32
        %add3A_1550 = arith.addi %mul3A_1373, %add3A_1549 : i32
        %dma_start3A_1551 = arith.constant 1 : i32
        %dma_start3A_1552 = arith.constant 0 : i32
        %dma_start3A_1553 = arith.constant 0 : i32
        %dma_start3A_1554 = tpu.memref_slice %arg6[%dma_start3A_1551, %dma_start3A_1552, %dma_start3A_1553] : memref<2x416x32xf32, #tpu.memory_space<vmem>> -> memref<1x416x32xf32, #tpu.memory_space<vmem>>
        %dma_start3A_1555 = tpu.memref_squeeze %dma_start3A_1554 : memref<1x416x32xf32, #tpu.memory_space<vmem>> -> memref<416x32xf32, #tpu.memory_space<vmem>>
        %dma_start3A_1556 = arith.constant 0 : i32
        %dma_start3A_1557 = tpu.memref_slice %dma_start3A_1555[%add3A_1550, %dma_start3A_1556] : memref<416x32xf32, #tpu.memory_space<vmem>> -> memref<1x32xf32, #tpu.memory_space<vmem>>
        %dma_start3A_1558 = tpu.memref_squeeze %dma_start3A_1557 : memref<1x32xf32, #tpu.memory_space<vmem>> -> memref<32xf32, #tpu.memory_space<vmem>>
        %dma_start3A_1559 = arith.constant 0 : i32
        %dma_start3A_1560 = tpu.memref_slice %arg3[%squeeze3A_1548, %dma_start3A_1559] : memref<2600000x32xf32, #tpu.memory_space<hbm>> -> memref<1x32xf32, #tpu.memory_space<hbm>>
        %dma_start3A_1561 = tpu.memref_squeeze %dma_start3A_1560 : memref<1x32xf32, #tpu.memory_space<hbm>> -> memref<32xf32, #tpu.memory_space<hbm>>
        %dma_start3A_1562 = arith.constant 0 : i32
        %dma_start3A_1563 = arith.constant 0 : i32
        %dma_start3A_1564 = tpu.memref_slice %arg6[%dma_start3A_1551, %dma_start3A_1562, %dma_start3A_1563] : memref<2x416x32xf32, #tpu.memory_space<vmem>> -> memref<1x416x32xf32, #tpu.memory_space<vmem>>
        %dma_start3A_1565 = tpu.memref_squeeze %dma_start3A_1564 : memref<1x416x32xf32, #tpu.memory_space<vmem>> -> memref<416x32xf32, #tpu.memory_space<vmem>>
        %dma_start3A_1566 = arith.constant 0 : i32
        %dma_start3A_1567 = tpu.memref_slice %dma_start3A_1565[%add3A_1550, %dma_start3A_1566] : memref<416x32xf32, #tpu.memory_space<vmem>> -> memref<1x32xf32, #tpu.memory_space<vmem>>
        %dma_start3A_1568 = tpu.memref_squeeze %dma_start3A_1567 : memref<1x32xf32, #tpu.memory_space<vmem>> -> memref<32xf32, #tpu.memory_space<vmem>>
        %dma_start3A_1569 = arith.constant 0 : i32
        %dma_start3A_1570 = tpu.memref_slice %arg3[%squeeze3A_1548, %dma_start3A_1569] : memref<2600000x32xf32, #tpu.memory_space<hbm>> -> memref<1x32xf32, #tpu.memory_space<hbm>>
        %dma_start3A_1571 = tpu.memref_squeeze %dma_start3A_1570 : memref<1x32xf32, #tpu.memory_space<hbm>> -> memref<32xf32, #tpu.memory_space<hbm>>
        tpu.enqueue_dma source(%dma_start3A_1571 : memref<32xf32, #tpu.memory_space<hbm>>) target(%dma_start3A_1568 : memref<32xf32, #tpu.memory_space<vmem>>) target_semaphore(%arg8 : memref<!tpu.dma_semaphore, #tpu.memory_space<semaphore_mem>>)
        %slice3A_1572 = vector.extract_strided_slice %get3A_1371 {offsets = [8], sizes = [1], strides = [1]} : vector<16xi32> to vector<1xi32>
        %squeeze3A_1573 = vector.extract %slice3A_1572[0] : i32 from vector<1xi32>
        %add3A_1574 = arith.constant 8 : i32
        %add3A_1575 = arith.addi %mul3A_1373, %add3A_1574 : i32
        %dma_start3A_1576 = arith.constant 1 : i32
        %dma_start3A_1577 = arith.constant 0 : i32
        %dma_start3A_1578 = arith.constant 0 : i32
        %dma_start3A_1579 = tpu.memref_slice %arg6[%dma_start3A_1576, %dma_start3A_1577, %dma_start3A_1578] : memref<2x416x32xf32, #tpu.memory_space<vmem>> -> memref<1x416x32xf32, #tpu.memory_space<vmem>>
        %dma_start3A_1580 = tpu.memref_squeeze %dma_start3A_1579 : memref<1x416x32xf32, #tpu.memory_space<vmem>> -> memref<416x32xf32, #tpu.memory_space<vmem>>
        %dma_start3A_1581 = arith.constant 0 : i32
        %dma_start3A_1582 = tpu.memref_slice %dma_start3A_1580[%add3A_1575, %dma_start3A_1581] : memref<416x32xf32, #tpu.memory_space<vmem>> -> memref<1x32xf32, #tpu.memory_space<vmem>>
        %dma_start3A_1583 = tpu.memref_squeeze %dma_start3A_1582 : memref<1x32xf32, #tpu.memory_space<vmem>> -> memref<32xf32, #tpu.memory_space<vmem>>
        %dma_start3A_1584 = arith.constant 0 : i32
        %dma_start3A_1585 = tpu.memref_slice %arg3[%squeeze3A_1573, %dma_start3A_1584] : memref<2600000x32xf32, #tpu.memory_space<hbm>> -> memref<1x32xf32, #tpu.memory_space<hbm>>
        %dma_start3A_1586 = tpu.memref_squeeze %dma_start3A_1585 : memref<1x32xf32, #tpu.memory_space<hbm>> -> memref<32xf32, #tpu.memory_space<hbm>>
        %dma_start3A_1587 = arith.constant 0 : i32
        %dma_start3A_1588 = arith.constant 0 : i32
        %dma_start3A_1589 = tpu.memref_slice %arg6[%dma_start3A_1576, %dma_start3A_1587, %dma_start3A_1588] : memref<2x416x32xf32, #tpu.memory_space<vmem>> -> memref<1x416x32xf32, #tpu.memory_space<vmem>>
        %dma_start3A_1590 = tpu.memref_squeeze %dma_start3A_1589 : memref<1x416x32xf32, #tpu.memory_space<vmem>> -> memref<416x32xf32, #tpu.memory_space<vmem>>
        %dma_start3A_1591 = arith.constant 0 : i32
        %dma_start3A_1592 = tpu.memref_slice %dma_start3A_1590[%add3A_1575, %dma_start3A_1591] : memref<416x32xf32, #tpu.memory_space<vmem>> -> memref<1x32xf32, #tpu.memory_space<vmem>>
        %dma_start3A_1593 = tpu.memref_squeeze %dma_start3A_1592 : memref<1x32xf32, #tpu.memory_space<vmem>> -> memref<32xf32, #tpu.memory_space<vmem>>
        %dma_start3A_1594 = arith.constant 0 : i32
        %dma_start3A_1595 = tpu.memref_slice %arg3[%squeeze3A_1573, %dma_start3A_1594] : memref<2600000x32xf32, #tpu.memory_space<hbm>> -> memref<1x32xf32, #tpu.memory_space<hbm>>
        %dma_start3A_1596 = tpu.memref_squeeze %dma_start3A_1595 : memref<1x32xf32, #tpu.memory_space<hbm>> -> memref<32xf32, #tpu.memory_space<hbm>>
        tpu.enqueue_dma source(%dma_start3A_1596 : memref<32xf32, #tpu.memory_space<hbm>>) target(%dma_start3A_1593 : memref<32xf32, #tpu.memory_space<vmem>>) target_semaphore(%arg8 : memref<!tpu.dma_semaphore, #tpu.memory_space<semaphore_mem>>)
        %slice3A_1597 = vector.extract_strided_slice %get3A_1371 {offsets = [9], sizes = [1], strides = [1]} : vector<16xi32> to vector<1xi32>
        %squeeze3A_1598 = vector.extract %slice3A_1597[0] : i32 from vector<1xi32>
        %add3A_1599 = arith.constant 9 : i32
        %add3A_1600 = arith.addi %mul3A_1373, %add3A_1599 : i32
        %dma_start3A_1601 = arith.constant 1 : i32
        %dma_start3A_1602 = arith.constant 0 : i32
        %dma_start3A_1603 = arith.constant 0 : i32
        %dma_start3A_1604 = tpu.memref_slice %arg6[%dma_start3A_1601, %dma_start3A_1602, %dma_start3A_1603] : memref<2x416x32xf32, #tpu.memory_space<vmem>> -> memref<1x416x32xf32, #tpu.memory_space<vmem>>
        %dma_start3A_1605 = tpu.memref_squeeze %dma_start3A_1604 : memref<1x416x32xf32, #tpu.memory_space<vmem>> -> memref<416x32xf32, #tpu.memory_space<vmem>>
        %dma_start3A_1606 = arith.constant 0 : i32
        %dma_start3A_1607 = tpu.memref_slice %dma_start3A_1605[%add3A_1600, %dma_start3A_1606] : memref<416x32xf32, #tpu.memory_space<vmem>> -> memref<1x32xf32, #tpu.memory_space<vmem>>
        %dma_start3A_1608 = tpu.memref_squeeze %dma_start3A_1607 : memref<1x32xf32, #tpu.memory_space<vmem>> -> memref<32xf32, #tpu.memory_space<vmem>>
        %dma_start3A_1609 = arith.constant 0 : i32
        %dma_start3A_1610 = tpu.memref_slice %arg3[%squeeze3A_1598, %dma_start3A_1609] : memref<2600000x32xf32, #tpu.memory_space<hbm>> -> memref<1x32xf32, #tpu.memory_space<hbm>>
        %dma_start3A_1611 = tpu.memref_squeeze %dma_start3A_1610 : memref<1x32xf32, #tpu.memory_space<hbm>> -> memref<32xf32, #tpu.memory_space<hbm>>
        %dma_start3A_1612 = arith.constant 0 : i32
        %dma_start3A_1613 = arith.constant 0 : i32
        %dma_start3A_1614 = tpu.memref_slice %arg6[%dma_start3A_1601, %dma_start3A_1612, %dma_start3A_1613] : memref<2x416x32xf32, #tpu.memory_space<vmem>> -> memref<1x416x32xf32, #tpu.memory_space<vmem>>
        %dma_start3A_1615 = tpu.memref_squeeze %dma_start3A_1614 : memref<1x416x32xf32, #tpu.memory_space<vmem>> -> memref<416x32xf32, #tpu.memory_space<vmem>>
        %dma_start3A_1616 = arith.constant 0 : i32
        %dma_start3A_1617 = tpu.memref_slice %dma_start3A_1615[%add3A_1600, %dma_start3A_1616] : memref<416x32xf32, #tpu.memory_space<vmem>> -> memref<1x32xf32, #tpu.memory_space<vmem>>
        %dma_start3A_1618 = tpu.memref_squeeze %dma_start3A_1617 : memref<1x32xf32, #tpu.memory_space<vmem>> -> memref<32xf32, #tpu.memory_space<vmem>>
        %dma_start3A_1619 = arith.constant 0 : i32
        %dma_start3A_1620 = tpu.memref_slice %arg3[%squeeze3A_1598, %dma_start3A_1619] : memref<2600000x32xf32, #tpu.memory_space<hbm>> -> memref<1x32xf32, #tpu.memory_space<hbm>>
        %dma_start3A_1621 = tpu.memref_squeeze %dma_start3A_1620 : memref<1x32xf32, #tpu.memory_space<hbm>> -> memref<32xf32, #tpu.memory_space<hbm>>
        tpu.enqueue_dma source(%dma_start3A_1621 : memref<32xf32, #tpu.memory_space<hbm>>) target(%dma_start3A_1618 : memref<32xf32, #tpu.memory_space<vmem>>) target_semaphore(%arg8 : memref<!tpu.dma_semaphore, #tpu.memory_space<semaphore_mem>>)
        %slice3A_1622 = vector.extract_strided_slice %get3A_1371 {offsets = [10], sizes = [1], strides = [1]} : vector<16xi32> to vector<1xi32>
        %squeeze3A_1623 = vector.extract %slice3A_1622[0] : i32 from vector<1xi32>
        %add3A_1624 = arith.constant 10 : i32
        %add3A_1625 = arith.addi %mul3A_1373, %add3A_1624 : i32
        %dma_start3A_1626 = arith.constant 1 : i32
        %dma_start3A_1627 = arith.constant 0 : i32
        %dma_start3A_1628 = arith.constant 0 : i32
        %dma_start3A_1629 = tpu.memref_slice %arg6[%dma_start3A_1626, %dma_start3A_1627, %dma_start3A_1628] : memref<2x416x32xf32, #tpu.memory_space<vmem>> -> memref<1x416x32xf32, #tpu.memory_space<vmem>>
        %dma_start3A_1630 = tpu.memref_squeeze %dma_start3A_1629 : memref<1x416x32xf32, #tpu.memory_space<vmem>> -> memref<416x32xf32, #tpu.memory_space<vmem>>
        %dma_start3A_1631 = arith.constant 0 : i32
        %dma_start3A_1632 = tpu.memref_slice %dma_start3A_1630[%add3A_1625, %dma_start3A_1631] : memref<416x32xf32, #tpu.memory_space<vmem>> -> memref<1x32xf32, #tpu.memory_space<vmem>>
        %dma_start3A_1633 = tpu.memref_squeeze %dma_start3A_1632 : memref<1x32xf32, #tpu.memory_space<vmem>> -> memref<32xf32, #tpu.memory_space<vmem>>
        %dma_start3A_1634 = arith.constant 0 : i32
        %dma_start3A_1635 = tpu.memref_slice %arg3[%squeeze3A_1623, %dma_start3A_1634] : memref<2600000x32xf32, #tpu.memory_space<hbm>> -> memref<1x32xf32, #tpu.memory_space<hbm>>
        %dma_start3A_1636 = tpu.memref_squeeze %dma_start3A_1635 : memref<1x32xf32, #tpu.memory_space<hbm>> -> memref<32xf32, #tpu.memory_space<hbm>>
        %dma_start3A_1637 = arith.constant 0 : i32
        %dma_start3A_1638 = arith.constant 0 : i32
        %dma_start3A_1639 = tpu.memref_slice %arg6[%dma_start3A_1626, %dma_start3A_1637, %dma_start3A_1638] : memref<2x416x32xf32, #tpu.memory_space<vmem>> -> memref<1x416x32xf32, #tpu.memory_space<vmem>>
        %dma_start3A_1640 = tpu.memref_squeeze %dma_start3A_1639 : memref<1x416x32xf32, #tpu.memory_space<vmem>> -> memref<416x32xf32, #tpu.memory_space<vmem>>
        %dma_start3A_1641 = arith.constant 0 : i32
        %dma_start3A_1642 = tpu.memref_slice %dma_start3A_1640[%add3A_1625, %dma_start3A_1641] : memref<416x32xf32, #tpu.memory_space<vmem>> -> memref<1x32xf32, #tpu.memory_space<vmem>>
        %dma_start3A_1643 = tpu.memref_squeeze %dma_start3A_1642 : memref<1x32xf32, #tpu.memory_space<vmem>> -> memref<32xf32, #tpu.memory_space<vmem>>
        %dma_start3A_1644 = arith.constant 0 : i32
        %dma_start3A_1645 = tpu.memref_slice %arg3[%squeeze3A_1623, %dma_start3A_1644] : memref<2600000x32xf32, #tpu.memory_space<hbm>> -> memref<1x32xf32, #tpu.memory_space<hbm>>
        %dma_start3A_1646 = tpu.memref_squeeze %dma_start3A_1645 : memref<1x32xf32, #tpu.memory_space<hbm>> -> memref<32xf32, #tpu.memory_space<hbm>>
        tpu.enqueue_dma source(%dma_start3A_1646 : memref<32xf32, #tpu.memory_space<hbm>>) target(%dma_start3A_1643 : memref<32xf32, #tpu.memory_space<vmem>>) target_semaphore(%arg8 : memref<!tpu.dma_semaphore, #tpu.memory_space<semaphore_mem>>)
        %slice3A_1647 = vector.extract_strided_slice %get3A_1371 {offsets = [11], sizes = [1], strides = [1]} : vector<16xi32> to vector<1xi32>
        %squeeze3A_1648 = vector.extract %slice3A_1647[0] : i32 from vector<1xi32>
        %add3A_1649 = arith.constant 11 : i32
        %add3A_1650 = arith.addi %mul3A_1373, %add3A_1649 : i32
        %dma_start3A_1651 = arith.constant 1 : i32
        %dma_start3A_1652 = arith.constant 0 : i32
        %dma_start3A_1653 = arith.constant 0 : i32
        %dma_start3A_1654 = tpu.memref_slice %arg6[%dma_start3A_1651, %dma_start3A_1652, %dma_start3A_1653] : memref<2x416x32xf32, #tpu.memory_space<vmem>> -> memref<1x416x32xf32, #tpu.memory_space<vmem>>
        %dma_start3A_1655 = tpu.memref_squeeze %dma_start3A_1654 : memref<1x416x32xf32, #tpu.memory_space<vmem>> -> memref<416x32xf32, #tpu.memory_space<vmem>>
        %dma_start3A_1656 = arith.constant 0 : i32
        %dma_start3A_1657 = tpu.memref_slice %dma_start3A_1655[%add3A_1650, %dma_start3A_1656] : memref<416x32xf32, #tpu.memory_space<vmem>> -> memref<1x32xf32, #tpu.memory_space<vmem>>
        %dma_start3A_1658 = tpu.memref_squeeze %dma_start3A_1657 : memref<1x32xf32, #tpu.memory_space<vmem>> -> memref<32xf32, #tpu.memory_space<vmem>>
        %dma_start3A_1659 = arith.constant 0 : i32
        %dma_start3A_1660 = tpu.memref_slice %arg3[%squeeze3A_1648, %dma_start3A_1659] : memref<2600000x32xf32, #tpu.memory_space<hbm>> -> memref<1x32xf32, #tpu.memory_space<hbm>>
        %dma_start3A_1661 = tpu.memref_squeeze %dma_start3A_1660 : memref<1x32xf32, #tpu.memory_space<hbm>> -> memref<32xf32, #tpu.memory_space<hbm>>
        %dma_start3A_1662 = arith.constant 0 : i32
        %dma_start3A_1663 = arith.constant 0 : i32
        %dma_start3A_1664 = tpu.memref_slice %arg6[%dma_start3A_1651, %dma_start3A_1662, %dma_start3A_1663] : memref<2x416x32xf32, #tpu.memory_space<vmem>> -> memref<1x416x32xf32, #tpu.memory_space<vmem>>
        %dma_start3A_1665 = tpu.memref_squeeze %dma_start3A_1664 : memref<1x416x32xf32, #tpu.memory_space<vmem>> -> memref<416x32xf32, #tpu.memory_space<vmem>>
        %dma_start3A_1666 = arith.constant 0 : i32
        %dma_start3A_1667 = tpu.memref_slice %dma_start3A_1665[%add3A_1650, %dma_start3A_1666] : memref<416x32xf32, #tpu.memory_space<vmem>> -> memref<1x32xf32, #tpu.memory_space<vmem>>
        %dma_start3A_1668 = tpu.memref_squeeze %dma_start3A_1667 : memref<1x32xf32, #tpu.memory_space<vmem>> -> memref<32xf32, #tpu.memory_space<vmem>>
        %dma_start3A_1669 = arith.constant 0 : i32
        %dma_start3A_1670 = tpu.memref_slice %arg3[%squeeze3A_1648, %dma_start3A_1669] : memref<2600000x32xf32, #tpu.memory_space<hbm>> -> memref<1x32xf32, #tpu.memory_space<hbm>>
        %dma_start3A_1671 = tpu.memref_squeeze %dma_start3A_1670 : memref<1x32xf32, #tpu.memory_space<hbm>> -> memref<32xf32, #tpu.memory_space<hbm>>
        tpu.enqueue_dma source(%dma_start3A_1671 : memref<32xf32, #tpu.memory_space<hbm>>) target(%dma_start3A_1668 : memref<32xf32, #tpu.memory_space<vmem>>) target_semaphore(%arg8 : memref<!tpu.dma_semaphore, #tpu.memory_space<semaphore_mem>>)
        %slice3A_1672 = vector.extract_strided_slice %get3A_1371 {offsets = [12], sizes = [1], strides = [1]} : vector<16xi32> to vector<1xi32>
        %squeeze3A_1673 = vector.extract %slice3A_1672[0] : i32 from vector<1xi32>
        %add3A_1674 = arith.constant 12 : i32
        %add3A_1675 = arith.addi %mul3A_1373, %add3A_1674 : i32
        %dma_start3A_1676 = arith.constant 1 : i32
        %dma_start3A_1677 = arith.constant 0 : i32
        %dma_start3A_1678 = arith.constant 0 : i32
        %dma_start3A_1679 = tpu.memref_slice %arg6[%dma_start3A_1676, %dma_start3A_1677, %dma_start3A_1678] : memref<2x416x32xf32, #tpu.memory_space<vmem>> -> memref<1x416x32xf32, #tpu.memory_space<vmem>>
        %dma_start3A_1680 = tpu.memref_squeeze %dma_start3A_1679 : memref<1x416x32xf32, #tpu.memory_space<vmem>> -> memref<416x32xf32, #tpu.memory_space<vmem>>
        %dma_start3A_1681 = arith.constant 0 : i32
        %dma_start3A_1682 = tpu.memref_slice %dma_start3A_1680[%add3A_1675, %dma_start3A_1681] : memref<416x32xf32, #tpu.memory_space<vmem>> -> memref<1x32xf32, #tpu.memory_space<vmem>>
        %dma_start3A_1683 = tpu.memref_squeeze %dma_start3A_1682 : memref<1x32xf32, #tpu.memory_space<vmem>> -> memref<32xf32, #tpu.memory_space<vmem>>
        %dma_start3A_1684 = arith.constant 0 : i32
        %dma_start3A_1685 = tpu.memref_slice %arg3[%squeeze3A_1673, %dma_start3A_1684] : memref<2600000x32xf32, #tpu.memory_space<hbm>> -> memref<1x32xf32, #tpu.memory_space<hbm>>
        %dma_start3A_1686 = tpu.memref_squeeze %dma_start3A_1685 : memref<1x32xf32, #tpu.memory_space<hbm>> -> memref<32xf32, #tpu.memory_space<hbm>>
        %dma_start3A_1687 = arith.constant 0 : i32
        %dma_start3A_1688 = arith.constant 0 : i32
        %dma_start3A_1689 = tpu.memref_slice %arg6[%dma_start3A_1676, %dma_start3A_1687, %dma_start3A_1688] : memref<2x416x32xf32, #tpu.memory_space<vmem>> -> memref<1x416x32xf32, #tpu.memory_space<vmem>>
        %dma_start3A_1690 = tpu.memref_squeeze %dma_start3A_1689 : memref<1x416x32xf32, #tpu.memory_space<vmem>> -> memref<416x32xf32, #tpu.memory_space<vmem>>
        %dma_start3A_1691 = arith.constant 0 : i32
        %dma_start3A_1692 = tpu.memref_slice %dma_start3A_1690[%add3A_1675, %dma_start3A_1691] : memref<416x32xf32, #tpu.memory_space<vmem>> -> memref<1x32xf32, #tpu.memory_space<vmem>>
        %dma_start3A_1693 = tpu.memref_squeeze %dma_start3A_1692 : memref<1x32xf32, #tpu.memory_space<vmem>> -> memref<32xf32, #tpu.memory_space<vmem>>
        %dma_start3A_1694 = arith.constant 0 : i32
        %dma_start3A_1695 = tpu.memref_slice %arg3[%squeeze3A_1673, %dma_start3A_1694] : memref<2600000x32xf32, #tpu.memory_space<hbm>> -> memref<1x32xf32, #tpu.memory_space<hbm>>
        %dma_start3A_1696 = tpu.memref_squeeze %dma_start3A_1695 : memref<1x32xf32, #tpu.memory_space<hbm>> -> memref<32xf32, #tpu.memory_space<hbm>>
        tpu.enqueue_dma source(%dma_start3A_1696 : memref<32xf32, #tpu.memory_space<hbm>>) target(%dma_start3A_1693 : memref<32xf32, #tpu.memory_space<vmem>>) target_semaphore(%arg8 : memref<!tpu.dma_semaphore, #tpu.memory_space<semaphore_mem>>)
        %slice3A_1697 = vector.extract_strided_slice %get3A_1371 {offsets = [13], sizes = [1], strides = [1]} : vector<16xi32> to vector<1xi32>
        %squeeze3A_1698 = vector.extract %slice3A_1697[0] : i32 from vector<1xi32>
        %add3A_1699 = arith.constant 13 : i32
        %add3A_1700 = arith.addi %mul3A_1373, %add3A_1699 : i32
        %dma_start3A_1701 = arith.constant 1 : i32
        %dma_start3A_1702 = arith.constant 0 : i32
        %dma_start3A_1703 = arith.constant 0 : i32
        %dma_start3A_1704 = tpu.memref_slice %arg6[%dma_start3A_1701, %dma_start3A_1702, %dma_start3A_1703] : memref<2x416x32xf32, #tpu.memory_space<vmem>> -> memref<1x416x32xf32, #tpu.memory_space<vmem>>
        %dma_start3A_1705 = tpu.memref_squeeze %dma_start3A_1704 : memref<1x416x32xf32, #tpu.memory_space<vmem>> -> memref<416x32xf32, #tpu.memory_space<vmem>>
        %dma_start3A_1706 = arith.constant 0 : i32
        %dma_start3A_1707 = tpu.memref_slice %dma_start3A_1705[%add3A_1700, %dma_start3A_1706] : memref<416x32xf32, #tpu.memory_space<vmem>> -> memref<1x32xf32, #tpu.memory_space<vmem>>
        %dma_start3A_1708 = tpu.memref_squeeze %dma_start3A_1707 : memref<1x32xf32, #tpu.memory_space<vmem>> -> memref<32xf32, #tpu.memory_space<vmem>>
        %dma_start3A_1709 = arith.constant 0 : i32
        %dma_start3A_1710 = tpu.memref_slice %arg3[%squeeze3A_1698, %dma_start3A_1709] : memref<2600000x32xf32, #tpu.memory_space<hbm>> -> memref<1x32xf32, #tpu.memory_space<hbm>>
        %dma_start3A_1711 = tpu.memref_squeeze %dma_start3A_1710 : memref<1x32xf32, #tpu.memory_space<hbm>> -> memref<32xf32, #tpu.memory_space<hbm>>
        %dma_start3A_1712 = arith.constant 0 : i32
        %dma_start3A_1713 = arith.constant 0 : i32
        %dma_start3A_1714 = tpu.memref_slice %arg6[%dma_start3A_1701, %dma_start3A_1712, %dma_start3A_1713] : memref<2x416x32xf32, #tpu.memory_space<vmem>> -> memref<1x416x32xf32, #tpu.memory_space<vmem>>
        %dma_start3A_1715 = tpu.memref_squeeze %dma_start3A_1714 : memref<1x416x32xf32, #tpu.memory_space<vmem>> -> memref<416x32xf32, #tpu.memory_space<vmem>>
        %dma_start3A_1716 = arith.constant 0 : i32
        %dma_start3A_1717 = tpu.memref_slice %dma_start3A_1715[%add3A_1700, %dma_start3A_1716] : memref<416x32xf32, #tpu.memory_space<vmem>> -> memref<1x32xf32, #tpu.memory_space<vmem>>
        %dma_start3A_1718 = tpu.memref_squeeze %dma_start3A_1717 : memref<1x32xf32, #tpu.memory_space<vmem>> -> memref<32xf32, #tpu.memory_space<vmem>>
        %dma_start3A_1719 = arith.constant 0 : i32
        %dma_start3A_1720 = tpu.memref_slice %arg3[%squeeze3A_1698, %dma_start3A_1719] : memref<2600000x32xf32, #tpu.memory_space<hbm>> -> memref<1x32xf32, #tpu.memory_space<hbm>>
        %dma_start3A_1721 = tpu.memref_squeeze %dma_start3A_1720 : memref<1x32xf32, #tpu.memory_space<hbm>> -> memref<32xf32, #tpu.memory_space<hbm>>
        tpu.enqueue_dma source(%dma_start3A_1721 : memref<32xf32, #tpu.memory_space<hbm>>) target(%dma_start3A_1718 : memref<32xf32, #tpu.memory_space<vmem>>) target_semaphore(%arg8 : memref<!tpu.dma_semaphore, #tpu.memory_space<semaphore_mem>>)
        %slice3A_1722 = vector.extract_strided_slice %get3A_1371 {offsets = [14], sizes = [1], strides = [1]} : vector<16xi32> to vector<1xi32>
        %squeeze3A_1723 = vector.extract %slice3A_1722[0] : i32 from vector<1xi32>
        %add3A_1724 = arith.constant 14 : i32
        %add3A_1725 = arith.addi %mul3A_1373, %add3A_1724 : i32
        %dma_start3A_1726 = arith.constant 1 : i32
        %dma_start3A_1727 = arith.constant 0 : i32
        %dma_start3A_1728 = arith.constant 0 : i32
        %dma_start3A_1729 = tpu.memref_slice %arg6[%dma_start3A_1726, %dma_start3A_1727, %dma_start3A_1728] : memref<2x416x32xf32, #tpu.memory_space<vmem>> -> memref<1x416x32xf32, #tpu.memory_space<vmem>>
        %dma_start3A_1730 = tpu.memref_squeeze %dma_start3A_1729 : memref<1x416x32xf32, #tpu.memory_space<vmem>> -> memref<416x32xf32, #tpu.memory_space<vmem>>
        %dma_start3A_1731 = arith.constant 0 : i32
        %dma_start3A_1732 = tpu.memref_slice %dma_start3A_1730[%add3A_1725, %dma_start3A_1731] : memref<416x32xf32, #tpu.memory_space<vmem>> -> memref<1x32xf32, #tpu.memory_space<vmem>>
        %dma_start3A_1733 = tpu.memref_squeeze %dma_start3A_1732 : memref<1x32xf32, #tpu.memory_space<vmem>> -> memref<32xf32, #tpu.memory_space<vmem>>
        %dma_start3A_1734 = arith.constant 0 : i32
        %dma_start3A_1735 = tpu.memref_slice %arg3[%squeeze3A_1723, %dma_start3A_1734] : memref<2600000x32xf32, #tpu.memory_space<hbm>> -> memref<1x32xf32, #tpu.memory_space<hbm>>
        %dma_start3A_1736 = tpu.memref_squeeze %dma_start3A_1735 : memref<1x32xf32, #tpu.memory_space<hbm>> -> memref<32xf32, #tpu.memory_space<hbm>>
        %dma_start3A_1737 = arith.constant 0 : i32
        %dma_start3A_1738 = arith.constant 0 : i32
        %dma_start3A_1739 = tpu.memref_slice %arg6[%dma_start3A_1726, %dma_start3A_1737, %dma_start3A_1738] : memref<2x416x32xf32, #tpu.memory_space<vmem>> -> memref<1x416x32xf32, #tpu.memory_space<vmem>>
        %dma_start3A_1740 = tpu.memref_squeeze %dma_start3A_1739 : memref<1x416x32xf32, #tpu.memory_space<vmem>> -> memref<416x32xf32, #tpu.memory_space<vmem>>
        %dma_start3A_1741 = arith.constant 0 : i32
        %dma_start3A_1742 = tpu.memref_slice %dma_start3A_1740[%add3A_1725, %dma_start3A_1741] : memref<416x32xf32, #tpu.memory_space<vmem>> -> memref<1x32xf32, #tpu.memory_space<vmem>>
        %dma_start3A_1743 = tpu.memref_squeeze %dma_start3A_1742 : memref<1x32xf32, #tpu.memory_space<vmem>> -> memref<32xf32, #tpu.memory_space<vmem>>
        %dma_start3A_1744 = arith.constant 0 : i32
        %dma_start3A_1745 = tpu.memref_slice %arg3[%squeeze3A_1723, %dma_start3A_1744] : memref<2600000x32xf32, #tpu.memory_space<hbm>> -> memref<1x32xf32, #tpu.memory_space<hbm>>
        %dma_start3A_1746 = tpu.memref_squeeze %dma_start3A_1745 : memref<1x32xf32, #tpu.memory_space<hbm>> -> memref<32xf32, #tpu.memory_space<hbm>>
        tpu.enqueue_dma source(%dma_start3A_1746 : memref<32xf32, #tpu.memory_space<hbm>>) target(%dma_start3A_1743 : memref<32xf32, #tpu.memory_space<vmem>>) target_semaphore(%arg8 : memref<!tpu.dma_semaphore, #tpu.memory_space<semaphore_mem>>)
        %slice3A_1747 = vector.extract_strided_slice %get3A_1371 {offsets = [15], sizes = [1], strides = [1]} : vector<16xi32> to vector<1xi32>
        %squeeze3A_1748 = vector.extract %slice3A_1747[0] : i32 from vector<1xi32>
        %add3A_1749 = arith.constant 15 : i32
        %add3A_1750 = arith.addi %mul3A_1373, %add3A_1749 : i32
        %dma_start3A_1751 = arith.constant 1 : i32
        %dma_start3A_1752 = arith.constant 0 : i32
        %dma_start3A_1753 = arith.constant 0 : i32
        %dma_start3A_1754 = tpu.memref_slice %arg6[%dma_start3A_1751, %dma_start3A_1752, %dma_start3A_1753] : memref<2x416x32xf32, #tpu.memory_space<vmem>> -> memref<1x416x32xf32, #tpu.memory_space<vmem>>
        %dma_start3A_1755 = tpu.memref_squeeze %dma_start3A_1754 : memref<1x416x32xf32, #tpu.memory_space<vmem>> -> memref<416x32xf32, #tpu.memory_space<vmem>>
        %dma_start3A_1756 = arith.constant 0 : i32
        %dma_start3A_1757 = tpu.memref_slice %dma_start3A_1755[%add3A_1750, %dma_start3A_1756] : memref<416x32xf32, #tpu.memory_space<vmem>> -> memref<1x32xf32, #tpu.memory_space<vmem>>
        %dma_start3A_1758 = tpu.memref_squeeze %dma_start3A_1757 : memref<1x32xf32, #tpu.memory_space<vmem>> -> memref<32xf32, #tpu.memory_space<vmem>>
        %dma_start3A_1759 = arith.constant 0 : i32
        %dma_start3A_1760 = tpu.memref_slice %arg3[%squeeze3A_1748, %dma_start3A_1759] : memref<2600000x32xf32, #tpu.memory_space<hbm>> -> memref<1x32xf32, #tpu.memory_space<hbm>>
        %dma_start3A_1761 = tpu.memref_squeeze %dma_start3A_1760 : memref<1x32xf32, #tpu.memory_space<hbm>> -> memref<32xf32, #tpu.memory_space<hbm>>
        %dma_start3A_1762 = arith.constant 0 : i32
        %dma_start3A_1763 = arith.constant 0 : i32
        %dma_start3A_1764 = tpu.memref_slice %arg6[%dma_start3A_1751, %dma_start3A_1762, %dma_start3A_1763] : memref<2x416x32xf32, #tpu.memory_space<vmem>> -> memref<1x416x32xf32, #tpu.memory_space<vmem>>
        %dma_start3A_1765 = tpu.memref_squeeze %dma_start3A_1764 : memref<1x416x32xf32, #tpu.memory_space<vmem>> -> memref<416x32xf32, #tpu.memory_space<vmem>>
        %dma_start3A_1766 = arith.constant 0 : i32
        %dma_start3A_1767 = tpu.memref_slice %dma_start3A_1765[%add3A_1750, %dma_start3A_1766] : memref<416x32xf32, #tpu.memory_space<vmem>> -> memref<1x32xf32, #tpu.memory_space<vmem>>
        %dma_start3A_1768 = tpu.memref_squeeze %dma_start3A_1767 : memref<1x32xf32, #tpu.memory_space<vmem>> -> memref<32xf32, #tpu.memory_space<vmem>>
        %dma_start3A_1769 = arith.constant 0 : i32
        %dma_start3A_1770 = tpu.memref_slice %arg3[%squeeze3A_1748, %dma_start3A_1769] : memref<2600000x32xf32, #tpu.memory_space<hbm>> -> memref<1x32xf32, #tpu.memory_space<hbm>>
        %dma_start3A_1771 = tpu.memref_squeeze %dma_start3A_1770 : memref<1x32xf32, #tpu.memory_space<hbm>> -> memref<32xf32, #tpu.memory_space<hbm>>
        tpu.enqueue_dma source(%dma_start3A_1771 : memref<32xf32, #tpu.memory_space<hbm>>) target(%dma_start3A_1768 : memref<32xf32, #tpu.memory_space<vmem>>) target_semaphore(%arg8 : memref<!tpu.dma_semaphore, #tpu.memory_space<semaphore_mem>>)
      }
      %scan3A_881 = arith.constant 26 : i32
      %mul3A_882 = arith.constant 2 : i32
      %mul3A_883 = arith.muli %scan3A_404, %mul3A_882 : i32
      %add3A_884 = arith.constant 1 : i32
      %add3A_885 = arith.addi %mul3A_883, %add3A_884 : i32
      %add3A_886 = arith.constant 1 : i32
      %add3A_887 = arith.addi %add3A_885, %add3A_886 : i32
      %rem3A_888 = arith.constant 32 : i32
      %rem3A_889 = arith.remsi %add3A_887, %rem3A_888 : i32
      %dma_wait3A_890 = arith.constant 1 : i32
      %dma_wait3A_891 = arith.constant 0 : i32
      %dma_wait3A_892 = arith.constant 0 : i32
      %dma_wait3A_893 = tpu.memref_slice %arg6[%dma_wait3A_890, %dma_wait3A_891, %dma_wait3A_892] : memref<2x416x32xf32, #tpu.memory_space<vmem>> -> memref<1x416x32xf32, #tpu.memory_space<vmem>>
      %dma_wait3A_894 = tpu.memref_squeeze %dma_wait3A_893 : memref<1x416x32xf32, #tpu.memory_space<vmem>> -> memref<416x32xf32, #tpu.memory_space<vmem>>
      %dma_wait3A_895 = arith.constant 0 : i32
      %dma_wait3A_896 = arith.constant 0 : i32
      %dma_wait3A_897 = tpu.memref_slice %arg3[%dma_wait3A_895, %dma_wait3A_896] : memref<2600000x32xf32, #tpu.memory_space<hbm>> -> memref<416x32xf32, #tpu.memory_space<hbm>>
      %dma_wait3A_898 = arith.constant 0 : i32
      %dma_wait3A_899 = arith.constant 0 : i32
      %dma_wait3A_900 = tpu.memref_slice %arg6[%dma_wait3A_890, %dma_wait3A_898, %dma_wait3A_899] : memref<2x416x32xf32, #tpu.memory_space<vmem>> -> memref<1x416x32xf32, #tpu.memory_space<vmem>>
      %dma_wait3A_901 = tpu.memref_squeeze %dma_wait3A_900 : memref<1x416x32xf32, #tpu.memory_space<vmem>> -> memref<416x32xf32, #tpu.memory_space<vmem>>
      %dma_wait3A_902 = arith.constant 0 : i32
      %dma_wait3A_903 = arith.constant 0 : i32
      %dma_wait3A_904 = tpu.memref_slice %arg3[%dma_wait3A_902, %dma_wait3A_903] : memref<2600000x32xf32, #tpu.memory_space<hbm>> -> memref<416x32xf32, #tpu.memory_space<hbm>>
      tpu.wait_dma2 semaphore(%arg8 : memref<!tpu.dma_semaphore, #tpu.memory_space<semaphore_mem>>) src(%dma_wait3A_904 : memref<416x32xf32, #tpu.memory_space<hbm>>) dst(%dma_wait3A_901 : memref<416x32xf32, #tpu.memory_space<vmem>>)
      %ge3A_905 = arith.constant 1 : i32
      %ge3A_906 = arith.cmpi sge, %add3A_885, %ge3A_905 : i32
      %convert_element_type3A_907 = arith.extui %ge3A_906 : i1 to i32
      %cond3A_908 = arith.constant 0 : i32
      %cond3A_909 = arith.cmpi ne, %convert_element_type3A_907, %cond3A_908 : i32
      scf.if %cond3A_909 {
        %dma_wait3A_1364 = arith.constant 0 : i32
        %dma_wait3A_1365 = arith.constant 0 : i32
        %dma_wait3A_1366 = arith.constant 0 : i32
        %dma_wait3A_1367 = tpu.memref_slice %arg6[%dma_wait3A_1364, %dma_wait3A_1365, %dma_wait3A_1366] : memref<2x416x32xf32, #tpu.memory_space<vmem>> -> memref<1x416x32xf32, #tpu.memory_space<vmem>>
        %dma_wait3A_1368 = tpu.memref_squeeze %dma_wait3A_1367 : memref<1x416x32xf32, #tpu.memory_space<vmem>> -> memref<416x32xf32, #tpu.memory_space<vmem>>
        %dma_wait3A_1369 = arith.constant 0 : i32
        %dma_wait3A_1370 = arith.constant 0 : i32
        %dma_wait3A_1371 = tpu.memref_slice %dma_wait3A_1368[%dma_wait3A_1369, %dma_wait3A_1370] : memref<416x32xf32, #tpu.memory_space<vmem>> -> memref<26x32xf32, #tpu.memory_space<vmem>>
        %dma_wait3A_1372 = arith.constant 0 : i32
        %dma_wait3A_1373 = arith.constant 0 : i32
        %dma_wait3A_1374 = tpu.memref_slice %arg4[%mul3A_4, %dma_wait3A_1372, %dma_wait3A_1373] : memref<16384x26x32xf32, #tpu.memory_space<hbm>> -> memref<1x26x32xf32, #tpu.memory_space<hbm>>
        %dma_wait3A_1375 = tpu.memref_squeeze %dma_wait3A_1374 : memref<1x26x32xf32, #tpu.memory_space<hbm>> -> memref<26x32xf32, #tpu.memory_space<hbm>>
        %dma_wait3A_1376 = arith.constant 0 : i32
        %dma_wait3A_1377 = arith.constant 0 : i32
        %dma_wait3A_1378 = tpu.memref_slice %arg4[%mul3A_4, %dma_wait3A_1376, %dma_wait3A_1377] : memref<16384x26x32xf32, #tpu.memory_space<hbm>> -> memref<1x26x32xf32, #tpu.memory_space<hbm>>
        %dma_wait3A_1379 = tpu.memref_squeeze %dma_wait3A_1378 : memref<1x26x32xf32, #tpu.memory_space<hbm>> -> memref<26x32xf32, #tpu.memory_space<hbm>>
        %dma_wait3A_1380 = arith.constant 0 : i32
        %dma_wait3A_1381 = arith.constant 0 : i32
        %dma_wait3A_1382 = tpu.memref_slice %arg6[%dma_wait3A_1364, %dma_wait3A_1380, %dma_wait3A_1381] : memref<2x416x32xf32, #tpu.memory_space<vmem>> -> memref<1x416x32xf32, #tpu.memory_space<vmem>>
        %dma_wait3A_1383 = tpu.memref_squeeze %dma_wait3A_1382 : memref<1x416x32xf32, #tpu.memory_space<vmem>> -> memref<416x32xf32, #tpu.memory_space<vmem>>
        %dma_wait3A_1384 = arith.constant 0 : i32
        %dma_wait3A_1385 = arith.constant 0 : i32
        %dma_wait3A_1386 = tpu.memref_slice %dma_wait3A_1383[%dma_wait3A_1384, %dma_wait3A_1385] : memref<416x32xf32, #tpu.memory_space<vmem>> -> memref<26x32xf32, #tpu.memory_space<vmem>>
        tpu.wait_dma2 semaphore(%arg9 : memref<!tpu.dma_semaphore, #tpu.memory_space<semaphore_mem>>) src(%dma_wait3A_1386 : memref<26x32xf32, #tpu.memory_space<vmem>>) dst(%dma_wait3A_1379 : memref<26x32xf32, #tpu.memory_space<hbm>>)
        %dma_wait3A_1387 = arith.constant 0 : i32
        %dma_wait3A_1388 = arith.constant 0 : i32
        %dma_wait3A_1389 = arith.constant 0 : i32
        %dma_wait3A_1390 = tpu.memref_slice %arg6[%dma_wait3A_1387, %dma_wait3A_1388, %dma_wait3A_1389] : memref<2x416x32xf32, #tpu.memory_space<vmem>> -> memref<1x416x32xf32, #tpu.memory_space<vmem>>
        %dma_wait3A_1391 = tpu.memref_squeeze %dma_wait3A_1390 : memref<1x416x32xf32, #tpu.memory_space<vmem>> -> memref<416x32xf32, #tpu.memory_space<vmem>>
        %dma_wait3A_1392 = arith.constant 26 : i32
        %dma_wait3A_1393 = arith.constant 0 : i32
        %dma_wait3A_1394 = tpu.memref_slice %dma_wait3A_1391[%dma_wait3A_1392, %dma_wait3A_1393] : memref<416x32xf32, #tpu.memory_space<vmem>> -> memref<26x32xf32, #tpu.memory_space<vmem>>
        %dma_wait3A_1395 = arith.constant 0 : i32
        %dma_wait3A_1396 = arith.constant 0 : i32
        %dma_wait3A_1397 = tpu.memref_slice %arg4[%mul3A_4, %dma_wait3A_1395, %dma_wait3A_1396] : memref<16384x26x32xf32, #tpu.memory_space<hbm>> -> memref<1x26x32xf32, #tpu.memory_space<hbm>>
        %dma_wait3A_1398 = tpu.memref_squeeze %dma_wait3A_1397 : memref<1x26x32xf32, #tpu.memory_space<hbm>> -> memref<26x32xf32, #tpu.memory_space<hbm>>
        %dma_wait3A_1399 = arith.constant 0 : i32
        %dma_wait3A_1400 = arith.constant 0 : i32
        %dma_wait3A_1401 = tpu.memref_slice %arg4[%mul3A_4, %dma_wait3A_1399, %dma_wait3A_1400] : memref<16384x26x32xf32, #tpu.memory_space<hbm>> -> memref<1x26x32xf32, #tpu.memory_space<hbm>>
        %dma_wait3A_1402 = tpu.memref_squeeze %dma_wait3A_1401 : memref<1x26x32xf32, #tpu.memory_space<hbm>> -> memref<26x32xf32, #tpu.memory_space<hbm>>
        %dma_wait3A_1403 = arith.constant 0 : i32
        %dma_wait3A_1404 = arith.constant 0 : i32
        %dma_wait3A_1405 = tpu.memref_slice %arg6[%dma_wait3A_1387, %dma_wait3A_1403, %dma_wait3A_1404] : memref<2x416x32xf32, #tpu.memory_space<vmem>> -> memref<1x416x32xf32, #tpu.memory_space<vmem>>
        %dma_wait3A_1406 = tpu.memref_squeeze %dma_wait3A_1405 : memref<1x416x32xf32, #tpu.memory_space<vmem>> -> memref<416x32xf32, #tpu.memory_space<vmem>>
        %dma_wait3A_1407 = arith.constant 26 : i32
        %dma_wait3A_1408 = arith.constant 0 : i32
        %dma_wait3A_1409 = tpu.memref_slice %dma_wait3A_1406[%dma_wait3A_1407, %dma_wait3A_1408] : memref<416x32xf32, #tpu.memory_space<vmem>> -> memref<26x32xf32, #tpu.memory_space<vmem>>
        tpu.wait_dma2 semaphore(%arg9 : memref<!tpu.dma_semaphore, #tpu.memory_space<semaphore_mem>>) src(%dma_wait3A_1409 : memref<26x32xf32, #tpu.memory_space<vmem>>) dst(%dma_wait3A_1402 : memref<26x32xf32, #tpu.memory_space<hbm>>)
        %dma_wait3A_1410 = arith.constant 0 : i32
        %dma_wait3A_1411 = arith.constant 0 : i32
        %dma_wait3A_1412 = arith.constant 0 : i32
        %dma_wait3A_1413 = tpu.memref_slice %arg6[%dma_wait3A_1410, %dma_wait3A_1411, %dma_wait3A_1412] : memref<2x416x32xf32, #tpu.memory_space<vmem>> -> memref<1x416x32xf32, #tpu.memory_space<vmem>>
        %dma_wait3A_1414 = tpu.memref_squeeze %dma_wait3A_1413 : memref<1x416x32xf32, #tpu.memory_space<vmem>> -> memref<416x32xf32, #tpu.memory_space<vmem>>
        %dma_wait3A_1415 = arith.constant 52 : i32
        %dma_wait3A_1416 = arith.constant 0 : i32
        %dma_wait3A_1417 = tpu.memref_slice %dma_wait3A_1414[%dma_wait3A_1415, %dma_wait3A_1416] : memref<416x32xf32, #tpu.memory_space<vmem>> -> memref<26x32xf32, #tpu.memory_space<vmem>>
        %dma_wait3A_1418 = arith.constant 0 : i32
        %dma_wait3A_1419 = arith.constant 0 : i32
        %dma_wait3A_1420 = tpu.memref_slice %arg4[%mul3A_4, %dma_wait3A_1418, %dma_wait3A_1419] : memref<16384x26x32xf32, #tpu.memory_space<hbm>> -> memref<1x26x32xf32, #tpu.memory_space<hbm>>
        %dma_wait3A_1421 = tpu.memref_squeeze %dma_wait3A_1420 : memref<1x26x32xf32, #tpu.memory_space<hbm>> -> memref<26x32xf32, #tpu.memory_space<hbm>>
        %dma_wait3A_1422 = arith.constant 0 : i32
        %dma_wait3A_1423 = arith.constant 0 : i32
        %dma_wait3A_1424 = tpu.memref_slice %arg4[%mul3A_4, %dma_wait3A_1422, %dma_wait3A_1423] : memref<16384x26x32xf32, #tpu.memory_space<hbm>> -> memref<1x26x32xf32, #tpu.memory_space<hbm>>
        %dma_wait3A_1425 = tpu.memref_squeeze %dma_wait3A_1424 : memref<1x26x32xf32, #tpu.memory_space<hbm>> -> memref<26x32xf32, #tpu.memory_space<hbm>>
        %dma_wait3A_1426 = arith.constant 0 : i32
        %dma_wait3A_1427 = arith.constant 0 : i32
        %dma_wait3A_1428 = tpu.memref_slice %arg6[%dma_wait3A_1410, %dma_wait3A_1426, %dma_wait3A_1427] : memref<2x416x32xf32, #tpu.memory_space<vmem>> -> memref<1x416x32xf32, #tpu.memory_space<vmem>>
        %dma_wait3A_1429 = tpu.memref_squeeze %dma_wait3A_1428 : memref<1x416x32xf32, #tpu.memory_space<vmem>> -> memref<416x32xf32, #tpu.memory_space<vmem>>
        %dma_wait3A_1430 = arith.constant 52 : i32
        %dma_wait3A_1431 = arith.constant 0 : i32
        %dma_wait3A_1432 = tpu.memref_slice %dma_wait3A_1429[%dma_wait3A_1430, %dma_wait3A_1431] : memref<416x32xf32, #tpu.memory_space<vmem>> -> memref<26x32xf32, #tpu.memory_space<vmem>>
        tpu.wait_dma2 semaphore(%arg9 : memref<!tpu.dma_semaphore, #tpu.memory_space<semaphore_mem>>) src(%dma_wait3A_1432 : memref<26x32xf32, #tpu.memory_space<vmem>>) dst(%dma_wait3A_1425 : memref<26x32xf32, #tpu.memory_space<hbm>>)
        %dma_wait3A_1433 = arith.constant 0 : i32
        %dma_wait3A_1434 = arith.constant 0 : i32
        %dma_wait3A_1435 = arith.constant 0 : i32
        %dma_wait3A_1436 = tpu.memref_slice %arg6[%dma_wait3A_1433, %dma_wait3A_1434, %dma_wait3A_1435] : memref<2x416x32xf32, #tpu.memory_space<vmem>> -> memref<1x416x32xf32, #tpu.memory_space<vmem>>
        %dma_wait3A_1437 = tpu.memref_squeeze %dma_wait3A_1436 : memref<1x416x32xf32, #tpu.memory_space<vmem>> -> memref<416x32xf32, #tpu.memory_space<vmem>>
        %dma_wait3A_1438 = arith.constant 78 : i32
        %dma_wait3A_1439 = arith.constant 0 : i32
        %dma_wait3A_1440 = tpu.memref_slice %dma_wait3A_1437[%dma_wait3A_1438, %dma_wait3A_1439] : memref<416x32xf32, #tpu.memory_space<vmem>> -> memref<26x32xf32, #tpu.memory_space<vmem>>
        %dma_wait3A_1441 = arith.constant 0 : i32
        %dma_wait3A_1442 = arith.constant 0 : i32
        %dma_wait3A_1443 = tpu.memref_slice %arg4[%mul3A_4, %dma_wait3A_1441, %dma_wait3A_1442] : memref<16384x26x32xf32, #tpu.memory_space<hbm>> -> memref<1x26x32xf32, #tpu.memory_space<hbm>>
        %dma_wait3A_1444 = tpu.memref_squeeze %dma_wait3A_1443 : memref<1x26x32xf32, #tpu.memory_space<hbm>> -> memref<26x32xf32, #tpu.memory_space<hbm>>
        %dma_wait3A_1445 = arith.constant 0 : i32
        %dma_wait3A_1446 = arith.constant 0 : i32
        %dma_wait3A_1447 = tpu.memref_slice %arg4[%mul3A_4, %dma_wait3A_1445, %dma_wait3A_1446] : memref<16384x26x32xf32, #tpu.memory_space<hbm>> -> memref<1x26x32xf32, #tpu.memory_space<hbm>>
        %dma_wait3A_1448 = tpu.memref_squeeze %dma_wait3A_1447 : memref<1x26x32xf32, #tpu.memory_space<hbm>> -> memref<26x32xf32, #tpu.memory_space<hbm>>
        %dma_wait3A_1449 = arith.constant 0 : i32
        %dma_wait3A_1450 = arith.constant 0 : i32
        %dma_wait3A_1451 = tpu.memref_slice %arg6[%dma_wait3A_1433, %dma_wait3A_1449, %dma_wait3A_1450] : memref<2x416x32xf32, #tpu.memory_space<vmem>> -> memref<1x416x32xf32, #tpu.memory_space<vmem>>
        %dma_wait3A_1452 = tpu.memref_squeeze %dma_wait3A_1451 : memref<1x416x32xf32, #tpu.memory_space<vmem>> -> memref<416x32xf32, #tpu.memory_space<vmem>>
        %dma_wait3A_1453 = arith.constant 78 : i32
        %dma_wait3A_1454 = arith.constant 0 : i32
        %dma_wait3A_1455 = tpu.memref_slice %dma_wait3A_1452[%dma_wait3A_1453, %dma_wait3A_1454] : memref<416x32xf32, #tpu.memory_space<vmem>> -> memref<26x32xf32, #tpu.memory_space<vmem>>
        tpu.wait_dma2 semaphore(%arg9 : memref<!tpu.dma_semaphore, #tpu.memory_space<semaphore_mem>>) src(%dma_wait3A_1455 : memref<26x32xf32, #tpu.memory_space<vmem>>) dst(%dma_wait3A_1448 : memref<26x32xf32, #tpu.memory_space<hbm>>)
        %dma_wait3A_1456 = arith.constant 0 : i32
        %dma_wait3A_1457 = arith.constant 0 : i32
        %dma_wait3A_1458 = arith.constant 0 : i32
        %dma_wait3A_1459 = tpu.memref_slice %arg6[%dma_wait3A_1456, %dma_wait3A_1457, %dma_wait3A_1458] : memref<2x416x32xf32, #tpu.memory_space<vmem>> -> memref<1x416x32xf32, #tpu.memory_space<vmem>>
        %dma_wait3A_1460 = tpu.memref_squeeze %dma_wait3A_1459 : memref<1x416x32xf32, #tpu.memory_space<vmem>> -> memref<416x32xf32, #tpu.memory_space<vmem>>
        %dma_wait3A_1461 = arith.constant 104 : i32
        %dma_wait3A_1462 = arith.constant 0 : i32
        %dma_wait3A_1463 = tpu.memref_slice %dma_wait3A_1460[%dma_wait3A_1461, %dma_wait3A_1462] : memref<416x32xf32, #tpu.memory_space<vmem>> -> memref<26x32xf32, #tpu.memory_space<vmem>>
        %dma_wait3A_1464 = arith.constant 0 : i32
        %dma_wait3A_1465 = arith.constant 0 : i32
        %dma_wait3A_1466 = tpu.memref_slice %arg4[%mul3A_4, %dma_wait3A_1464, %dma_wait3A_1465] : memref<16384x26x32xf32, #tpu.memory_space<hbm>> -> memref<1x26x32xf32, #tpu.memory_space<hbm>>
        %dma_wait3A_1467 = tpu.memref_squeeze %dma_wait3A_1466 : memref<1x26x32xf32, #tpu.memory_space<hbm>> -> memref<26x32xf32, #tpu.memory_space<hbm>>
        %dma_wait3A_1468 = arith.constant 0 : i32
        %dma_wait3A_1469 = arith.constant 0 : i32
        %dma_wait3A_1470 = tpu.memref_slice %arg4[%mul3A_4, %dma_wait3A_1468, %dma_wait3A_1469] : memref<16384x26x32xf32, #tpu.memory_space<hbm>> -> memref<1x26x32xf32, #tpu.memory_space<hbm>>
        %dma_wait3A_1471 = tpu.memref_squeeze %dma_wait3A_1470 : memref<1x26x32xf32, #tpu.memory_space<hbm>> -> memref<26x32xf32, #tpu.memory_space<hbm>>
        %dma_wait3A_1472 = arith.constant 0 : i32
        %dma_wait3A_1473 = arith.constant 0 : i32
        %dma_wait3A_1474 = tpu.memref_slice %arg6[%dma_wait3A_1456, %dma_wait3A_1472, %dma_wait3A_1473] : memref<2x416x32xf32, #tpu.memory_space<vmem>> -> memref<1x416x32xf32, #tpu.memory_space<vmem>>
        %dma_wait3A_1475 = tpu.memref_squeeze %dma_wait3A_1474 : memref<1x416x32xf32, #tpu.memory_space<vmem>> -> memref<416x32xf32, #tpu.memory_space<vmem>>
        %dma_wait3A_1476 = arith.constant 104 : i32
        %dma_wait3A_1477 = arith.constant 0 : i32
        %dma_wait3A_1478 = tpu.memref_slice %dma_wait3A_1475[%dma_wait3A_1476, %dma_wait3A_1477] : memref<416x32xf32, #tpu.memory_space<vmem>> -> memref<26x32xf32, #tpu.memory_space<vmem>>
        tpu.wait_dma2 semaphore(%arg9 : memref<!tpu.dma_semaphore, #tpu.memory_space<semaphore_mem>>) src(%dma_wait3A_1478 : memref<26x32xf32, #tpu.memory_space<vmem>>) dst(%dma_wait3A_1471 : memref<26x32xf32, #tpu.memory_space<hbm>>)
        %dma_wait3A_1479 = arith.constant 0 : i32
        %dma_wait3A_1480 = arith.constant 0 : i32
        %dma_wait3A_1481 = arith.constant 0 : i32
        %dma_wait3A_1482 = tpu.memref_slice %arg6[%dma_wait3A_1479, %dma_wait3A_1480, %dma_wait3A_1481] : memref<2x416x32xf32, #tpu.memory_space<vmem>> -> memref<1x416x32xf32, #tpu.memory_space<vmem>>
        %dma_wait3A_1483 = tpu.memref_squeeze %dma_wait3A_1482 : memref<1x416x32xf32, #tpu.memory_space<vmem>> -> memref<416x32xf32, #tpu.memory_space<vmem>>
        %dma_wait3A_1484 = arith.constant 130 : i32
        %dma_wait3A_1485 = arith.constant 0 : i32
        %dma_wait3A_1486 = tpu.memref_slice %dma_wait3A_1483[%dma_wait3A_1484, %dma_wait3A_1485] : memref<416x32xf32, #tpu.memory_space<vmem>> -> memref<26x32xf32, #tpu.memory_space<vmem>>
        %dma_wait3A_1487 = arith.constant 0 : i32
        %dma_wait3A_1488 = arith.constant 0 : i32
        %dma_wait3A_1489 = tpu.memref_slice %arg4[%mul3A_4, %dma_wait3A_1487, %dma_wait3A_1488] : memref<16384x26x32xf32, #tpu.memory_space<hbm>> -> memref<1x26x32xf32, #tpu.memory_space<hbm>>
        %dma_wait3A_1490 = tpu.memref_squeeze %dma_wait3A_1489 : memref<1x26x32xf32, #tpu.memory_space<hbm>> -> memref<26x32xf32, #tpu.memory_space<hbm>>
        %dma_wait3A_1491 = arith.constant 0 : i32
        %dma_wait3A_1492 = arith.constant 0 : i32
        %dma_wait3A_1493 = tpu.memref_slice %arg4[%mul3A_4, %dma_wait3A_1491, %dma_wait3A_1492] : memref<16384x26x32xf32, #tpu.memory_space<hbm>> -> memref<1x26x32xf32, #tpu.memory_space<hbm>>
        %dma_wait3A_1494 = tpu.memref_squeeze %dma_wait3A_1493 : memref<1x26x32xf32, #tpu.memory_space<hbm>> -> memref<26x32xf32, #tpu.memory_space<hbm>>
        %dma_wait3A_1495 = arith.constant 0 : i32
        %dma_wait3A_1496 = arith.constant 0 : i32
        %dma_wait3A_1497 = tpu.memref_slice %arg6[%dma_wait3A_1479, %dma_wait3A_1495, %dma_wait3A_1496] : memref<2x416x32xf32, #tpu.memory_space<vmem>> -> memref<1x416x32xf32, #tpu.memory_space<vmem>>
        %dma_wait3A_1498 = tpu.memref_squeeze %dma_wait3A_1497 : memref<1x416x32xf32, #tpu.memory_space<vmem>> -> memref<416x32xf32, #tpu.memory_space<vmem>>
        %dma_wait3A_1499 = arith.constant 130 : i32
        %dma_wait3A_1500 = arith.constant 0 : i32
        %dma_wait3A_1501 = tpu.memref_slice %dma_wait3A_1498[%dma_wait3A_1499, %dma_wait3A_1500] : memref<416x32xf32, #tpu.memory_space<vmem>> -> memref<26x32xf32, #tpu.memory_space<vmem>>
        tpu.wait_dma2 semaphore(%arg9 : memref<!tpu.dma_semaphore, #tpu.memory_space<semaphore_mem>>) src(%dma_wait3A_1501 : memref<26x32xf32, #tpu.memory_space<vmem>>) dst(%dma_wait3A_1494 : memref<26x32xf32, #tpu.memory_space<hbm>>)
        %dma_wait3A_1502 = arith.constant 0 : i32
        %dma_wait3A_1503 = arith.constant 0 : i32
        %dma_wait3A_1504 = arith.constant 0 : i32
        %dma_wait3A_1505 = tpu.memref_slice %arg6[%dma_wait3A_1502, %dma_wait3A_1503, %dma_wait3A_1504] : memref<2x416x32xf32, #tpu.memory_space<vmem>> -> memref<1x416x32xf32, #tpu.memory_space<vmem>>
        %dma_wait3A_1506 = tpu.memref_squeeze %dma_wait3A_1505 : memref<1x416x32xf32, #tpu.memory_space<vmem>> -> memref<416x32xf32, #tpu.memory_space<vmem>>
        %dma_wait3A_1507 = arith.constant 156 : i32
        %dma_wait3A_1508 = arith.constant 0 : i32
        %dma_wait3A_1509 = tpu.memref_slice %dma_wait3A_1506[%dma_wait3A_1507, %dma_wait3A_1508] : memref<416x32xf32, #tpu.memory_space<vmem>> -> memref<26x32xf32, #tpu.memory_space<vmem>>
        %dma_wait3A_1510 = arith.constant 0 : i32
        %dma_wait3A_1511 = arith.constant 0 : i32
        %dma_wait3A_1512 = tpu.memref_slice %arg4[%mul3A_4, %dma_wait3A_1510, %dma_wait3A_1511] : memref<16384x26x32xf32, #tpu.memory_space<hbm>> -> memref<1x26x32xf32, #tpu.memory_space<hbm>>
        %dma_wait3A_1513 = tpu.memref_squeeze %dma_wait3A_1512 : memref<1x26x32xf32, #tpu.memory_space<hbm>> -> memref<26x32xf32, #tpu.memory_space<hbm>>
        %dma_wait3A_1514 = arith.constant 0 : i32
        %dma_wait3A_1515 = arith.constant 0 : i32
        %dma_wait3A_1516 = tpu.memref_slice %arg4[%mul3A_4, %dma_wait3A_1514, %dma_wait3A_1515] : memref<16384x26x32xf32, #tpu.memory_space<hbm>> -> memref<1x26x32xf32, #tpu.memory_space<hbm>>
        %dma_wait3A_1517 = tpu.memref_squeeze %dma_wait3A_1516 : memref<1x26x32xf32, #tpu.memory_space<hbm>> -> memref<26x32xf32, #tpu.memory_space<hbm>>
        %dma_wait3A_1518 = arith.constant 0 : i32
        %dma_wait3A_1519 = arith.constant 0 : i32
        %dma_wait3A_1520 = tpu.memref_slice %arg6[%dma_wait3A_1502, %dma_wait3A_1518, %dma_wait3A_1519] : memref<2x416x32xf32, #tpu.memory_space<vmem>> -> memref<1x416x32xf32, #tpu.memory_space<vmem>>
        %dma_wait3A_1521 = tpu.memref_squeeze %dma_wait3A_1520 : memref<1x416x32xf32, #tpu.memory_space<vmem>> -> memref<416x32xf32, #tpu.memory_space<vmem>>
        %dma_wait3A_1522 = arith.constant 156 : i32
        %dma_wait3A_1523 = arith.constant 0 : i32
        %dma_wait3A_1524 = tpu.memref_slice %dma_wait3A_1521[%dma_wait3A_1522, %dma_wait3A_1523] : memref<416x32xf32, #tpu.memory_space<vmem>> -> memref<26x32xf32, #tpu.memory_space<vmem>>
        tpu.wait_dma2 semaphore(%arg9 : memref<!tpu.dma_semaphore, #tpu.memory_space<semaphore_mem>>) src(%dma_wait3A_1524 : memref<26x32xf32, #tpu.memory_space<vmem>>) dst(%dma_wait3A_1517 : memref<26x32xf32, #tpu.memory_space<hbm>>)
        %dma_wait3A_1525 = arith.constant 0 : i32
        %dma_wait3A_1526 = arith.constant 0 : i32
        %dma_wait3A_1527 = arith.constant 0 : i32
        %dma_wait3A_1528 = tpu.memref_slice %arg6[%dma_wait3A_1525, %dma_wait3A_1526, %dma_wait3A_1527] : memref<2x416x32xf32, #tpu.memory_space<vmem>> -> memref<1x416x32xf32, #tpu.memory_space<vmem>>
        %dma_wait3A_1529 = tpu.memref_squeeze %dma_wait3A_1528 : memref<1x416x32xf32, #tpu.memory_space<vmem>> -> memref<416x32xf32, #tpu.memory_space<vmem>>
        %dma_wait3A_1530 = arith.constant 182 : i32
        %dma_wait3A_1531 = arith.constant 0 : i32
        %dma_wait3A_1532 = tpu.memref_slice %dma_wait3A_1529[%dma_wait3A_1530, %dma_wait3A_1531] : memref<416x32xf32, #tpu.memory_space<vmem>> -> memref<26x32xf32, #tpu.memory_space<vmem>>
        %dma_wait3A_1533 = arith.constant 0 : i32
        %dma_wait3A_1534 = arith.constant 0 : i32
        %dma_wait3A_1535 = tpu.memref_slice %arg4[%mul3A_4, %dma_wait3A_1533, %dma_wait3A_1534] : memref<16384x26x32xf32, #tpu.memory_space<hbm>> -> memref<1x26x32xf32, #tpu.memory_space<hbm>>
        %dma_wait3A_1536 = tpu.memref_squeeze %dma_wait3A_1535 : memref<1x26x32xf32, #tpu.memory_space<hbm>> -> memref<26x32xf32, #tpu.memory_space<hbm>>
        %dma_wait3A_1537 = arith.constant 0 : i32
        %dma_wait3A_1538 = arith.constant 0 : i32
        %dma_wait3A_1539 = tpu.memref_slice %arg4[%mul3A_4, %dma_wait3A_1537, %dma_wait3A_1538] : memref<16384x26x32xf32, #tpu.memory_space<hbm>> -> memref<1x26x32xf32, #tpu.memory_space<hbm>>
        %dma_wait3A_1540 = tpu.memref_squeeze %dma_wait3A_1539 : memref<1x26x32xf32, #tpu.memory_space<hbm>> -> memref<26x32xf32, #tpu.memory_space<hbm>>
        %dma_wait3A_1541 = arith.constant 0 : i32
        %dma_wait3A_1542 = arith.constant 0 : i32
        %dma_wait3A_1543 = tpu.memref_slice %arg6[%dma_wait3A_1525, %dma_wait3A_1541, %dma_wait3A_1542] : memref<2x416x32xf32, #tpu.memory_space<vmem>> -> memref<1x416x32xf32, #tpu.memory_space<vmem>>
        %dma_wait3A_1544 = tpu.memref_squeeze %dma_wait3A_1543 : memref<1x416x32xf32, #tpu.memory_space<vmem>> -> memref<416x32xf32, #tpu.memory_space<vmem>>
        %dma_wait3A_1545 = arith.constant 182 : i32
        %dma_wait3A_1546 = arith.constant 0 : i32
        %dma_wait3A_1547 = tpu.memref_slice %dma_wait3A_1544[%dma_wait3A_1545, %dma_wait3A_1546] : memref<416x32xf32, #tpu.memory_space<vmem>> -> memref<26x32xf32, #tpu.memory_space<vmem>>
        tpu.wait_dma2 semaphore(%arg9 : memref<!tpu.dma_semaphore, #tpu.memory_space<semaphore_mem>>) src(%dma_wait3A_1547 : memref<26x32xf32, #tpu.memory_space<vmem>>) dst(%dma_wait3A_1540 : memref<26x32xf32, #tpu.memory_space<hbm>>)
        %dma_wait3A_1548 = arith.constant 0 : i32
        %dma_wait3A_1549 = arith.constant 0 : i32
        %dma_wait3A_1550 = arith.constant 0 : i32
        %dma_wait3A_1551 = tpu.memref_slice %arg6[%dma_wait3A_1548, %dma_wait3A_1549, %dma_wait3A_1550] : memref<2x416x32xf32, #tpu.memory_space<vmem>> -> memref<1x416x32xf32, #tpu.memory_space<vmem>>
        %dma_wait3A_1552 = tpu.memref_squeeze %dma_wait3A_1551 : memref<1x416x32xf32, #tpu.memory_space<vmem>> -> memref<416x32xf32, #tpu.memory_space<vmem>>
        %dma_wait3A_1553 = arith.constant 208 : i32
        %dma_wait3A_1554 = arith.constant 0 : i32
        %dma_wait3A_1555 = tpu.memref_slice %dma_wait3A_1552[%dma_wait3A_1553, %dma_wait3A_1554] : memref<416x32xf32, #tpu.memory_space<vmem>> -> memref<26x32xf32, #tpu.memory_space<vmem>>
        %dma_wait3A_1556 = arith.constant 0 : i32
        %dma_wait3A_1557 = arith.constant 0 : i32
        %dma_wait3A_1558 = tpu.memref_slice %arg4[%mul3A_4, %dma_wait3A_1556, %dma_wait3A_1557] : memref<16384x26x32xf32, #tpu.memory_space<hbm>> -> memref<1x26x32xf32, #tpu.memory_space<hbm>>
        %dma_wait3A_1559 = tpu.memref_squeeze %dma_wait3A_1558 : memref<1x26x32xf32, #tpu.memory_space<hbm>> -> memref<26x32xf32, #tpu.memory_space<hbm>>
        %dma_wait3A_1560 = arith.constant 0 : i32
        %dma_wait3A_1561 = arith.constant 0 : i32
        %dma_wait3A_1562 = tpu.memref_slice %arg4[%mul3A_4, %dma_wait3A_1560, %dma_wait3A_1561] : memref<16384x26x32xf32, #tpu.memory_space<hbm>> -> memref<1x26x32xf32, #tpu.memory_space<hbm>>
        %dma_wait3A_1563 = tpu.memref_squeeze %dma_wait3A_1562 : memref<1x26x32xf32, #tpu.memory_space<hbm>> -> memref<26x32xf32, #tpu.memory_space<hbm>>
        %dma_wait3A_1564 = arith.constant 0 : i32
        %dma_wait3A_1565 = arith.constant 0 : i32
        %dma_wait3A_1566 = tpu.memref_slice %arg6[%dma_wait3A_1548, %dma_wait3A_1564, %dma_wait3A_1565] : memref<2x416x32xf32, #tpu.memory_space<vmem>> -> memref<1x416x32xf32, #tpu.memory_space<vmem>>
        %dma_wait3A_1567 = tpu.memref_squeeze %dma_wait3A_1566 : memref<1x416x32xf32, #tpu.memory_space<vmem>> -> memref<416x32xf32, #tpu.memory_space<vmem>>
        %dma_wait3A_1568 = arith.constant 208 : i32
        %dma_wait3A_1569 = arith.constant 0 : i32
        %dma_wait3A_1570 = tpu.memref_slice %dma_wait3A_1567[%dma_wait3A_1568, %dma_wait3A_1569] : memref<416x32xf32, #tpu.memory_space<vmem>> -> memref<26x32xf32, #tpu.memory_space<vmem>>
        tpu.wait_dma2 semaphore(%arg9 : memref<!tpu.dma_semaphore, #tpu.memory_space<semaphore_mem>>) src(%dma_wait3A_1570 : memref<26x32xf32, #tpu.memory_space<vmem>>) dst(%dma_wait3A_1563 : memref<26x32xf32, #tpu.memory_space<hbm>>)
        %dma_wait3A_1571 = arith.constant 0 : i32
        %dma_wait3A_1572 = arith.constant 0 : i32
        %dma_wait3A_1573 = arith.constant 0 : i32
        %dma_wait3A_1574 = tpu.memref_slice %arg6[%dma_wait3A_1571, %dma_wait3A_1572, %dma_wait3A_1573] : memref<2x416x32xf32, #tpu.memory_space<vmem>> -> memref<1x416x32xf32, #tpu.memory_space<vmem>>
        %dma_wait3A_1575 = tpu.memref_squeeze %dma_wait3A_1574 : memref<1x416x32xf32, #tpu.memory_space<vmem>> -> memref<416x32xf32, #tpu.memory_space<vmem>>
        %dma_wait3A_1576 = arith.constant 234 : i32
        %dma_wait3A_1577 = arith.constant 0 : i32
        %dma_wait3A_1578 = tpu.memref_slice %dma_wait3A_1575[%dma_wait3A_1576, %dma_wait3A_1577] : memref<416x32xf32, #tpu.memory_space<vmem>> -> memref<26x32xf32, #tpu.memory_space<vmem>>
        %dma_wait3A_1579 = arith.constant 0 : i32
        %dma_wait3A_1580 = arith.constant 0 : i32
        %dma_wait3A_1581 = tpu.memref_slice %arg4[%mul3A_4, %dma_wait3A_1579, %dma_wait3A_1580] : memref<16384x26x32xf32, #tpu.memory_space<hbm>> -> memref<1x26x32xf32, #tpu.memory_space<hbm>>
        %dma_wait3A_1582 = tpu.memref_squeeze %dma_wait3A_1581 : memref<1x26x32xf32, #tpu.memory_space<hbm>> -> memref<26x32xf32, #tpu.memory_space<hbm>>
        %dma_wait3A_1583 = arith.constant 0 : i32
        %dma_wait3A_1584 = arith.constant 0 : i32
        %dma_wait3A_1585 = tpu.memref_slice %arg4[%mul3A_4, %dma_wait3A_1583, %dma_wait3A_1584] : memref<16384x26x32xf32, #tpu.memory_space<hbm>> -> memref<1x26x32xf32, #tpu.memory_space<hbm>>
        %dma_wait3A_1586 = tpu.memref_squeeze %dma_wait3A_1585 : memref<1x26x32xf32, #tpu.memory_space<hbm>> -> memref<26x32xf32, #tpu.memory_space<hbm>>
        %dma_wait3A_1587 = arith.constant 0 : i32
        %dma_wait3A_1588 = arith.constant 0 : i32
        %dma_wait3A_1589 = tpu.memref_slice %arg6[%dma_wait3A_1571, %dma_wait3A_1587, %dma_wait3A_1588] : memref<2x416x32xf32, #tpu.memory_space<vmem>> -> memref<1x416x32xf32, #tpu.memory_space<vmem>>
        %dma_wait3A_1590 = tpu.memref_squeeze %dma_wait3A_1589 : memref<1x416x32xf32, #tpu.memory_space<vmem>> -> memref<416x32xf32, #tpu.memory_space<vmem>>
        %dma_wait3A_1591 = arith.constant 234 : i32
        %dma_wait3A_1592 = arith.constant 0 : i32
        %dma_wait3A_1593 = tpu.memref_slice %dma_wait3A_1590[%dma_wait3A_1591, %dma_wait3A_1592] : memref<416x32xf32, #tpu.memory_space<vmem>> -> memref<26x32xf32, #tpu.memory_space<vmem>>
        tpu.wait_dma2 semaphore(%arg9 : memref<!tpu.dma_semaphore, #tpu.memory_space<semaphore_mem>>) src(%dma_wait3A_1593 : memref<26x32xf32, #tpu.memory_space<vmem>>) dst(%dma_wait3A_1586 : memref<26x32xf32, #tpu.memory_space<hbm>>)
        %dma_wait3A_1594 = arith.constant 0 : i32
        %dma_wait3A_1595 = arith.constant 0 : i32
        %dma_wait3A_1596 = arith.constant 0 : i32
        %dma_wait3A_1597 = tpu.memref_slice %arg6[%dma_wait3A_1594, %dma_wait3A_1595, %dma_wait3A_1596] : memref<2x416x32xf32, #tpu.memory_space<vmem>> -> memref<1x416x32xf32, #tpu.memory_space<vmem>>
        %dma_wait3A_1598 = tpu.memref_squeeze %dma_wait3A_1597 : memref<1x416x32xf32, #tpu.memory_space<vmem>> -> memref<416x32xf32, #tpu.memory_space<vmem>>
        %dma_wait3A_1599 = arith.constant 260 : i32
        %dma_wait3A_1600 = arith.constant 0 : i32
        %dma_wait3A_1601 = tpu.memref_slice %dma_wait3A_1598[%dma_wait3A_1599, %dma_wait3A_1600] : memref<416x32xf32, #tpu.memory_space<vmem>> -> memref<26x32xf32, #tpu.memory_space<vmem>>
        %dma_wait3A_1602 = arith.constant 0 : i32
        %dma_wait3A_1603 = arith.constant 0 : i32
        %dma_wait3A_1604 = tpu.memref_slice %arg4[%mul3A_4, %dma_wait3A_1602, %dma_wait3A_1603] : memref<16384x26x32xf32, #tpu.memory_space<hbm>> -> memref<1x26x32xf32, #tpu.memory_space<hbm>>
        %dma_wait3A_1605 = tpu.memref_squeeze %dma_wait3A_1604 : memref<1x26x32xf32, #tpu.memory_space<hbm>> -> memref<26x32xf32, #tpu.memory_space<hbm>>
        %dma_wait3A_1606 = arith.constant 0 : i32
        %dma_wait3A_1607 = arith.constant 0 : i32
        %dma_wait3A_1608 = tpu.memref_slice %arg4[%mul3A_4, %dma_wait3A_1606, %dma_wait3A_1607] : memref<16384x26x32xf32, #tpu.memory_space<hbm>> -> memref<1x26x32xf32, #tpu.memory_space<hbm>>
        %dma_wait3A_1609 = tpu.memref_squeeze %dma_wait3A_1608 : memref<1x26x32xf32, #tpu.memory_space<hbm>> -> memref<26x32xf32, #tpu.memory_space<hbm>>
        %dma_wait3A_1610 = arith.constant 0 : i32
        %dma_wait3A_1611 = arith.constant 0 : i32
        %dma_wait3A_1612 = tpu.memref_slice %arg6[%dma_wait3A_1594, %dma_wait3A_1610, %dma_wait3A_1611] : memref<2x416x32xf32, #tpu.memory_space<vmem>> -> memref<1x416x32xf32, #tpu.memory_space<vmem>>
        %dma_wait3A_1613 = tpu.memref_squeeze %dma_wait3A_1612 : memref<1x416x32xf32, #tpu.memory_space<vmem>> -> memref<416x32xf32, #tpu.memory_space<vmem>>
        %dma_wait3A_1614 = arith.constant 260 : i32
        %dma_wait3A_1615 = arith.constant 0 : i32
        %dma_wait3A_1616 = tpu.memref_slice %dma_wait3A_1613[%dma_wait3A_1614, %dma_wait3A_1615] : memref<416x32xf32, #tpu.memory_space<vmem>> -> memref<26x32xf32, #tpu.memory_space<vmem>>
        tpu.wait_dma2 semaphore(%arg9 : memref<!tpu.dma_semaphore, #tpu.memory_space<semaphore_mem>>) src(%dma_wait3A_1616 : memref<26x32xf32, #tpu.memory_space<vmem>>) dst(%dma_wait3A_1609 : memref<26x32xf32, #tpu.memory_space<hbm>>)
        %dma_wait3A_1617 = arith.constant 0 : i32
        %dma_wait3A_1618 = arith.constant 0 : i32
        %dma_wait3A_1619 = arith.constant 0 : i32
        %dma_wait3A_1620 = tpu.memref_slice %arg6[%dma_wait3A_1617, %dma_wait3A_1618, %dma_wait3A_1619] : memref<2x416x32xf32, #tpu.memory_space<vmem>> -> memref<1x416x32xf32, #tpu.memory_space<vmem>>
        %dma_wait3A_1621 = tpu.memref_squeeze %dma_wait3A_1620 : memref<1x416x32xf32, #tpu.memory_space<vmem>> -> memref<416x32xf32, #tpu.memory_space<vmem>>
        %dma_wait3A_1622 = arith.constant 286 : i32
        %dma_wait3A_1623 = arith.constant 0 : i32
        %dma_wait3A_1624 = tpu.memref_slice %dma_wait3A_1621[%dma_wait3A_1622, %dma_wait3A_1623] : memref<416x32xf32, #tpu.memory_space<vmem>> -> memref<26x32xf32, #tpu.memory_space<vmem>>
        %dma_wait3A_1625 = arith.constant 0 : i32
        %dma_wait3A_1626 = arith.constant 0 : i32
        %dma_wait3A_1627 = tpu.memref_slice %arg4[%mul3A_4, %dma_wait3A_1625, %dma_wait3A_1626] : memref<16384x26x32xf32, #tpu.memory_space<hbm>> -> memref<1x26x32xf32, #tpu.memory_space<hbm>>
        %dma_wait3A_1628 = tpu.memref_squeeze %dma_wait3A_1627 : memref<1x26x32xf32, #tpu.memory_space<hbm>> -> memref<26x32xf32, #tpu.memory_space<hbm>>
        %dma_wait3A_1629 = arith.constant 0 : i32
        %dma_wait3A_1630 = arith.constant 0 : i32
        %dma_wait3A_1631 = tpu.memref_slice %arg4[%mul3A_4, %dma_wait3A_1629, %dma_wait3A_1630] : memref<16384x26x32xf32, #tpu.memory_space<hbm>> -> memref<1x26x32xf32, #tpu.memory_space<hbm>>
        %dma_wait3A_1632 = tpu.memref_squeeze %dma_wait3A_1631 : memref<1x26x32xf32, #tpu.memory_space<hbm>> -> memref<26x32xf32, #tpu.memory_space<hbm>>
        %dma_wait3A_1633 = arith.constant 0 : i32
        %dma_wait3A_1634 = arith.constant 0 : i32
        %dma_wait3A_1635 = tpu.memref_slice %arg6[%dma_wait3A_1617, %dma_wait3A_1633, %dma_wait3A_1634] : memref<2x416x32xf32, #tpu.memory_space<vmem>> -> memref<1x416x32xf32, #tpu.memory_space<vmem>>
        %dma_wait3A_1636 = tpu.memref_squeeze %dma_wait3A_1635 : memref<1x416x32xf32, #tpu.memory_space<vmem>> -> memref<416x32xf32, #tpu.memory_space<vmem>>
        %dma_wait3A_1637 = arith.constant 286 : i32
        %dma_wait3A_1638 = arith.constant 0 : i32
        %dma_wait3A_1639 = tpu.memref_slice %dma_wait3A_1636[%dma_wait3A_1637, %dma_wait3A_1638] : memref<416x32xf32, #tpu.memory_space<vmem>> -> memref<26x32xf32, #tpu.memory_space<vmem>>
        tpu.wait_dma2 semaphore(%arg9 : memref<!tpu.dma_semaphore, #tpu.memory_space<semaphore_mem>>) src(%dma_wait3A_1639 : memref<26x32xf32, #tpu.memory_space<vmem>>) dst(%dma_wait3A_1632 : memref<26x32xf32, #tpu.memory_space<hbm>>)
        %dma_wait3A_1640 = arith.constant 0 : i32
        %dma_wait3A_1641 = arith.constant 0 : i32
        %dma_wait3A_1642 = arith.constant 0 : i32
        %dma_wait3A_1643 = tpu.memref_slice %arg6[%dma_wait3A_1640, %dma_wait3A_1641, %dma_wait3A_1642] : memref<2x416x32xf32, #tpu.memory_space<vmem>> -> memref<1x416x32xf32, #tpu.memory_space<vmem>>
        %dma_wait3A_1644 = tpu.memref_squeeze %dma_wait3A_1643 : memref<1x416x32xf32, #tpu.memory_space<vmem>> -> memref<416x32xf32, #tpu.memory_space<vmem>>
        %dma_wait3A_1645 = arith.constant 312 : i32
        %dma_wait3A_1646 = arith.constant 0 : i32
        %dma_wait3A_1647 = tpu.memref_slice %dma_wait3A_1644[%dma_wait3A_1645, %dma_wait3A_1646] : memref<416x32xf32, #tpu.memory_space<vmem>> -> memref<26x32xf32, #tpu.memory_space<vmem>>
        %dma_wait3A_1648 = arith.constant 0 : i32
        %dma_wait3A_1649 = arith.constant 0 : i32
        %dma_wait3A_1650 = tpu.memref_slice %arg4[%mul3A_4, %dma_wait3A_1648, %dma_wait3A_1649] : memref<16384x26x32xf32, #tpu.memory_space<hbm>> -> memref<1x26x32xf32, #tpu.memory_space<hbm>>
        %dma_wait3A_1651 = tpu.memref_squeeze %dma_wait3A_1650 : memref<1x26x32xf32, #tpu.memory_space<hbm>> -> memref<26x32xf32, #tpu.memory_space<hbm>>
        %dma_wait3A_1652 = arith.constant 0 : i32
        %dma_wait3A_1653 = arith.constant 0 : i32
        %dma_wait3A_1654 = tpu.memref_slice %arg4[%mul3A_4, %dma_wait3A_1652, %dma_wait3A_1653] : memref<16384x26x32xf32, #tpu.memory_space<hbm>> -> memref<1x26x32xf32, #tpu.memory_space<hbm>>
        %dma_wait3A_1655 = tpu.memref_squeeze %dma_wait3A_1654 : memref<1x26x32xf32, #tpu.memory_space<hbm>> -> memref<26x32xf32, #tpu.memory_space<hbm>>
        %dma_wait3A_1656 = arith.constant 0 : i32
        %dma_wait3A_1657 = arith.constant 0 : i32
        %dma_wait3A_1658 = tpu.memref_slice %arg6[%dma_wait3A_1640, %dma_wait3A_1656, %dma_wait3A_1657] : memref<2x416x32xf32, #tpu.memory_space<vmem>> -> memref<1x416x32xf32, #tpu.memory_space<vmem>>
        %dma_wait3A_1659 = tpu.memref_squeeze %dma_wait3A_1658 : memref<1x416x32xf32, #tpu.memory_space<vmem>> -> memref<416x32xf32, #tpu.memory_space<vmem>>
        %dma_wait3A_1660 = arith.constant 312 : i32
        %dma_wait3A_1661 = arith.constant 0 : i32
        %dma_wait3A_1662 = tpu.memref_slice %dma_wait3A_1659[%dma_wait3A_1660, %dma_wait3A_1661] : memref<416x32xf32, #tpu.memory_space<vmem>> -> memref<26x32xf32, #tpu.memory_space<vmem>>
        tpu.wait_dma2 semaphore(%arg9 : memref<!tpu.dma_semaphore, #tpu.memory_space<semaphore_mem>>) src(%dma_wait3A_1662 : memref<26x32xf32, #tpu.memory_space<vmem>>) dst(%dma_wait3A_1655 : memref<26x32xf32, #tpu.memory_space<hbm>>)
        %dma_wait3A_1663 = arith.constant 0 : i32
        %dma_wait3A_1664 = arith.constant 0 : i32
        %dma_wait3A_1665 = arith.constant 0 : i32
        %dma_wait3A_1666 = tpu.memref_slice %arg6[%dma_wait3A_1663, %dma_wait3A_1664, %dma_wait3A_1665] : memref<2x416x32xf32, #tpu.memory_space<vmem>> -> memref<1x416x32xf32, #tpu.memory_space<vmem>>
        %dma_wait3A_1667 = tpu.memref_squeeze %dma_wait3A_1666 : memref<1x416x32xf32, #tpu.memory_space<vmem>> -> memref<416x32xf32, #tpu.memory_space<vmem>>
        %dma_wait3A_1668 = arith.constant 338 : i32
        %dma_wait3A_1669 = arith.constant 0 : i32
        %dma_wait3A_1670 = tpu.memref_slice %dma_wait3A_1667[%dma_wait3A_1668, %dma_wait3A_1669] : memref<416x32xf32, #tpu.memory_space<vmem>> -> memref<26x32xf32, #tpu.memory_space<vmem>>
        %dma_wait3A_1671 = arith.constant 0 : i32
        %dma_wait3A_1672 = arith.constant 0 : i32
        %dma_wait3A_1673 = tpu.memref_slice %arg4[%mul3A_4, %dma_wait3A_1671, %dma_wait3A_1672] : memref<16384x26x32xf32, #tpu.memory_space<hbm>> -> memref<1x26x32xf32, #tpu.memory_space<hbm>>
        %dma_wait3A_1674 = tpu.memref_squeeze %dma_wait3A_1673 : memref<1x26x32xf32, #tpu.memory_space<hbm>> -> memref<26x32xf32, #tpu.memory_space<hbm>>
        %dma_wait3A_1675 = arith.constant 0 : i32
        %dma_wait3A_1676 = arith.constant 0 : i32
        %dma_wait3A_1677 = tpu.memref_slice %arg4[%mul3A_4, %dma_wait3A_1675, %dma_wait3A_1676] : memref<16384x26x32xf32, #tpu.memory_space<hbm>> -> memref<1x26x32xf32, #tpu.memory_space<hbm>>
        %dma_wait3A_1678 = tpu.memref_squeeze %dma_wait3A_1677 : memref<1x26x32xf32, #tpu.memory_space<hbm>> -> memref<26x32xf32, #tpu.memory_space<hbm>>
        %dma_wait3A_1679 = arith.constant 0 : i32
        %dma_wait3A_1680 = arith.constant 0 : i32
        %dma_wait3A_1681 = tpu.memref_slice %arg6[%dma_wait3A_1663, %dma_wait3A_1679, %dma_wait3A_1680] : memref<2x416x32xf32, #tpu.memory_space<vmem>> -> memref<1x416x32xf32, #tpu.memory_space<vmem>>
        %dma_wait3A_1682 = tpu.memref_squeeze %dma_wait3A_1681 : memref<1x416x32xf32, #tpu.memory_space<vmem>> -> memref<416x32xf32, #tpu.memory_space<vmem>>
        %dma_wait3A_1683 = arith.constant 338 : i32
        %dma_wait3A_1684 = arith.constant 0 : i32
        %dma_wait3A_1685 = tpu.memref_slice %dma_wait3A_1682[%dma_wait3A_1683, %dma_wait3A_1684] : memref<416x32xf32, #tpu.memory_space<vmem>> -> memref<26x32xf32, #tpu.memory_space<vmem>>
        tpu.wait_dma2 semaphore(%arg9 : memref<!tpu.dma_semaphore, #tpu.memory_space<semaphore_mem>>) src(%dma_wait3A_1685 : memref<26x32xf32, #tpu.memory_space<vmem>>) dst(%dma_wait3A_1678 : memref<26x32xf32, #tpu.memory_space<hbm>>)
        %dma_wait3A_1686 = arith.constant 0 : i32
        %dma_wait3A_1687 = arith.constant 0 : i32
        %dma_wait3A_1688 = arith.constant 0 : i32
        %dma_wait3A_1689 = tpu.memref_slice %arg6[%dma_wait3A_1686, %dma_wait3A_1687, %dma_wait3A_1688] : memref<2x416x32xf32, #tpu.memory_space<vmem>> -> memref<1x416x32xf32, #tpu.memory_space<vmem>>
        %dma_wait3A_1690 = tpu.memref_squeeze %dma_wait3A_1689 : memref<1x416x32xf32, #tpu.memory_space<vmem>> -> memref<416x32xf32, #tpu.memory_space<vmem>>
        %dma_wait3A_1691 = arith.constant 364 : i32
        %dma_wait3A_1692 = arith.constant 0 : i32
        %dma_wait3A_1693 = tpu.memref_slice %dma_wait3A_1690[%dma_wait3A_1691, %dma_wait3A_1692] : memref<416x32xf32, #tpu.memory_space<vmem>> -> memref<26x32xf32, #tpu.memory_space<vmem>>
        %dma_wait3A_1694 = arith.constant 0 : i32
        %dma_wait3A_1695 = arith.constant 0 : i32
        %dma_wait3A_1696 = tpu.memref_slice %arg4[%mul3A_4, %dma_wait3A_1694, %dma_wait3A_1695] : memref<16384x26x32xf32, #tpu.memory_space<hbm>> -> memref<1x26x32xf32, #tpu.memory_space<hbm>>
        %dma_wait3A_1697 = tpu.memref_squeeze %dma_wait3A_1696 : memref<1x26x32xf32, #tpu.memory_space<hbm>> -> memref<26x32xf32, #tpu.memory_space<hbm>>
        %dma_wait3A_1698 = arith.constant 0 : i32
        %dma_wait3A_1699 = arith.constant 0 : i32
        %dma_wait3A_1700 = tpu.memref_slice %arg4[%mul3A_4, %dma_wait3A_1698, %dma_wait3A_1699] : memref<16384x26x32xf32, #tpu.memory_space<hbm>> -> memref<1x26x32xf32, #tpu.memory_space<hbm>>
        %dma_wait3A_1701 = tpu.memref_squeeze %dma_wait3A_1700 : memref<1x26x32xf32, #tpu.memory_space<hbm>> -> memref<26x32xf32, #tpu.memory_space<hbm>>
        %dma_wait3A_1702 = arith.constant 0 : i32
        %dma_wait3A_1703 = arith.constant 0 : i32
        %dma_wait3A_1704 = tpu.memref_slice %arg6[%dma_wait3A_1686, %dma_wait3A_1702, %dma_wait3A_1703] : memref<2x416x32xf32, #tpu.memory_space<vmem>> -> memref<1x416x32xf32, #tpu.memory_space<vmem>>
        %dma_wait3A_1705 = tpu.memref_squeeze %dma_wait3A_1704 : memref<1x416x32xf32, #tpu.memory_space<vmem>> -> memref<416x32xf32, #tpu.memory_space<vmem>>
        %dma_wait3A_1706 = arith.constant 364 : i32
        %dma_wait3A_1707 = arith.constant 0 : i32
        %dma_wait3A_1708 = tpu.memref_slice %dma_wait3A_1705[%dma_wait3A_1706, %dma_wait3A_1707] : memref<416x32xf32, #tpu.memory_space<vmem>> -> memref<26x32xf32, #tpu.memory_space<vmem>>
        tpu.wait_dma2 semaphore(%arg9 : memref<!tpu.dma_semaphore, #tpu.memory_space<semaphore_mem>>) src(%dma_wait3A_1708 : memref<26x32xf32, #tpu.memory_space<vmem>>) dst(%dma_wait3A_1701 : memref<26x32xf32, #tpu.memory_space<hbm>>)
        %dma_wait3A_1709 = arith.constant 0 : i32
        %dma_wait3A_1710 = arith.constant 0 : i32
        %dma_wait3A_1711 = arith.constant 0 : i32
        %dma_wait3A_1712 = tpu.memref_slice %arg6[%dma_wait3A_1709, %dma_wait3A_1710, %dma_wait3A_1711] : memref<2x416x32xf32, #tpu.memory_space<vmem>> -> memref<1x416x32xf32, #tpu.memory_space<vmem>>
        %dma_wait3A_1713 = tpu.memref_squeeze %dma_wait3A_1712 : memref<1x416x32xf32, #tpu.memory_space<vmem>> -> memref<416x32xf32, #tpu.memory_space<vmem>>
        %dma_wait3A_1714 = arith.constant 390 : i32
        %dma_wait3A_1715 = arith.constant 0 : i32
        %dma_wait3A_1716 = tpu.memref_slice %dma_wait3A_1713[%dma_wait3A_1714, %dma_wait3A_1715] : memref<416x32xf32, #tpu.memory_space<vmem>> -> memref<26x32xf32, #tpu.memory_space<vmem>>
        %dma_wait3A_1717 = arith.constant 0 : i32
        %dma_wait3A_1718 = arith.constant 0 : i32
        %dma_wait3A_1719 = tpu.memref_slice %arg4[%mul3A_4, %dma_wait3A_1717, %dma_wait3A_1718] : memref<16384x26x32xf32, #tpu.memory_space<hbm>> -> memref<1x26x32xf32, #tpu.memory_space<hbm>>
        %dma_wait3A_1720 = tpu.memref_squeeze %dma_wait3A_1719 : memref<1x26x32xf32, #tpu.memory_space<hbm>> -> memref<26x32xf32, #tpu.memory_space<hbm>>
        %dma_wait3A_1721 = arith.constant 0 : i32
        %dma_wait3A_1722 = arith.constant 0 : i32
        %dma_wait3A_1723 = tpu.memref_slice %arg4[%mul3A_4, %dma_wait3A_1721, %dma_wait3A_1722] : memref<16384x26x32xf32, #tpu.memory_space<hbm>> -> memref<1x26x32xf32, #tpu.memory_space<hbm>>
        %dma_wait3A_1724 = tpu.memref_squeeze %dma_wait3A_1723 : memref<1x26x32xf32, #tpu.memory_space<hbm>> -> memref<26x32xf32, #tpu.memory_space<hbm>>
        %dma_wait3A_1725 = arith.constant 0 : i32
        %dma_wait3A_1726 = arith.constant 0 : i32
        %dma_wait3A_1727 = tpu.memref_slice %arg6[%dma_wait3A_1709, %dma_wait3A_1725, %dma_wait3A_1726] : memref<2x416x32xf32, #tpu.memory_space<vmem>> -> memref<1x416x32xf32, #tpu.memory_space<vmem>>
        %dma_wait3A_1728 = tpu.memref_squeeze %dma_wait3A_1727 : memref<1x416x32xf32, #tpu.memory_space<vmem>> -> memref<416x32xf32, #tpu.memory_space<vmem>>
        %dma_wait3A_1729 = arith.constant 390 : i32
        %dma_wait3A_1730 = arith.constant 0 : i32
        %dma_wait3A_1731 = tpu.memref_slice %dma_wait3A_1728[%dma_wait3A_1729, %dma_wait3A_1730] : memref<416x32xf32, #tpu.memory_space<vmem>> -> memref<26x32xf32, #tpu.memory_space<vmem>>
        tpu.wait_dma2 semaphore(%arg9 : memref<!tpu.dma_semaphore, #tpu.memory_space<semaphore_mem>>) src(%dma_wait3A_1731 : memref<26x32xf32, #tpu.memory_space<vmem>>) dst(%dma_wait3A_1724 : memref<26x32xf32, #tpu.memory_space<hbm>>)
      } else {
      }
      %mul3A_910 = arith.constant 16 : i32
      %mul3A_911 = arith.muli %add3A_885, %mul3A_910 : i32
      %add3A_912 = arith.addi %mul3A_4, %mul3A_911 : i32
      %add3A_913 = arith.constant 0 : i32
      %add3A_914 = arith.addi %add3A_912, %add3A_913 : i32
      %dma_start3A_915 = arith.constant 1 : i32
      %dma_start3A_916 = arith.constant 0 : i32
      %dma_start3A_917 = arith.constant 0 : i32
      %dma_start3A_918 = tpu.memref_slice %arg6[%dma_start3A_915, %dma_start3A_916, %dma_start3A_917] : memref<2x416x32xf32, #tpu.memory_space<vmem>> -> memref<1x416x32xf32, #tpu.memory_space<vmem>>
      %dma_start3A_919 = tpu.memref_squeeze %dma_start3A_918 : memref<1x416x32xf32, #tpu.memory_space<vmem>> -> memref<416x32xf32, #tpu.memory_space<vmem>>
      %dma_start3A_920 = arith.constant 0 : i32
      %dma_start3A_921 = arith.constant 0 : i32
      %dma_start3A_922 = tpu.memref_slice %dma_start3A_919[%dma_start3A_920, %dma_start3A_921] : memref<416x32xf32, #tpu.memory_space<vmem>> -> memref<26x32xf32, #tpu.memory_space<vmem>>
      %dma_start3A_923 = arith.constant 0 : i32
      %dma_start3A_924 = arith.constant 0 : i32
      %dma_start3A_925 = tpu.memref_slice %arg4[%add3A_914, %dma_start3A_923, %dma_start3A_924] : memref<16384x26x32xf32, #tpu.memory_space<hbm>> -> memref<1x26x32xf32, #tpu.memory_space<hbm>>
      %dma_start3A_926 = tpu.memref_squeeze %dma_start3A_925 : memref<1x26x32xf32, #tpu.memory_space<hbm>> -> memref<26x32xf32, #tpu.memory_space<hbm>>
      %dma_start3A_927 = arith.constant 0 : i32
      %dma_start3A_928 = arith.constant 0 : i32
      %dma_start3A_929 = tpu.memref_slice %arg4[%add3A_914, %dma_start3A_927, %dma_start3A_928] : memref<16384x26x32xf32, #tpu.memory_space<hbm>> -> memref<1x26x32xf32, #tpu.memory_space<hbm>>
      %dma_start3A_930 = tpu.memref_squeeze %dma_start3A_929 : memref<1x26x32xf32, #tpu.memory_space<hbm>> -> memref<26x32xf32, #tpu.memory_space<hbm>>
      %dma_start3A_931 = arith.constant 0 : i32
      %dma_start3A_932 = arith.constant 0 : i32
      %dma_start3A_933 = tpu.memref_slice %arg6[%dma_start3A_915, %dma_start3A_931, %dma_start3A_932] : memref<2x416x32xf32, #tpu.memory_space<vmem>> -> memref<1x416x32xf32, #tpu.memory_space<vmem>>
      %dma_start3A_934 = tpu.memref_squeeze %dma_start3A_933 : memref<1x416x32xf32, #tpu.memory_space<vmem>> -> memref<416x32xf32, #tpu.memory_space<vmem>>
      %dma_start3A_935 = arith.constant 0 : i32
      %dma_start3A_936 = arith.constant 0 : i32
      %dma_start3A_937 = tpu.memref_slice %dma_start3A_934[%dma_start3A_935, %dma_start3A_936] : memref<416x32xf32, #tpu.memory_space<vmem>> -> memref<26x32xf32, #tpu.memory_space<vmem>>
      tpu.enqueue_dma source(%dma_start3A_937 : memref<26x32xf32, #tpu.memory_space<vmem>>) target(%dma_start3A_930 : memref<26x32xf32, #tpu.memory_space<hbm>>) target_semaphore(%arg10 : memref<!tpu.dma_semaphore, #tpu.memory_space<semaphore_mem>>)
      %mul3A_938 = arith.constant 16 : i32
      %mul3A_939 = arith.muli %add3A_885, %mul3A_938 : i32
      %add3A_940 = arith.addi %mul3A_4, %mul3A_939 : i32
      %add3A_941 = arith.constant 1 : i32
      %add3A_942 = arith.addi %add3A_940, %add3A_941 : i32
      %dma_start3A_943 = arith.constant 1 : i32
      %dma_start3A_944 = arith.constant 0 : i32
      %dma_start3A_945 = arith.constant 0 : i32
      %dma_start3A_946 = tpu.memref_slice %arg6[%dma_start3A_943, %dma_start3A_944, %dma_start3A_945] : memref<2x416x32xf32, #tpu.memory_space<vmem>> -> memref<1x416x32xf32, #tpu.memory_space<vmem>>
      %dma_start3A_947 = tpu.memref_squeeze %dma_start3A_946 : memref<1x416x32xf32, #tpu.memory_space<vmem>> -> memref<416x32xf32, #tpu.memory_space<vmem>>
      %dma_start3A_948 = arith.constant 26 : i32
      %dma_start3A_949 = arith.constant 0 : i32
      %dma_start3A_950 = tpu.memref_slice %dma_start3A_947[%dma_start3A_948, %dma_start3A_949] : memref<416x32xf32, #tpu.memory_space<vmem>> -> memref<26x32xf32, #tpu.memory_space<vmem>>
      %dma_start3A_951 = arith.constant 0 : i32
      %dma_start3A_952 = arith.constant 0 : i32
      %dma_start3A_953 = tpu.memref_slice %arg4[%add3A_942, %dma_start3A_951, %dma_start3A_952] : memref<16384x26x32xf32, #tpu.memory_space<hbm>> -> memref<1x26x32xf32, #tpu.memory_space<hbm>>
      %dma_start3A_954 = tpu.memref_squeeze %dma_start3A_953 : memref<1x26x32xf32, #tpu.memory_space<hbm>> -> memref<26x32xf32, #tpu.memory_space<hbm>>
      %dma_start3A_955 = arith.constant 0 : i32
      %dma_start3A_956 = arith.constant 0 : i32
      %dma_start3A_957 = tpu.memref_slice %arg4[%add3A_942, %dma_start3A_955, %dma_start3A_956] : memref<16384x26x32xf32, #tpu.memory_space<hbm>> -> memref<1x26x32xf32, #tpu.memory_space<hbm>>
      %dma_start3A_958 = tpu.memref_squeeze %dma_start3A_957 : memref<1x26x32xf32, #tpu.memory_space<hbm>> -> memref<26x32xf32, #tpu.memory_space<hbm>>
      %dma_start3A_959 = arith.constant 0 : i32
      %dma_start3A_960 = arith.constant 0 : i32
      %dma_start3A_961 = tpu.memref_slice %arg6[%dma_start3A_943, %dma_start3A_959, %dma_start3A_960] : memref<2x416x32xf32, #tpu.memory_space<vmem>> -> memref<1x416x32xf32, #tpu.memory_space<vmem>>
      %dma_start3A_962 = tpu.memref_squeeze %dma_start3A_961 : memref<1x416x32xf32, #tpu.memory_space<vmem>> -> memref<416x32xf32, #tpu.memory_space<vmem>>
      %dma_start3A_963 = arith.constant 26 : i32
      %dma_start3A_964 = arith.constant 0 : i32
      %dma_start3A_965 = tpu.memref_slice %dma_start3A_962[%dma_start3A_963, %dma_start3A_964] : memref<416x32xf32, #tpu.memory_space<vmem>> -> memref<26x32xf32, #tpu.memory_space<vmem>>
      tpu.enqueue_dma source(%dma_start3A_965 : memref<26x32xf32, #tpu.memory_space<vmem>>) target(%dma_start3A_958 : memref<26x32xf32, #tpu.memory_space<hbm>>) target_semaphore(%arg10 : memref<!tpu.dma_semaphore, #tpu.memory_space<semaphore_mem>>)
      %mul3A_966 = arith.constant 16 : i32
      %mul3A_967 = arith.muli %add3A_885, %mul3A_966 : i32
      %add3A_968 = arith.addi %mul3A_4, %mul3A_967 : i32
      %add3A_969 = arith.constant 2 : i32
      %add3A_970 = arith.addi %add3A_968, %add3A_969 : i32
      %dma_start3A_971 = arith.constant 1 : i32
      %dma_start3A_972 = arith.constant 0 : i32
      %dma_start3A_973 = arith.constant 0 : i32
      %dma_start3A_974 = tpu.memref_slice %arg6[%dma_start3A_971, %dma_start3A_972, %dma_start3A_973] : memref<2x416x32xf32, #tpu.memory_space<vmem>> -> memref<1x416x32xf32, #tpu.memory_space<vmem>>
      %dma_start3A_975 = tpu.memref_squeeze %dma_start3A_974 : memref<1x416x32xf32, #tpu.memory_space<vmem>> -> memref<416x32xf32, #tpu.memory_space<vmem>>
      %dma_start3A_976 = arith.constant 52 : i32
      %dma_start3A_977 = arith.constant 0 : i32
      %dma_start3A_978 = tpu.memref_slice %dma_start3A_975[%dma_start3A_976, %dma_start3A_977] : memref<416x32xf32, #tpu.memory_space<vmem>> -> memref<26x32xf32, #tpu.memory_space<vmem>>
      %dma_start3A_979 = arith.constant 0 : i32
      %dma_start3A_980 = arith.constant 0 : i32
      %dma_start3A_981 = tpu.memref_slice %arg4[%add3A_970, %dma_start3A_979, %dma_start3A_980] : memref<16384x26x32xf32, #tpu.memory_space<hbm>> -> memref<1x26x32xf32, #tpu.memory_space<hbm>>
      %dma_start3A_982 = tpu.memref_squeeze %dma_start3A_981 : memref<1x26x32xf32, #tpu.memory_space<hbm>> -> memref<26x32xf32, #tpu.memory_space<hbm>>
      %dma_start3A_983 = arith.constant 0 : i32
      %dma_start3A_984 = arith.constant 0 : i32
      %dma_start3A_985 = tpu.memref_slice %arg4[%add3A_970, %dma_start3A_983, %dma_start3A_984] : memref<16384x26x32xf32, #tpu.memory_space<hbm>> -> memref<1x26x32xf32, #tpu.memory_space<hbm>>
      %dma_start3A_986 = tpu.memref_squeeze %dma_start3A_985 : memref<1x26x32xf32, #tpu.memory_space<hbm>> -> memref<26x32xf32, #tpu.memory_space<hbm>>
      %dma_start3A_987 = arith.constant 0 : i32
      %dma_start3A_988 = arith.constant 0 : i32
      %dma_start3A_989 = tpu.memref_slice %arg6[%dma_start3A_971, %dma_start3A_987, %dma_start3A_988] : memref<2x416x32xf32, #tpu.memory_space<vmem>> -> memref<1x416x32xf32, #tpu.memory_space<vmem>>
      %dma_start3A_990 = tpu.memref_squeeze %dma_start3A_989 : memref<1x416x32xf32, #tpu.memory_space<vmem>> -> memref<416x32xf32, #tpu.memory_space<vmem>>
      %dma_start3A_991 = arith.constant 52 : i32
      %dma_start3A_992 = arith.constant 0 : i32
      %dma_start3A_993 = tpu.memref_slice %dma_start3A_990[%dma_start3A_991, %dma_start3A_992] : memref<416x32xf32, #tpu.memory_space<vmem>> -> memref<26x32xf32, #tpu.memory_space<vmem>>
      tpu.enqueue_dma source(%dma_start3A_993 : memref<26x32xf32, #tpu.memory_space<vmem>>) target(%dma_start3A_986 : memref<26x32xf32, #tpu.memory_space<hbm>>) target_semaphore(%arg10 : memref<!tpu.dma_semaphore, #tpu.memory_space<semaphore_mem>>)
      %mul3A_994 = arith.constant 16 : i32
      %mul3A_995 = arith.muli %add3A_885, %mul3A_994 : i32
      %add3A_996 = arith.addi %mul3A_4, %mul3A_995 : i32
      %add3A_997 = arith.constant 3 : i32
      %add3A_998 = arith.addi %add3A_996, %add3A_997 : i32
      %dma_start3A_999 = arith.constant 1 : i32
      %dma_start3A_1000 = arith.constant 0 : i32
      %dma_start3A_1001 = arith.constant 0 : i32
      %dma_start3A_1002 = tpu.memref_slice %arg6[%dma_start3A_999, %dma_start3A_1000, %dma_start3A_1001] : memref<2x416x32xf32, #tpu.memory_space<vmem>> -> memref<1x416x32xf32, #tpu.memory_space<vmem>>
      %dma_start3A_1003 = tpu.memref_squeeze %dma_start3A_1002 : memref<1x416x32xf32, #tpu.memory_space<vmem>> -> memref<416x32xf32, #tpu.memory_space<vmem>>
      %dma_start3A_1004 = arith.constant 78 : i32
      %dma_start3A_1005 = arith.constant 0 : i32
      %dma_start3A_1006 = tpu.memref_slice %dma_start3A_1003[%dma_start3A_1004, %dma_start3A_1005] : memref<416x32xf32, #tpu.memory_space<vmem>> -> memref<26x32xf32, #tpu.memory_space<vmem>>
      %dma_start3A_1007 = arith.constant 0 : i32
      %dma_start3A_1008 = arith.constant 0 : i32
      %dma_start3A_1009 = tpu.memref_slice %arg4[%add3A_998, %dma_start3A_1007, %dma_start3A_1008] : memref<16384x26x32xf32, #tpu.memory_space<hbm>> -> memref<1x26x32xf32, #tpu.memory_space<hbm>>
      %dma_start3A_1010 = tpu.memref_squeeze %dma_start3A_1009 : memref<1x26x32xf32, #tpu.memory_space<hbm>> -> memref<26x32xf32, #tpu.memory_space<hbm>>
      %dma_start3A_1011 = arith.constant 0 : i32
      %dma_start3A_1012 = arith.constant 0 : i32
      %dma_start3A_1013 = tpu.memref_slice %arg4[%add3A_998, %dma_start3A_1011, %dma_start3A_1012] : memref<16384x26x32xf32, #tpu.memory_space<hbm>> -> memref<1x26x32xf32, #tpu.memory_space<hbm>>
      %dma_start3A_1014 = tpu.memref_squeeze %dma_start3A_1013 : memref<1x26x32xf32, #tpu.memory_space<hbm>> -> memref<26x32xf32, #tpu.memory_space<hbm>>
      %dma_start3A_1015 = arith.constant 0 : i32
      %dma_start3A_1016 = arith.constant 0 : i32
      %dma_start3A_1017 = tpu.memref_slice %arg6[%dma_start3A_999, %dma_start3A_1015, %dma_start3A_1016] : memref<2x416x32xf32, #tpu.memory_space<vmem>> -> memref<1x416x32xf32, #tpu.memory_space<vmem>>
      %dma_start3A_1018 = tpu.memref_squeeze %dma_start3A_1017 : memref<1x416x32xf32, #tpu.memory_space<vmem>> -> memref<416x32xf32, #tpu.memory_space<vmem>>
      %dma_start3A_1019 = arith.constant 78 : i32
      %dma_start3A_1020 = arith.constant 0 : i32
      %dma_start3A_1021 = tpu.memref_slice %dma_start3A_1018[%dma_start3A_1019, %dma_start3A_1020] : memref<416x32xf32, #tpu.memory_space<vmem>> -> memref<26x32xf32, #tpu.memory_space<vmem>>
      tpu.enqueue_dma source(%dma_start3A_1021 : memref<26x32xf32, #tpu.memory_space<vmem>>) target(%dma_start3A_1014 : memref<26x32xf32, #tpu.memory_space<hbm>>) target_semaphore(%arg10 : memref<!tpu.dma_semaphore, #tpu.memory_space<semaphore_mem>>)
      %mul3A_1022 = arith.constant 16 : i32
      %mul3A_1023 = arith.muli %add3A_885, %mul3A_1022 : i32
      %add3A_1024 = arith.addi %mul3A_4, %mul3A_1023 : i32
      %add3A_1025 = arith.constant 4 : i32
      %add3A_1026 = arith.addi %add3A_1024, %add3A_1025 : i32
      %dma_start3A_1027 = arith.constant 1 : i32
      %dma_start3A_1028 = arith.constant 0 : i32
      %dma_start3A_1029 = arith.constant 0 : i32
      %dma_start3A_1030 = tpu.memref_slice %arg6[%dma_start3A_1027, %dma_start3A_1028, %dma_start3A_1029] : memref<2x416x32xf32, #tpu.memory_space<vmem>> -> memref<1x416x32xf32, #tpu.memory_space<vmem>>
      %dma_start3A_1031 = tpu.memref_squeeze %dma_start3A_1030 : memref<1x416x32xf32, #tpu.memory_space<vmem>> -> memref<416x32xf32, #tpu.memory_space<vmem>>
      %dma_start3A_1032 = arith.constant 104 : i32
      %dma_start3A_1033 = arith.constant 0 : i32
      %dma_start3A_1034 = tpu.memref_slice %dma_start3A_1031[%dma_start3A_1032, %dma_start3A_1033] : memref<416x32xf32, #tpu.memory_space<vmem>> -> memref<26x32xf32, #tpu.memory_space<vmem>>
      %dma_start3A_1035 = arith.constant 0 : i32
      %dma_start3A_1036 = arith.constant 0 : i32
      %dma_start3A_1037 = tpu.memref_slice %arg4[%add3A_1026, %dma_start3A_1035, %dma_start3A_1036] : memref<16384x26x32xf32, #tpu.memory_space<hbm>> -> memref<1x26x32xf32, #tpu.memory_space<hbm>>
      %dma_start3A_1038 = tpu.memref_squeeze %dma_start3A_1037 : memref<1x26x32xf32, #tpu.memory_space<hbm>> -> memref<26x32xf32, #tpu.memory_space<hbm>>
      %dma_start3A_1039 = arith.constant 0 : i32
      %dma_start3A_1040 = arith.constant 0 : i32
      %dma_start3A_1041 = tpu.memref_slice %arg4[%add3A_1026, %dma_start3A_1039, %dma_start3A_1040] : memref<16384x26x32xf32, #tpu.memory_space<hbm>> -> memref<1x26x32xf32, #tpu.memory_space<hbm>>
      %dma_start3A_1042 = tpu.memref_squeeze %dma_start3A_1041 : memref<1x26x32xf32, #tpu.memory_space<hbm>> -> memref<26x32xf32, #tpu.memory_space<hbm>>
      %dma_start3A_1043 = arith.constant 0 : i32
      %dma_start3A_1044 = arith.constant 0 : i32
      %dma_start3A_1045 = tpu.memref_slice %arg6[%dma_start3A_1027, %dma_start3A_1043, %dma_start3A_1044] : memref<2x416x32xf32, #tpu.memory_space<vmem>> -> memref<1x416x32xf32, #tpu.memory_space<vmem>>
      %dma_start3A_1046 = tpu.memref_squeeze %dma_start3A_1045 : memref<1x416x32xf32, #tpu.memory_space<vmem>> -> memref<416x32xf32, #tpu.memory_space<vmem>>
      %dma_start3A_1047 = arith.constant 104 : i32
      %dma_start3A_1048 = arith.constant 0 : i32
      %dma_start3A_1049 = tpu.memref_slice %dma_start3A_1046[%dma_start3A_1047, %dma_start3A_1048] : memref<416x32xf32, #tpu.memory_space<vmem>> -> memref<26x32xf32, #tpu.memory_space<vmem>>
      tpu.enqueue_dma source(%dma_start3A_1049 : memref<26x32xf32, #tpu.memory_space<vmem>>) target(%dma_start3A_1042 : memref<26x32xf32, #tpu.memory_space<hbm>>) target_semaphore(%arg10 : memref<!tpu.dma_semaphore, #tpu.memory_space<semaphore_mem>>)
      %mul3A_1050 = arith.constant 16 : i32
      %mul3A_1051 = arith.muli %add3A_885, %mul3A_1050 : i32
      %add3A_1052 = arith.addi %mul3A_4, %mul3A_1051 : i32
      %add3A_1053 = arith.constant 5 : i32
      %add3A_1054 = arith.addi %add3A_1052, %add3A_1053 : i32
      %dma_start3A_1055 = arith.constant 1 : i32
      %dma_start3A_1056 = arith.constant 0 : i32
      %dma_start3A_1057 = arith.constant 0 : i32
      %dma_start3A_1058 = tpu.memref_slice %arg6[%dma_start3A_1055, %dma_start3A_1056, %dma_start3A_1057] : memref<2x416x32xf32, #tpu.memory_space<vmem>> -> memref<1x416x32xf32, #tpu.memory_space<vmem>>
      %dma_start3A_1059 = tpu.memref_squeeze %dma_start3A_1058 : memref<1x416x32xf32, #tpu.memory_space<vmem>> -> memref<416x32xf32, #tpu.memory_space<vmem>>
      %dma_start3A_1060 = arith.constant 130 : i32
      %dma_start3A_1061 = arith.constant 0 : i32
      %dma_start3A_1062 = tpu.memref_slice %dma_start3A_1059[%dma_start3A_1060, %dma_start3A_1061] : memref<416x32xf32, #tpu.memory_space<vmem>> -> memref<26x32xf32, #tpu.memory_space<vmem>>
      %dma_start3A_1063 = arith.constant 0 : i32
      %dma_start3A_1064 = arith.constant 0 : i32
      %dma_start3A_1065 = tpu.memref_slice %arg4[%add3A_1054, %dma_start3A_1063, %dma_start3A_1064] : memref<16384x26x32xf32, #tpu.memory_space<hbm>> -> memref<1x26x32xf32, #tpu.memory_space<hbm>>
      %dma_start3A_1066 = tpu.memref_squeeze %dma_start3A_1065 : memref<1x26x32xf32, #tpu.memory_space<hbm>> -> memref<26x32xf32, #tpu.memory_space<hbm>>
      %dma_start3A_1067 = arith.constant 0 : i32
      %dma_start3A_1068 = arith.constant 0 : i32
      %dma_start3A_1069 = tpu.memref_slice %arg4[%add3A_1054, %dma_start3A_1067, %dma_start3A_1068] : memref<16384x26x32xf32, #tpu.memory_space<hbm>> -> memref<1x26x32xf32, #tpu.memory_space<hbm>>
      %dma_start3A_1070 = tpu.memref_squeeze %dma_start3A_1069 : memref<1x26x32xf32, #tpu.memory_space<hbm>> -> memref<26x32xf32, #tpu.memory_space<hbm>>
      %dma_start3A_1071 = arith.constant 0 : i32
      %dma_start3A_1072 = arith.constant 0 : i32
      %dma_start3A_1073 = tpu.memref_slice %arg6[%dma_start3A_1055, %dma_start3A_1071, %dma_start3A_1072] : memref<2x416x32xf32, #tpu.memory_space<vmem>> -> memref<1x416x32xf32, #tpu.memory_space<vmem>>
      %dma_start3A_1074 = tpu.memref_squeeze %dma_start3A_1073 : memref<1x416x32xf32, #tpu.memory_space<vmem>> -> memref<416x32xf32, #tpu.memory_space<vmem>>
      %dma_start3A_1075 = arith.constant 130 : i32
      %dma_start3A_1076 = arith.constant 0 : i32
      %dma_start3A_1077 = tpu.memref_slice %dma_start3A_1074[%dma_start3A_1075, %dma_start3A_1076] : memref<416x32xf32, #tpu.memory_space<vmem>> -> memref<26x32xf32, #tpu.memory_space<vmem>>
      tpu.enqueue_dma source(%dma_start3A_1077 : memref<26x32xf32, #tpu.memory_space<vmem>>) target(%dma_start3A_1070 : memref<26x32xf32, #tpu.memory_space<hbm>>) target_semaphore(%arg10 : memref<!tpu.dma_semaphore, #tpu.memory_space<semaphore_mem>>)
      %mul3A_1078 = arith.constant 16 : i32
      %mul3A_1079 = arith.muli %add3A_885, %mul3A_1078 : i32
      %add3A_1080 = arith.addi %mul3A_4, %mul3A_1079 : i32
      %add3A_1081 = arith.constant 6 : i32
      %add3A_1082 = arith.addi %add3A_1080, %add3A_1081 : i32
      %dma_start3A_1083 = arith.constant 1 : i32
      %dma_start3A_1084 = arith.constant 0 : i32
      %dma_start3A_1085 = arith.constant 0 : i32
      %dma_start3A_1086 = tpu.memref_slice %arg6[%dma_start3A_1083, %dma_start3A_1084, %dma_start3A_1085] : memref<2x416x32xf32, #tpu.memory_space<vmem>> -> memref<1x416x32xf32, #tpu.memory_space<vmem>>
      %dma_start3A_1087 = tpu.memref_squeeze %dma_start3A_1086 : memref<1x416x32xf32, #tpu.memory_space<vmem>> -> memref<416x32xf32, #tpu.memory_space<vmem>>
      %dma_start3A_1088 = arith.constant 156 : i32
      %dma_start3A_1089 = arith.constant 0 : i32
      %dma_start3A_1090 = tpu.memref_slice %dma_start3A_1087[%dma_start3A_1088, %dma_start3A_1089] : memref<416x32xf32, #tpu.memory_space<vmem>> -> memref<26x32xf32, #tpu.memory_space<vmem>>
      %dma_start3A_1091 = arith.constant 0 : i32
      %dma_start3A_1092 = arith.constant 0 : i32
      %dma_start3A_1093 = tpu.memref_slice %arg4[%add3A_1082, %dma_start3A_1091, %dma_start3A_1092] : memref<16384x26x32xf32, #tpu.memory_space<hbm>> -> memref<1x26x32xf32, #tpu.memory_space<hbm>>
      %dma_start3A_1094 = tpu.memref_squeeze %dma_start3A_1093 : memref<1x26x32xf32, #tpu.memory_space<hbm>> -> memref<26x32xf32, #tpu.memory_space<hbm>>
      %dma_start3A_1095 = arith.constant 0 : i32
      %dma_start3A_1096 = arith.constant 0 : i32
      %dma_start3A_1097 = tpu.memref_slice %arg4[%add3A_1082, %dma_start3A_1095, %dma_start3A_1096] : memref<16384x26x32xf32, #tpu.memory_space<hbm>> -> memref<1x26x32xf32, #tpu.memory_space<hbm>>
      %dma_start3A_1098 = tpu.memref_squeeze %dma_start3A_1097 : memref<1x26x32xf32, #tpu.memory_space<hbm>> -> memref<26x32xf32, #tpu.memory_space<hbm>>
      %dma_start3A_1099 = arith.constant 0 : i32
      %dma_start3A_1100 = arith.constant 0 : i32
      %dma_start3A_1101 = tpu.memref_slice %arg6[%dma_start3A_1083, %dma_start3A_1099, %dma_start3A_1100] : memref<2x416x32xf32, #tpu.memory_space<vmem>> -> memref<1x416x32xf32, #tpu.memory_space<vmem>>
      %dma_start3A_1102 = tpu.memref_squeeze %dma_start3A_1101 : memref<1x416x32xf32, #tpu.memory_space<vmem>> -> memref<416x32xf32, #tpu.memory_space<vmem>>
      %dma_start3A_1103 = arith.constant 156 : i32
      %dma_start3A_1104 = arith.constant 0 : i32
      %dma_start3A_1105 = tpu.memref_slice %dma_start3A_1102[%dma_start3A_1103, %dma_start3A_1104] : memref<416x32xf32, #tpu.memory_space<vmem>> -> memref<26x32xf32, #tpu.memory_space<vmem>>
      tpu.enqueue_dma source(%dma_start3A_1105 : memref<26x32xf32, #tpu.memory_space<vmem>>) target(%dma_start3A_1098 : memref<26x32xf32, #tpu.memory_space<hbm>>) target_semaphore(%arg10 : memref<!tpu.dma_semaphore, #tpu.memory_space<semaphore_mem>>)
      %mul3A_1106 = arith.constant 16 : i32
      %mul3A_1107 = arith.muli %add3A_885, %mul3A_1106 : i32
      %add3A_1108 = arith.addi %mul3A_4, %mul3A_1107 : i32
      %add3A_1109 = arith.constant 7 : i32
      %add3A_1110 = arith.addi %add3A_1108, %add3A_1109 : i32
      %dma_start3A_1111 = arith.constant 1 : i32
      %dma_start3A_1112 = arith.constant 0 : i32
      %dma_start3A_1113 = arith.constant 0 : i32
      %dma_start3A_1114 = tpu.memref_slice %arg6[%dma_start3A_1111, %dma_start3A_1112, %dma_start3A_1113] : memref<2x416x32xf32, #tpu.memory_space<vmem>> -> memref<1x416x32xf32, #tpu.memory_space<vmem>>
      %dma_start3A_1115 = tpu.memref_squeeze %dma_start3A_1114 : memref<1x416x32xf32, #tpu.memory_space<vmem>> -> memref<416x32xf32, #tpu.memory_space<vmem>>
      %dma_start3A_1116 = arith.constant 182 : i32
      %dma_start3A_1117 = arith.constant 0 : i32
      %dma_start3A_1118 = tpu.memref_slice %dma_start3A_1115[%dma_start3A_1116, %dma_start3A_1117] : memref<416x32xf32, #tpu.memory_space<vmem>> -> memref<26x32xf32, #tpu.memory_space<vmem>>
      %dma_start3A_1119 = arith.constant 0 : i32
      %dma_start3A_1120 = arith.constant 0 : i32
      %dma_start3A_1121 = tpu.memref_slice %arg4[%add3A_1110, %dma_start3A_1119, %dma_start3A_1120] : memref<16384x26x32xf32, #tpu.memory_space<hbm>> -> memref<1x26x32xf32, #tpu.memory_space<hbm>>
      %dma_start3A_1122 = tpu.memref_squeeze %dma_start3A_1121 : memref<1x26x32xf32, #tpu.memory_space<hbm>> -> memref<26x32xf32, #tpu.memory_space<hbm>>
      %dma_start3A_1123 = arith.constant 0 : i32
      %dma_start3A_1124 = arith.constant 0 : i32
      %dma_start3A_1125 = tpu.memref_slice %arg4[%add3A_1110, %dma_start3A_1123, %dma_start3A_1124] : memref<16384x26x32xf32, #tpu.memory_space<hbm>> -> memref<1x26x32xf32, #tpu.memory_space<hbm>>
      %dma_start3A_1126 = tpu.memref_squeeze %dma_start3A_1125 : memref<1x26x32xf32, #tpu.memory_space<hbm>> -> memref<26x32xf32, #tpu.memory_space<hbm>>
      %dma_start3A_1127 = arith.constant 0 : i32
      %dma_start3A_1128 = arith.constant 0 : i32
      %dma_start3A_1129 = tpu.memref_slice %arg6[%dma_start3A_1111, %dma_start3A_1127, %dma_start3A_1128] : memref<2x416x32xf32, #tpu.memory_space<vmem>> -> memref<1x416x32xf32, #tpu.memory_space<vmem>>
      %dma_start3A_1130 = tpu.memref_squeeze %dma_start3A_1129 : memref<1x416x32xf32, #tpu.memory_space<vmem>> -> memref<416x32xf32, #tpu.memory_space<vmem>>
      %dma_start3A_1131 = arith.constant 182 : i32
      %dma_start3A_1132 = arith.constant 0 : i32
      %dma_start3A_1133 = tpu.memref_slice %dma_start3A_1130[%dma_start3A_1131, %dma_start3A_1132] : memref<416x32xf32, #tpu.memory_space<vmem>> -> memref<26x32xf32, #tpu.memory_space<vmem>>
      tpu.enqueue_dma source(%dma_start3A_1133 : memref<26x32xf32, #tpu.memory_space<vmem>>) target(%dma_start3A_1126 : memref<26x32xf32, #tpu.memory_space<hbm>>) target_semaphore(%arg10 : memref<!tpu.dma_semaphore, #tpu.memory_space<semaphore_mem>>)
      %mul3A_1134 = arith.constant 16 : i32
      %mul3A_1135 = arith.muli %add3A_885, %mul3A_1134 : i32
      %add3A_1136 = arith.addi %mul3A_4, %mul3A_1135 : i32
      %add3A_1137 = arith.constant 8 : i32
      %add3A_1138 = arith.addi %add3A_1136, %add3A_1137 : i32
      %dma_start3A_1139 = arith.constant 1 : i32
      %dma_start3A_1140 = arith.constant 0 : i32
      %dma_start3A_1141 = arith.constant 0 : i32
      %dma_start3A_1142 = tpu.memref_slice %arg6[%dma_start3A_1139, %dma_start3A_1140, %dma_start3A_1141] : memref<2x416x32xf32, #tpu.memory_space<vmem>> -> memref<1x416x32xf32, #tpu.memory_space<vmem>>
      %dma_start3A_1143 = tpu.memref_squeeze %dma_start3A_1142 : memref<1x416x32xf32, #tpu.memory_space<vmem>> -> memref<416x32xf32, #tpu.memory_space<vmem>>
      %dma_start3A_1144 = arith.constant 208 : i32
      %dma_start3A_1145 = arith.constant 0 : i32
      %dma_start3A_1146 = tpu.memref_slice %dma_start3A_1143[%dma_start3A_1144, %dma_start3A_1145] : memref<416x32xf32, #tpu.memory_space<vmem>> -> memref<26x32xf32, #tpu.memory_space<vmem>>
      %dma_start3A_1147 = arith.constant 0 : i32
      %dma_start3A_1148 = arith.constant 0 : i32
      %dma_start3A_1149 = tpu.memref_slice %arg4[%add3A_1138, %dma_start3A_1147, %dma_start3A_1148] : memref<16384x26x32xf32, #tpu.memory_space<hbm>> -> memref<1x26x32xf32, #tpu.memory_space<hbm>>
      %dma_start3A_1150 = tpu.memref_squeeze %dma_start3A_1149 : memref<1x26x32xf32, #tpu.memory_space<hbm>> -> memref<26x32xf32, #tpu.memory_space<hbm>>
      %dma_start3A_1151 = arith.constant 0 : i32
      %dma_start3A_1152 = arith.constant 0 : i32
      %dma_start3A_1153 = tpu.memref_slice %arg4[%add3A_1138, %dma_start3A_1151, %dma_start3A_1152] : memref<16384x26x32xf32, #tpu.memory_space<hbm>> -> memref<1x26x32xf32, #tpu.memory_space<hbm>>
      %dma_start3A_1154 = tpu.memref_squeeze %dma_start3A_1153 : memref<1x26x32xf32, #tpu.memory_space<hbm>> -> memref<26x32xf32, #tpu.memory_space<hbm>>
      %dma_start3A_1155 = arith.constant 0 : i32
      %dma_start3A_1156 = arith.constant 0 : i32
      %dma_start3A_1157 = tpu.memref_slice %arg6[%dma_start3A_1139, %dma_start3A_1155, %dma_start3A_1156] : memref<2x416x32xf32, #tpu.memory_space<vmem>> -> memref<1x416x32xf32, #tpu.memory_space<vmem>>
      %dma_start3A_1158 = tpu.memref_squeeze %dma_start3A_1157 : memref<1x416x32xf32, #tpu.memory_space<vmem>> -> memref<416x32xf32, #tpu.memory_space<vmem>>
      %dma_start3A_1159 = arith.constant 208 : i32
      %dma_start3A_1160 = arith.constant 0 : i32
      %dma_start3A_1161 = tpu.memref_slice %dma_start3A_1158[%dma_start3A_1159, %dma_start3A_1160] : memref<416x32xf32, #tpu.memory_space<vmem>> -> memref<26x32xf32, #tpu.memory_space<vmem>>
      tpu.enqueue_dma source(%dma_start3A_1161 : memref<26x32xf32, #tpu.memory_space<vmem>>) target(%dma_start3A_1154 : memref<26x32xf32, #tpu.memory_space<hbm>>) target_semaphore(%arg10 : memref<!tpu.dma_semaphore, #tpu.memory_space<semaphore_mem>>)
      %mul3A_1162 = arith.constant 16 : i32
      %mul3A_1163 = arith.muli %add3A_885, %mul3A_1162 : i32
      %add3A_1164 = arith.addi %mul3A_4, %mul3A_1163 : i32
      %add3A_1165 = arith.constant 9 : i32
      %add3A_1166 = arith.addi %add3A_1164, %add3A_1165 : i32
      %dma_start3A_1167 = arith.constant 1 : i32
      %dma_start3A_1168 = arith.constant 0 : i32
      %dma_start3A_1169 = arith.constant 0 : i32
      %dma_start3A_1170 = tpu.memref_slice %arg6[%dma_start3A_1167, %dma_start3A_1168, %dma_start3A_1169] : memref<2x416x32xf32, #tpu.memory_space<vmem>> -> memref<1x416x32xf32, #tpu.memory_space<vmem>>
      %dma_start3A_1171 = tpu.memref_squeeze %dma_start3A_1170 : memref<1x416x32xf32, #tpu.memory_space<vmem>> -> memref<416x32xf32, #tpu.memory_space<vmem>>
      %dma_start3A_1172 = arith.constant 234 : i32
      %dma_start3A_1173 = arith.constant 0 : i32
      %dma_start3A_1174 = tpu.memref_slice %dma_start3A_1171[%dma_start3A_1172, %dma_start3A_1173] : memref<416x32xf32, #tpu.memory_space<vmem>> -> memref<26x32xf32, #tpu.memory_space<vmem>>
      %dma_start3A_1175 = arith.constant 0 : i32
      %dma_start3A_1176 = arith.constant 0 : i32
      %dma_start3A_1177 = tpu.memref_slice %arg4[%add3A_1166, %dma_start3A_1175, %dma_start3A_1176] : memref<16384x26x32xf32, #tpu.memory_space<hbm>> -> memref<1x26x32xf32, #tpu.memory_space<hbm>>
      %dma_start3A_1178 = tpu.memref_squeeze %dma_start3A_1177 : memref<1x26x32xf32, #tpu.memory_space<hbm>> -> memref<26x32xf32, #tpu.memory_space<hbm>>
      %dma_start3A_1179 = arith.constant 0 : i32
      %dma_start3A_1180 = arith.constant 0 : i32
      %dma_start3A_1181 = tpu.memref_slice %arg4[%add3A_1166, %dma_start3A_1179, %dma_start3A_1180] : memref<16384x26x32xf32, #tpu.memory_space<hbm>> -> memref<1x26x32xf32, #tpu.memory_space<hbm>>
      %dma_start3A_1182 = tpu.memref_squeeze %dma_start3A_1181 : memref<1x26x32xf32, #tpu.memory_space<hbm>> -> memref<26x32xf32, #tpu.memory_space<hbm>>
      %dma_start3A_1183 = arith.constant 0 : i32
      %dma_start3A_1184 = arith.constant 0 : i32
      %dma_start3A_1185 = tpu.memref_slice %arg6[%dma_start3A_1167, %dma_start3A_1183, %dma_start3A_1184] : memref<2x416x32xf32, #tpu.memory_space<vmem>> -> memref<1x416x32xf32, #tpu.memory_space<vmem>>
      %dma_start3A_1186 = tpu.memref_squeeze %dma_start3A_1185 : memref<1x416x32xf32, #tpu.memory_space<vmem>> -> memref<416x32xf32, #tpu.memory_space<vmem>>
      %dma_start3A_1187 = arith.constant 234 : i32
      %dma_start3A_1188 = arith.constant 0 : i32
      %dma_start3A_1189 = tpu.memref_slice %dma_start3A_1186[%dma_start3A_1187, %dma_start3A_1188] : memref<416x32xf32, #tpu.memory_space<vmem>> -> memref<26x32xf32, #tpu.memory_space<vmem>>
      tpu.enqueue_dma source(%dma_start3A_1189 : memref<26x32xf32, #tpu.memory_space<vmem>>) target(%dma_start3A_1182 : memref<26x32xf32, #tpu.memory_space<hbm>>) target_semaphore(%arg10 : memref<!tpu.dma_semaphore, #tpu.memory_space<semaphore_mem>>)
      %mul3A_1190 = arith.constant 16 : i32
      %mul3A_1191 = arith.muli %add3A_885, %mul3A_1190 : i32
      %add3A_1192 = arith.addi %mul3A_4, %mul3A_1191 : i32
      %add3A_1193 = arith.constant 10 : i32
      %add3A_1194 = arith.addi %add3A_1192, %add3A_1193 : i32
      %dma_start3A_1195 = arith.constant 1 : i32
      %dma_start3A_1196 = arith.constant 0 : i32
      %dma_start3A_1197 = arith.constant 0 : i32
      %dma_start3A_1198 = tpu.memref_slice %arg6[%dma_start3A_1195, %dma_start3A_1196, %dma_start3A_1197] : memref<2x416x32xf32, #tpu.memory_space<vmem>> -> memref<1x416x32xf32, #tpu.memory_space<vmem>>
      %dma_start3A_1199 = tpu.memref_squeeze %dma_start3A_1198 : memref<1x416x32xf32, #tpu.memory_space<vmem>> -> memref<416x32xf32, #tpu.memory_space<vmem>>
      %dma_start3A_1200 = arith.constant 260 : i32
      %dma_start3A_1201 = arith.constant 0 : i32
      %dma_start3A_1202 = tpu.memref_slice %dma_start3A_1199[%dma_start3A_1200, %dma_start3A_1201] : memref<416x32xf32, #tpu.memory_space<vmem>> -> memref<26x32xf32, #tpu.memory_space<vmem>>
      %dma_start3A_1203 = arith.constant 0 : i32
      %dma_start3A_1204 = arith.constant 0 : i32
      %dma_start3A_1205 = tpu.memref_slice %arg4[%add3A_1194, %dma_start3A_1203, %dma_start3A_1204] : memref<16384x26x32xf32, #tpu.memory_space<hbm>> -> memref<1x26x32xf32, #tpu.memory_space<hbm>>
      %dma_start3A_1206 = tpu.memref_squeeze %dma_start3A_1205 : memref<1x26x32xf32, #tpu.memory_space<hbm>> -> memref<26x32xf32, #tpu.memory_space<hbm>>
      %dma_start3A_1207 = arith.constant 0 : i32
      %dma_start3A_1208 = arith.constant 0 : i32
      %dma_start3A_1209 = tpu.memref_slice %arg4[%add3A_1194, %dma_start3A_1207, %dma_start3A_1208] : memref<16384x26x32xf32, #tpu.memory_space<hbm>> -> memref<1x26x32xf32, #tpu.memory_space<hbm>>
      %dma_start3A_1210 = tpu.memref_squeeze %dma_start3A_1209 : memref<1x26x32xf32, #tpu.memory_space<hbm>> -> memref<26x32xf32, #tpu.memory_space<hbm>>
      %dma_start3A_1211 = arith.constant 0 : i32
      %dma_start3A_1212 = arith.constant 0 : i32
      %dma_start3A_1213 = tpu.memref_slice %arg6[%dma_start3A_1195, %dma_start3A_1211, %dma_start3A_1212] : memref<2x416x32xf32, #tpu.memory_space<vmem>> -> memref<1x416x32xf32, #tpu.memory_space<vmem>>
      %dma_start3A_1214 = tpu.memref_squeeze %dma_start3A_1213 : memref<1x416x32xf32, #tpu.memory_space<vmem>> -> memref<416x32xf32, #tpu.memory_space<vmem>>
      %dma_start3A_1215 = arith.constant 260 : i32
      %dma_start3A_1216 = arith.constant 0 : i32
      %dma_start3A_1217 = tpu.memref_slice %dma_start3A_1214[%dma_start3A_1215, %dma_start3A_1216] : memref<416x32xf32, #tpu.memory_space<vmem>> -> memref<26x32xf32, #tpu.memory_space<vmem>>
      tpu.enqueue_dma source(%dma_start3A_1217 : memref<26x32xf32, #tpu.memory_space<vmem>>) target(%dma_start3A_1210 : memref<26x32xf32, #tpu.memory_space<hbm>>) target_semaphore(%arg10 : memref<!tpu.dma_semaphore, #tpu.memory_space<semaphore_mem>>)
      %mul3A_1218 = arith.constant 16 : i32
      %mul3A_1219 = arith.muli %add3A_885, %mul3A_1218 : i32
      %add3A_1220 = arith.addi %mul3A_4, %mul3A_1219 : i32
      %add3A_1221 = arith.constant 11 : i32
      %add3A_1222 = arith.addi %add3A_1220, %add3A_1221 : i32
      %dma_start3A_1223 = arith.constant 1 : i32
      %dma_start3A_1224 = arith.constant 0 : i32
      %dma_start3A_1225 = arith.constant 0 : i32
      %dma_start3A_1226 = tpu.memref_slice %arg6[%dma_start3A_1223, %dma_start3A_1224, %dma_start3A_1225] : memref<2x416x32xf32, #tpu.memory_space<vmem>> -> memref<1x416x32xf32, #tpu.memory_space<vmem>>
      %dma_start3A_1227 = tpu.memref_squeeze %dma_start3A_1226 : memref<1x416x32xf32, #tpu.memory_space<vmem>> -> memref<416x32xf32, #tpu.memory_space<vmem>>
      %dma_start3A_1228 = arith.constant 286 : i32
      %dma_start3A_1229 = arith.constant 0 : i32
      %dma_start3A_1230 = tpu.memref_slice %dma_start3A_1227[%dma_start3A_1228, %dma_start3A_1229] : memref<416x32xf32, #tpu.memory_space<vmem>> -> memref<26x32xf32, #tpu.memory_space<vmem>>
      %dma_start3A_1231 = arith.constant 0 : i32
      %dma_start3A_1232 = arith.constant 0 : i32
      %dma_start3A_1233 = tpu.memref_slice %arg4[%add3A_1222, %dma_start3A_1231, %dma_start3A_1232] : memref<16384x26x32xf32, #tpu.memory_space<hbm>> -> memref<1x26x32xf32, #tpu.memory_space<hbm>>
      %dma_start3A_1234 = tpu.memref_squeeze %dma_start3A_1233 : memref<1x26x32xf32, #tpu.memory_space<hbm>> -> memref<26x32xf32, #tpu.memory_space<hbm>>
      %dma_start3A_1235 = arith.constant 0 : i32
      %dma_start3A_1236 = arith.constant 0 : i32
      %dma_start3A_1237 = tpu.memref_slice %arg4[%add3A_1222, %dma_start3A_1235, %dma_start3A_1236] : memref<16384x26x32xf32, #tpu.memory_space<hbm>> -> memref<1x26x32xf32, #tpu.memory_space<hbm>>
      %dma_start3A_1238 = tpu.memref_squeeze %dma_start3A_1237 : memref<1x26x32xf32, #tpu.memory_space<hbm>> -> memref<26x32xf32, #tpu.memory_space<hbm>>
      %dma_start3A_1239 = arith.constant 0 : i32
      %dma_start3A_1240 = arith.constant 0 : i32
      %dma_start3A_1241 = tpu.memref_slice %arg6[%dma_start3A_1223, %dma_start3A_1239, %dma_start3A_1240] : memref<2x416x32xf32, #tpu.memory_space<vmem>> -> memref<1x416x32xf32, #tpu.memory_space<vmem>>
      %dma_start3A_1242 = tpu.memref_squeeze %dma_start3A_1241 : memref<1x416x32xf32, #tpu.memory_space<vmem>> -> memref<416x32xf32, #tpu.memory_space<vmem>>
      %dma_start3A_1243 = arith.constant 286 : i32
      %dma_start3A_1244 = arith.constant 0 : i32
      %dma_start3A_1245 = tpu.memref_slice %dma_start3A_1242[%dma_start3A_1243, %dma_start3A_1244] : memref<416x32xf32, #tpu.memory_space<vmem>> -> memref<26x32xf32, #tpu.memory_space<vmem>>
      tpu.enqueue_dma source(%dma_start3A_1245 : memref<26x32xf32, #tpu.memory_space<vmem>>) target(%dma_start3A_1238 : memref<26x32xf32, #tpu.memory_space<hbm>>) target_semaphore(%arg10 : memref<!tpu.dma_semaphore, #tpu.memory_space<semaphore_mem>>)
      %mul3A_1246 = arith.constant 16 : i32
      %mul3A_1247 = arith.muli %add3A_885, %mul3A_1246 : i32
      %add3A_1248 = arith.addi %mul3A_4, %mul3A_1247 : i32
      %add3A_1249 = arith.constant 12 : i32
      %add3A_1250 = arith.addi %add3A_1248, %add3A_1249 : i32
      %dma_start3A_1251 = arith.constant 1 : i32
      %dma_start3A_1252 = arith.constant 0 : i32
      %dma_start3A_1253 = arith.constant 0 : i32
      %dma_start3A_1254 = tpu.memref_slice %arg6[%dma_start3A_1251, %dma_start3A_1252, %dma_start3A_1253] : memref<2x416x32xf32, #tpu.memory_space<vmem>> -> memref<1x416x32xf32, #tpu.memory_space<vmem>>
      %dma_start3A_1255 = tpu.memref_squeeze %dma_start3A_1254 : memref<1x416x32xf32, #tpu.memory_space<vmem>> -> memref<416x32xf32, #tpu.memory_space<vmem>>
      %dma_start3A_1256 = arith.constant 312 : i32
      %dma_start3A_1257 = arith.constant 0 : i32
      %dma_start3A_1258 = tpu.memref_slice %dma_start3A_1255[%dma_start3A_1256, %dma_start3A_1257] : memref<416x32xf32, #tpu.memory_space<vmem>> -> memref<26x32xf32, #tpu.memory_space<vmem>>
      %dma_start3A_1259 = arith.constant 0 : i32
      %dma_start3A_1260 = arith.constant 0 : i32
      %dma_start3A_1261 = tpu.memref_slice %arg4[%add3A_1250, %dma_start3A_1259, %dma_start3A_1260] : memref<16384x26x32xf32, #tpu.memory_space<hbm>> -> memref<1x26x32xf32, #tpu.memory_space<hbm>>
      %dma_start3A_1262 = tpu.memref_squeeze %dma_start3A_1261 : memref<1x26x32xf32, #tpu.memory_space<hbm>> -> memref<26x32xf32, #tpu.memory_space<hbm>>
      %dma_start3A_1263 = arith.constant 0 : i32
      %dma_start3A_1264 = arith.constant 0 : i32
      %dma_start3A_1265 = tpu.memref_slice %arg4[%add3A_1250, %dma_start3A_1263, %dma_start3A_1264] : memref<16384x26x32xf32, #tpu.memory_space<hbm>> -> memref<1x26x32xf32, #tpu.memory_space<hbm>>
      %dma_start3A_1266 = tpu.memref_squeeze %dma_start3A_1265 : memref<1x26x32xf32, #tpu.memory_space<hbm>> -> memref<26x32xf32, #tpu.memory_space<hbm>>
      %dma_start3A_1267 = arith.constant 0 : i32
      %dma_start3A_1268 = arith.constant 0 : i32
      %dma_start3A_1269 = tpu.memref_slice %arg6[%dma_start3A_1251, %dma_start3A_1267, %dma_start3A_1268] : memref<2x416x32xf32, #tpu.memory_space<vmem>> -> memref<1x416x32xf32, #tpu.memory_space<vmem>>
      %dma_start3A_1270 = tpu.memref_squeeze %dma_start3A_1269 : memref<1x416x32xf32, #tpu.memory_space<vmem>> -> memref<416x32xf32, #tpu.memory_space<vmem>>
      %dma_start3A_1271 = arith.constant 312 : i32
      %dma_start3A_1272 = arith.constant 0 : i32
      %dma_start3A_1273 = tpu.memref_slice %dma_start3A_1270[%dma_start3A_1271, %dma_start3A_1272] : memref<416x32xf32, #tpu.memory_space<vmem>> -> memref<26x32xf32, #tpu.memory_space<vmem>>
      tpu.enqueue_dma source(%dma_start3A_1273 : memref<26x32xf32, #tpu.memory_space<vmem>>) target(%dma_start3A_1266 : memref<26x32xf32, #tpu.memory_space<hbm>>) target_semaphore(%arg10 : memref<!tpu.dma_semaphore, #tpu.memory_space<semaphore_mem>>)
      %mul3A_1274 = arith.constant 16 : i32
      %mul3A_1275 = arith.muli %add3A_885, %mul3A_1274 : i32
      %add3A_1276 = arith.addi %mul3A_4, %mul3A_1275 : i32
      %add3A_1277 = arith.constant 13 : i32
      %add3A_1278 = arith.addi %add3A_1276, %add3A_1277 : i32
      %dma_start3A_1279 = arith.constant 1 : i32
      %dma_start3A_1280 = arith.constant 0 : i32
      %dma_start3A_1281 = arith.constant 0 : i32
      %dma_start3A_1282 = tpu.memref_slice %arg6[%dma_start3A_1279, %dma_start3A_1280, %dma_start3A_1281] : memref<2x416x32xf32, #tpu.memory_space<vmem>> -> memref<1x416x32xf32, #tpu.memory_space<vmem>>
      %dma_start3A_1283 = tpu.memref_squeeze %dma_start3A_1282 : memref<1x416x32xf32, #tpu.memory_space<vmem>> -> memref<416x32xf32, #tpu.memory_space<vmem>>
      %dma_start3A_1284 = arith.constant 338 : i32
      %dma_start3A_1285 = arith.constant 0 : i32
      %dma_start3A_1286 = tpu.memref_slice %dma_start3A_1283[%dma_start3A_1284, %dma_start3A_1285] : memref<416x32xf32, #tpu.memory_space<vmem>> -> memref<26x32xf32, #tpu.memory_space<vmem>>
      %dma_start3A_1287 = arith.constant 0 : i32
      %dma_start3A_1288 = arith.constant 0 : i32
      %dma_start3A_1289 = tpu.memref_slice %arg4[%add3A_1278, %dma_start3A_1287, %dma_start3A_1288] : memref<16384x26x32xf32, #tpu.memory_space<hbm>> -> memref<1x26x32xf32, #tpu.memory_space<hbm>>
      %dma_start3A_1290 = tpu.memref_squeeze %dma_start3A_1289 : memref<1x26x32xf32, #tpu.memory_space<hbm>> -> memref<26x32xf32, #tpu.memory_space<hbm>>
      %dma_start3A_1291 = arith.constant 0 : i32
      %dma_start3A_1292 = arith.constant 0 : i32
      %dma_start3A_1293 = tpu.memref_slice %arg4[%add3A_1278, %dma_start3A_1291, %dma_start3A_1292] : memref<16384x26x32xf32, #tpu.memory_space<hbm>> -> memref<1x26x32xf32, #tpu.memory_space<hbm>>
      %dma_start3A_1294 = tpu.memref_squeeze %dma_start3A_1293 : memref<1x26x32xf32, #tpu.memory_space<hbm>> -> memref<26x32xf32, #tpu.memory_space<hbm>>
      %dma_start3A_1295 = arith.constant 0 : i32
      %dma_start3A_1296 = arith.constant 0 : i32
      %dma_start3A_1297 = tpu.memref_slice %arg6[%dma_start3A_1279, %dma_start3A_1295, %dma_start3A_1296] : memref<2x416x32xf32, #tpu.memory_space<vmem>> -> memref<1x416x32xf32, #tpu.memory_space<vmem>>
      %dma_start3A_1298 = tpu.memref_squeeze %dma_start3A_1297 : memref<1x416x32xf32, #tpu.memory_space<vmem>> -> memref<416x32xf32, #tpu.memory_space<vmem>>
      %dma_start3A_1299 = arith.constant 338 : i32
      %dma_start3A_1300 = arith.constant 0 : i32
      %dma_start3A_1301 = tpu.memref_slice %dma_start3A_1298[%dma_start3A_1299, %dma_start3A_1300] : memref<416x32xf32, #tpu.memory_space<vmem>> -> memref<26x32xf32, #tpu.memory_space<vmem>>
      tpu.enqueue_dma source(%dma_start3A_1301 : memref<26x32xf32, #tpu.memory_space<vmem>>) target(%dma_start3A_1294 : memref<26x32xf32, #tpu.memory_space<hbm>>) target_semaphore(%arg10 : memref<!tpu.dma_semaphore, #tpu.memory_space<semaphore_mem>>)
      %mul3A_1302 = arith.constant 16 : i32
      %mul3A_1303 = arith.muli %add3A_885, %mul3A_1302 : i32
      %add3A_1304 = arith.addi %mul3A_4, %mul3A_1303 : i32
      %add3A_1305 = arith.constant 14 : i32
      %add3A_1306 = arith.addi %add3A_1304, %add3A_1305 : i32
      %dma_start3A_1307 = arith.constant 1 : i32
      %dma_start3A_1308 = arith.constant 0 : i32
      %dma_start3A_1309 = arith.constant 0 : i32
      %dma_start3A_1310 = tpu.memref_slice %arg6[%dma_start3A_1307, %dma_start3A_1308, %dma_start3A_1309] : memref<2x416x32xf32, #tpu.memory_space<vmem>> -> memref<1x416x32xf32, #tpu.memory_space<vmem>>
      %dma_start3A_1311 = tpu.memref_squeeze %dma_start3A_1310 : memref<1x416x32xf32, #tpu.memory_space<vmem>> -> memref<416x32xf32, #tpu.memory_space<vmem>>
      %dma_start3A_1312 = arith.constant 364 : i32
      %dma_start3A_1313 = arith.constant 0 : i32
      %dma_start3A_1314 = tpu.memref_slice %dma_start3A_1311[%dma_start3A_1312, %dma_start3A_1313] : memref<416x32xf32, #tpu.memory_space<vmem>> -> memref<26x32xf32, #tpu.memory_space<vmem>>
      %dma_start3A_1315 = arith.constant 0 : i32
      %dma_start3A_1316 = arith.constant 0 : i32
      %dma_start3A_1317 = tpu.memref_slice %arg4[%add3A_1306, %dma_start3A_1315, %dma_start3A_1316] : memref<16384x26x32xf32, #tpu.memory_space<hbm>> -> memref<1x26x32xf32, #tpu.memory_space<hbm>>
      %dma_start3A_1318 = tpu.memref_squeeze %dma_start3A_1317 : memref<1x26x32xf32, #tpu.memory_space<hbm>> -> memref<26x32xf32, #tpu.memory_space<hbm>>
      %dma_start3A_1319 = arith.constant 0 : i32
      %dma_start3A_1320 = arith.constant 0 : i32
      %dma_start3A_1321 = tpu.memref_slice %arg4[%add3A_1306, %dma_start3A_1319, %dma_start3A_1320] : memref<16384x26x32xf32, #tpu.memory_space<hbm>> -> memref<1x26x32xf32, #tpu.memory_space<hbm>>
      %dma_start3A_1322 = tpu.memref_squeeze %dma_start3A_1321 : memref<1x26x32xf32, #tpu.memory_space<hbm>> -> memref<26x32xf32, #tpu.memory_space<hbm>>
      %dma_start3A_1323 = arith.constant 0 : i32
      %dma_start3A_1324 = arith.constant 0 : i32
      %dma_start3A_1325 = tpu.memref_slice %arg6[%dma_start3A_1307, %dma_start3A_1323, %dma_start3A_1324] : memref<2x416x32xf32, #tpu.memory_space<vmem>> -> memref<1x416x32xf32, #tpu.memory_space<vmem>>
      %dma_start3A_1326 = tpu.memref_squeeze %dma_start3A_1325 : memref<1x416x32xf32, #tpu.memory_space<vmem>> -> memref<416x32xf32, #tpu.memory_space<vmem>>
      %dma_start3A_1327 = arith.constant 364 : i32
      %dma_start3A_1328 = arith.constant 0 : i32
      %dma_start3A_1329 = tpu.memref_slice %dma_start3A_1326[%dma_start3A_1327, %dma_start3A_1328] : memref<416x32xf32, #tpu.memory_space<vmem>> -> memref<26x32xf32, #tpu.memory_space<vmem>>
      tpu.enqueue_dma source(%dma_start3A_1329 : memref<26x32xf32, #tpu.memory_space<vmem>>) target(%dma_start3A_1322 : memref<26x32xf32, #tpu.memory_space<hbm>>) target_semaphore(%arg10 : memref<!tpu.dma_semaphore, #tpu.memory_space<semaphore_mem>>)
      %mul3A_1330 = arith.constant 16 : i32
      %mul3A_1331 = arith.muli %add3A_885, %mul3A_1330 : i32
      %add3A_1332 = arith.addi %mul3A_4, %mul3A_1331 : i32
      %add3A_1333 = arith.constant 15 : i32
      %add3A_1334 = arith.addi %add3A_1332, %add3A_1333 : i32
      %dma_start3A_1335 = arith.constant 1 : i32
      %dma_start3A_1336 = arith.constant 0 : i32
      %dma_start3A_1337 = arith.constant 0 : i32
      %dma_start3A_1338 = tpu.memref_slice %arg6[%dma_start3A_1335, %dma_start3A_1336, %dma_start3A_1337] : memref<2x416x32xf32, #tpu.memory_space<vmem>> -> memref<1x416x32xf32, #tpu.memory_space<vmem>>
      %dma_start3A_1339 = tpu.memref_squeeze %dma_start3A_1338 : memref<1x416x32xf32, #tpu.memory_space<vmem>> -> memref<416x32xf32, #tpu.memory_space<vmem>>
      %dma_start3A_1340 = arith.constant 390 : i32
      %dma_start3A_1341 = arith.constant 0 : i32
      %dma_start3A_1342 = tpu.memref_slice %dma_start3A_1339[%dma_start3A_1340, %dma_start3A_1341] : memref<416x32xf32, #tpu.memory_space<vmem>> -> memref<26x32xf32, #tpu.memory_space<vmem>>
      %dma_start3A_1343 = arith.constant 0 : i32
      %dma_start3A_1344 = arith.constant 0 : i32
      %dma_start3A_1345 = tpu.memref_slice %arg4[%add3A_1334, %dma_start3A_1343, %dma_start3A_1344] : memref<16384x26x32xf32, #tpu.memory_space<hbm>> -> memref<1x26x32xf32, #tpu.memory_space<hbm>>
      %dma_start3A_1346 = tpu.memref_squeeze %dma_start3A_1345 : memref<1x26x32xf32, #tpu.memory_space<hbm>> -> memref<26x32xf32, #tpu.memory_space<hbm>>
      %dma_start3A_1347 = arith.constant 0 : i32
      %dma_start3A_1348 = arith.constant 0 : i32
      %dma_start3A_1349 = tpu.memref_slice %arg4[%add3A_1334, %dma_start3A_1347, %dma_start3A_1348] : memref<16384x26x32xf32, #tpu.memory_space<hbm>> -> memref<1x26x32xf32, #tpu.memory_space<hbm>>
      %dma_start3A_1350 = tpu.memref_squeeze %dma_start3A_1349 : memref<1x26x32xf32, #tpu.memory_space<hbm>> -> memref<26x32xf32, #tpu.memory_space<hbm>>
      %dma_start3A_1351 = arith.constant 0 : i32
      %dma_start3A_1352 = arith.constant 0 : i32
      %dma_start3A_1353 = tpu.memref_slice %arg6[%dma_start3A_1335, %dma_start3A_1351, %dma_start3A_1352] : memref<2x416x32xf32, #tpu.memory_space<vmem>> -> memref<1x416x32xf32, #tpu.memory_space<vmem>>
      %dma_start3A_1354 = tpu.memref_squeeze %dma_start3A_1353 : memref<1x416x32xf32, #tpu.memory_space<vmem>> -> memref<416x32xf32, #tpu.memory_space<vmem>>
      %dma_start3A_1355 = arith.constant 390 : i32
      %dma_start3A_1356 = arith.constant 0 : i32
      %dma_start3A_1357 = tpu.memref_slice %dma_start3A_1354[%dma_start3A_1355, %dma_start3A_1356] : memref<416x32xf32, #tpu.memory_space<vmem>> -> memref<26x32xf32, #tpu.memory_space<vmem>>
      tpu.enqueue_dma source(%dma_start3A_1357 : memref<26x32xf32, #tpu.memory_space<vmem>>) target(%dma_start3A_1350 : memref<26x32xf32, #tpu.memory_space<hbm>>) target_semaphore(%arg10 : memref<!tpu.dma_semaphore, #tpu.memory_space<semaphore_mem>>)
      %scan3A_1358 = arith.constant 0 : i32
      %scan3A_1359 = arith.constant 0 : i32
      %scan3A_1360 = arith.constant 26 : i32
      %scan3A_1361 = arith.addi %scan3A_1359, %scan3A_1360 : i32
      %scan3A_1362 = arith.constant 1 : i32
      scf.for %scan3A_1364 = %scan3A_1359 to %scan3A_1361 step %scan3A_1362  : i32 {
        %mul3A_1365 = arith.constant 416 : i32
        %mul3A_1366 = arith.muli %rem3A_889, %mul3A_1365 : i32
        %mul3A_1367 = arith.constant 16 : i32
        %mul3A_1368 = arith.muli %scan3A_1364, %mul3A_1367 : i32
        %add3A_1369 = arith.addi %mul3A_1366, %mul3A_1368 : i32
        %get3A = arith.index_cast %add3A_1369 : i32 to index
        %get3A_1370 = tpu.vector_load %arg5[%get3A] {strides = array<i32>} : memref<13312xi32, #tpu.memory_space<vmem>>, vector<16xi32>,
        %get3A_1371 = vector.shape_cast %get3A_1370 : vector<16xi32> to vector<16xi32>
        %mul3A_1372 = arith.constant 16 : i32
        %mul3A_1373 = arith.muli %scan3A_1364, %mul3A_1372 : i32
        %slice3A = vector.extract_strided_slice %get3A_1371 {offsets = [0], sizes = [1], strides = [1]} : vector<16xi32> to vector<1xi32>
        %squeeze3A = vector.extract %slice3A[0] : i32 from vector<1xi32>
        %add3A_1374 = arith.constant 0 : i32
        %add3A_1375 = arith.addi %mul3A_1373, %add3A_1374 : i32
        %dma_start3A_1376 = arith.constant 0 : i32
        %dma_start3A_1377 = arith.constant 0 : i32
        %dma_start3A_1378 = arith.constant 0 : i32
        %dma_start3A_1379 = tpu.memref_slice %arg6[%dma_start3A_1376, %dma_start3A_1377, %dma_start3A_1378] : memref<2x416x32xf32, #tpu.memory_space<vmem>> -> memref<1x416x32xf32, #tpu.memory_space<vmem>>
        %dma_start3A_1380 = tpu.memref_squeeze %dma_start3A_1379 : memref<1x416x32xf32, #tpu.memory_space<vmem>> -> memref<416x32xf32, #tpu.memory_space<vmem>>
        %dma_start3A_1381 = arith.constant 0 : i32
        %dma_start3A_1382 = tpu.memref_slice %dma_start3A_1380[%add3A_1375, %dma_start3A_1381] : memref<416x32xf32, #tpu.memory_space<vmem>> -> memref<1x32xf32, #tpu.memory_space<vmem>>
        %dma_start3A_1383 = tpu.memref_squeeze %dma_start3A_1382 : memref<1x32xf32, #tpu.memory_space<vmem>> -> memref<32xf32, #tpu.memory_space<vmem>>
        %dma_start3A_1384 = arith.constant 0 : i32
        %dma_start3A_1385 = tpu.memref_slice %arg3[%squeeze3A, %dma_start3A_1384] : memref<2600000x32xf32, #tpu.memory_space<hbm>> -> memref<1x32xf32, #tpu.memory_space<hbm>>
        %dma_start3A_1386 = tpu.memref_squeeze %dma_start3A_1385 : memref<1x32xf32, #tpu.memory_space<hbm>> -> memref<32xf32, #tpu.memory_space<hbm>>
        %dma_start3A_1387 = arith.constant 0 : i32
        %dma_start3A_1388 = arith.constant 0 : i32
        %dma_start3A_1389 = tpu.memref_slice %arg6[%dma_start3A_1376, %dma_start3A_1387, %dma_start3A_1388] : memref<2x416x32xf32, #tpu.memory_space<vmem>> -> memref<1x416x32xf32, #tpu.memory_space<vmem>>
        %dma_start3A_1390 = tpu.memref_squeeze %dma_start3A_1389 : memref<1x416x32xf32, #tpu.memory_space<vmem>> -> memref<416x32xf32, #tpu.memory_space<vmem>>
        %dma_start3A_1391 = arith.constant 0 : i32
        %dma_start3A_1392 = tpu.memref_slice %dma_start3A_1390[%add3A_1375, %dma_start3A_1391] : memref<416x32xf32, #tpu.memory_space<vmem>> -> memref<1x32xf32, #tpu.memory_space<vmem>>
        %dma_start3A_1393 = tpu.memref_squeeze %dma_start3A_1392 : memref<1x32xf32, #tpu.memory_space<vmem>> -> memref<32xf32, #tpu.memory_space<vmem>>
        %dma_start3A_1394 = arith.constant 0 : i32
        %dma_start3A_1395 = tpu.memref_slice %arg3[%squeeze3A, %dma_start3A_1394] : memref<2600000x32xf32, #tpu.memory_space<hbm>> -> memref<1x32xf32, #tpu.memory_space<hbm>>
        %dma_start3A_1396 = tpu.memref_squeeze %dma_start3A_1395 : memref<1x32xf32, #tpu.memory_space<hbm>> -> memref<32xf32, #tpu.memory_space<hbm>>
        tpu.enqueue_dma source(%dma_start3A_1396 : memref<32xf32, #tpu.memory_space<hbm>>) target(%dma_start3A_1393 : memref<32xf32, #tpu.memory_space<vmem>>) target_semaphore(%arg7 : memref<!tpu.dma_semaphore, #tpu.memory_space<semaphore_mem>>)
        %slice3A_1397 = vector.extract_strided_slice %get3A_1371 {offsets = [1], sizes = [1], strides = [1]} : vector<16xi32> to vector<1xi32>
        %squeeze3A_1398 = vector.extract %slice3A_1397[0] : i32 from vector<1xi32>
        %add3A_1399 = arith.constant 1 : i32
        %add3A_1400 = arith.addi %mul3A_1373, %add3A_1399 : i32
        %dma_start3A_1401 = arith.constant 0 : i32
        %dma_start3A_1402 = arith.constant 0 : i32
        %dma_start3A_1403 = arith.constant 0 : i32
        %dma_start3A_1404 = tpu.memref_slice %arg6[%dma_start3A_1401, %dma_start3A_1402, %dma_start3A_1403] : memref<2x416x32xf32, #tpu.memory_space<vmem>> -> memref<1x416x32xf32, #tpu.memory_space<vmem>>
        %dma_start3A_1405 = tpu.memref_squeeze %dma_start3A_1404 : memref<1x416x32xf32, #tpu.memory_space<vmem>> -> memref<416x32xf32, #tpu.memory_space<vmem>>
        %dma_start3A_1406 = arith.constant 0 : i32
        %dma_start3A_1407 = tpu.memref_slice %dma_start3A_1405[%add3A_1400, %dma_start3A_1406] : memref<416x32xf32, #tpu.memory_space<vmem>> -> memref<1x32xf32, #tpu.memory_space<vmem>>
        %dma_start3A_1408 = tpu.memref_squeeze %dma_start3A_1407 : memref<1x32xf32, #tpu.memory_space<vmem>> -> memref<32xf32, #tpu.memory_space<vmem>>
        %dma_start3A_1409 = arith.constant 0 : i32
        %dma_start3A_1410 = tpu.memref_slice %arg3[%squeeze3A_1398, %dma_start3A_1409] : memref<2600000x32xf32, #tpu.memory_space<hbm>> -> memref<1x32xf32, #tpu.memory_space<hbm>>
        %dma_start3A_1411 = tpu.memref_squeeze %dma_start3A_1410 : memref<1x32xf32, #tpu.memory_space<hbm>> -> memref<32xf32, #tpu.memory_space<hbm>>
        %dma_start3A_1412 = arith.constant 0 : i32
        %dma_start3A_1413 = arith.constant 0 : i32
        %dma_start3A_1414 = tpu.memref_slice %arg6[%dma_start3A_1401, %dma_start3A_1412, %dma_start3A_1413] : memref<2x416x32xf32, #tpu.memory_space<vmem>> -> memref<1x416x32xf32, #tpu.memory_space<vmem>>
        %dma_start3A_1415 = tpu.memref_squeeze %dma_start3A_1414 : memref<1x416x32xf32, #tpu.memory_space<vmem>> -> memref<416x32xf32, #tpu.memory_space<vmem>>
        %dma_start3A_1416 = arith.constant 0 : i32
        %dma_start3A_1417 = tpu.memref_slice %dma_start3A_1415[%add3A_1400, %dma_start3A_1416] : memref<416x32xf32, #tpu.memory_space<vmem>> -> memref<1x32xf32, #tpu.memory_space<vmem>>
        %dma_start3A_1418 = tpu.memref_squeeze %dma_start3A_1417 : memref<1x32xf32, #tpu.memory_space<vmem>> -> memref<32xf32, #tpu.memory_space<vmem>>
        %dma_start3A_1419 = arith.constant 0 : i32
        %dma_start3A_1420 = tpu.memref_slice %arg3[%squeeze3A_1398, %dma_start3A_1419] : memref<2600000x32xf32, #tpu.memory_space<hbm>> -> memref<1x32xf32, #tpu.memory_space<hbm>>
        %dma_start3A_1421 = tpu.memref_squeeze %dma_start3A_1420 : memref<1x32xf32, #tpu.memory_space<hbm>> -> memref<32xf32, #tpu.memory_space<hbm>>
        tpu.enqueue_dma source(%dma_start3A_1421 : memref<32xf32, #tpu.memory_space<hbm>>) target(%dma_start3A_1418 : memref<32xf32, #tpu.memory_space<vmem>>) target_semaphore(%arg7 : memref<!tpu.dma_semaphore, #tpu.memory_space<semaphore_mem>>)
        %slice3A_1422 = vector.extract_strided_slice %get3A_1371 {offsets = [2], sizes = [1], strides = [1]} : vector<16xi32> to vector<1xi32>
        %squeeze3A_1423 = vector.extract %slice3A_1422[0] : i32 from vector<1xi32>
        %add3A_1424 = arith.constant 2 : i32
        %add3A_1425 = arith.addi %mul3A_1373, %add3A_1424 : i32
        %dma_start3A_1426 = arith.constant 0 : i32
        %dma_start3A_1427 = arith.constant 0 : i32
        %dma_start3A_1428 = arith.constant 0 : i32
        %dma_start3A_1429 = tpu.memref_slice %arg6[%dma_start3A_1426, %dma_start3A_1427, %dma_start3A_1428] : memref<2x416x32xf32, #tpu.memory_space<vmem>> -> memref<1x416x32xf32, #tpu.memory_space<vmem>>
        %dma_start3A_1430 = tpu.memref_squeeze %dma_start3A_1429 : memref<1x416x32xf32, #tpu.memory_space<vmem>> -> memref<416x32xf32, #tpu.memory_space<vmem>>
        %dma_start3A_1431 = arith.constant 0 : i32
        %dma_start3A_1432 = tpu.memref_slice %dma_start3A_1430[%add3A_1425, %dma_start3A_1431] : memref<416x32xf32, #tpu.memory_space<vmem>> -> memref<1x32xf32, #tpu.memory_space<vmem>>
        %dma_start3A_1433 = tpu.memref_squeeze %dma_start3A_1432 : memref<1x32xf32, #tpu.memory_space<vmem>> -> memref<32xf32, #tpu.memory_space<vmem>>
        %dma_start3A_1434 = arith.constant 0 : i32
        %dma_start3A_1435 = tpu.memref_slice %arg3[%squeeze3A_1423, %dma_start3A_1434] : memref<2600000x32xf32, #tpu.memory_space<hbm>> -> memref<1x32xf32, #tpu.memory_space<hbm>>
        %dma_start3A_1436 = tpu.memref_squeeze %dma_start3A_1435 : memref<1x32xf32, #tpu.memory_space<hbm>> -> memref<32xf32, #tpu.memory_space<hbm>>
        %dma_start3A_1437 = arith.constant 0 : i32
        %dma_start3A_1438 = arith.constant 0 : i32
        %dma_start3A_1439 = tpu.memref_slice %arg6[%dma_start3A_1426, %dma_start3A_1437, %dma_start3A_1438] : memref<2x416x32xf32, #tpu.memory_space<vmem>> -> memref<1x416x32xf32, #tpu.memory_space<vmem>>
        %dma_start3A_1440 = tpu.memref_squeeze %dma_start3A_1439 : memref<1x416x32xf32, #tpu.memory_space<vmem>> -> memref<416x32xf32, #tpu.memory_space<vmem>>
        %dma_start3A_1441 = arith.constant 0 : i32
        %dma_start3A_1442 = tpu.memref_slice %dma_start3A_1440[%add3A_1425, %dma_start3A_1441] : memref<416x32xf32, #tpu.memory_space<vmem>> -> memref<1x32xf32, #tpu.memory_space<vmem>>
        %dma_start3A_1443 = tpu.memref_squeeze %dma_start3A_1442 : memref<1x32xf32, #tpu.memory_space<vmem>> -> memref<32xf32, #tpu.memory_space<vmem>>
        %dma_start3A_1444 = arith.constant 0 : i32
        %dma_start3A_1445 = tpu.memref_slice %arg3[%squeeze3A_1423, %dma_start3A_1444] : memref<2600000x32xf32, #tpu.memory_space<hbm>> -> memref<1x32xf32, #tpu.memory_space<hbm>>
        %dma_start3A_1446 = tpu.memref_squeeze %dma_start3A_1445 : memref<1x32xf32, #tpu.memory_space<hbm>> -> memref<32xf32, #tpu.memory_space<hbm>>
        tpu.enqueue_dma source(%dma_start3A_1446 : memref<32xf32, #tpu.memory_space<hbm>>) target(%dma_start3A_1443 : memref<32xf32, #tpu.memory_space<vmem>>) target_semaphore(%arg7 : memref<!tpu.dma_semaphore, #tpu.memory_space<semaphore_mem>>)
        %slice3A_1447 = vector.extract_strided_slice %get3A_1371 {offsets = [3], sizes = [1], strides = [1]} : vector<16xi32> to vector<1xi32>
        %squeeze3A_1448 = vector.extract %slice3A_1447[0] : i32 from vector<1xi32>
        %add3A_1449 = arith.constant 3 : i32
        %add3A_1450 = arith.addi %mul3A_1373, %add3A_1449 : i32
        %dma_start3A_1451 = arith.constant 0 : i32
        %dma_start3A_1452 = arith.constant 0 : i32
        %dma_start3A_1453 = arith.constant 0 : i32
        %dma_start3A_1454 = tpu.memref_slice %arg6[%dma_start3A_1451, %dma_start3A_1452, %dma_start3A_1453] : memref<2x416x32xf32, #tpu.memory_space<vmem>> -> memref<1x416x32xf32, #tpu.memory_space<vmem>>
        %dma_start3A_1455 = tpu.memref_squeeze %dma_start3A_1454 : memref<1x416x32xf32, #tpu.memory_space<vmem>> -> memref<416x32xf32, #tpu.memory_space<vmem>>
        %dma_start3A_1456 = arith.constant 0 : i32
        %dma_start3A_1457 = tpu.memref_slice %dma_start3A_1455[%add3A_1450, %dma_start3A_1456] : memref<416x32xf32, #tpu.memory_space<vmem>> -> memref<1x32xf32, #tpu.memory_space<vmem>>
        %dma_start3A_1458 = tpu.memref_squeeze %dma_start3A_1457 : memref<1x32xf32, #tpu.memory_space<vmem>> -> memref<32xf32, #tpu.memory_space<vmem>>
        %dma_start3A_1459 = arith.constant 0 : i32
        %dma_start3A_1460 = tpu.memref_slice %arg3[%squeeze3A_1448, %dma_start3A_1459] : memref<2600000x32xf32, #tpu.memory_space<hbm>> -> memref<1x32xf32, #tpu.memory_space<hbm>>
        %dma_start3A_1461 = tpu.memref_squeeze %dma_start3A_1460 : memref<1x32xf32, #tpu.memory_space<hbm>> -> memref<32xf32, #tpu.memory_space<hbm>>
        %dma_start3A_1462 = arith.constant 0 : i32
        %dma_start3A_1463 = arith.constant 0 : i32
        %dma_start3A_1464 = tpu.memref_slice %arg6[%dma_start3A_1451, %dma_start3A_1462, %dma_start3A_1463] : memref<2x416x32xf32, #tpu.memory_space<vmem>> -> memref<1x416x32xf32, #tpu.memory_space<vmem>>
        %dma_start3A_1465 = tpu.memref_squeeze %dma_start3A_1464 : memref<1x416x32xf32, #tpu.memory_space<vmem>> -> memref<416x32xf32, #tpu.memory_space<vmem>>
        %dma_start3A_1466 = arith.constant 0 : i32
        %dma_start3A_1467 = tpu.memref_slice %dma_start3A_1465[%add3A_1450, %dma_start3A_1466] : memref<416x32xf32, #tpu.memory_space<vmem>> -> memref<1x32xf32, #tpu.memory_space<vmem>>
        %dma_start3A_1468 = tpu.memref_squeeze %dma_start3A_1467 : memref<1x32xf32, #tpu.memory_space<vmem>> -> memref<32xf32, #tpu.memory_space<vmem>>
        %dma_start3A_1469 = arith.constant 0 : i32
        %dma_start3A_1470 = tpu.memref_slice %arg3[%squeeze3A_1448, %dma_start3A_1469] : memref<2600000x32xf32, #tpu.memory_space<hbm>> -> memref<1x32xf32, #tpu.memory_space<hbm>>
        %dma_start3A_1471 = tpu.memref_squeeze %dma_start3A_1470 : memref<1x32xf32, #tpu.memory_space<hbm>> -> memref<32xf32, #tpu.memory_space<hbm>>
        tpu.enqueue_dma source(%dma_start3A_1471 : memref<32xf32, #tpu.memory_space<hbm>>) target(%dma_start3A_1468 : memref<32xf32, #tpu.memory_space<vmem>>) target_semaphore(%arg7 : memref<!tpu.dma_semaphore, #tpu.memory_space<semaphore_mem>>)
        %slice3A_1472 = vector.extract_strided_slice %get3A_1371 {offsets = [4], sizes = [1], strides = [1]} : vector<16xi32> to vector<1xi32>
        %squeeze3A_1473 = vector.extract %slice3A_1472[0] : i32 from vector<1xi32>
        %add3A_1474 = arith.constant 4 : i32
        %add3A_1475 = arith.addi %mul3A_1373, %add3A_1474 : i32
        %dma_start3A_1476 = arith.constant 0 : i32
        %dma_start3A_1477 = arith.constant 0 : i32
        %dma_start3A_1478 = arith.constant 0 : i32
        %dma_start3A_1479 = tpu.memref_slice %arg6[%dma_start3A_1476, %dma_start3A_1477, %dma_start3A_1478] : memref<2x416x32xf32, #tpu.memory_space<vmem>> -> memref<1x416x32xf32, #tpu.memory_space<vmem>>
        %dma_start3A_1480 = tpu.memref_squeeze %dma_start3A_1479 : memref<1x416x32xf32, #tpu.memory_space<vmem>> -> memref<416x32xf32, #tpu.memory_space<vmem>>
        %dma_start3A_1481 = arith.constant 0 : i32
        %dma_start3A_1482 = tpu.memref_slice %dma_start3A_1480[%add3A_1475, %dma_start3A_1481] : memref<416x32xf32, #tpu.memory_space<vmem>> -> memref<1x32xf32, #tpu.memory_space<vmem>>
        %dma_start3A_1483 = tpu.memref_squeeze %dma_start3A_1482 : memref<1x32xf32, #tpu.memory_space<vmem>> -> memref<32xf32, #tpu.memory_space<vmem>>
        %dma_start3A_1484 = arith.constant 0 : i32
        %dma_start3A_1485 = tpu.memref_slice %arg3[%squeeze3A_1473, %dma_start3A_1484] : memref<2600000x32xf32, #tpu.memory_space<hbm>> -> memref<1x32xf32, #tpu.memory_space<hbm>>
        %dma_start3A_1486 = tpu.memref_squeeze %dma_start3A_1485 : memref<1x32xf32, #tpu.memory_space<hbm>> -> memref<32xf32, #tpu.memory_space<hbm>>
        %dma_start3A_1487 = arith.constant 0 : i32
        %dma_start3A_1488 = arith.constant 0 : i32
        %dma_start3A_1489 = tpu.memref_slice %arg6[%dma_start3A_1476, %dma_start3A_1487, %dma_start3A_1488] : memref<2x416x32xf32, #tpu.memory_space<vmem>> -> memref<1x416x32xf32, #tpu.memory_space<vmem>>
        %dma_start3A_1490 = tpu.memref_squeeze %dma_start3A_1489 : memref<1x416x32xf32, #tpu.memory_space<vmem>> -> memref<416x32xf32, #tpu.memory_space<vmem>>
        %dma_start3A_1491 = arith.constant 0 : i32
        %dma_start3A_1492 = tpu.memref_slice %dma_start3A_1490[%add3A_1475, %dma_start3A_1491] : memref<416x32xf32, #tpu.memory_space<vmem>> -> memref<1x32xf32, #tpu.memory_space<vmem>>
        %dma_start3A_1493 = tpu.memref_squeeze %dma_start3A_1492 : memref<1x32xf32, #tpu.memory_space<vmem>> -> memref<32xf32, #tpu.memory_space<vmem>>
        %dma_start3A_1494 = arith.constant 0 : i32
        %dma_start3A_1495 = tpu.memref_slice %arg3[%squeeze3A_1473, %dma_start3A_1494] : memref<2600000x32xf32, #tpu.memory_space<hbm>> -> memref<1x32xf32, #tpu.memory_space<hbm>>
        %dma_start3A_1496 = tpu.memref_squeeze %dma_start3A_1495 : memref<1x32xf32, #tpu.memory_space<hbm>> -> memref<32xf32, #tpu.memory_space<hbm>>
        tpu.enqueue_dma source(%dma_start3A_1496 : memref<32xf32, #tpu.memory_space<hbm>>) target(%dma_start3A_1493 : memref<32xf32, #tpu.memory_space<vmem>>) target_semaphore(%arg7 : memref<!tpu.dma_semaphore, #tpu.memory_space<semaphore_mem>>)
        %slice3A_1497 = vector.extract_strided_slice %get3A_1371 {offsets = [5], sizes = [1], strides = [1]} : vector<16xi32> to vector<1xi32>
        %squeeze3A_1498 = vector.extract %slice3A_1497[0] : i32 from vector<1xi32>
        %add3A_1499 = arith.constant 5 : i32
        %add3A_1500 = arith.addi %mul3A_1373, %add3A_1499 : i32
        %dma_start3A_1501 = arith.constant 0 : i32
        %dma_start3A_1502 = arith.constant 0 : i32
        %dma_start3A_1503 = arith.constant 0 : i32
        %dma_start3A_1504 = tpu.memref_slice %arg6[%dma_start3A_1501, %dma_start3A_1502, %dma_start3A_1503] : memref<2x416x32xf32, #tpu.memory_space<vmem>> -> memref<1x416x32xf32, #tpu.memory_space<vmem>>
        %dma_start3A_1505 = tpu.memref_squeeze %dma_start3A_1504 : memref<1x416x32xf32, #tpu.memory_space<vmem>> -> memref<416x32xf32, #tpu.memory_space<vmem>>
        %dma_start3A_1506 = arith.constant 0 : i32
        %dma_start3A_1507 = tpu.memref_slice %dma_start3A_1505[%add3A_1500, %dma_start3A_1506] : memref<416x32xf32, #tpu.memory_space<vmem>> -> memref<1x32xf32, #tpu.memory_space<vmem>>
        %dma_start3A_1508 = tpu.memref_squeeze %dma_start3A_1507 : memref<1x32xf32, #tpu.memory_space<vmem>> -> memref<32xf32, #tpu.memory_space<vmem>>
        %dma_start3A_1509 = arith.constant 0 : i32
        %dma_start3A_1510 = tpu.memref_slice %arg3[%squeeze3A_1498, %dma_start3A_1509] : memref<2600000x32xf32, #tpu.memory_space<hbm>> -> memref<1x32xf32, #tpu.memory_space<hbm>>
        %dma_start3A_1511 = tpu.memref_squeeze %dma_start3A_1510 : memref<1x32xf32, #tpu.memory_space<hbm>> -> memref<32xf32, #tpu.memory_space<hbm>>
        %dma_start3A_1512 = arith.constant 0 : i32
        %dma_start3A_1513 = arith.constant 0 : i32
        %dma_start3A_1514 = tpu.memref_slice %arg6[%dma_start3A_1501, %dma_start3A_1512, %dma_start3A_1513] : memref<2x416x32xf32, #tpu.memory_space<vmem>> -> memref<1x416x32xf32, #tpu.memory_space<vmem>>
        %dma_start3A_1515 = tpu.memref_squeeze %dma_start3A_1514 : memref<1x416x32xf32, #tpu.memory_space<vmem>> -> memref<416x32xf32, #tpu.memory_space<vmem>>
        %dma_start3A_1516 = arith.constant 0 : i32
        %dma_start3A_1517 = tpu.memref_slice %dma_start3A_1515[%add3A_1500, %dma_start3A_1516] : memref<416x32xf32, #tpu.memory_space<vmem>> -> memref<1x32xf32, #tpu.memory_space<vmem>>
        %dma_start3A_1518 = tpu.memref_squeeze %dma_start3A_1517 : memref<1x32xf32, #tpu.memory_space<vmem>> -> memref<32xf32, #tpu.memory_space<vmem>>
        %dma_start3A_1519 = arith.constant 0 : i32
        %dma_start3A_1520 = tpu.memref_slice %arg3[%squeeze3A_1498, %dma_start3A_1519] : memref<2600000x32xf32, #tpu.memory_space<hbm>> -> memref<1x32xf32, #tpu.memory_space<hbm>>
        %dma_start3A_1521 = tpu.memref_squeeze %dma_start3A_1520 : memref<1x32xf32, #tpu.memory_space<hbm>> -> memref<32xf32, #tpu.memory_space<hbm>>
        tpu.enqueue_dma source(%dma_start3A_1521 : memref<32xf32, #tpu.memory_space<hbm>>) target(%dma_start3A_1518 : memref<32xf32, #tpu.memory_space<vmem>>) target_semaphore(%arg7 : memref<!tpu.dma_semaphore, #tpu.memory_space<semaphore_mem>>)
        %slice3A_1522 = vector.extract_strided_slice %get3A_1371 {offsets = [6], sizes = [1], strides = [1]} : vector<16xi32> to vector<1xi32>
        %squeeze3A_1523 = vector.extract %slice3A_1522[0] : i32 from vector<1xi32>
        %add3A_1524 = arith.constant 6 : i32
        %add3A_1525 = arith.addi %mul3A_1373, %add3A_1524 : i32
        %dma_start3A_1526 = arith.constant 0 : i32
        %dma_start3A_1527 = arith.constant 0 : i32
        %dma_start3A_1528 = arith.constant 0 : i32
        %dma_start3A_1529 = tpu.memref_slice %arg6[%dma_start3A_1526, %dma_start3A_1527, %dma_start3A_1528] : memref<2x416x32xf32, #tpu.memory_space<vmem>> -> memref<1x416x32xf32, #tpu.memory_space<vmem>>
        %dma_start3A_1530 = tpu.memref_squeeze %dma_start3A_1529 : memref<1x416x32xf32, #tpu.memory_space<vmem>> -> memref<416x32xf32, #tpu.memory_space<vmem>>
        %dma_start3A_1531 = arith.constant 0 : i32
        %dma_start3A_1532 = tpu.memref_slice %dma_start3A_1530[%add3A_1525, %dma_start3A_1531] : memref<416x32xf32, #tpu.memory_space<vmem>> -> memref<1x32xf32, #tpu.memory_space<vmem>>
        %dma_start3A_1533 = tpu.memref_squeeze %dma_start3A_1532 : memref<1x32xf32, #tpu.memory_space<vmem>> -> memref<32xf32, #tpu.memory_space<vmem>>
        %dma_start3A_1534 = arith.constant 0 : i32
        %dma_start3A_1535 = tpu.memref_slice %arg3[%squeeze3A_1523, %dma_start3A_1534] : memref<2600000x32xf32, #tpu.memory_space<hbm>> -> memref<1x32xf32, #tpu.memory_space<hbm>>
        %dma_start3A_1536 = tpu.memref_squeeze %dma_start3A_1535 : memref<1x32xf32, #tpu.memory_space<hbm>> -> memref<32xf32, #tpu.memory_space<hbm>>
        %dma_start3A_1537 = arith.constant 0 : i32
        %dma_start3A_1538 = arith.constant 0 : i32
        %dma_start3A_1539 = tpu.memref_slice %arg6[%dma_start3A_1526, %dma_start3A_1537, %dma_start3A_1538] : memref<2x416x32xf32, #tpu.memory_space<vmem>> -> memref<1x416x32xf32, #tpu.memory_space<vmem>>
        %dma_start3A_1540 = tpu.memref_squeeze %dma_start3A_1539 : memref<1x416x32xf32, #tpu.memory_space<vmem>> -> memref<416x32xf32, #tpu.memory_space<vmem>>
        %dma_start3A_1541 = arith.constant 0 : i32
        %dma_start3A_1542 = tpu.memref_slice %dma_start3A_1540[%add3A_1525, %dma_start3A_1541] : memref<416x32xf32, #tpu.memory_space<vmem>> -> memref<1x32xf32, #tpu.memory_space<vmem>>
        %dma_start3A_1543 = tpu.memref_squeeze %dma_start3A_1542 : memref<1x32xf32, #tpu.memory_space<vmem>> -> memref<32xf32, #tpu.memory_space<vmem>>
        %dma_start3A_1544 = arith.constant 0 : i32
        %dma_start3A_1545 = tpu.memref_slice %arg3[%squeeze3A_1523, %dma_start3A_1544] : memref<2600000x32xf32, #tpu.memory_space<hbm>> -> memref<1x32xf32, #tpu.memory_space<hbm>>
        %dma_start3A_1546 = tpu.memref_squeeze %dma_start3A_1545 : memref<1x32xf32, #tpu.memory_space<hbm>> -> memref<32xf32, #tpu.memory_space<hbm>>
        tpu.enqueue_dma source(%dma_start3A_1546 : memref<32xf32, #tpu.memory_space<hbm>>) target(%dma_start3A_1543 : memref<32xf32, #tpu.memory_space<vmem>>) target_semaphore(%arg7 : memref<!tpu.dma_semaphore, #tpu.memory_space<semaphore_mem>>)
        %slice3A_1547 = vector.extract_strided_slice %get3A_1371 {offsets = [7], sizes = [1], strides = [1]} : vector<16xi32> to vector<1xi32>
        %squeeze3A_1548 = vector.extract %slice3A_1547[0] : i32 from vector<1xi32>
        %add3A_1549 = arith.constant 7 : i32
        %add3A_1550 = arith.addi %mul3A_1373, %add3A_1549 : i32
        %dma_start3A_1551 = arith.constant 0 : i32
        %dma_start3A_1552 = arith.constant 0 : i32
        %dma_start3A_1553 = arith.constant 0 : i32
        %dma_start3A_1554 = tpu.memref_slice %arg6[%dma_start3A_1551, %dma_start3A_1552, %dma_start3A_1553] : memref<2x416x32xf32, #tpu.memory_space<vmem>> -> memref<1x416x32xf32, #tpu.memory_space<vmem>>
        %dma_start3A_1555 = tpu.memref_squeeze %dma_start3A_1554 : memref<1x416x32xf32, #tpu.memory_space<vmem>> -> memref<416x32xf32, #tpu.memory_space<vmem>>
        %dma_start3A_1556 = arith.constant 0 : i32
        %dma_start3A_1557 = tpu.memref_slice %dma_start3A_1555[%add3A_1550, %dma_start3A_1556] : memref<416x32xf32, #tpu.memory_space<vmem>> -> memref<1x32xf32, #tpu.memory_space<vmem>>
        %dma_start3A_1558 = tpu.memref_squeeze %dma_start3A_1557 : memref<1x32xf32, #tpu.memory_space<vmem>> -> memref<32xf32, #tpu.memory_space<vmem>>
        %dma_start3A_1559 = arith.constant 0 : i32
        %dma_start3A_1560 = tpu.memref_slice %arg3[%squeeze3A_1548, %dma_start3A_1559] : memref<2600000x32xf32, #tpu.memory_space<hbm>> -> memref<1x32xf32, #tpu.memory_space<hbm>>
        %dma_start3A_1561 = tpu.memref_squeeze %dma_start3A_1560 : memref<1x32xf32, #tpu.memory_space<hbm>> -> memref<32xf32, #tpu.memory_space<hbm>>
        %dma_start3A_1562 = arith.constant 0 : i32
        %dma_start3A_1563 = arith.constant 0 : i32
        %dma_start3A_1564 = tpu.memref_slice %arg6[%dma_start3A_1551, %dma_start3A_1562, %dma_start3A_1563] : memref<2x416x32xf32, #tpu.memory_space<vmem>> -> memref<1x416x32xf32, #tpu.memory_space<vmem>>
        %dma_start3A_1565 = tpu.memref_squeeze %dma_start3A_1564 : memref<1x416x32xf32, #tpu.memory_space<vmem>> -> memref<416x32xf32, #tpu.memory_space<vmem>>
        %dma_start3A_1566 = arith.constant 0 : i32
        %dma_start3A_1567 = tpu.memref_slice %dma_start3A_1565[%add3A_1550, %dma_start3A_1566] : memref<416x32xf32, #tpu.memory_space<vmem>> -> memref<1x32xf32, #tpu.memory_space<vmem>>
        %dma_start3A_1568 = tpu.memref_squeeze %dma_start3A_1567 : memref<1x32xf32, #tpu.memory_space<vmem>> -> memref<32xf32, #tpu.memory_space<vmem>>
        %dma_start3A_1569 = arith.constant 0 : i32
        %dma_start3A_1570 = tpu.memref_slice %arg3[%squeeze3A_1548, %dma_start3A_1569] : memref<2600000x32xf32, #tpu.memory_space<hbm>> -> memref<1x32xf32, #tpu.memory_space<hbm>>
        %dma_start3A_1571 = tpu.memref_squeeze %dma_start3A_1570 : memref<1x32xf32, #tpu.memory_space<hbm>> -> memref<32xf32, #tpu.memory_space<hbm>>
        tpu.enqueue_dma source(%dma_start3A_1571 : memref<32xf32, #tpu.memory_space<hbm>>) target(%dma_start3A_1568 : memref<32xf32, #tpu.memory_space<vmem>>) target_semaphore(%arg7 : memref<!tpu.dma_semaphore, #tpu.memory_space<semaphore_mem>>)
        %slice3A_1572 = vector.extract_strided_slice %get3A_1371 {offsets = [8], sizes = [1], strides = [1]} : vector<16xi32> to vector<1xi32>
        %squeeze3A_1573 = vector.extract %slice3A_1572[0] : i32 from vector<1xi32>
        %add3A_1574 = arith.constant 8 : i32
        %add3A_1575 = arith.addi %mul3A_1373, %add3A_1574 : i32
        %dma_start3A_1576 = arith.constant 0 : i32
        %dma_start3A_1577 = arith.constant 0 : i32
        %dma_start3A_1578 = arith.constant 0 : i32
        %dma_start3A_1579 = tpu.memref_slice %arg6[%dma_start3A_1576, %dma_start3A_1577, %dma_start3A_1578] : memref<2x416x32xf32, #tpu.memory_space<vmem>> -> memref<1x416x32xf32, #tpu.memory_space<vmem>>
        %dma_start3A_1580 = tpu.memref_squeeze %dma_start3A_1579 : memref<1x416x32xf32, #tpu.memory_space<vmem>> -> memref<416x32xf32, #tpu.memory_space<vmem>>
        %dma_start3A_1581 = arith.constant 0 : i32
        %dma_start3A_1582 = tpu.memref_slice %dma_start3A_1580[%add3A_1575, %dma_start3A_1581] : memref<416x32xf32, #tpu.memory_space<vmem>> -> memref<1x32xf32, #tpu.memory_space<vmem>>
        %dma_start3A_1583 = tpu.memref_squeeze %dma_start3A_1582 : memref<1x32xf32, #tpu.memory_space<vmem>> -> memref<32xf32, #tpu.memory_space<vmem>>
        %dma_start3A_1584 = arith.constant 0 : i32
        %dma_start3A_1585 = tpu.memref_slice %arg3[%squeeze3A_1573, %dma_start3A_1584] : memref<2600000x32xf32, #tpu.memory_space<hbm>> -> memref<1x32xf32, #tpu.memory_space<hbm>>
        %dma_start3A_1586 = tpu.memref_squeeze %dma_start3A_1585 : memref<1x32xf32, #tpu.memory_space<hbm>> -> memref<32xf32, #tpu.memory_space<hbm>>
        %dma_start3A_1587 = arith.constant 0 : i32
        %dma_start3A_1588 = arith.constant 0 : i32
        %dma_start3A_1589 = tpu.memref_slice %arg6[%dma_start3A_1576, %dma_start3A_1587, %dma_start3A_1588] : memref<2x416x32xf32, #tpu.memory_space<vmem>> -> memref<1x416x32xf32, #tpu.memory_space<vmem>>
        %dma_start3A_1590 = tpu.memref_squeeze %dma_start3A_1589 : memref<1x416x32xf32, #tpu.memory_space<vmem>> -> memref<416x32xf32, #tpu.memory_space<vmem>>
        %dma_start3A_1591 = arith.constant 0 : i32
        %dma_start3A_1592 = tpu.memref_slice %dma_start3A_1590[%add3A_1575, %dma_start3A_1591] : memref<416x32xf32, #tpu.memory_space<vmem>> -> memref<1x32xf32, #tpu.memory_space<vmem>>
        %dma_start3A_1593 = tpu.memref_squeeze %dma_start3A_1592 : memref<1x32xf32, #tpu.memory_space<vmem>> -> memref<32xf32, #tpu.memory_space<vmem>>
        %dma_start3A_1594 = arith.constant 0 : i32
        %dma_start3A_1595 = tpu.memref_slice %arg3[%squeeze3A_1573, %dma_start3A_1594] : memref<2600000x32xf32, #tpu.memory_space<hbm>> -> memref<1x32xf32, #tpu.memory_space<hbm>>
        %dma_start3A_1596 = tpu.memref_squeeze %dma_start3A_1595 : memref<1x32xf32, #tpu.memory_space<hbm>> -> memref<32xf32, #tpu.memory_space<hbm>>
        tpu.enqueue_dma source(%dma_start3A_1596 : memref<32xf32, #tpu.memory_space<hbm>>) target(%dma_start3A_1593 : memref<32xf32, #tpu.memory_space<vmem>>) target_semaphore(%arg7 : memref<!tpu.dma_semaphore, #tpu.memory_space<semaphore_mem>>)
        %slice3A_1597 = vector.extract_strided_slice %get3A_1371 {offsets = [9], sizes = [1], strides = [1]} : vector<16xi32> to vector<1xi32>
        %squeeze3A_1598 = vector.extract %slice3A_1597[0] : i32 from vector<1xi32>
        %add3A_1599 = arith.constant 9 : i32
        %add3A_1600 = arith.addi %mul3A_1373, %add3A_1599 : i32
        %dma_start3A_1601 = arith.constant 0 : i32
        %dma_start3A_1602 = arith.constant 0 : i32
        %dma_start3A_1603 = arith.constant 0 : i32
        %dma_start3A_1604 = tpu.memref_slice %arg6[%dma_start3A_1601, %dma_start3A_1602, %dma_start3A_1603] : memref<2x416x32xf32, #tpu.memory_space<vmem>> -> memref<1x416x32xf32, #tpu.memory_space<vmem>>
        %dma_start3A_1605 = tpu.memref_squeeze %dma_start3A_1604 : memref<1x416x32xf32, #tpu.memory_space<vmem>> -> memref<416x32xf32, #tpu.memory_space<vmem>>
        %dma_start3A_1606 = arith.constant 0 : i32
        %dma_start3A_1607 = tpu.memref_slice %dma_start3A_1605[%add3A_1600, %dma_start3A_1606] : memref<416x32xf32, #tpu.memory_space<vmem>> -> memref<1x32xf32, #tpu.memory_space<vmem>>
        %dma_start3A_1608 = tpu.memref_squeeze %dma_start3A_1607 : memref<1x32xf32, #tpu.memory_space<vmem>> -> memref<32xf32, #tpu.memory_space<vmem>>
        %dma_start3A_1609 = arith.constant 0 : i32
        %dma_start3A_1610 = tpu.memref_slice %arg3[%squeeze3A_1598, %dma_start3A_1609] : memref<2600000x32xf32, #tpu.memory_space<hbm>> -> memref<1x32xf32, #tpu.memory_space<hbm>>
        %dma_start3A_1611 = tpu.memref_squeeze %dma_start3A_1610 : memref<1x32xf32, #tpu.memory_space<hbm>> -> memref<32xf32, #tpu.memory_space<hbm>>
        %dma_start3A_1612 = arith.constant 0 : i32
        %dma_start3A_1613 = arith.constant 0 : i32
        %dma_start3A_1614 = tpu.memref_slice %arg6[%dma_start3A_1601, %dma_start3A_1612, %dma_start3A_1613] : memref<2x416x32xf32, #tpu.memory_space<vmem>> -> memref<1x416x32xf32, #tpu.memory_space<vmem>>
        %dma_start3A_1615 = tpu.memref_squeeze %dma_start3A_1614 : memref<1x416x32xf32, #tpu.memory_space<vmem>> -> memref<416x32xf32, #tpu.memory_space<vmem>>
        %dma_start3A_1616 = arith.constant 0 : i32
        %dma_start3A_1617 = tpu.memref_slice %dma_start3A_1615[%add3A_1600, %dma_start3A_1616] : memref<416x32xf32, #tpu.memory_space<vmem>> -> memref<1x32xf32, #tpu.memory_space<vmem>>
        %dma_start3A_1618 = tpu.memref_squeeze %dma_start3A_1617 : memref<1x32xf32, #tpu.memory_space<vmem>> -> memref<32xf32, #tpu.memory_space<vmem>>
        %dma_start3A_1619 = arith.constant 0 : i32
        %dma_start3A_1620 = tpu.memref_slice %arg3[%squeeze3A_1598, %dma_start3A_1619] : memref<2600000x32xf32, #tpu.memory_space<hbm>> -> memref<1x32xf32, #tpu.memory_space<hbm>>
        %dma_start3A_1621 = tpu.memref_squeeze %dma_start3A_1620 : memref<1x32xf32, #tpu.memory_space<hbm>> -> memref<32xf32, #tpu.memory_space<hbm>>
        tpu.enqueue_dma source(%dma_start3A_1621 : memref<32xf32, #tpu.memory_space<hbm>>) target(%dma_start3A_1618 : memref<32xf32, #tpu.memory_space<vmem>>) target_semaphore(%arg7 : memref<!tpu.dma_semaphore, #tpu.memory_space<semaphore_mem>>)
        %slice3A_1622 = vector.extract_strided_slice %get3A_1371 {offsets = [10], sizes = [1], strides = [1]} : vector<16xi32> to vector<1xi32>
        %squeeze3A_1623 = vector.extract %slice3A_1622[0] : i32 from vector<1xi32>
        %add3A_1624 = arith.constant 10 : i32
        %add3A_1625 = arith.addi %mul3A_1373, %add3A_1624 : i32
        %dma_start3A_1626 = arith.constant 0 : i32
        %dma_start3A_1627 = arith.constant 0 : i32
        %dma_start3A_1628 = arith.constant 0 : i32
        %dma_start3A_1629 = tpu.memref_slice %arg6[%dma_start3A_1626, %dma_start3A_1627, %dma_start3A_1628] : memref<2x416x32xf32, #tpu.memory_space<vmem>> -> memref<1x416x32xf32, #tpu.memory_space<vmem>>
        %dma_start3A_1630 = tpu.memref_squeeze %dma_start3A_1629 : memref<1x416x32xf32, #tpu.memory_space<vmem>> -> memref<416x32xf32, #tpu.memory_space<vmem>>
        %dma_start3A_1631 = arith.constant 0 : i32
        %dma_start3A_1632 = tpu.memref_slice %dma_start3A_1630[%add3A_1625, %dma_start3A_1631] : memref<416x32xf32, #tpu.memory_space<vmem>> -> memref<1x32xf32, #tpu.memory_space<vmem>>
        %dma_start3A_1633 = tpu.memref_squeeze %dma_start3A_1632 : memref<1x32xf32, #tpu.memory_space<vmem>> -> memref<32xf32, #tpu.memory_space<vmem>>
        %dma_start3A_1634 = arith.constant 0 : i32
        %dma_start3A_1635 = tpu.memref_slice %arg3[%squeeze3A_1623, %dma_start3A_1634] : memref<2600000x32xf32, #tpu.memory_space<hbm>> -> memref<1x32xf32, #tpu.memory_space<hbm>>
        %dma_start3A_1636 = tpu.memref_squeeze %dma_start3A_1635 : memref<1x32xf32, #tpu.memory_space<hbm>> -> memref<32xf32, #tpu.memory_space<hbm>>
        %dma_start3A_1637 = arith.constant 0 : i32
        %dma_start3A_1638 = arith.constant 0 : i32
        %dma_start3A_1639 = tpu.memref_slice %arg6[%dma_start3A_1626, %dma_start3A_1637, %dma_start3A_1638] : memref<2x416x32xf32, #tpu.memory_space<vmem>> -> memref<1x416x32xf32, #tpu.memory_space<vmem>>
        %dma_start3A_1640 = tpu.memref_squeeze %dma_start3A_1639 : memref<1x416x32xf32, #tpu.memory_space<vmem>> -> memref<416x32xf32, #tpu.memory_space<vmem>>
        %dma_start3A_1641 = arith.constant 0 : i32
        %dma_start3A_1642 = tpu.memref_slice %dma_start3A_1640[%add3A_1625, %dma_start3A_1641] : memref<416x32xf32, #tpu.memory_space<vmem>> -> memref<1x32xf32, #tpu.memory_space<vmem>>
        %dma_start3A_1643 = tpu.memref_squeeze %dma_start3A_1642 : memref<1x32xf32, #tpu.memory_space<vmem>> -> memref<32xf32, #tpu.memory_space<vmem>>
        %dma_start3A_1644 = arith.constant 0 : i32
        %dma_start3A_1645 = tpu.memref_slice %arg3[%squeeze3A_1623, %dma_start3A_1644] : memref<2600000x32xf32, #tpu.memory_space<hbm>> -> memref<1x32xf32, #tpu.memory_space<hbm>>
        %dma_start3A_1646 = tpu.memref_squeeze %dma_start3A_1645 : memref<1x32xf32, #tpu.memory_space<hbm>> -> memref<32xf32, #tpu.memory_space<hbm>>
        tpu.enqueue_dma source(%dma_start3A_1646 : memref<32xf32, #tpu.memory_space<hbm>>) target(%dma_start3A_1643 : memref<32xf32, #tpu.memory_space<vmem>>) target_semaphore(%arg7 : memref<!tpu.dma_semaphore, #tpu.memory_space<semaphore_mem>>)
        %slice3A_1647 = vector.extract_strided_slice %get3A_1371 {offsets = [11], sizes = [1], strides = [1]} : vector<16xi32> to vector<1xi32>
        %squeeze3A_1648 = vector.extract %slice3A_1647[0] : i32 from vector<1xi32>
        %add3A_1649 = arith.constant 11 : i32
        %add3A_1650 = arith.addi %mul3A_1373, %add3A_1649 : i32
        %dma_start3A_1651 = arith.constant 0 : i32
        %dma_start3A_1652 = arith.constant 0 : i32
        %dma_start3A_1653 = arith.constant 0 : i32
        %dma_start3A_1654 = tpu.memref_slice %arg6[%dma_start3A_1651, %dma_start3A_1652, %dma_start3A_1653] : memref<2x416x32xf32, #tpu.memory_space<vmem>> -> memref<1x416x32xf32, #tpu.memory_space<vmem>>
        %dma_start3A_1655 = tpu.memref_squeeze %dma_start3A_1654 : memref<1x416x32xf32, #tpu.memory_space<vmem>> -> memref<416x32xf32, #tpu.memory_space<vmem>>
        %dma_start3A_1656 = arith.constant 0 : i32
        %dma_start3A_1657 = tpu.memref_slice %dma_start3A_1655[%add3A_1650, %dma_start3A_1656] : memref<416x32xf32, #tpu.memory_space<vmem>> -> memref<1x32xf32, #tpu.memory_space<vmem>>
        %dma_start3A_1658 = tpu.memref_squeeze %dma_start3A_1657 : memref<1x32xf32, #tpu.memory_space<vmem>> -> memref<32xf32, #tpu.memory_space<vmem>>
        %dma_start3A_1659 = arith.constant 0 : i32
        %dma_start3A_1660 = tpu.memref_slice %arg3[%squeeze3A_1648, %dma_start3A_1659] : memref<2600000x32xf32, #tpu.memory_space<hbm>> -> memref<1x32xf32, #tpu.memory_space<hbm>>
        %dma_start3A_1661 = tpu.memref_squeeze %dma_start3A_1660 : memref<1x32xf32, #tpu.memory_space<hbm>> -> memref<32xf32, #tpu.memory_space<hbm>>
        %dma_start3A_1662 = arith.constant 0 : i32
        %dma_start3A_1663 = arith.constant 0 : i32
        %dma_start3A_1664 = tpu.memref_slice %arg6[%dma_start3A_1651, %dma_start3A_1662, %dma_start3A_1663] : memref<2x416x32xf32, #tpu.memory_space<vmem>> -> memref<1x416x32xf32, #tpu.memory_space<vmem>>
        %dma_start3A_1665 = tpu.memref_squeeze %dma_start3A_1664 : memref<1x416x32xf32, #tpu.memory_space<vmem>> -> memref<416x32xf32, #tpu.memory_space<vmem>>
        %dma_start3A_1666 = arith.constant 0 : i32
        %dma_start3A_1667 = tpu.memref_slice %dma_start3A_1665[%add3A_1650, %dma_start3A_1666] : memref<416x32xf32, #tpu.memory_space<vmem>> -> memref<1x32xf32, #tpu.memory_space<vmem>>
        %dma_start3A_1668 = tpu.memref_squeeze %dma_start3A_1667 : memref<1x32xf32, #tpu.memory_space<vmem>> -> memref<32xf32, #tpu.memory_space<vmem>>
        %dma_start3A_1669 = arith.constant 0 : i32
        %dma_start3A_1670 = tpu.memref_slice %arg3[%squeeze3A_1648, %dma_start3A_1669] : memref<2600000x32xf32, #tpu.memory_space<hbm>> -> memref<1x32xf32, #tpu.memory_space<hbm>>
        %dma_start3A_1671 = tpu.memref_squeeze %dma_start3A_1670 : memref<1x32xf32, #tpu.memory_space<hbm>> -> memref<32xf32, #tpu.memory_space<hbm>>
        tpu.enqueue_dma source(%dma_start3A_1671 : memref<32xf32, #tpu.memory_space<hbm>>) target(%dma_start3A_1668 : memref<32xf32, #tpu.memory_space<vmem>>) target_semaphore(%arg7 : memref<!tpu.dma_semaphore, #tpu.memory_space<semaphore_mem>>)
        %slice3A_1672 = vector.extract_strided_slice %get3A_1371 {offsets = [12], sizes = [1], strides = [1]} : vector<16xi32> to vector<1xi32>
        %squeeze3A_1673 = vector.extract %slice3A_1672[0] : i32 from vector<1xi32>
        %add3A_1674 = arith.constant 12 : i32
        %add3A_1675 = arith.addi %mul3A_1373, %add3A_1674 : i32
        %dma_start3A_1676 = arith.constant 0 : i32
        %dma_start3A_1677 = arith.constant 0 : i32
        %dma_start3A_1678 = arith.constant 0 : i32
        %dma_start3A_1679 = tpu.memref_slice %arg6[%dma_start3A_1676, %dma_start3A_1677, %dma_start3A_1678] : memref<2x416x32xf32, #tpu.memory_space<vmem>> -> memref<1x416x32xf32, #tpu.memory_space<vmem>>
        %dma_start3A_1680 = tpu.memref_squeeze %dma_start3A_1679 : memref<1x416x32xf32, #tpu.memory_space<vmem>> -> memref<416x32xf32, #tpu.memory_space<vmem>>
        %dma_start3A_1681 = arith.constant 0 : i32
        %dma_start3A_1682 = tpu.memref_slice %dma_start3A_1680[%add3A_1675, %dma_start3A_1681] : memref<416x32xf32, #tpu.memory_space<vmem>> -> memref<1x32xf32, #tpu.memory_space<vmem>>
        %dma_start3A_1683 = tpu.memref_squeeze %dma_start3A_1682 : memref<1x32xf32, #tpu.memory_space<vmem>> -> memref<32xf32, #tpu.memory_space<vmem>>
        %dma_start3A_1684 = arith.constant 0 : i32
        %dma_start3A_1685 = tpu.memref_slice %arg3[%squeeze3A_1673, %dma_start3A_1684] : memref<2600000x32xf32, #tpu.memory_space<hbm>> -> memref<1x32xf32, #tpu.memory_space<hbm>>
        %dma_start3A_1686 = tpu.memref_squeeze %dma_start3A_1685 : memref<1x32xf32, #tpu.memory_space<hbm>> -> memref<32xf32, #tpu.memory_space<hbm>>
        %dma_start3A_1687 = arith.constant 0 : i32
        %dma_start3A_1688 = arith.constant 0 : i32
        %dma_start3A_1689 = tpu.memref_slice %arg6[%dma_start3A_1676, %dma_start3A_1687, %dma_start3A_1688] : memref<2x416x32xf32, #tpu.memory_space<vmem>> -> memref<1x416x32xf32, #tpu.memory_space<vmem>>
        %dma_start3A_1690 = tpu.memref_squeeze %dma_start3A_1689 : memref<1x416x32xf32, #tpu.memory_space<vmem>> -> memref<416x32xf32, #tpu.memory_space<vmem>>
        %dma_start3A_1691 = arith.constant 0 : i32
        %dma_start3A_1692 = tpu.memref_slice %dma_start3A_1690[%add3A_1675, %dma_start3A_1691] : memref<416x32xf32, #tpu.memory_space<vmem>> -> memref<1x32xf32, #tpu.memory_space<vmem>>
        %dma_start3A_1693 = tpu.memref_squeeze %dma_start3A_1692 : memref<1x32xf32, #tpu.memory_space<vmem>> -> memref<32xf32, #tpu.memory_space<vmem>>
        %dma_start3A_1694 = arith.constant 0 : i32
        %dma_start3A_1695 = tpu.memref_slice %arg3[%squeeze3A_1673, %dma_start3A_1694] : memref<2600000x32xf32, #tpu.memory_space<hbm>> -> memref<1x32xf32, #tpu.memory_space<hbm>>
        %dma_start3A_1696 = tpu.memref_squeeze %dma_start3A_1695 : memref<1x32xf32, #tpu.memory_space<hbm>> -> memref<32xf32, #tpu.memory_space<hbm>>
        tpu.enqueue_dma source(%dma_start3A_1696 : memref<32xf32, #tpu.memory_space<hbm>>) target(%dma_start3A_1693 : memref<32xf32, #tpu.memory_space<vmem>>) target_semaphore(%arg7 : memref<!tpu.dma_semaphore, #tpu.memory_space<semaphore_mem>>)
        %slice3A_1697 = vector.extract_strided_slice %get3A_1371 {offsets = [13], sizes = [1], strides = [1]} : vector<16xi32> to vector<1xi32>
        %squeeze3A_1698 = vector.extract %slice3A_1697[0] : i32 from vector<1xi32>
        %add3A_1699 = arith.constant 13 : i32
        %add3A_1700 = arith.addi %mul3A_1373, %add3A_1699 : i32
        %dma_start3A_1701 = arith.constant 0 : i32
        %dma_start3A_1702 = arith.constant 0 : i32
        %dma_start3A_1703 = arith.constant 0 : i32
        %dma_start3A_1704 = tpu.memref_slice %arg6[%dma_start3A_1701, %dma_start3A_1702, %dma_start3A_1703] : memref<2x416x32xf32, #tpu.memory_space<vmem>> -> memref<1x416x32xf32, #tpu.memory_space<vmem>>
        %dma_start3A_1705 = tpu.memref_squeeze %dma_start3A_1704 : memref<1x416x32xf32, #tpu.memory_space<vmem>> -> memref<416x32xf32, #tpu.memory_space<vmem>>
        %dma_start3A_1706 = arith.constant 0 : i32
        %dma_start3A_1707 = tpu.memref_slice %dma_start3A_1705[%add3A_1700, %dma_start3A_1706] : memref<416x32xf32, #tpu.memory_space<vmem>> -> memref<1x32xf32, #tpu.memory_space<vmem>>
        %dma_start3A_1708 = tpu.memref_squeeze %dma_start3A_1707 : memref<1x32xf32, #tpu.memory_space<vmem>> -> memref<32xf32, #tpu.memory_space<vmem>>
        %dma_start3A_1709 = arith.constant 0 : i32
        %dma_start3A_1710 = tpu.memref_slice %arg3[%squeeze3A_1698, %dma_start3A_1709] : memref<2600000x32xf32, #tpu.memory_space<hbm>> -> memref<1x32xf32, #tpu.memory_space<hbm>>
        %dma_start3A_1711 = tpu.memref_squeeze %dma_start3A_1710 : memref<1x32xf32, #tpu.memory_space<hbm>> -> memref<32xf32, #tpu.memory_space<hbm>>
        %dma_start3A_1712 = arith.constant 0 : i32
        %dma_start3A_1713 = arith.constant 0 : i32
        %dma_start3A_1714 = tpu.memref_slice %arg6[%dma_start3A_1701, %dma_start3A_1712, %dma_start3A_1713] : memref<2x416x32xf32, #tpu.memory_space<vmem>> -> memref<1x416x32xf32, #tpu.memory_space<vmem>>
        %dma_start3A_1715 = tpu.memref_squeeze %dma_start3A_1714 : memref<1x416x32xf32, #tpu.memory_space<vmem>> -> memref<416x32xf32, #tpu.memory_space<vmem>>
        %dma_start3A_1716 = arith.constant 0 : i32
        %dma_start3A_1717 = tpu.memref_slice %dma_start3A_1715[%add3A_1700, %dma_start3A_1716] : memref<416x32xf32, #tpu.memory_space<vmem>> -> memref<1x32xf32, #tpu.memory_space<vmem>>
        %dma_start3A_1718 = tpu.memref_squeeze %dma_start3A_1717 : memref<1x32xf32, #tpu.memory_space<vmem>> -> memref<32xf32, #tpu.memory_space<vmem>>
        %dma_start3A_1719 = arith.constant 0 : i32
        %dma_start3A_1720 = tpu.memref_slice %arg3[%squeeze3A_1698, %dma_start3A_1719] : memref<2600000x32xf32, #tpu.memory_space<hbm>> -> memref<1x32xf32, #tpu.memory_space<hbm>>
        %dma_start3A_1721 = tpu.memref_squeeze %dma_start3A_1720 : memref<1x32xf32, #tpu.memory_space<hbm>> -> memref<32xf32, #tpu.memory_space<hbm>>
        tpu.enqueue_dma source(%dma_start3A_1721 : memref<32xf32, #tpu.memory_space<hbm>>) target(%dma_start3A_1718 : memref<32xf32, #tpu.memory_space<vmem>>) target_semaphore(%arg7 : memref<!tpu.dma_semaphore, #tpu.memory_space<semaphore_mem>>)
        %slice3A_1722 = vector.extract_strided_slice %get3A_1371 {offsets = [14], sizes = [1], strides = [1]} : vector<16xi32> to vector<1xi32>
        %squeeze3A_1723 = vector.extract %slice3A_1722[0] : i32 from vector<1xi32>
        %add3A_1724 = arith.constant 14 : i32
        %add3A_1725 = arith.addi %mul3A_1373, %add3A_1724 : i32
        %dma_start3A_1726 = arith.constant 0 : i32
        %dma_start3A_1727 = arith.constant 0 : i32
        %dma_start3A_1728 = arith.constant 0 : i32
        %dma_start3A_1729 = tpu.memref_slice %arg6[%dma_start3A_1726, %dma_start3A_1727, %dma_start3A_1728] : memref<2x416x32xf32, #tpu.memory_space<vmem>> -> memref<1x416x32xf32, #tpu.memory_space<vmem>>
        %dma_start3A_1730 = tpu.memref_squeeze %dma_start3A_1729 : memref<1x416x32xf32, #tpu.memory_space<vmem>> -> memref<416x32xf32, #tpu.memory_space<vmem>>
        %dma_start3A_1731 = arith.constant 0 : i32
        %dma_start3A_1732 = tpu.memref_slice %dma_start3A_1730[%add3A_1725, %dma_start3A_1731] : memref<416x32xf32, #tpu.memory_space<vmem>> -> memref<1x32xf32, #tpu.memory_space<vmem>>
        %dma_start3A_1733 = tpu.memref_squeeze %dma_start3A_1732 : memref<1x32xf32, #tpu.memory_space<vmem>> -> memref<32xf32, #tpu.memory_space<vmem>>
        %dma_start3A_1734 = arith.constant 0 : i32
        %dma_start3A_1735 = tpu.memref_slice %arg3[%squeeze3A_1723, %dma_start3A_1734] : memref<2600000x32xf32, #tpu.memory_space<hbm>> -> memref<1x32xf32, #tpu.memory_space<hbm>>
        %dma_start3A_1736 = tpu.memref_squeeze %dma_start3A_1735 : memref<1x32xf32, #tpu.memory_space<hbm>> -> memref<32xf32, #tpu.memory_space<hbm>>
        %dma_start3A_1737 = arith.constant 0 : i32
        %dma_start3A_1738 = arith.constant 0 : i32
        %dma_start3A_1739 = tpu.memref_slice %arg6[%dma_start3A_1726, %dma_start3A_1737, %dma_start3A_1738] : memref<2x416x32xf32, #tpu.memory_space<vmem>> -> memref<1x416x32xf32, #tpu.memory_space<vmem>>
        %dma_start3A_1740 = tpu.memref_squeeze %dma_start3A_1739 : memref<1x416x32xf32, #tpu.memory_space<vmem>> -> memref<416x32xf32, #tpu.memory_space<vmem>>
        %dma_start3A_1741 = arith.constant 0 : i32
        %dma_start3A_1742 = tpu.memref_slice %dma_start3A_1740[%add3A_1725, %dma_start3A_1741] : memref<416x32xf32, #tpu.memory_space<vmem>> -> memref<1x32xf32, #tpu.memory_space<vmem>>
        %dma_start3A_1743 = tpu.memref_squeeze %dma_start3A_1742 : memref<1x32xf32, #tpu.memory_space<vmem>> -> memref<32xf32, #tpu.memory_space<vmem>>
        %dma_start3A_1744 = arith.constant 0 : i32
        %dma_start3A_1745 = tpu.memref_slice %arg3[%squeeze3A_1723, %dma_start3A_1744] : memref<2600000x32xf32, #tpu.memory_space<hbm>> -> memref<1x32xf32, #tpu.memory_space<hbm>>
        %dma_start3A_1746 = tpu.memref_squeeze %dma_start3A_1745 : memref<1x32xf32, #tpu.memory_space<hbm>> -> memref<32xf32, #tpu.memory_space<hbm>>
        tpu.enqueue_dma source(%dma_start3A_1746 : memref<32xf32, #tpu.memory_space<hbm>>) target(%dma_start3A_1743 : memref<32xf32, #tpu.memory_space<vmem>>) target_semaphore(%arg7 : memref<!tpu.dma_semaphore, #tpu.memory_space<semaphore_mem>>)
        %slice3A_1747 = vector.extract_strided_slice %get3A_1371 {offsets = [15], sizes = [1], strides = [1]} : vector<16xi32> to vector<1xi32>
        %squeeze3A_1748 = vector.extract %slice3A_1747[0] : i32 from vector<1xi32>
        %add3A_1749 = arith.constant 15 : i32
        %add3A_1750 = arith.addi %mul3A_1373, %add3A_1749 : i32
        %dma_start3A_1751 = arith.constant 0 : i32
        %dma_start3A_1752 = arith.constant 0 : i32
        %dma_start3A_1753 = arith.constant 0 : i32
        %dma_start3A_1754 = tpu.memref_slice %arg6[%dma_start3A_1751, %dma_start3A_1752, %dma_start3A_1753] : memref<2x416x32xf32, #tpu.memory_space<vmem>> -> memref<1x416x32xf32, #tpu.memory_space<vmem>>
        %dma_start3A_1755 = tpu.memref_squeeze %dma_start3A_1754 : memref<1x416x32xf32, #tpu.memory_space<vmem>> -> memref<416x32xf32, #tpu.memory_space<vmem>>
        %dma_start3A_1756 = arith.constant 0 : i32
        %dma_start3A_1757 = tpu.memref_slice %dma_start3A_1755[%add3A_1750, %dma_start3A_1756] : memref<416x32xf32, #tpu.memory_space<vmem>> -> memref<1x32xf32, #tpu.memory_space<vmem>>
        %dma_start3A_1758 = tpu.memref_squeeze %dma_start3A_1757 : memref<1x32xf32, #tpu.memory_space<vmem>> -> memref<32xf32, #tpu.memory_space<vmem>>
        %dma_start3A_1759 = arith.constant 0 : i32
        %dma_start3A_1760 = tpu.memref_slice %arg3[%squeeze3A_1748, %dma_start3A_1759] : memref<2600000x32xf32, #tpu.memory_space<hbm>> -> memref<1x32xf32, #tpu.memory_space<hbm>>
        %dma_start3A_1761 = tpu.memref_squeeze %dma_start3A_1760 : memref<1x32xf32, #tpu.memory_space<hbm>> -> memref<32xf32, #tpu.memory_space<hbm>>
        %dma_start3A_1762 = arith.constant 0 : i32
        %dma_start3A_1763 = arith.constant 0 : i32
        %dma_start3A_1764 = tpu.memref_slice %arg6[%dma_start3A_1751, %dma_start3A_1762, %dma_start3A_1763] : memref<2x416x32xf32, #tpu.memory_space<vmem>> -> memref<1x416x32xf32, #tpu.memory_space<vmem>>
        %dma_start3A_1765 = tpu.memref_squeeze %dma_start3A_1764 : memref<1x416x32xf32, #tpu.memory_space<vmem>> -> memref<416x32xf32, #tpu.memory_space<vmem>>
        %dma_start3A_1766 = arith.constant 0 : i32
        %dma_start3A_1767 = tpu.memref_slice %dma_start3A_1765[%add3A_1750, %dma_start3A_1766] : memref<416x32xf32, #tpu.memory_space<vmem>> -> memref<1x32xf32, #tpu.memory_space<vmem>>
        %dma_start3A_1768 = tpu.memref_squeeze %dma_start3A_1767 : memref<1x32xf32, #tpu.memory_space<vmem>> -> memref<32xf32, #tpu.memory_space<vmem>>
        %dma_start3A_1769 = arith.constant 0 : i32
        %dma_start3A_1770 = tpu.memref_slice %arg3[%squeeze3A_1748, %dma_start3A_1769] : memref<2600000x32xf32, #tpu.memory_space<hbm>> -> memref<1x32xf32, #tpu.memory_space<hbm>>
        %dma_start3A_1771 = tpu.memref_squeeze %dma_start3A_1770 : memref<1x32xf32, #tpu.memory_space<hbm>> -> memref<32xf32, #tpu.memory_space<hbm>>
        tpu.enqueue_dma source(%dma_start3A_1771 : memref<32xf32, #tpu.memory_space<hbm>>) target(%dma_start3A_1768 : memref<32xf32, #tpu.memory_space<vmem>>) target_semaphore(%arg7 : memref<!tpu.dma_semaphore, #tpu.memory_space<semaphore_mem>>)
      }
      %scan3A_1363 = arith.constant 26 : i32
    }
    %scan3A_21 = arith.constant 16 : i32
    %dma_wait3A = arith.constant 0 : i32
    %dma_wait3A_22 = arith.constant 0 : i32
    %dma_wait3A_23 = arith.constant 0 : i32
    %dma_wait3A_24 = tpu.memref_slice %arg6[%dma_wait3A, %dma_wait3A_22, %dma_wait3A_23] : memref<2x416x32xf32, #tpu.memory_space<vmem>> -> memref<1x416x32xf32, #tpu.memory_space<vmem>>
    %dma_wait3A_25 = tpu.memref_squeeze %dma_wait3A_24 : memref<1x416x32xf32, #tpu.memory_space<vmem>> -> memref<416x32xf32, #tpu.memory_space<vmem>>
    %dma_wait3A_26 = arith.constant 0 : i32
    %dma_wait3A_27 = arith.constant 0 : i32
    %dma_wait3A_28 = tpu.memref_slice %arg3[%dma_wait3A_26, %dma_wait3A_27] : memref<2600000x32xf32, #tpu.memory_space<hbm>> -> memref<416x32xf32, #tpu.memory_space<hbm>>
    %dma_wait3A_29 = arith.constant 0 : i32
    %dma_wait3A_30 = arith.constant 0 : i32
    %dma_wait3A_31 = tpu.memref_slice %arg6[%dma_wait3A, %dma_wait3A_29, %dma_wait3A_30] : memref<2x416x32xf32, #tpu.memory_space<vmem>> -> memref<1x416x32xf32, #tpu.memory_space<vmem>>
    %dma_wait3A_32 = tpu.memref_squeeze %dma_wait3A_31 : memref<1x416x32xf32, #tpu.memory_space<vmem>> -> memref<416x32xf32, #tpu.memory_space<vmem>>
    %dma_wait3A_33 = arith.constant 0 : i32
    %dma_wait3A_34 = arith.constant 0 : i32
    %dma_wait3A_35 = tpu.memref_slice %arg3[%dma_wait3A_33, %dma_wait3A_34] : memref<2600000x32xf32, #tpu.memory_space<hbm>> -> memref<416x32xf32, #tpu.memory_space<hbm>>
    tpu.wait_dma2 semaphore(%arg7 : memref<!tpu.dma_semaphore, #tpu.memory_space<semaphore_mem>>) src(%dma_wait3A_35 : memref<416x32xf32, #tpu.memory_space<hbm>>) dst(%dma_wait3A_32 : memref<416x32xf32, #tpu.memory_space<vmem>>)
    %dma_wait3A_36 = arith.constant 1 : i32
    %dma_wait3A_37 = arith.constant 0 : i32
    %dma_wait3A_38 = arith.constant 0 : i32
    %dma_wait3A_39 = tpu.memref_slice %arg6[%dma_wait3A_36, %dma_wait3A_37, %dma_wait3A_38] : memref<2x416x32xf32, #tpu.memory_space<vmem>> -> memref<1x416x32xf32, #tpu.memory_space<vmem>>
    %dma_wait3A_40 = tpu.memref_squeeze %dma_wait3A_39 : memref<1x416x32xf32, #tpu.memory_space<vmem>> -> memref<416x32xf32, #tpu.memory_space<vmem>>
    %dma_wait3A_41 = arith.constant 0 : i32
    %dma_wait3A_42 = arith.constant 0 : i32
    %dma_wait3A_43 = tpu.memref_slice %dma_wait3A_40[%dma_wait3A_41, %dma_wait3A_42] : memref<416x32xf32, #tpu.memory_space<vmem>> -> memref<26x32xf32, #tpu.memory_space<vmem>>
    %dma_wait3A_44 = arith.constant 0 : i32
    %dma_wait3A_45 = arith.constant 0 : i32
    %dma_wait3A_46 = tpu.memref_slice %arg4[%mul3A_4, %dma_wait3A_44, %dma_wait3A_45] : memref<16384x26x32xf32, #tpu.memory_space<hbm>> -> memref<1x26x32xf32, #tpu.memory_space<hbm>>
    %dma_wait3A_47 = tpu.memref_squeeze %dma_wait3A_46 : memref<1x26x32xf32, #tpu.memory_space<hbm>> -> memref<26x32xf32, #tpu.memory_space<hbm>>
    %dma_wait3A_48 = arith.constant 0 : i32
    %dma_wait3A_49 = arith.constant 0 : i32
    %dma_wait3A_50 = tpu.memref_slice %arg4[%mul3A_4, %dma_wait3A_48, %dma_wait3A_49] : memref<16384x26x32xf32, #tpu.memory_space<hbm>> -> memref<1x26x32xf32, #tpu.memory_space<hbm>>
    %dma_wait3A_51 = tpu.memref_squeeze %dma_wait3A_50 : memref<1x26x32xf32, #tpu.memory_space<hbm>> -> memref<26x32xf32, #tpu.memory_space<hbm>>
    %dma_wait3A_52 = arith.constant 0 : i32
    %dma_wait3A_53 = arith.constant 0 : i32
    %dma_wait3A_54 = tpu.memref_slice %arg6[%dma_wait3A_36, %dma_wait3A_52, %dma_wait3A_53] : memref<2x416x32xf32, #tpu.memory_space<vmem>> -> memref<1x416x32xf32, #tpu.memory_space<vmem>>
    %dma_wait3A_55 = tpu.memref_squeeze %dma_wait3A_54 : memref<1x416x32xf32, #tpu.memory_space<vmem>> -> memref<416x32xf32, #tpu.memory_space<vmem>>
    %dma_wait3A_56 = arith.constant 0 : i32
    %dma_wait3A_57 = arith.constant 0 : i32
    %dma_wait3A_58 = tpu.memref_slice %dma_wait3A_55[%dma_wait3A_56, %dma_wait3A_57] : memref<416x32xf32, #tpu.memory_space<vmem>> -> memref<26x32xf32, #tpu.memory_space<vmem>>
    tpu.wait_dma2 semaphore(%arg10 : memref<!tpu.dma_semaphore, #tpu.memory_space<semaphore_mem>>) src(%dma_wait3A_58 : memref<26x32xf32, #tpu.memory_space<vmem>>) dst(%dma_wait3A_51 : memref<26x32xf32, #tpu.memory_space<hbm>>)
    %dma_wait3A_59 = arith.constant 1 : i32
    %dma_wait3A_60 = arith.constant 0 : i32
    %dma_wait3A_61 = arith.constant 0 : i32
    %dma_wait3A_62 = tpu.memref_slice %arg6[%dma_wait3A_59, %dma_wait3A_60, %dma_wait3A_61] : memref<2x416x32xf32, #tpu.memory_space<vmem>> -> memref<1x416x32xf32, #tpu.memory_space<vmem>>
    %dma_wait3A_63 = tpu.memref_squeeze %dma_wait3A_62 : memref<1x416x32xf32, #tpu.memory_space<vmem>> -> memref<416x32xf32, #tpu.memory_space<vmem>>
    %dma_wait3A_64 = arith.constant 26 : i32
    %dma_wait3A_65 = arith.constant 0 : i32
    %dma_wait3A_66 = tpu.memref_slice %dma_wait3A_63[%dma_wait3A_64, %dma_wait3A_65] : memref<416x32xf32, #tpu.memory_space<vmem>> -> memref<26x32xf32, #tpu.memory_space<vmem>>
    %dma_wait3A_67 = arith.constant 0 : i32
    %dma_wait3A_68 = arith.constant 0 : i32
    %dma_wait3A_69 = tpu.memref_slice %arg4[%mul3A_4, %dma_wait3A_67, %dma_wait3A_68] : memref<16384x26x32xf32, #tpu.memory_space<hbm>> -> memref<1x26x32xf32, #tpu.memory_space<hbm>>
    %dma_wait3A_70 = tpu.memref_squeeze %dma_wait3A_69 : memref<1x26x32xf32, #tpu.memory_space<hbm>> -> memref<26x32xf32, #tpu.memory_space<hbm>>
    %dma_wait3A_71 = arith.constant 0 : i32
    %dma_wait3A_72 = arith.constant 0 : i32
    %dma_wait3A_73 = tpu.memref_slice %arg4[%mul3A_4, %dma_wait3A_71, %dma_wait3A_72] : memref<16384x26x32xf32, #tpu.memory_space<hbm>> -> memref<1x26x32xf32, #tpu.memory_space<hbm>>
    %dma_wait3A_74 = tpu.memref_squeeze %dma_wait3A_73 : memref<1x26x32xf32, #tpu.memory_space<hbm>> -> memref<26x32xf32, #tpu.memory_space<hbm>>
    %dma_wait3A_75 = arith.constant 0 : i32
    %dma_wait3A_76 = arith.constant 0 : i32
    %dma_wait3A_77 = tpu.memref_slice %arg6[%dma_wait3A_59, %dma_wait3A_75, %dma_wait3A_76] : memref<2x416x32xf32, #tpu.memory_space<vmem>> -> memref<1x416x32xf32, #tpu.memory_space<vmem>>
    %dma_wait3A_78 = tpu.memref_squeeze %dma_wait3A_77 : memref<1x416x32xf32, #tpu.memory_space<vmem>> -> memref<416x32xf32, #tpu.memory_space<vmem>>
    %dma_wait3A_79 = arith.constant 26 : i32
    %dma_wait3A_80 = arith.constant 0 : i32
    %dma_wait3A_81 = tpu.memref_slice %dma_wait3A_78[%dma_wait3A_79, %dma_wait3A_80] : memref<416x32xf32, #tpu.memory_space<vmem>> -> memref<26x32xf32, #tpu.memory_space<vmem>>
    tpu.wait_dma2 semaphore(%arg10 : memref<!tpu.dma_semaphore, #tpu.memory_space<semaphore_mem>>) src(%dma_wait3A_81 : memref<26x32xf32, #tpu.memory_space<vmem>>) dst(%dma_wait3A_74 : memref<26x32xf32, #tpu.memory_space<hbm>>)
    %dma_wait3A_82 = arith.constant 1 : i32
    %dma_wait3A_83 = arith.constant 0 : i32
    %dma_wait3A_84 = arith.constant 0 : i32
    %dma_wait3A_85 = tpu.memref_slice %arg6[%dma_wait3A_82, %dma_wait3A_83, %dma_wait3A_84] : memref<2x416x32xf32, #tpu.memory_space<vmem>> -> memref<1x416x32xf32, #tpu.memory_space<vmem>>
    %dma_wait3A_86 = tpu.memref_squeeze %dma_wait3A_85 : memref<1x416x32xf32, #tpu.memory_space<vmem>> -> memref<416x32xf32, #tpu.memory_space<vmem>>
    %dma_wait3A_87 = arith.constant 52 : i32
    %dma_wait3A_88 = arith.constant 0 : i32
    %dma_wait3A_89 = tpu.memref_slice %dma_wait3A_86[%dma_wait3A_87, %dma_wait3A_88] : memref<416x32xf32, #tpu.memory_space<vmem>> -> memref<26x32xf32, #tpu.memory_space<vmem>>
    %dma_wait3A_90 = arith.constant 0 : i32
    %dma_wait3A_91 = arith.constant 0 : i32
    %dma_wait3A_92 = tpu.memref_slice %arg4[%mul3A_4, %dma_wait3A_90, %dma_wait3A_91] : memref<16384x26x32xf32, #tpu.memory_space<hbm>> -> memref<1x26x32xf32, #tpu.memory_space<hbm>>
    %dma_wait3A_93 = tpu.memref_squeeze %dma_wait3A_92 : memref<1x26x32xf32, #tpu.memory_space<hbm>> -> memref<26x32xf32, #tpu.memory_space<hbm>>
    %dma_wait3A_94 = arith.constant 0 : i32
    %dma_wait3A_95 = arith.constant 0 : i32
    %dma_wait3A_96 = tpu.memref_slice %arg4[%mul3A_4, %dma_wait3A_94, %dma_wait3A_95] : memref<16384x26x32xf32, #tpu.memory_space<hbm>> -> memref<1x26x32xf32, #tpu.memory_space<hbm>>
    %dma_wait3A_97 = tpu.memref_squeeze %dma_wait3A_96 : memref<1x26x32xf32, #tpu.memory_space<hbm>> -> memref<26x32xf32, #tpu.memory_space<hbm>>
    %dma_wait3A_98 = arith.constant 0 : i32
    %dma_wait3A_99 = arith.constant 0 : i32
    %dma_wait3A_100 = tpu.memref_slice %arg6[%dma_wait3A_82, %dma_wait3A_98, %dma_wait3A_99] : memref<2x416x32xf32, #tpu.memory_space<vmem>> -> memref<1x416x32xf32, #tpu.memory_space<vmem>>
    %dma_wait3A_101 = tpu.memref_squeeze %dma_wait3A_100 : memref<1x416x32xf32, #tpu.memory_space<vmem>> -> memref<416x32xf32, #tpu.memory_space<vmem>>
    %dma_wait3A_102 = arith.constant 52 : i32
    %dma_wait3A_103 = arith.constant 0 : i32
    %dma_wait3A_104 = tpu.memref_slice %dma_wait3A_101[%dma_wait3A_102, %dma_wait3A_103] : memref<416x32xf32, #tpu.memory_space<vmem>> -> memref<26x32xf32, #tpu.memory_space<vmem>>
    tpu.wait_dma2 semaphore(%arg10 : memref<!tpu.dma_semaphore, #tpu.memory_space<semaphore_mem>>) src(%dma_wait3A_104 : memref<26x32xf32, #tpu.memory_space<vmem>>) dst(%dma_wait3A_97 : memref<26x32xf32, #tpu.memory_space<hbm>>)
    %dma_wait3A_105 = arith.constant 1 : i32
    %dma_wait3A_106 = arith.constant 0 : i32
    %dma_wait3A_107 = arith.constant 0 : i32
    %dma_wait3A_108 = tpu.memref_slice %arg6[%dma_wait3A_105, %dma_wait3A_106, %dma_wait3A_107] : memref<2x416x32xf32, #tpu.memory_space<vmem>> -> memref<1x416x32xf32, #tpu.memory_space<vmem>>
    %dma_wait3A_109 = tpu.memref_squeeze %dma_wait3A_108 : memref<1x416x32xf32, #tpu.memory_space<vmem>> -> memref<416x32xf32, #tpu.memory_space<vmem>>
    %dma_wait3A_110 = arith.constant 78 : i32
    %dma_wait3A_111 = arith.constant 0 : i32
    %dma_wait3A_112 = tpu.memref_slice %dma_wait3A_109[%dma_wait3A_110, %dma_wait3A_111] : memref<416x32xf32, #tpu.memory_space<vmem>> -> memref<26x32xf32, #tpu.memory_space<vmem>>
    %dma_wait3A_113 = arith.constant 0 : i32
    %dma_wait3A_114 = arith.constant 0 : i32
    %dma_wait3A_115 = tpu.memref_slice %arg4[%mul3A_4, %dma_wait3A_113, %dma_wait3A_114] : memref<16384x26x32xf32, #tpu.memory_space<hbm>> -> memref<1x26x32xf32, #tpu.memory_space<hbm>>
    %dma_wait3A_116 = tpu.memref_squeeze %dma_wait3A_115 : memref<1x26x32xf32, #tpu.memory_space<hbm>> -> memref<26x32xf32, #tpu.memory_space<hbm>>
    %dma_wait3A_117 = arith.constant 0 : i32
    %dma_wait3A_118 = arith.constant 0 : i32
    %dma_wait3A_119 = tpu.memref_slice %arg4[%mul3A_4, %dma_wait3A_117, %dma_wait3A_118] : memref<16384x26x32xf32, #tpu.memory_space<hbm>> -> memref<1x26x32xf32, #tpu.memory_space<hbm>>
    %dma_wait3A_120 = tpu.memref_squeeze %dma_wait3A_119 : memref<1x26x32xf32, #tpu.memory_space<hbm>> -> memref<26x32xf32, #tpu.memory_space<hbm>>
    %dma_wait3A_121 = arith.constant 0 : i32
    %dma_wait3A_122 = arith.constant 0 : i32
    %dma_wait3A_123 = tpu.memref_slice %arg6[%dma_wait3A_105, %dma_wait3A_121, %dma_wait3A_122] : memref<2x416x32xf32, #tpu.memory_space<vmem>> -> memref<1x416x32xf32, #tpu.memory_space<vmem>>
    %dma_wait3A_124 = tpu.memref_squeeze %dma_wait3A_123 : memref<1x416x32xf32, #tpu.memory_space<vmem>> -> memref<416x32xf32, #tpu.memory_space<vmem>>
    %dma_wait3A_125 = arith.constant 78 : i32
    %dma_wait3A_126 = arith.constant 0 : i32
    %dma_wait3A_127 = tpu.memref_slice %dma_wait3A_124[%dma_wait3A_125, %dma_wait3A_126] : memref<416x32xf32, #tpu.memory_space<vmem>> -> memref<26x32xf32, #tpu.memory_space<vmem>>
    tpu.wait_dma2 semaphore(%arg10 : memref<!tpu.dma_semaphore, #tpu.memory_space<semaphore_mem>>) src(%dma_wait3A_127 : memref<26x32xf32, #tpu.memory_space<vmem>>) dst(%dma_wait3A_120 : memref<26x32xf32, #tpu.memory_space<hbm>>)
    %dma_wait3A_128 = arith.constant 1 : i32
    %dma_wait3A_129 = arith.constant 0 : i32
    %dma_wait3A_130 = arith.constant 0 : i32
    %dma_wait3A_131 = tpu.memref_slice %arg6[%dma_wait3A_128, %dma_wait3A_129, %dma_wait3A_130] : memref<2x416x32xf32, #tpu.memory_space<vmem>> -> memref<1x416x32xf32, #tpu.memory_space<vmem>>
    %dma_wait3A_132 = tpu.memref_squeeze %dma_wait3A_131 : memref<1x416x32xf32, #tpu.memory_space<vmem>> -> memref<416x32xf32, #tpu.memory_space<vmem>>
    %dma_wait3A_133 = arith.constant 104 : i32
    %dma_wait3A_134 = arith.constant 0 : i32
    %dma_wait3A_135 = tpu.memref_slice %dma_wait3A_132[%dma_wait3A_133, %dma_wait3A_134] : memref<416x32xf32, #tpu.memory_space<vmem>> -> memref<26x32xf32, #tpu.memory_space<vmem>>
    %dma_wait3A_136 = arith.constant 0 : i32
    %dma_wait3A_137 = arith.constant 0 : i32
    %dma_wait3A_138 = tpu.memref_slice %arg4[%mul3A_4, %dma_wait3A_136, %dma_wait3A_137] : memref<16384x26x32xf32, #tpu.memory_space<hbm>> -> memref<1x26x32xf32, #tpu.memory_space<hbm>>
    %dma_wait3A_139 = tpu.memref_squeeze %dma_wait3A_138 : memref<1x26x32xf32, #tpu.memory_space<hbm>> -> memref<26x32xf32, #tpu.memory_space<hbm>>
    %dma_wait3A_140 = arith.constant 0 : i32
    %dma_wait3A_141 = arith.constant 0 : i32
    %dma_wait3A_142 = tpu.memref_slice %arg4[%mul3A_4, %dma_wait3A_140, %dma_wait3A_141] : memref<16384x26x32xf32, #tpu.memory_space<hbm>> -> memref<1x26x32xf32, #tpu.memory_space<hbm>>
    %dma_wait3A_143 = tpu.memref_squeeze %dma_wait3A_142 : memref<1x26x32xf32, #tpu.memory_space<hbm>> -> memref<26x32xf32, #tpu.memory_space<hbm>>
    %dma_wait3A_144 = arith.constant 0 : i32
    %dma_wait3A_145 = arith.constant 0 : i32
    %dma_wait3A_146 = tpu.memref_slice %arg6[%dma_wait3A_128, %dma_wait3A_144, %dma_wait3A_145] : memref<2x416x32xf32, #tpu.memory_space<vmem>> -> memref<1x416x32xf32, #tpu.memory_space<vmem>>
    %dma_wait3A_147 = tpu.memref_squeeze %dma_wait3A_146 : memref<1x416x32xf32, #tpu.memory_space<vmem>> -> memref<416x32xf32, #tpu.memory_space<vmem>>
    %dma_wait3A_148 = arith.constant 104 : i32
    %dma_wait3A_149 = arith.constant 0 : i32
    %dma_wait3A_150 = tpu.memref_slice %dma_wait3A_147[%dma_wait3A_148, %dma_wait3A_149] : memref<416x32xf32, #tpu.memory_space<vmem>> -> memref<26x32xf32, #tpu.memory_space<vmem>>
    tpu.wait_dma2 semaphore(%arg10 : memref<!tpu.dma_semaphore, #tpu.memory_space<semaphore_mem>>) src(%dma_wait3A_150 : memref<26x32xf32, #tpu.memory_space<vmem>>) dst(%dma_wait3A_143 : memref<26x32xf32, #tpu.memory_space<hbm>>)
    %dma_wait3A_151 = arith.constant 1 : i32
    %dma_wait3A_152 = arith.constant 0 : i32
    %dma_wait3A_153 = arith.constant 0 : i32
    %dma_wait3A_154 = tpu.memref_slice %arg6[%dma_wait3A_151, %dma_wait3A_152, %dma_wait3A_153] : memref<2x416x32xf32, #tpu.memory_space<vmem>> -> memref<1x416x32xf32, #tpu.memory_space<vmem>>
    %dma_wait3A_155 = tpu.memref_squeeze %dma_wait3A_154 : memref<1x416x32xf32, #tpu.memory_space<vmem>> -> memref<416x32xf32, #tpu.memory_space<vmem>>
    %dma_wait3A_156 = arith.constant 130 : i32
    %dma_wait3A_157 = arith.constant 0 : i32
    %dma_wait3A_158 = tpu.memref_slice %dma_wait3A_155[%dma_wait3A_156, %dma_wait3A_157] : memref<416x32xf32, #tpu.memory_space<vmem>> -> memref<26x32xf32, #tpu.memory_space<vmem>>
    %dma_wait3A_159 = arith.constant 0 : i32
    %dma_wait3A_160 = arith.constant 0 : i32
    %dma_wait3A_161 = tpu.memref_slice %arg4[%mul3A_4, %dma_wait3A_159, %dma_wait3A_160] : memref<16384x26x32xf32, #tpu.memory_space<hbm>> -> memref<1x26x32xf32, #tpu.memory_space<hbm>>
    %dma_wait3A_162 = tpu.memref_squeeze %dma_wait3A_161 : memref<1x26x32xf32, #tpu.memory_space<hbm>> -> memref<26x32xf32, #tpu.memory_space<hbm>>
    %dma_wait3A_163 = arith.constant 0 : i32
    %dma_wait3A_164 = arith.constant 0 : i32
    %dma_wait3A_165 = tpu.memref_slice %arg4[%mul3A_4, %dma_wait3A_163, %dma_wait3A_164] : memref<16384x26x32xf32, #tpu.memory_space<hbm>> -> memref<1x26x32xf32, #tpu.memory_space<hbm>>
    %dma_wait3A_166 = tpu.memref_squeeze %dma_wait3A_165 : memref<1x26x32xf32, #tpu.memory_space<hbm>> -> memref<26x32xf32, #tpu.memory_space<hbm>>
    %dma_wait3A_167 = arith.constant 0 : i32
    %dma_wait3A_168 = arith.constant 0 : i32
    %dma_wait3A_169 = tpu.memref_slice %arg6[%dma_wait3A_151, %dma_wait3A_167, %dma_wait3A_168] : memref<2x416x32xf32, #tpu.memory_space<vmem>> -> memref<1x416x32xf32, #tpu.memory_space<vmem>>
    %dma_wait3A_170 = tpu.memref_squeeze %dma_wait3A_169 : memref<1x416x32xf32, #tpu.memory_space<vmem>> -> memref<416x32xf32, #tpu.memory_space<vmem>>
    %dma_wait3A_171 = arith.constant 130 : i32
    %dma_wait3A_172 = arith.constant 0 : i32
    %dma_wait3A_173 = tpu.memref_slice %dma_wait3A_170[%dma_wait3A_171, %dma_wait3A_172] : memref<416x32xf32, #tpu.memory_space<vmem>> -> memref<26x32xf32, #tpu.memory_space<vmem>>
    tpu.wait_dma2 semaphore(%arg10 : memref<!tpu.dma_semaphore, #tpu.memory_space<semaphore_mem>>) src(%dma_wait3A_173 : memref<26x32xf32, #tpu.memory_space<vmem>>) dst(%dma_wait3A_166 : memref<26x32xf32, #tpu.memory_space<hbm>>)
    %dma_wait3A_174 = arith.constant 1 : i32
    %dma_wait3A_175 = arith.constant 0 : i32
    %dma_wait3A_176 = arith.constant 0 : i32
    %dma_wait3A_177 = tpu.memref_slice %arg6[%dma_wait3A_174, %dma_wait3A_175, %dma_wait3A_176] : memref<2x416x32xf32, #tpu.memory_space<vmem>> -> memref<1x416x32xf32, #tpu.memory_space<vmem>>
    %dma_wait3A_178 = tpu.memref_squeeze %dma_wait3A_177 : memref<1x416x32xf32, #tpu.memory_space<vmem>> -> memref<416x32xf32, #tpu.memory_space<vmem>>
    %dma_wait3A_179 = arith.constant 156 : i32
    %dma_wait3A_180 = arith.constant 0 : i32
    %dma_wait3A_181 = tpu.memref_slice %dma_wait3A_178[%dma_wait3A_179, %dma_wait3A_180] : memref<416x32xf32, #tpu.memory_space<vmem>> -> memref<26x32xf32, #tpu.memory_space<vmem>>
    %dma_wait3A_182 = arith.constant 0 : i32
    %dma_wait3A_183 = arith.constant 0 : i32
    %dma_wait3A_184 = tpu.memref_slice %arg4[%mul3A_4, %dma_wait3A_182, %dma_wait3A_183] : memref<16384x26x32xf32, #tpu.memory_space<hbm>> -> memref<1x26x32xf32, #tpu.memory_space<hbm>>
    %dma_wait3A_185 = tpu.memref_squeeze %dma_wait3A_184 : memref<1x26x32xf32, #tpu.memory_space<hbm>> -> memref<26x32xf32, #tpu.memory_space<hbm>>
    %dma_wait3A_186 = arith.constant 0 : i32
    %dma_wait3A_187 = arith.constant 0 : i32
    %dma_wait3A_188 = tpu.memref_slice %arg4[%mul3A_4, %dma_wait3A_186, %dma_wait3A_187] : memref<16384x26x32xf32, #tpu.memory_space<hbm>> -> memref<1x26x32xf32, #tpu.memory_space<hbm>>
    %dma_wait3A_189 = tpu.memref_squeeze %dma_wait3A_188 : memref<1x26x32xf32, #tpu.memory_space<hbm>> -> memref<26x32xf32, #tpu.memory_space<hbm>>
    %dma_wait3A_190 = arith.constant 0 : i32
    %dma_wait3A_191 = arith.constant 0 : i32
    %dma_wait3A_192 = tpu.memref_slice %arg6[%dma_wait3A_174, %dma_wait3A_190, %dma_wait3A_191] : memref<2x416x32xf32, #tpu.memory_space<vmem>> -> memref<1x416x32xf32, #tpu.memory_space<vmem>>
    %dma_wait3A_193 = tpu.memref_squeeze %dma_wait3A_192 : memref<1x416x32xf32, #tpu.memory_space<vmem>> -> memref<416x32xf32, #tpu.memory_space<vmem>>
    %dma_wait3A_194 = arith.constant 156 : i32
    %dma_wait3A_195 = arith.constant 0 : i32
    %dma_wait3A_196 = tpu.memref_slice %dma_wait3A_193[%dma_wait3A_194, %dma_wait3A_195] : memref<416x32xf32, #tpu.memory_space<vmem>> -> memref<26x32xf32, #tpu.memory_space<vmem>>
    tpu.wait_dma2 semaphore(%arg10 : memref<!tpu.dma_semaphore, #tpu.memory_space<semaphore_mem>>) src(%dma_wait3A_196 : memref<26x32xf32, #tpu.memory_space<vmem>>) dst(%dma_wait3A_189 : memref<26x32xf32, #tpu.memory_space<hbm>>)
    %dma_wait3A_197 = arith.constant 1 : i32
    %dma_wait3A_198 = arith.constant 0 : i32
    %dma_wait3A_199 = arith.constant 0 : i32
    %dma_wait3A_200 = tpu.memref_slice %arg6[%dma_wait3A_197, %dma_wait3A_198, %dma_wait3A_199] : memref<2x416x32xf32, #tpu.memory_space<vmem>> -> memref<1x416x32xf32, #tpu.memory_space<vmem>>
    %dma_wait3A_201 = tpu.memref_squeeze %dma_wait3A_200 : memref<1x416x32xf32, #tpu.memory_space<vmem>> -> memref<416x32xf32, #tpu.memory_space<vmem>>
    %dma_wait3A_202 = arith.constant 182 : i32
    %dma_wait3A_203 = arith.constant 0 : i32
    %dma_wait3A_204 = tpu.memref_slice %dma_wait3A_201[%dma_wait3A_202, %dma_wait3A_203] : memref<416x32xf32, #tpu.memory_space<vmem>> -> memref<26x32xf32, #tpu.memory_space<vmem>>
    %dma_wait3A_205 = arith.constant 0 : i32
    %dma_wait3A_206 = arith.constant 0 : i32
    %dma_wait3A_207 = tpu.memref_slice %arg4[%mul3A_4, %dma_wait3A_205, %dma_wait3A_206] : memref<16384x26x32xf32, #tpu.memory_space<hbm>> -> memref<1x26x32xf32, #tpu.memory_space<hbm>>
    %dma_wait3A_208 = tpu.memref_squeeze %dma_wait3A_207 : memref<1x26x32xf32, #tpu.memory_space<hbm>> -> memref<26x32xf32, #tpu.memory_space<hbm>>
    %dma_wait3A_209 = arith.constant 0 : i32
    %dma_wait3A_210 = arith.constant 0 : i32
    %dma_wait3A_211 = tpu.memref_slice %arg4[%mul3A_4, %dma_wait3A_209, %dma_wait3A_210] : memref<16384x26x32xf32, #tpu.memory_space<hbm>> -> memref<1x26x32xf32, #tpu.memory_space<hbm>>
    %dma_wait3A_212 = tpu.memref_squeeze %dma_wait3A_211 : memref<1x26x32xf32, #tpu.memory_space<hbm>> -> memref<26x32xf32, #tpu.memory_space<hbm>>
    %dma_wait3A_213 = arith.constant 0 : i32
    %dma_wait3A_214 = arith.constant 0 : i32
    %dma_wait3A_215 = tpu.memref_slice %arg6[%dma_wait3A_197, %dma_wait3A_213, %dma_wait3A_214] : memref<2x416x32xf32, #tpu.memory_space<vmem>> -> memref<1x416x32xf32, #tpu.memory_space<vmem>>
    %dma_wait3A_216 = tpu.memref_squeeze %dma_wait3A_215 : memref<1x416x32xf32, #tpu.memory_space<vmem>> -> memref<416x32xf32, #tpu.memory_space<vmem>>
    %dma_wait3A_217 = arith.constant 182 : i32
    %dma_wait3A_218 = arith.constant 0 : i32
    %dma_wait3A_219 = tpu.memref_slice %dma_wait3A_216[%dma_wait3A_217, %dma_wait3A_218] : memref<416x32xf32, #tpu.memory_space<vmem>> -> memref<26x32xf32, #tpu.memory_space<vmem>>
    tpu.wait_dma2 semaphore(%arg10 : memref<!tpu.dma_semaphore, #tpu.memory_space<semaphore_mem>>) src(%dma_wait3A_219 : memref<26x32xf32, #tpu.memory_space<vmem>>) dst(%dma_wait3A_212 : memref<26x32xf32, #tpu.memory_space<hbm>>)
    %dma_wait3A_220 = arith.constant 1 : i32
    %dma_wait3A_221 = arith.constant 0 : i32
    %dma_wait3A_222 = arith.constant 0 : i32
    %dma_wait3A_223 = tpu.memref_slice %arg6[%dma_wait3A_220, %dma_wait3A_221, %dma_wait3A_222] : memref<2x416x32xf32, #tpu.memory_space<vmem>> -> memref<1x416x32xf32, #tpu.memory_space<vmem>>
    %dma_wait3A_224 = tpu.memref_squeeze %dma_wait3A_223 : memref<1x416x32xf32, #tpu.memory_space<vmem>> -> memref<416x32xf32, #tpu.memory_space<vmem>>
    %dma_wait3A_225 = arith.constant 208 : i32
    %dma_wait3A_226 = arith.constant 0 : i32
    %dma_wait3A_227 = tpu.memref_slice %dma_wait3A_224[%dma_wait3A_225, %dma_wait3A_226] : memref<416x32xf32, #tpu.memory_space<vmem>> -> memref<26x32xf32, #tpu.memory_space<vmem>>
    %dma_wait3A_228 = arith.constant 0 : i32
    %dma_wait3A_229 = arith.constant 0 : i32
    %dma_wait3A_230 = tpu.memref_slice %arg4[%mul3A_4, %dma_wait3A_228, %dma_wait3A_229] : memref<16384x26x32xf32, #tpu.memory_space<hbm>> -> memref<1x26x32xf32, #tpu.memory_space<hbm>>
    %dma_wait3A_231 = tpu.memref_squeeze %dma_wait3A_230 : memref<1x26x32xf32, #tpu.memory_space<hbm>> -> memref<26x32xf32, #tpu.memory_space<hbm>>
    %dma_wait3A_232 = arith.constant 0 : i32
    %dma_wait3A_233 = arith.constant 0 : i32
    %dma_wait3A_234 = tpu.memref_slice %arg4[%mul3A_4, %dma_wait3A_232, %dma_wait3A_233] : memref<16384x26x32xf32, #tpu.memory_space<hbm>> -> memref<1x26x32xf32, #tpu.memory_space<hbm>>
    %dma_wait3A_235 = tpu.memref_squeeze %dma_wait3A_234 : memref<1x26x32xf32, #tpu.memory_space<hbm>> -> memref<26x32xf32, #tpu.memory_space<hbm>>
    %dma_wait3A_236 = arith.constant 0 : i32
    %dma_wait3A_237 = arith.constant 0 : i32
    %dma_wait3A_238 = tpu.memref_slice %arg6[%dma_wait3A_220, %dma_wait3A_236, %dma_wait3A_237] : memref<2x416x32xf32, #tpu.memory_space<vmem>> -> memref<1x416x32xf32, #tpu.memory_space<vmem>>
    %dma_wait3A_239 = tpu.memref_squeeze %dma_wait3A_238 : memref<1x416x32xf32, #tpu.memory_space<vmem>> -> memref<416x32xf32, #tpu.memory_space<vmem>>
    %dma_wait3A_240 = arith.constant 208 : i32
    %dma_wait3A_241 = arith.constant 0 : i32
    %dma_wait3A_242 = tpu.memref_slice %dma_wait3A_239[%dma_wait3A_240, %dma_wait3A_241] : memref<416x32xf32, #tpu.memory_space<vmem>> -> memref<26x32xf32, #tpu.memory_space<vmem>>
    tpu.wait_dma2 semaphore(%arg10 : memref<!tpu.dma_semaphore, #tpu.memory_space<semaphore_mem>>) src(%dma_wait3A_242 : memref<26x32xf32, #tpu.memory_space<vmem>>) dst(%dma_wait3A_235 : memref<26x32xf32, #tpu.memory_space<hbm>>)
    %dma_wait3A_243 = arith.constant 1 : i32
    %dma_wait3A_244 = arith.constant 0 : i32
    %dma_wait3A_245 = arith.constant 0 : i32
    %dma_wait3A_246 = tpu.memref_slice %arg6[%dma_wait3A_243, %dma_wait3A_244, %dma_wait3A_245] : memref<2x416x32xf32, #tpu.memory_space<vmem>> -> memref<1x416x32xf32, #tpu.memory_space<vmem>>
    %dma_wait3A_247 = tpu.memref_squeeze %dma_wait3A_246 : memref<1x416x32xf32, #tpu.memory_space<vmem>> -> memref<416x32xf32, #tpu.memory_space<vmem>>
    %dma_wait3A_248 = arith.constant 234 : i32
    %dma_wait3A_249 = arith.constant 0 : i32
    %dma_wait3A_250 = tpu.memref_slice %dma_wait3A_247[%dma_wait3A_248, %dma_wait3A_249] : memref<416x32xf32, #tpu.memory_space<vmem>> -> memref<26x32xf32, #tpu.memory_space<vmem>>
    %dma_wait3A_251 = arith.constant 0 : i32
    %dma_wait3A_252 = arith.constant 0 : i32
    %dma_wait3A_253 = tpu.memref_slice %arg4[%mul3A_4, %dma_wait3A_251, %dma_wait3A_252] : memref<16384x26x32xf32, #tpu.memory_space<hbm>> -> memref<1x26x32xf32, #tpu.memory_space<hbm>>
    %dma_wait3A_254 = tpu.memref_squeeze %dma_wait3A_253 : memref<1x26x32xf32, #tpu.memory_space<hbm>> -> memref<26x32xf32, #tpu.memory_space<hbm>>
    %dma_wait3A_255 = arith.constant 0 : i32
    %dma_wait3A_256 = arith.constant 0 : i32
    %dma_wait3A_257 = tpu.memref_slice %arg4[%mul3A_4, %dma_wait3A_255, %dma_wait3A_256] : memref<16384x26x32xf32, #tpu.memory_space<hbm>> -> memref<1x26x32xf32, #tpu.memory_space<hbm>>
    %dma_wait3A_258 = tpu.memref_squeeze %dma_wait3A_257 : memref<1x26x32xf32, #tpu.memory_space<hbm>> -> memref<26x32xf32, #tpu.memory_space<hbm>>
    %dma_wait3A_259 = arith.constant 0 : i32
    %dma_wait3A_260 = arith.constant 0 : i32
    %dma_wait3A_261 = tpu.memref_slice %arg6[%dma_wait3A_243, %dma_wait3A_259, %dma_wait3A_260] : memref<2x416x32xf32, #tpu.memory_space<vmem>> -> memref<1x416x32xf32, #tpu.memory_space<vmem>>
    %dma_wait3A_262 = tpu.memref_squeeze %dma_wait3A_261 : memref<1x416x32xf32, #tpu.memory_space<vmem>> -> memref<416x32xf32, #tpu.memory_space<vmem>>
    %dma_wait3A_263 = arith.constant 234 : i32
    %dma_wait3A_264 = arith.constant 0 : i32
    %dma_wait3A_265 = tpu.memref_slice %dma_wait3A_262[%dma_wait3A_263, %dma_wait3A_264] : memref<416x32xf32, #tpu.memory_space<vmem>> -> memref<26x32xf32, #tpu.memory_space<vmem>>
    tpu.wait_dma2 semaphore(%arg10 : memref<!tpu.dma_semaphore, #tpu.memory_space<semaphore_mem>>) src(%dma_wait3A_265 : memref<26x32xf32, #tpu.memory_space<vmem>>) dst(%dma_wait3A_258 : memref<26x32xf32, #tpu.memory_space<hbm>>)
    %dma_wait3A_266 = arith.constant 1 : i32
    %dma_wait3A_267 = arith.constant 0 : i32
    %dma_wait3A_268 = arith.constant 0 : i32
    %dma_wait3A_269 = tpu.memref_slice %arg6[%dma_wait3A_266, %dma_wait3A_267, %dma_wait3A_268] : memref<2x416x32xf32, #tpu.memory_space<vmem>> -> memref<1x416x32xf32, #tpu.memory_space<vmem>>
    %dma_wait3A_270 = tpu.memref_squeeze %dma_wait3A_269 : memref<1x416x32xf32, #tpu.memory_space<vmem>> -> memref<416x32xf32, #tpu.memory_space<vmem>>
    %dma_wait3A_271 = arith.constant 260 : i32
    %dma_wait3A_272 = arith.constant 0 : i32
    %dma_wait3A_273 = tpu.memref_slice %dma_wait3A_270[%dma_wait3A_271, %dma_wait3A_272] : memref<416x32xf32, #tpu.memory_space<vmem>> -> memref<26x32xf32, #tpu.memory_space<vmem>>
    %dma_wait3A_274 = arith.constant 0 : i32
    %dma_wait3A_275 = arith.constant 0 : i32
    %dma_wait3A_276 = tpu.memref_slice %arg4[%mul3A_4, %dma_wait3A_274, %dma_wait3A_275] : memref<16384x26x32xf32, #tpu.memory_space<hbm>> -> memref<1x26x32xf32, #tpu.memory_space<hbm>>
    %dma_wait3A_277 = tpu.memref_squeeze %dma_wait3A_276 : memref<1x26x32xf32, #tpu.memory_space<hbm>> -> memref<26x32xf32, #tpu.memory_space<hbm>>
    %dma_wait3A_278 = arith.constant 0 : i32
    %dma_wait3A_279 = arith.constant 0 : i32
    %dma_wait3A_280 = tpu.memref_slice %arg4[%mul3A_4, %dma_wait3A_278, %dma_wait3A_279] : memref<16384x26x32xf32, #tpu.memory_space<hbm>> -> memref<1x26x32xf32, #tpu.memory_space<hbm>>
    %dma_wait3A_281 = tpu.memref_squeeze %dma_wait3A_280 : memref<1x26x32xf32, #tpu.memory_space<hbm>> -> memref<26x32xf32, #tpu.memory_space<hbm>>
    %dma_wait3A_282 = arith.constant 0 : i32
    %dma_wait3A_283 = arith.constant 0 : i32
    %dma_wait3A_284 = tpu.memref_slice %arg6[%dma_wait3A_266, %dma_wait3A_282, %dma_wait3A_283] : memref<2x416x32xf32, #tpu.memory_space<vmem>> -> memref<1x416x32xf32, #tpu.memory_space<vmem>>
    %dma_wait3A_285 = tpu.memref_squeeze %dma_wait3A_284 : memref<1x416x32xf32, #tpu.memory_space<vmem>> -> memref<416x32xf32, #tpu.memory_space<vmem>>
    %dma_wait3A_286 = arith.constant 260 : i32
    %dma_wait3A_287 = arith.constant 0 : i32
    %dma_wait3A_288 = tpu.memref_slice %dma_wait3A_285[%dma_wait3A_286, %dma_wait3A_287] : memref<416x32xf32, #tpu.memory_space<vmem>> -> memref<26x32xf32, #tpu.memory_space<vmem>>
    tpu.wait_dma2 semaphore(%arg10 : memref<!tpu.dma_semaphore, #tpu.memory_space<semaphore_mem>>) src(%dma_wait3A_288 : memref<26x32xf32, #tpu.memory_space<vmem>>) dst(%dma_wait3A_281 : memref<26x32xf32, #tpu.memory_space<hbm>>)
    %dma_wait3A_289 = arith.constant 1 : i32
    %dma_wait3A_290 = arith.constant 0 : i32
    %dma_wait3A_291 = arith.constant 0 : i32
    %dma_wait3A_292 = tpu.memref_slice %arg6[%dma_wait3A_289, %dma_wait3A_290, %dma_wait3A_291] : memref<2x416x32xf32, #tpu.memory_space<vmem>> -> memref<1x416x32xf32, #tpu.memory_space<vmem>>
    %dma_wait3A_293 = tpu.memref_squeeze %dma_wait3A_292 : memref<1x416x32xf32, #tpu.memory_space<vmem>> -> memref<416x32xf32, #tpu.memory_space<vmem>>
    %dma_wait3A_294 = arith.constant 286 : i32
    %dma_wait3A_295 = arith.constant 0 : i32
    %dma_wait3A_296 = tpu.memref_slice %dma_wait3A_293[%dma_wait3A_294, %dma_wait3A_295] : memref<416x32xf32, #tpu.memory_space<vmem>> -> memref<26x32xf32, #tpu.memory_space<vmem>>
    %dma_wait3A_297 = arith.constant 0 : i32
    %dma_wait3A_298 = arith.constant 0 : i32
    %dma_wait3A_299 = tpu.memref_slice %arg4[%mul3A_4, %dma_wait3A_297, %dma_wait3A_298] : memref<16384x26x32xf32, #tpu.memory_space<hbm>> -> memref<1x26x32xf32, #tpu.memory_space<hbm>>
    %dma_wait3A_300 = tpu.memref_squeeze %dma_wait3A_299 : memref<1x26x32xf32, #tpu.memory_space<hbm>> -> memref<26x32xf32, #tpu.memory_space<hbm>>
    %dma_wait3A_301 = arith.constant 0 : i32
    %dma_wait3A_302 = arith.constant 0 : i32
    %dma_wait3A_303 = tpu.memref_slice %arg4[%mul3A_4, %dma_wait3A_301, %dma_wait3A_302] : memref<16384x26x32xf32, #tpu.memory_space<hbm>> -> memref<1x26x32xf32, #tpu.memory_space<hbm>>
    %dma_wait3A_304 = tpu.memref_squeeze %dma_wait3A_303 : memref<1x26x32xf32, #tpu.memory_space<hbm>> -> memref<26x32xf32, #tpu.memory_space<hbm>>
    %dma_wait3A_305 = arith.constant 0 : i32
    %dma_wait3A_306 = arith.constant 0 : i32
    %dma_wait3A_307 = tpu.memref_slice %arg6[%dma_wait3A_289, %dma_wait3A_305, %dma_wait3A_306] : memref<2x416x32xf32, #tpu.memory_space<vmem>> -> memref<1x416x32xf32, #tpu.memory_space<vmem>>
    %dma_wait3A_308 = tpu.memref_squeeze %dma_wait3A_307 : memref<1x416x32xf32, #tpu.memory_space<vmem>> -> memref<416x32xf32, #tpu.memory_space<vmem>>
    %dma_wait3A_309 = arith.constant 286 : i32
    %dma_wait3A_310 = arith.constant 0 : i32
    %dma_wait3A_311 = tpu.memref_slice %dma_wait3A_308[%dma_wait3A_309, %dma_wait3A_310] : memref<416x32xf32, #tpu.memory_space<vmem>> -> memref<26x32xf32, #tpu.memory_space<vmem>>
    tpu.wait_dma2 semaphore(%arg10 : memref<!tpu.dma_semaphore, #tpu.memory_space<semaphore_mem>>) src(%dma_wait3A_311 : memref<26x32xf32, #tpu.memory_space<vmem>>) dst(%dma_wait3A_304 : memref<26x32xf32, #tpu.memory_space<hbm>>)
    %dma_wait3A_312 = arith.constant 1 : i32
    %dma_wait3A_313 = arith.constant 0 : i32
    %dma_wait3A_314 = arith.constant 0 : i32
    %dma_wait3A_315 = tpu.memref_slice %arg6[%dma_wait3A_312, %dma_wait3A_313, %dma_wait3A_314] : memref<2x416x32xf32, #tpu.memory_space<vmem>> -> memref<1x416x32xf32, #tpu.memory_space<vmem>>
    %dma_wait3A_316 = tpu.memref_squeeze %dma_wait3A_315 : memref<1x416x32xf32, #tpu.memory_space<vmem>> -> memref<416x32xf32, #tpu.memory_space<vmem>>
    %dma_wait3A_317 = arith.constant 312 : i32
    %dma_wait3A_318 = arith.constant 0 : i32
    %dma_wait3A_319 = tpu.memref_slice %dma_wait3A_316[%dma_wait3A_317, %dma_wait3A_318] : memref<416x32xf32, #tpu.memory_space<vmem>> -> memref<26x32xf32, #tpu.memory_space<vmem>>
    %dma_wait3A_320 = arith.constant 0 : i32
    %dma_wait3A_321 = arith.constant 0 : i32
    %dma_wait3A_322 = tpu.memref_slice %arg4[%mul3A_4, %dma_wait3A_320, %dma_wait3A_321] : memref<16384x26x32xf32, #tpu.memory_space<hbm>> -> memref<1x26x32xf32, #tpu.memory_space<hbm>>
    %dma_wait3A_323 = tpu.memref_squeeze %dma_wait3A_322 : memref<1x26x32xf32, #tpu.memory_space<hbm>> -> memref<26x32xf32, #tpu.memory_space<hbm>>
    %dma_wait3A_324 = arith.constant 0 : i32
    %dma_wait3A_325 = arith.constant 0 : i32
    %dma_wait3A_326 = tpu.memref_slice %arg4[%mul3A_4, %dma_wait3A_324, %dma_wait3A_325] : memref<16384x26x32xf32, #tpu.memory_space<hbm>> -> memref<1x26x32xf32, #tpu.memory_space<hbm>>
    %dma_wait3A_327 = tpu.memref_squeeze %dma_wait3A_326 : memref<1x26x32xf32, #tpu.memory_space<hbm>> -> memref<26x32xf32, #tpu.memory_space<hbm>>
    %dma_wait3A_328 = arith.constant 0 : i32
    %dma_wait3A_329 = arith.constant 0 : i32
    %dma_wait3A_330 = tpu.memref_slice %arg6[%dma_wait3A_312, %dma_wait3A_328, %dma_wait3A_329] : memref<2x416x32xf32, #tpu.memory_space<vmem>> -> memref<1x416x32xf32, #tpu.memory_space<vmem>>
    %dma_wait3A_331 = tpu.memref_squeeze %dma_wait3A_330 : memref<1x416x32xf32, #tpu.memory_space<vmem>> -> memref<416x32xf32, #tpu.memory_space<vmem>>
    %dma_wait3A_332 = arith.constant 312 : i32
    %dma_wait3A_333 = arith.constant 0 : i32
    %dma_wait3A_334 = tpu.memref_slice %dma_wait3A_331[%dma_wait3A_332, %dma_wait3A_333] : memref<416x32xf32, #tpu.memory_space<vmem>> -> memref<26x32xf32, #tpu.memory_space<vmem>>
    tpu.wait_dma2 semaphore(%arg10 : memref<!tpu.dma_semaphore, #tpu.memory_space<semaphore_mem>>) src(%dma_wait3A_334 : memref<26x32xf32, #tpu.memory_space<vmem>>) dst(%dma_wait3A_327 : memref<26x32xf32, #tpu.memory_space<hbm>>)
    %dma_wait3A_335 = arith.constant 1 : i32
    %dma_wait3A_336 = arith.constant 0 : i32
    %dma_wait3A_337 = arith.constant 0 : i32
    %dma_wait3A_338 = tpu.memref_slice %arg6[%dma_wait3A_335, %dma_wait3A_336, %dma_wait3A_337] : memref<2x416x32xf32, #tpu.memory_space<vmem>> -> memref<1x416x32xf32, #tpu.memory_space<vmem>>
    %dma_wait3A_339 = tpu.memref_squeeze %dma_wait3A_338 : memref<1x416x32xf32, #tpu.memory_space<vmem>> -> memref<416x32xf32, #tpu.memory_space<vmem>>
    %dma_wait3A_340 = arith.constant 338 : i32
    %dma_wait3A_341 = arith.constant 0 : i32
    %dma_wait3A_342 = tpu.memref_slice %dma_wait3A_339[%dma_wait3A_340, %dma_wait3A_341] : memref<416x32xf32, #tpu.memory_space<vmem>> -> memref<26x32xf32, #tpu.memory_space<vmem>>
    %dma_wait3A_343 = arith.constant 0 : i32
    %dma_wait3A_344 = arith.constant 0 : i32
    %dma_wait3A_345 = tpu.memref_slice %arg4[%mul3A_4, %dma_wait3A_343, %dma_wait3A_344] : memref<16384x26x32xf32, #tpu.memory_space<hbm>> -> memref<1x26x32xf32, #tpu.memory_space<hbm>>
    %dma_wait3A_346 = tpu.memref_squeeze %dma_wait3A_345 : memref<1x26x32xf32, #tpu.memory_space<hbm>> -> memref<26x32xf32, #tpu.memory_space<hbm>>
    %dma_wait3A_347 = arith.constant 0 : i32
    %dma_wait3A_348 = arith.constant 0 : i32
    %dma_wait3A_349 = tpu.memref_slice %arg4[%mul3A_4, %dma_wait3A_347, %dma_wait3A_348] : memref<16384x26x32xf32, #tpu.memory_space<hbm>> -> memref<1x26x32xf32, #tpu.memory_space<hbm>>
    %dma_wait3A_350 = tpu.memref_squeeze %dma_wait3A_349 : memref<1x26x32xf32, #tpu.memory_space<hbm>> -> memref<26x32xf32, #tpu.memory_space<hbm>>
    %dma_wait3A_351 = arith.constant 0 : i32
    %dma_wait3A_352 = arith.constant 0 : i32
    %dma_wait3A_353 = tpu.memref_slice %arg6[%dma_wait3A_335, %dma_wait3A_351, %dma_wait3A_352] : memref<2x416x32xf32, #tpu.memory_space<vmem>> -> memref<1x416x32xf32, #tpu.memory_space<vmem>>
    %dma_wait3A_354 = tpu.memref_squeeze %dma_wait3A_353 : memref<1x416x32xf32, #tpu.memory_space<vmem>> -> memref<416x32xf32, #tpu.memory_space<vmem>>
    %dma_wait3A_355 = arith.constant 338 : i32
    %dma_wait3A_356 = arith.constant 0 : i32
    %dma_wait3A_357 = tpu.memref_slice %dma_wait3A_354[%dma_wait3A_355, %dma_wait3A_356] : memref<416x32xf32, #tpu.memory_space<vmem>> -> memref<26x32xf32, #tpu.memory_space<vmem>>
    tpu.wait_dma2 semaphore(%arg10 : memref<!tpu.dma_semaphore, #tpu.memory_space<semaphore_mem>>) src(%dma_wait3A_357 : memref<26x32xf32, #tpu.memory_space<vmem>>) dst(%dma_wait3A_350 : memref<26x32xf32, #tpu.memory_space<hbm>>)
    %dma_wait3A_358 = arith.constant 1 : i32
    %dma_wait3A_359 = arith.constant 0 : i32
    %dma_wait3A_360 = arith.constant 0 : i32
    %dma_wait3A_361 = tpu.memref_slice %arg6[%dma_wait3A_358, %dma_wait3A_359, %dma_wait3A_360] : memref<2x416x32xf32, #tpu.memory_space<vmem>> -> memref<1x416x32xf32, #tpu.memory_space<vmem>>
    %dma_wait3A_362 = tpu.memref_squeeze %dma_wait3A_361 : memref<1x416x32xf32, #tpu.memory_space<vmem>> -> memref<416x32xf32, #tpu.memory_space<vmem>>
    %dma_wait3A_363 = arith.constant 364 : i32
    %dma_wait3A_364 = arith.constant 0 : i32
    %dma_wait3A_365 = tpu.memref_slice %dma_wait3A_362[%dma_wait3A_363, %dma_wait3A_364] : memref<416x32xf32, #tpu.memory_space<vmem>> -> memref<26x32xf32, #tpu.memory_space<vmem>>
    %dma_wait3A_366 = arith.constant 0 : i32
    %dma_wait3A_367 = arith.constant 0 : i32
    %dma_wait3A_368 = tpu.memref_slice %arg4[%mul3A_4, %dma_wait3A_366, %dma_wait3A_367] : memref<16384x26x32xf32, #tpu.memory_space<hbm>> -> memref<1x26x32xf32, #tpu.memory_space<hbm>>
    %dma_wait3A_369 = tpu.memref_squeeze %dma_wait3A_368 : memref<1x26x32xf32, #tpu.memory_space<hbm>> -> memref<26x32xf32, #tpu.memory_space<hbm>>
    %dma_wait3A_370 = arith.constant 0 : i32
    %dma_wait3A_371 = arith.constant 0 : i32
    %dma_wait3A_372 = tpu.memref_slice %arg4[%mul3A_4, %dma_wait3A_370, %dma_wait3A_371] : memref<16384x26x32xf32, #tpu.memory_space<hbm>> -> memref<1x26x32xf32, #tpu.memory_space<hbm>>
    %dma_wait3A_373 = tpu.memref_squeeze %dma_wait3A_372 : memref<1x26x32xf32, #tpu.memory_space<hbm>> -> memref<26x32xf32, #tpu.memory_space<hbm>>
    %dma_wait3A_374 = arith.constant 0 : i32
    %dma_wait3A_375 = arith.constant 0 : i32
    %dma_wait3A_376 = tpu.memref_slice %arg6[%dma_wait3A_358, %dma_wait3A_374, %dma_wait3A_375] : memref<2x416x32xf32, #tpu.memory_space<vmem>> -> memref<1x416x32xf32, #tpu.memory_space<vmem>>
    %dma_wait3A_377 = tpu.memref_squeeze %dma_wait3A_376 : memref<1x416x32xf32, #tpu.memory_space<vmem>> -> memref<416x32xf32, #tpu.memory_space<vmem>>
    %dma_wait3A_378 = arith.constant 364 : i32
    %dma_wait3A_379 = arith.constant 0 : i32
    %dma_wait3A_380 = tpu.memref_slice %dma_wait3A_377[%dma_wait3A_378, %dma_wait3A_379] : memref<416x32xf32, #tpu.memory_space<vmem>> -> memref<26x32xf32, #tpu.memory_space<vmem>>
    tpu.wait_dma2 semaphore(%arg10 : memref<!tpu.dma_semaphore, #tpu.memory_space<semaphore_mem>>) src(%dma_wait3A_380 : memref<26x32xf32, #tpu.memory_space<vmem>>) dst(%dma_wait3A_373 : memref<26x32xf32, #tpu.memory_space<hbm>>)
    %dma_wait3A_381 = arith.constant 1 : i32
    %dma_wait3A_382 = arith.constant 0 : i32
    %dma_wait3A_383 = arith.constant 0 : i32
    %dma_wait3A_384 = tpu.memref_slice %arg6[%dma_wait3A_381, %dma_wait3A_382, %dma_wait3A_383] : memref<2x416x32xf32, #tpu.memory_space<vmem>> -> memref<1x416x32xf32, #tpu.memory_space<vmem>>
    %dma_wait3A_385 = tpu.memref_squeeze %dma_wait3A_384 : memref<1x416x32xf32, #tpu.memory_space<vmem>> -> memref<416x32xf32, #tpu.memory_space<vmem>>
    %dma_wait3A_386 = arith.constant 390 : i32
    %dma_wait3A_387 = arith.constant 0 : i32
    %dma_wait3A_388 = tpu.memref_slice %dma_wait3A_385[%dma_wait3A_386, %dma_wait3A_387] : memref<416x32xf32, #tpu.memory_space<vmem>> -> memref<26x32xf32, #tpu.memory_space<vmem>>
    %dma_wait3A_389 = arith.constant 0 : i32
    %dma_wait3A_390 = arith.constant 0 : i32
    %dma_wait3A_391 = tpu.memref_slice %arg4[%mul3A_4, %dma_wait3A_389, %dma_wait3A_390] : memref<16384x26x32xf32, #tpu.memory_space<hbm>> -> memref<1x26x32xf32, #tpu.memory_space<hbm>>
    %dma_wait3A_392 = tpu.memref_squeeze %dma_wait3A_391 : memref<1x26x32xf32, #tpu.memory_space<hbm>> -> memref<26x32xf32, #tpu.memory_space<hbm>>
    %dma_wait3A_393 = arith.constant 0 : i32
    %dma_wait3A_394 = arith.constant 0 : i32
    %dma_wait3A_395 = tpu.memref_slice %arg4[%mul3A_4, %dma_wait3A_393, %dma_wait3A_394] : memref<16384x26x32xf32, #tpu.memory_space<hbm>> -> memref<1x26x32xf32, #tpu.memory_space<hbm>>
    %dma_wait3A_396 = tpu.memref_squeeze %dma_wait3A_395 : memref<1x26x32xf32, #tpu.memory_space<hbm>> -> memref<26x32xf32, #tpu.memory_space<hbm>>
    %dma_wait3A_397 = arith.constant 0 : i32
    %dma_wait3A_398 = arith.constant 0 : i32
    %dma_wait3A_399 = tpu.memref_slice %arg6[%dma_wait3A_381, %dma_wait3A_397, %dma_wait3A_398] : memref<2x416x32xf32, #tpu.memory_space<vmem>> -> memref<1x416x32xf32, #tpu.memory_space<vmem>>
    %dma_wait3A_400 = tpu.memref_squeeze %dma_wait3A_399 : memref<1x416x32xf32, #tpu.memory_space<vmem>> -> memref<416x32xf32, #tpu.memory_space<vmem>>
    %dma_wait3A_401 = arith.constant 390 : i32
    %dma_wait3A_402 = arith.constant 0 : i32
    %dma_wait3A_403 = tpu.memref_slice %dma_wait3A_400[%dma_wait3A_401, %dma_wait3A_402] : memref<416x32xf32, #tpu.memory_space<vmem>> -> memref<26x32xf32, #tpu.memory_space<vmem>>
    tpu.wait_dma2 semaphore(%arg10 : memref<!tpu.dma_semaphore, #tpu.memory_space<semaphore_mem>>) src(%dma_wait3A_403 : memref<26x32xf32, #tpu.memory_space<vmem>>) dst(%dma_wait3A_396 : memref<26x32xf32, #tpu.memory_space<hbm>>)
    return
  }
}

</mosaic_0001>

<sc_bundles>
// kernel: kernel.3.cloned.1.call-start
scs
__scs_entry_jumppad:
0x0: {  	(pc) =	sbr.rel $0x88, $3  }
0x1: {  	(tag) =	ssettag $0x0;
	lr =	simm.s32 $0x1  }
0x2: {  	[smem:$0x3F9F] =	sst lr;
	_ =	strace $0xD0000000  }
0x3: {  	_ = 	snop  }
0x4: {  	_ = 	snop  }
0x5: {  	_ = 	snop  }
0x6: {  	_ = 	snop  }
0x7: {  	_ = 	snop  }
__scs_overlays_trampoline_lowered:
0x8: {  	[smem:$0x3FAE] =	sst s0  }
0x9: {  	[smem:$0x3FAF] =	sst s1  }
0xa: {  	[smem:$0x3FB0] =	sst s2  }
0xb: {  	[smem:$0x3FB1] =	sst s3  }
0xc: {  	[smem:$0x3FB2] =	sst s4  }
0xd: {  	[smem:$0x3FB3] =	sst s5  }
0xe: {  	[smem:$0x3FB4] =	sst s6  }
0xf: {  	[smem:$0x3FB5] =	sst s7  }
0x10: {  	[smem:$0x3FB6] =	sst s8  }
0x11: {  	[smem:$0x3FB7] =	sst s9;
	s0 =	simm.s32 @!p0 $0x0  }
0x12: {  	s1 =	sld [smem:$0x3F9D];
	s0 =	simm.s32 @p0 $0x1  }
0x13: {  	[smem:$0x3FB8] =	sst s0;
	s0 =	simm.s32 @!p1 $0x0  }
0x14: {  	s2 =	sld [smem:$0x3F9C];
	s0 =	simm.s32 @p1 $0x1  }
0x15: {  	[smem:$0x3FB9] =	sst s0;
	s0 =	simm.s32 @!p2 $0x0  }
0x16: {  	s3 =	sld [smem:$0x3FDB];
	s0 =	simm.s32 @p2 $0x1  }
0x17: {  	s4 =	simm.s32 $0x1BF5;
	[smem:$0x3FBB] =	sst s0  }
0x18: {  	s0 =	sld [smem:$0x3F9E];
	_ =	swait.ge [sflag:s4], $0x0  }
0x19: {  	s7 =	sld [smem:$0x3F9F]  }
0x1a: {  	s8 =	sadd.s32 $0xFFFFE003, lr  }
0x1b: {  	s9 =	sadd.s32 $0xFFFFFEF7, lr;
	s5 =	simm.s32 $0xFFFFFFFF;
	p2 =	slt.u32 s8, $0xFFFFF086  }
0x1c: {  	p1 =	slt.u32 s9, $0xF7A;
	s5 =	simm.s32 @!p2 $0x0  }
0x1d: {  	s5 =	simm.s32 @p1 $0x1;
	p0 =	seq.s32 s7, s2  }
0x1e: {  	s7 =	smul.u32 @!p0 $0xF7A, s2;
	p2 =	seq.s32 @!p0 s5, $0x0  }
0x1f: {  	s9 =	smul.u32 $0xF7A, s1;
	s8 =	simm.s32 @!p0 $0x1BF5;
	p2 =	por !p2, p0  }
0x20: {  	[sflag:s8] =	ssyncset.s32 @!p0 $0xFFFFF086;
	s6 =	sadd.s32 @!p0 s3, s7;
	s7 =	simm.s32 @!p0 $0x108  }
0x21: {  	s3 =	sadd.s32 s3, s9;
	s6 =	sadd.s32 @!p0 $0x88, s6;
	s7 =	simm.s32 @p2 $0x1082  }
0x22: {  	[simem:s7], [sflag:s8] =	dma.local @!p0 [hbm:s6], $0xF7A  }
0x23: {  	s9 =	sor.u32 $0xD0000000, s2;
	s6 =	simm.s32 $0x108;
	_ =	swait.ge @!p0 [sflag:s8], $0x0  }
0x24: {  	s3 =	sadd.s32 $0x88, s3;
	s6 =	simm.s32 @!p1 $0x1082;
	[sflag:s4] =	ssyncset.s32 $0xFFFFF086  }
0x25: {  	[simem:s6], [sflag:s4] =	dma.local [hbm:s3], $0xF7A  }
0x26: {  	[smem:$0x3F9F] =	sst s1;
	(tag) =	ssettag s2;
	_ =	strace s9  }
0x27: {  	s1 =	sld [smem:$0x3FAF]  }
0x28: {  	s2 =	sld [smem:$0x3FB0]  }
0x29: {  	s4 =	sld [smem:$0x3FB2]  }
0x2a: {  	p0 =	seq.s32 s5, $0x0;
	s5 =	sld [smem:$0x3FB3]  }
0x2b: {  	s6 =	sld [smem:$0x3FB4]  }
0x2c: {  	s7 =	sld [smem:$0x3FB5]  }
0x2d: {  	s3 =	simm.s32 $0x108;
	s8 =	sld [smem:$0x3FB6]  }
0x2e: {  	s3 =	simm.s32 @!p0 $0x1082;
	s9 =	sld [smem:$0x3FB7]  }
0x2f: {  	lr =	sadd.s32 s0, s3;
	s0 =	sld [smem:$0x3FAE]  }
0x30: {  	s3 =	sld [smem:$0x3FB1]  }
0x31: {  	[smem:$0x3FBA] =	sst s10  }
0x32: {  	s10 =	sld [smem:$0x3FB8];
	_ =	sdelay $0x3  }
0x33: {  	p0 =	seq.s32 s10, $0x1;
	s10 =	sld [smem:$0x3FBA];
	_ =	sdelay $0x3  }
0x34: {  	[smem:$0x3FBA] =	sst s10  }
0x35: {  	s10 =	sld [smem:$0x3FB9];
	_ =	sdelay $0x3  }
0x36: {  	p1 =	seq.s32 s10, $0x1;
	s10 =	sld [smem:$0x3FBA];
	_ =	sdelay $0x3  }
0x37: {  	[smem:$0x3FBA] =	sst s10  }
0x38: {  	s10 =	sld [smem:$0x3FBB]  }
0x39: {  	_ = 	snop;
	(pc) =	sbr.ind lr, $3  }
0x3a: {  	_ = 	snop  }
0x3b: {  	_ = 	snop  }
0x3c: {  	p2 =	seq.s32 s10, $0x1;
	s10 =	sld [smem:$0x3FBA]  }
0x3d: {  	_ =	shalt  }
0x3e: {  	_ =	shalt  }
0x3f: {  	_ =	shalt  }
0x40: {  	_ =	shalt  }
0x41: {  	_ =	shalt  }
0x42: {  	_ =	shalt  }
0x43: {  	_ =	shalt  }
0x44: {  	_ =	shalt  }
0x45: {  	_ =	shalt  }
0x46: {  	_ =	shalt  }
0x47: {  	_ =	shalt  }
0x48: {  	_ =	shalt  }
0x49: {  	_ =	shalt  }
0x4a: {  	_ =	shalt  }
0x4b: {  	_ =	shalt  }
0x4c: {  	_ =	shalt  }
0x4d: {  	_ =	shalt  }
0x4e: {  	_ =	shalt  }
0x4f: {  	_ =	shalt  }
0x50: {  	_ =	shalt  }
0x51: {  	_ =	shalt  }
0x52: {  	_ =	shalt  }
0x53: {  	_ =	shalt  }
0x54: {  	_ =	shalt  }
0x55: {  	_ =	shalt  }
0x56: {  	_ =	shalt  }
0x57: {  	_ =	shalt  }
0x58: {  	_ =	shalt  }
0x59: {  	_ =	shalt  }
0x5a: {  	_ =	shalt  }
0x5b: {  	_ =	shalt  }
0x5c: {  	_ =	shalt  }
0x5d: {  	_ =	shalt  }
0x5e: {  	_ =	shalt  }
0x5f: {  	_ =	shalt  }
0x60: {  	_ =	shalt  }
0x61: {  	_ =	shalt  }
0x62: {  	_ =	shalt  }
0x63: {  	_ =	shalt  }
0x64: {  	_ =	shalt  }
0x65: {  	_ =	shalt  }
0x66: {  	_ =	shalt  }
0x67: {  	_ =	shalt  }
0x68: {  	_ =	shalt  }
0x69: {  	_ =	shalt  }
0x6a: {  	_ =	shalt  }
0x6b: {  	_ =	shalt  }
0x6c: {  	_ =	shalt  }
0x6d: {  	_ =	shalt  }
0x6e: {  	_ =	shalt  }
0x6f: {  	_ =	shalt  }
0x70: {  	_ =	shalt  }
0x71: {  	_ =	shalt  }
0x72: {  	_ =	shalt  }
0x73: {  	_ =	shalt  }
0x74: {  	_ =	shalt  }
0x75: {  	_ =	shalt  }
0x76: {  	_ =	shalt  }
0x77: {  	_ =	shalt  }
0x78: {  	_ =	shalt  }
0x79: {  	_ =	shalt  }
0x7a: {  	_ =	shalt  }
0x7b: {  	_ =	shalt  }
0x7c: {  	_ =	shalt  }
0x7d: {  	_ =	shalt  }
0x7e: {  	_ =	shalt  }
0x7f: {  	_ =	shalt  }
0x80: {  	_ =	shalt  }
0x81: {  	_ =	shalt  }
0x82: {  	_ =	shalt  }
0x83: {  	_ =	shalt  }
0x84: {  	_ =	shalt  }
0x85: {  	_ =	shalt  }
0x86: {  	_ =	shalt  }
0x87: {  	_ =	shalt  }
.Lfunc_end0:
.L_simem_size_0:
called_computation_lowered:
.L_overlay_start_0:
0x88: {  	s2 =	sld [smem:$0x3FD9]  }
0x89: {  	s3 =	sld [smem:$0x3FFE];
	_ =	sdelay $0x1  }
0x8a: {  	s1 =	srdreg.scid  }
0x8b: {  	s0 =	sand.u32 $0x1, s1  }
0x8c: {  	s17 =	sshll.u32 s0, $0xA;
	s2 =	sadd.s32 s3, s2  }
0x8d: {  	s2 =	sadd.s32 s2, s17  }
0x8e: {  	[smem:$0x3FC6] =	sst s2  }
0x8f: {  	_ = 	snop  }
0x90: {  	s2 =	sld [smem:$0x3FD0];
	(tm) =	ssettm $0x1  }
0x91: {  	s18 =	sld [smem:$0x3FFB];
	_ =	sdelay $0x3  }
0x92: {  	_ =	strace s18  }
0x93: {  	s3 =	sld [smem:$0x3FFC];
	_ =	sdelay $0x3  }
0x94: {  	_ =	strace s3  }
0x95: {  	s3 =	sld [smem:$0x3FFD];
	_ =	sdelay $0x3  }
0x96: {  	_ =	strace s3  }
0x97: {  	_ =	strace $0x8FFFFFFF  }
0x98: {  	s19 =	sld [smem:$0x3FDB];
	_ =	sdelay $0x1  }
0x99: {  	s4 =	simm.s32 $_scs_section_size  }
0x9a: {  	s5 =	simm.s32 $_size__tile_overlayer_lowered;
	s6 =	simm.s32 $_tile_overlayer_lowered  }
0x9b: {  	s22 =	simm.s32 $0x1BFF;
	s21 =	sshll.u32 s6, $0x1;
	s3 =	sadd.s32 s4, s19  }
0x9c: {  	s7 =	simm.s32 $0x0;
	s20 =	sshll.u32 s5, $0x1;
	s5 =	sadd.s32 s21, s3  }
0x9d: {  	[timem:s7], [sflag:s22] =	dma.local [hbm:s5], s20  }
0x9e: {  	_ =	swait.ge [sflag:s22], s20  }
0x9f: {  	s4 =	ssub.s32 $0x0, s20;
	[sflag:s22] =	ssyncset.done $0x0  }
0xa0: {  	[sflag:s22] =	ssyncadd.s32 s4;
	_ =	sdelay $0x1  }
0xa1: {  	s23 =	simm.s32 $0x1B8B  }
0xa2: {  	_ =	swait.ge [sflag:s23], $0x1  }
0xa3: {  	[sflag:s23] =	ssyncset.done $0x0  }
0xa4: {  	s25 =	simm.s32 $0x1B8E;
	s24 =	sld [smem:$0x3FFE];
	[sflag:s23] =	ssyncadd.s32 $0xFFFFFFFF  }
0xa5: {  	s26 =	simm.s32 $execute0_lowered;
	[smem:$0x3FD2] =	sst s25  }
0xa6: {  	s5 =	sshll.u32 s26, $0x1;
	_ =	strace $0x80000046;
	[dreg:$0x1] =	wrdreg $0xFFFFFFFF  }
0xa7: {  	s28 =	simm.s32 $_size_execute0_lowered;
	s3 =	sadd.s32 s3, s5;
	[dreg:$0x0] =	wrdreg $0x0  }
0xa8: {  	s5 =	sshll.u32 s28, $0x1;
	[dreg:$0x2] =	wrdreg s3  }
0xa9: {  	[dreg:$0x3] =	wrdreg s5  }
0xaa: {  	[dreg:$0x4] =	wrdreg $0xC0  }
0xab: {  	_ =	task [dreg:s7], $0x5FFFF  }
0xac: {  	[dreg:$0x1] =	wrdreg $0xFFFFFFFF  }
0xad: {  	[dreg:$0x0] =	wrdreg $0x60  }
0xae: {  	[dreg:$0x2] =	wrdreg s2  }
0xaf: {  	[dreg:$0x3] =	wrdreg s24  }
0xb0: {  	[dreg:$0x4] =	wrdreg $0x9  }
0xb1: {  	_ =	task.clear_ibuf [dreg:s7], $0x5FFFF;
	_ =	strace $0x90000046  }
0xb2: {  	s29 =	simm.s32 $0x9;
	_ =	strace $0x80000048  }
0xb3: {  	_ =	swait.ge [sflag:s29], $0x1  }
0xb4: {  	[sflag:s29] =	ssyncadd.s32 $0xFFFFFFFF  }
0xb5: {  	_ =	strace $0x90000048  }
0xb6: {  	_ =	sfence  }
0xb7: {  	s30 =	sld [smem:$0x0];
	_ =	sdelay $0x2  }
0xb8: {  	s31 =	sshll.u32 s1, $0xD;
	s1 =	sshrl.u32 s1, $0x2  }
0xb9: {  	s3 =	sand.u32 $0x4000, s31;
	s1 =	sadd.s32 s1, s30  }
0xba: {  	s0 =	sor.u32 s3, s0;
	s1 =	sshll.u32 s1, $0x11  }
0xbb: {  	s0 =	sor.u32 s1, s0  }
0xbc: {  	s0 =	sadd.s32 $0x8F2B, s0  }
0xbd: {  	[sflag:s0] =	ssyncadd.remote.s32 $0x1  }
0xbe: {  	_ =	sfence.sel $0xFFFF  }
0xbf: {  	[dreg:$0x0] =	wrdreg $0xFFFFFFFF;
	(pc) =	sbr.abs _section_cstart, $3  }
0xc0: {  	[dreg:$0x1] =	wrdreg $0xFFFFFFFF  }
0xc1: {  	_ =	task.clear_ibuf [dreg:s7], $0x2FFFF;
	_ =	strace $0x9FFFFFFF  }
0xc2: {  	(tm) =	ssettm $0x7FFFFFFF  }
0xc3: {  	_ =	shalt  }
tec
execute0_lowered:
.L_overlay_start_1:
0x0: {  	(tag) =	ssettag $0x1  }
0x1: {  	s0 =	rddreg [dreg:$0x0]  }
0x2: {  	s1 =	rddreg [dreg:$0x1];
	s2 =	simm.s32 $0x0  }
0x3: {  	[smem:$0x7FF] =	sst s2;
	s6 =	sadd.s32 $0x27AC800, s1  }
0x4: {  	s18 =	sadd.s32 $0x27ACA00, s1;
	_ =	strace $0x80000047;
	[dreg:$0x3] =	wrdreg s6  }
0x5: {  	s19 =	sadd.s32 $0x27ACC00, s1;
	[dreg:$0x5] =	wrdreg s18  }
0x6: {  	s20 =	sadd.s32 $0x27ACE00, s1;
	[dreg:$0x6] =	wrdreg s19  }
0x7: {  	s21 =	sadd.s32 $0x27AD200, s1;
	[dreg:$0x7] =	wrdreg s20  }
0x8: {  	s22 =	sadd.s32 $0x27AD400, s1;
	[dreg:$0x8] =	wrdreg s21  }
0x9: {  	s3 =	srdreg.scid;
	s23 =	sadd.s32 $0x27AD600, s1;
	[dreg:$0x9] =	wrdreg s22  }
0xa: {  	s5 =	stileid.u32;
	s7 =	sadd.s32 $0x27AD800, s1;
	[dreg:$0xa] =	wrdreg s23  }
0xb: {  	s4 =	sand.u32 $0x1, s3;
	s25 =	sadd.s32 $0x27ADA00, s1;
	[dreg:$0xb] =	wrdreg s7  }
0xc: {  	s5 =	sshll.u32 s5, $0x1;
	s26 =	sadd.s32 $0x27ADC00, s1;
	[dreg:$0xc] =	wrdreg s25  }
0xd: {  	s3 =	sadd.s32 $0x400, s1;
	s28 =	sadd.s32 $0x27ADE00, s1;
	[dreg:$0xd] =	wrdreg s26  }
0xe: {  	s29 =	sadd.s32 $0x27AD000, s1;
	s30 =	sadd.s32 $0x27AE000, s1;
	[dreg:$0xe] =	wrdreg s28  }
0xf: {  	s5 =	sor.u32 s4, s5;
	s4 =	ssub.s32 $0x2, s4;
	[dreg:$0xf] =	wrdreg s29  }
0x10: {  	[dreg:$0x10] =	wrdreg s30;
	s17 =	sshll.u32 s5, $0x12;
	s5 =	smul.u32 $0x680, s5  }
0x11: {  	s18 =	sadd.s32 $0x27AE200, s1;
	s20 =	sadd.s32 $0x27AE400, s1;
	s24 =	sshrl.u32 s4, $0x1  }
0x12: {  	[dreg:$0x4] =	wrdreg s17;
	s4 =	ssub.s32 s4, s24;
	s0 =	sadd.s32 s0, s5  }
0x13: {  	s21 =	sadd.s32 $0x27AE600, s1;
	s31 =	smax.u32 s4, $0x1;
	[dreg:$0x11] =	wrdreg s0  }
0x14: {  	v0 =	vlaneseq.u32;
	s5 =	simm.s32 $0x0;
	[dreg:$0x12] =	wrdreg s31;
	s0 =	simm.s32 $0x3  }
.LBB2_1:
0x15: {  	s23 =	simm.s32 $0x0  }
0x16: {  	s4 =	simm.s32 $0x20;
	v3 =	vor.u32 s23, v0  }
0x17: {  	s25 =	simm.s32 $0x40;
	v4 =	vor.u32 s4, v0;
	v2 =	vmulhi.u32 $0x4EC4EC4F, v3  }
0x18: {  	s26 =	simm.s32 $0x30;
	v6 =	vor.u32 s25, v0;
	v7 =	vmulhi.u32 $0x4EC4EC4F, v4  }
0x19: {  	[dreg:$0x13] =	wrdreg s5;
	s24 =	simm.s32 $0x10;
	v1 =	vor.u32 s26, v0;
	v9 =	vmulhi.u32 $0x4EC4EC4F, v6  }
0x1a: {  	s1 =	rddreg [dreg:$0x11];
	s28 =	simm.s32 $0x60;
	v5 =	vor.u32 s24, v0;
	v10 =	vmulhi.u32 $0x4EC4EC4F, v1  }
0x1b: {  	s29 =	simm.s32 $0x50;
	s30 =	simm.s32 $0x5;
	s31 =	simm.s32 $0x70;
	v8 =	vor.u32 s28, v0;
	v11 =	vmulhi.u32 $0x4EC4EC4F, v5  }
0x1c: {  	[tilespmem:s2], [sflag:$0x5] =	stream.linear.gather [hbm4b:s1+s2], $0x3400, $0x38;
	v12 =	vor.u32 s29, v0;
	v13 =	vmulhi.u32 $0x4EC4EC4F, v8;
	[tilespmem:$0x1D400] =	vst v63  }
0x1d: {  	v16 =	vor.u32 s31, v0;
	_ =	swait.ge [sflag:s30], $0x3400;
	v15 =	vmulhi.u32 $0x4EC4EC4F, v12  }
0x1e: {  	v17 =	vmulhi.u32 $0x4EC4EC4F, v16;
	[sflag:s30] =	ssyncset.done $0x0;
	v7 =	vshrl.u32 v7, $0x3;
	v9 =	vshrl.u32 v9, $0x3  }
0x1f: {  	s1 =	simm.s32 $0x40;
	[sflag:s30] =	ssyncadd.s32 $0xFFFFCC00;
	v10 =	vshrl.u32 v10, $0x3;
	v11 =	vshrl.u32 v11, $0x3;
	v13 =	vshrl.u32 v13, $0x3  }
0x20: {  	v2 =	vshrl.u32 v2, $0x3;
	v15 =	vshrl.u32 v15, $0x3;
	v7 =	vmul.u32 $0x1A, v7;
	v14 =	vld [tilespmem:s1+$0xFFFFFFE0]  }
0x21: {  	v9 =	vmul.u32 $0x1A, v9;
	v11 =	vmul.u32 $0x1A, v11;
	v13 =	vmul.u32 $0x1A, v13  }
0x22: {  	v63 =	vld [tilespmem:s1+$0x30];
	v4 =	vsub.s32 v4, v7;
	v7 =	vmul.u32 $0x1A, v2;
	v2 =	vshrl.u32 v17, $0x3  }
0x23: {  	v6 =	vsub.s32 v6, v9;
	v9 =	vld [tilespmem:s1+$0xFFFFFFC0];
	v4 =	vmul.u32 $0x186A0, v4;
	v18 =	vmul.u32 $0x1A, v2  }
0x24: {  	v13 =	vsub.s32 v8, v13;
	v8 =	vld [tilespmem:s1+$0x20];
	v19 =	vsub.s32 v3, v7;
	v7 =	vsub.s32 v5, v11  }
0x25: {  	v3 =	vld [tilespmem:s1+$0x0];
	v5 =	vmul.u32 $0x1A, v15;
	v4 =	vadd.s32 v4, v14;
	v14 =	vsub.s32 v16, v18  }
0x26: {  	v10 =	vmul.u32 $0x1A, v10;
	v2 =	vld [tilespmem:s1+$0xFFFFFFF0];
	v15 =	vmul.u32 $0x186A0, v19;
	v14 =	vmul.u32 $0x186A0, v14  }
0x27: {  	v11 =	vmul.u32 $0x186A0, v6;
	[tilespmem:s1+$0xFFFFFFE0] =	vst v4;
	v4 =	vld [tilespmem:s1+$0xFFFFFFD0];
	v6 =	vsub.s32 v12, v5;
	v12 =	vmul.u32 $0x186A0, v13  }
0x28: {  	s19 =	simm.s32 $0xF0;
	s22 =	simm.s32 $0xC0;
	v5 =	vld [tilespmem:s1+$0x10];
	v9 =	vadd.s32 v15, v9;
	v6 =	vmul.u32 $0x186A0, v6;
	v13 =	vadd.s32 v14, v63  }
.LBB2_2:
0x29: {  	s4 =	sadd.s32 $0xFFFFFF90, s19  }
0x2a: {  	s5 =	sadd.s32 $0xFFFFFFA0, s19;
	s6 =	sadd.s32 $0xFFFFFFB0, s19;
	v14 =	vld [tilespmem:s22+$0xFFFFFFF0];
	v7 =	vmul.u32 $0x186A0, v7;
	v3 =	vadd.s32 v11, v3;
	v8 =	vadd.s32 v12, v8;
	[tilespmem:s1+$0x30] =	vst v13;
	s7 =	smov.u32 s19  }
0x2b: {  	s8 =	sadd.s32 $0xFFFFFFE0, s19;
	v10 =	vsub.s32 v1, v10;
	v11 =	vor.u32 s4, v0;
	v12 =	vor.u32 s5, v0;
	s4 =	sadd.s32 $0xFFFFFFC0, s19;
	s5 =	sadd.s32 $0xFFFFFFD0, s19;
	[tilespmem:s1+$0x0] =	vst v3  }
0x2c: {  	p0 =	sne.s32 s19, $0x33F0;
	s19 =	sadd.s32 $0x80, s19;
	v1 =	vor.u32 s4, v0;
	v3 =	vor.u32 s5, v0;
	s4 =	sadd.s32 $0xFFFFFFF0, s7;
	[tilespmem:s1+$0xFFFFFFC0] =	vst v9;
	v4 =	vadd.s32 v7, v4  }
0x2d: {  	v7 =	vmulhi.u32 $0x4EC4EC4F, v11;
	v9 =	vor.u32 s6, v0;
	v13 =	vor.u32 s4, v0;
	[tilespmem:s1+$0x20] =	vst v8  }
0x2e: {  	v8 =	vmulhi.u32 $0x4EC4EC4F, v9;
	[tilespmem:s1+$0xFFFFFFD0] =	vst v4;
	v4 =	vmul.u32 $0x186A0, v10;
	v5 =	vadd.s32 v6, v5  }
0x2f: {  	v15 =	vor.u32 s8, v0;
	v6 =	vmulhi.u32 $0x4EC4EC4F, v3;
	[tilespmem:s1+$0x10] =	vst v5  }
0x30: {  	v5 =	vshrl.u32 v8, $0x3;
	v8 =	vmulhi.u32 $0x4EC4EC4F, v1;
	v4 =	vadd.s32 v4, v2;
	v2 =	vmovc v14  }
0x31: {  	v10 =	vmulhi.u32 $0x4EC4EC4F, v12;
	v5 =	vmul.u32 $0x1A, v5;
	v6 =	vshrl.u32 v6, $0x3;
	[tilespmem:s1+$0xFFFFFFF0] =	vst v4;
	s1 =	smov.u32 s22  }
0x32: {  	v14 =	vshrl.u32 v8, $0x3;
	v4 =	vmul.u32 $0x1A, v6;
	v6 =	vmulhi.u32 $0x4EC4EC4F, v13  }
0x33: {  	v17 =	vor.u32 s7, v0;
	v16 =	vmulhi.u32 $0x4EC4EC4F, v15;
	v8 =	vshrl.u32 v10, $0x3;
	v10 =	vld [tilespmem:s22+$0xFFFFFFE0]  }
0x34: {  	v18 =	vmulhi.u32 $0x4EC4EC4F, v17;
	v8 =	vmul.u32 $0x1A, v8;
	v6 =	vshrl.u32 v6, $0x3  }
0x35: {  	v7 =	vshrl.u32 v7, $0x3;
	v5 =	vsub.s32 v9, v5;
	v9 =	vsub.s32 v3, v4;
	v3 =	vld [tilespmem:s22+$0x0]  }
0x36: {  	v4 =	vmul.u32 $0x1A, v7;
	v5 =	vmul.u32 $0x186A0, v5;
	v7 =	vshrl.u32 v18, $0x3;
	v18 =	vld [tilespmem:s22+$0x30]  }
0x37: {  	v16 =	vshrl.u32 v16, $0x3;
	v6 =	vmul.u32 $0x1A, v6;
	v20 =	vmul.u32 $0x1A, v7;
	v19 =	vld [tilespmem:s22+$0xFFFFFFC0]  }
.Ltmp0:
0x38: {  	v7 =	vsub.s32 v12, v8;
	v4 =	vsub.s32 v11, v4;
	v5 =	vadd.s32 v5, v10;
	v8 =	vld [tilespmem:s22+$0x20];
	(pc) =	sbr.rel @p0 .LBB2_2-.Ltmp0, $4  }
0x39: {  	v6 =	vsub.s32 v13, v6;
	v10 =	vsub.s32 v17, v20;
	[tilespmem:s22+$0xFFFFFFE0] =	vst v5;
	v5 =	vmul.u32 $0x1A, v16  }
0x3a: {  	v11 =	vmul.u32 $0x186A0, v9;
	v13 =	vmul.u32 $0x186A0, v4;
	v16 =	vmul.u32 $0x186A0, v10;
	v4 =	vld [tilespmem:s22+$0xFFFFFFD0]  }
0x3b: {  	v12 =	vmul.u32 $0x186A0, v6;
	v10 =	vmul.u32 $0x1A, v14;
	v14 =	vsub.s32 v15, v5  }
0x3c: {  	s30 =	simm.s32 $0x0;
	s22 =	sadd.s32 $0x80, s22;
	v9 =	vadd.s32 v13, v19;
	v5 =	vld [tilespmem:s1+$0x10];
	v6 =	vmul.u32 $0x186A0, v14;
	v13 =	vadd.s32 v16, v18  }
0x3d: {  	[tilespmem:s1+$0x30] =	vst v13  }
0x3e: {  	v3 =	vadd.s32 v11, v3;
	v7 =	vmul.u32 $0x186A0, v7;
	v1 =	vsub.s32 v1, v10;
	[tilespmem:s1+$0xFFFFFFC0] =	vst v9  }
0x3f: {  	[tilespmem:s1+$0x0] =	vst v3;
	v3 =	vadd.s32 v12, v8;
	v1 =	vmul.u32 $0x186A0, v1  }
0x40: {  	v4 =	vadd.s32 v7, v4;
	[tilespmem:s1+$0x20] =	vst v3  }
0x41: {  	[tilespmem:s1+$0xFFFFFFD0] =	vst v4;
	v1 =	vadd.s32 v1, v2  }
0x42: {  	v3 =	vadd.s32 v6, v5;
	[tilespmem:s1+$0xFFFFFFF0] =	vst v1  }
0x43: {  	[tilespmem:s1+$0x10] =	vst v3  }
0x44: {  	v1 =	vld [tilespmem:s30+$0x0];
	_ =	sdelay $0x4  }
0x45: {  	v1 =	vshll.u32 v1, $0x4  }
0x46: {  	(v2sf) =	vpush v1, $0x0  }
0x47: {  	(v2sf) =	vpush v1, $0x1  }
0x48: {  	(v2sf) =	vpush v1, $0x2;
	_ =	sdelay $0x1  }
0x49: {  	(v2sf) =	vpush v1, $0x4;
	_ =	sdelay $0x1  }
0x4a: {  	(v2sf) =	vpush v1, $0x3  }
0x4b: {  	(v2sf) =	vpush v1, $0x5  }
0x4c: {  	s19 =	simm.s32 $0x2000;
	s22 =	simm.s32 $0x0;
	s1 =	simm.s32 $0x0;
	(v2sf) =	vpush v1, $0x6  }
.LBB2_4:
0x4d: {  	p0 =	sne.s32 s19, $0x32000  }
0x4e: {  	s9 =	sadd.s32 $0x3480, s1;
	s24 =	sadd.s32 $0x3980, s1;
	s23 =	smov.u32 s19  }
0x4f: {  	s19 =	sadd.s32 $0x2000, s19;
	s6 =	sadd.s32 $0x3780, s1;
	s25 =	sadd.s32 $0x3A00, s1;
	(v2sf) =	vpush v1, $0x7  }
0x50: {  	s8 =	sadd.s32 $0x3680, s1;
	s5 =	sadd.s32 $0x3800, s1;
	s26 =	sadd.s32 $0x3A80, s1  }
0x51: {  	s28 =	sadd.s32 $0x3400, s1;
	s29 =	sadd.s32 $0x3600, s1;
	(v2sf) =	vpush v1, $0x8  }
0x52: {  	s31 =	sadd.s32 $0x3700, s1;
	s22 =	sadd.s32 $0x10, s22  }
0x53: {  	s10 =	sadd.s32 $0x3500, s1;
	s4 =	sadd.s32 $0x3900, s1;
	s7 =	spop (v2sf);
	(v2sf) =	vpush v1, $0x9  }
0x54: {  	s11 =	sand.u32 $0x1FFFFFF0, s7;
	s7 =	sadd.s32 $0x3880, s1;
	s12 =	spop (v2sf)  }
0x55: {  	s11 =	sadd.s32 s3, s11;
	s12 =	sand.u32 $0x1FFFFFF0, s12;
	s13 =	spop (v2sf);
	(v2sf) =	vpush v1, $0xA  }
0x56: {  	[tilespmem:s28], [sflag:$0x1] =	stream.linear.gather [hbm4b:s11+s30], $0x80, $0x38;
	[tilespmem:$0x1D400] =	vst v63  }
0x57: {  	s11 =	sadd.s32 s3, s12;
	s12 =	sadd.s32 $0x3580, s1;
	s28 =	spop (v2sf);
	(v2sf) =	vpush v1, $0xB  }
0x58: {  	[tilespmem:s9], [sflag:$0x1] =	stream.linear.gather [hbm4b:s11+s30], $0x80, $0x38;
	[tilespmem:$0x1D400] =	vst v63  }
0x59: {  	s9 =	sand.u32 $0x1FFFFFF0, s13;
	s11 =	sand.u32 $0x1FFFFFF0, s28;
	s13 =	spop (v2sf);
	(v2sf) =	vpush v1, $0xC  }
0x5a: {  	s9 =	sadd.s32 s3, s9;
	s13 =	sand.u32 $0x1FFFFFF0, s13;
	s28 =	spop (v2sf)  }
0x5b: {  	[tilespmem:s10], [sflag:$0x1] =	stream.linear.gather [hbm4b:s9+s30], $0x80, $0x38;
	(v2sf) =	vpush v1, $0xD;
	[tilespmem:$0x1D400] =	vst v63  }
0x5c: {  	s9 =	sadd.s32 s3, s13;
	s10 =	sand.u32 $0x1FFFFFF0, s28;
	s13 =	spop (v2sf)  }
0x5d: {  	[tilespmem:s12], [sflag:$0x1] =	stream.linear.gather [hbm4b:s9+s30], $0x80, $0x38;
	(v2sf) =	vpush v1, $0xE;
	[tilespmem:$0x1D400] =	vst v63  }
0x5e: {  	s9 =	sadd.s32 s3, s11;
	s11 =	sand.u32 $0x1FFFFFF0, s13;
	s12 =	spop (v2sf)  }
0x5f: {  	[tilespmem:s29], [sflag:$0x1] =	stream.linear.gather [hbm4b:s9+s30], $0x80, $0x38;
	(v2sf) =	vpush v1, $0xF;
	[tilespmem:$0x1D400] =	vst v63  }
0x60: {  	s9 =	sadd.s32 s3, s10;
	s10 =	sand.u32 $0x1FFFFFF0, s12;
	s12 =	spop (v2sf)  }
0x61: {  	[tilespmem:s8], [sflag:$0x1] =	stream.linear.gather [hbm4b:s9+s30], $0x80, $0x38;
	[tilespmem:$0x1D400] =	vst v63  }
0x62: {  	s8 =	sadd.s32 s3, s11;
	s9 =	sand.u32 $0x1FFFFFF0, s12;
	s11 =	spop (v2sf)  }
0x63: {  	[tilespmem:s31], [sflag:$0x1] =	stream.linear.gather [hbm4b:s8+s30], $0x80, $0x38;
	[tilespmem:$0x1D400] =	vst v63  }
0x64: {  	s8 =	sadd.s32 s3, s10;
	s10 =	sand.u32 $0x1FFFFFF0, s11;
	s11 =	spop (v2sf)  }
0x65: {  	[tilespmem:s6], [sflag:$0x1] =	stream.linear.gather [hbm4b:s8+s30], $0x80, $0x38;
	[tilespmem:$0x1D400] =	vst v63  }
0x66: {  	s6 =	sadd.s32 s3, s9;
	s8 =	sand.u32 $0x1FFFFFF0, s11;
	s9 =	spop (v2sf)  }
0x67: {  	[tilespmem:s5], [sflag:$0x1] =	stream.linear.gather [hbm4b:s6+s30], $0x80, $0x38;
	[tilespmem:$0x1D400] =	vst v63  }
0x68: {  	s5 =	sadd.s32 s3, s10;
	s6 =	sand.u32 $0x1FFFFFF0, s9;
	s9 =	spop (v2sf)  }
0x69: {  	[tilespmem:s7], [sflag:$0x1] =	stream.linear.gather [hbm4b:s5+s30], $0x80, $0x38;
	[tilespmem:$0x1D400] =	vst v63  }
0x6a: {  	s5 =	sadd.s32 s3, s8;
	s7 =	sand.u32 $0x1FFFFFF0, s9;
	s8 =	spop (v2sf)  }
0x6b: {  	[tilespmem:s4], [sflag:$0x1] =	stream.linear.gather [hbm4b:s5+s30], $0x80, $0x38;
	[tilespmem:$0x1D400] =	vst v63  }
0x6c: {  	s4 =	sadd.s32 s3, s6;
	s5 =	sand.u32 $0x1FFFFFF0, s8;
	s6 =	spop (v2sf)  }
0x6d: {  	[tilespmem:s24], [sflag:$0x1] =	stream.linear.gather [hbm4b:s4+s30], $0x80, $0x38;
	[tilespmem:$0x1D400] =	vst v63  }
0x6e: {  	s4 =	sadd.s32 s3, s7;
	s6 =	sand.u32 $0x1FFFFFF0, s6;
	s7 =	spop (v2sf)  }
0x6f: {  	[tilespmem:s25], [sflag:$0x1] =	stream.linear.gather [hbm4b:s4+s30], $0x80, $0x38;
	[tilespmem:$0x1D400] =	vst v63  }
0x70: {  	s4 =	sadd.s32 s3, s5;
	s5 =	sand.u32 $0x1FFFFFF0, s7  }
0x71: {  	[tilespmem:s26], [sflag:$0x1] =	stream.linear.gather [hbm4b:s4+s30], $0x80, $0x38;
	[tilespmem:$0x1D400] =	vst v63  }
0x72: {  	s6 =	sadd.s32 s3, s6;
	s4 =	sadd.s32 $0x3B00, s1  }
0x73: {  	[tilespmem:s4], [sflag:$0x1] =	stream.linear.gather [hbm4b:s6+s30], $0x80, $0x38;
	[tilespmem:$0x1D400] =	vst v63  }
0x74: {  	s1 =	sadd.s32 $0x3B80, s1;
	s4 =	sadd.s32 s3, s5  }
0x75: {  	[tilespmem:s1], [sflag:$0x1] =	stream.linear.gather [hbm4b:s4+s30], $0x80, $0x38;
	[tilespmem:$0x1D400] =	vst v63  }
0x76: {  	v1 =	vld [tilespmem:s22+$0x0];
	_ =	sdelay $0x4  }
0x77: {  	v1 =	vshll.u32 v1, $0x4  }
0x78: {  	(v2sf) =	vpush v1, $0x0  }
0x79: {  	(v2sf) =	vpush v1, $0x1  }
0x7a: {  	(v2sf) =	vpush v1, $0x2;
	_ =	sdelay $0x1  }
0x7b: {  	(v2sf) =	vpush v1, $0x4  }
.Ltmp1:
0x7c: {  	(pc) =	sbr.rel @p0 .LBB2_4-.Ltmp1, $3  }
0x7d: {  	(v2sf) =	vpush v1, $0x3  }
0x7e: {  	(v2sf) =	vpush v1, $0x5;
	_ =	sdelay $0x1  }
0x7f: {  	s1 =	sshra.s32 s23, $0x2;
	(v2sf) =	vpush v1, $0x6  }
0x80: {  	_ =	sdelay $0x1  }
0x81: {  	s7 =	sadd.s32 $0x3480, s1;
	s6 =	sadd.s32 $0x3980, s1;
	s8 =	sadd.s32 $0x3780, s1  }
0x82: {  	s4 =	sadd.s32 $0x3A00, s1;
	(v2sf) =	vpush v1, $0x7;
	s9 =	sadd.s32 $0x3680, s1;
	s10 =	sadd.s32 $0x3800, s1  }
0x83: {  	s5 =	sadd.s32 $0x3A80, s1;
	s11 =	sadd.s32 $0x3400, s1;
	s12 =	sadd.s32 $0x3600, s1  }
0x84: {  	s13 =	sadd.s32 $0x3700, s1;
	s22 =	sadd.s32 $0x3500, s1;
	(v2sf) =	vpush v1, $0x8;
	s19 =	spop (v2sf)  }
0x85: {  	s25 =	sadd.s32 $0x3580, s1;
	s19 =	sand.u32 $0x1FFFFFF0, s19;
	s23 =	spop (v2sf)  }
0x86: {  	(v2sf) =	vpush v1, $0x9;
	s19 =	sadd.s32 s3, s19;
	s23 =	sand.u32 $0x1FFFFFF0, s23;
	s24 =	spop (v2sf)  }
0x87: {  	[tilespmem:s11], [sflag:$0x1] =	stream.linear.gather [hbm4b:s19+s30], $0x80, $0x38;
	[tilespmem:$0x1D400] =	vst v63  }
0x88: {  	s28 =	simm.s32 $0x1A0;
	(v2sf) =	vpush v1, $0xA;
	s16 =	sadd.s32 s3, s23;
	s17 =	spop (v2sf)  }
0x89: {  	[tilespmem:s7], [sflag:$0x1] =	stream.linear.gather [hbm4b:s16+s30], $0x80, $0x38;
	[tilespmem:$0x1D400] =	vst v63  }
0x8a: {  	s11 =	sadd.s32 $0x3900, s1;
	s26 =	sand.u32 $0x1FFFFFF0, s24;
	(v2sf) =	vpush v1, $0xB;
	s29 =	spop (v2sf)  }
0x8b: {  	s19 =	sadd.s32 s3, s26;
	s7 =	sadd.s32 $0x3880, s1;
	s24 =	sand.u32 $0x1FFFFFF0, s29  }
0x8c: {  	(v2sf) =	vpush v1, $0xC;
	[tilespmem:s22], [sflag:$0x1] =	stream.linear.gather [hbm4b:s19+s30], $0x80, $0x38;
	[tilespmem:$0x1D400] =	vst v63  }
0x8d: {  	s31 =	sand.u32 $0x1FFFFFF0, s17;
	s14 =	spop (v2sf);
	s15 =	sadd.s32 s3, s24  }
0x8e: {  	(v2sf) =	vpush v1, $0xD;
	[tilespmem:s25], [sflag:$0x1] =	stream.linear.gather [hbm4b:s15+s30], $0x80, $0x38;
	[tilespmem:$0x1D400] =	vst v63  }
0x8f: {  	s19 =	sadd.s32 s3, s31;
	s22 =	sand.u32 $0x1FFFFFF0, s14;
	s16 =	spop (v2sf)  }
0x90: {  	(v2sf) =	vpush v1, $0xE;
	[tilespmem:s12], [sflag:$0x1] =	stream.linear.gather [hbm4b:s19+s30], $0x80, $0x38;
	[tilespmem:$0x1D400] =	vst v63  }
0x91: {  	s22 =	sadd.s32 s3, s22;
	s17 =	sand.u32 $0x1FFFFFF0, s16;
	s23 =	spop (v2sf)  }
0x92: {  	(v2sf) =	vpush v1, $0xF;
	[tilespmem:s9], [sflag:$0x1] =	stream.linear.gather [hbm4b:s22+s30], $0x80, $0x38;
	[tilespmem:$0x1D400] =	vst v63  }
0x93: {  	s24 =	sand.u32 $0x1FFFFFF0, s23;
	s25 =	spop (v2sf);
	s12 =	sadd.s32 s3, s17  }
0x94: {  	[tilespmem:s13], [sflag:$0x1] =	stream.linear.gather [hbm4b:s12+s30], $0x80, $0x38;
	[tilespmem:$0x1D400] =	vst v63  }
0x95: {  	s26 =	sand.u32 $0x1FFFFFF0, s25;
	s9 =	sadd.s32 s3, s24;
	s29 =	spop (v2sf)  }
0x96: {  	[tilespmem:s8], [sflag:$0x1] =	stream.linear.gather [hbm4b:s9+s30], $0x80, $0x38;
	[tilespmem:$0x1D400] =	vst v63  }
0x97: {  	s12 =	sadd.s32 s3, s26;
	s31 =	sand.u32 $0x1FFFFFF0, s29;
	s13 =	spop (v2sf)  }
0x98: {  	[tilespmem:s10], [sflag:$0x1] =	stream.linear.gather [hbm4b:s12+s30], $0x80, $0x38;
	[tilespmem:$0x1D400] =	vst v63  }
0x99: {  	s9 =	sand.u32 $0x1FFFFFF0, s13;
	s8 =	sadd.s32 s3, s31;
	s14 =	spop (v2sf)  }
0x9a: {  	[tilespmem:s7], [sflag:$0x1] =	stream.linear.gather [hbm4b:s8+s30], $0x80, $0x38;
	[tilespmem:$0x1D400] =	vst v63  }
0x9b: {  	s9 =	sadd.s32 s3, s9;
	s15 =	sand.u32 $0x1FFFFFF0, s14;
	s16 =	spop (v2sf)  }
0x9c: {  	[tilespmem:s11], [sflag:$0x1] =	stream.linear.gather [hbm4b:s9+s30], $0x80, $0x38;
	[tilespmem:$0x1D400] =	vst v63  }
0x9d: {  	s7 =	sadd.s32 s3, s15;
	s8 =	sand.u32 $0x1FFFFFF0, s16;
	s17 =	spop (v2sf)  }
0x9e: {  	[tilespmem:s6], [sflag:$0x1] =	stream.linear.gather [hbm4b:s7+s30], $0x80, $0x38;
	[tilespmem:$0x1D400] =	vst v63  }
0x9f: {  	s19 =	sand.u32 $0x1FFFFFF0, s17;
	s8 =	sadd.s32 s3, s8;
	s22 =	spop (v2sf)  }
0xa0: {  	[tilespmem:s4], [sflag:$0x1] =	stream.linear.gather [hbm4b:s8+s30], $0x80, $0x38;
	[tilespmem:$0x1D400] =	vst v63  }
0xa1: {  	s23 =	sand.u32 $0x1FFFFFF0, s22;
	s24 =	spop (v2sf);
	s6 =	sadd.s32 s3, s19  }
0xa2: {  	[tilespmem:s5], [sflag:$0x1] =	stream.linear.gather [hbm4b:s6+s30], $0x80, $0x38;
	[tilespmem:$0x1D400] =	vst v63  }
0xa3: {  	s26 =	sadd.s32 $0x3B00, s1;
	s25 =	sand.u32 $0x1FFFFFF0, s24;
	s4 =	sadd.s32 s3, s23  }
0xa4: {  	[tilespmem:s26], [sflag:$0x1] =	stream.linear.gather [hbm4b:s4+s30], $0x80, $0x38;
	[tilespmem:$0x1D400] =	vst v63  }
0xa5: {  	s29 =	sadd.s32 $0x3B80, s1;
	s19 =	simm.s32 $0x1;
	s31 =	sadd.s32 s3, s25  }
0xa6: {  	[tilespmem:s29], [sflag:$0x1] =	stream.linear.gather [hbm4b:s31+s30], $0x80, $0x38;
	[tilespmem:$0x1D400] =	vst v63  }
.LBB2_6:
0xa7: {  	s1 =	simm.s32 $0x1  }
0xa8: {  	_ =	swait.ge [sflag:s1], $0xD000  }
0xa9: {  	p0 =	seq.s32 s30, $0x0;
	[sflag:s1] =	ssyncset.done $0x0  }
0xaa: {  	[sflag:s1] =	ssyncadd.s32 $0xFFFF3000;
	s1 =	simm.s32 @!p0 $0x4  }
0xab: {  	_ =	swait.ge @!p0 [sflag:s1], $0xD00  }
0xac: {  	[sflag:s1] =	ssyncset.done @!p0 $0x0  }
0xad: {  	[sflag:s1] =	ssyncadd.s32 @!p0 $0xFFFFF300  }
0xae: {  	_ =	swait.ge @!p0 [sflag:s1], $0xD00  }
0xaf: {  	[sflag:s1] =	ssyncset.done @!p0 $0x0  }
0xb0: {  	[sflag:s1] =	ssyncadd.s32 @!p0 $0xFFFFF300  }
0xb1: {  	_ =	swait.ge @!p0 [sflag:s1], $0xD00  }
0xb2: {  	[sflag:s1] =	ssyncset.done @!p0 $0x0  }
0xb3: {  	[sflag:s1] =	ssyncadd.s32 @!p0 $0xFFFFF300  }
0xb4: {  	_ =	swait.ge @!p0 [sflag:s1], $0xD00  }
0xb5: {  	[sflag:s1] =	ssyncset.done @!p0 $0x0  }
0xb6: {  	[sflag:s1] =	ssyncadd.s32 @!p0 $0xFFFFF300  }
0xb7: {  	_ =	swait.ge @!p0 [sflag:s1], $0xD00  }
0xb8: {  	[sflag:s1] =	ssyncset.done @!p0 $0x0  }
0xb9: {  	[sflag:s1] =	ssyncadd.s32 @!p0 $0xFFFFF300  }
0xba: {  	_ =	swait.ge @!p0 [sflag:s1], $0xD00  }
0xbb: {  	[sflag:s1] =	ssyncset.done @!p0 $0x0  }
0xbc: {  	[sflag:s1] =	ssyncadd.s32 @!p0 $0xFFFFF300  }
0xbd: {  	_ =	swait.ge @!p0 [sflag:s1], $0xD00  }
0xbe: {  	[sflag:s1] =	ssyncset.done @!p0 $0x0  }
0xbf: {  	[sflag:s1] =	ssyncadd.s32 @!p0 $0xFFFFF300  }
0xc0: {  	_ =	swait.ge @!p0 [sflag:s1], $0xD00  }
0xc1: {  	[sflag:s1] =	ssyncset.done @!p0 $0x0  }
0xc2: {  	[sflag:s1] =	ssyncadd.s32 @!p0 $0xFFFFF300  }
0xc3: {  	_ =	swait.ge @!p0 [sflag:s1], $0xD00  }
0xc4: {  	[sflag:s1] =	ssyncset.done @!p0 $0x0  }
0xc5: {  	[sflag:s1] =	ssyncadd.s32 @!p0 $0xFFFFF300  }
0xc6: {  	_ =	swait.ge @!p0 [sflag:s1], $0xD00  }
0xc7: {  	[sflag:s1] =	ssyncset.done @!p0 $0x0  }
0xc8: {  	[sflag:s1] =	ssyncadd.s32 @!p0 $0xFFFFF300  }
0xc9: {  	_ =	swait.ge @!p0 [sflag:s1], $0xD00  }
0xca: {  	[sflag:s1] =	ssyncset.done @!p0 $0x0  }
0xcb: {  	[sflag:s1] =	ssyncadd.s32 @!p0 $0xFFFFF300  }
0xcc: {  	_ =	swait.ge @!p0 [sflag:s1], $0xD00  }
0xcd: {  	[sflag:s1] =	ssyncset.done @!p0 $0x0  }
0xce: {  	[sflag:s1] =	ssyncadd.s32 @!p0 $0xFFFFF300  }
0xcf: {  	_ =	swait.ge @!p0 [sflag:s1], $0xD00  }
0xd0: {  	[sflag:s1] =	ssyncset.done @!p0 $0x0  }
0xd1: {  	[sflag:s1] =	ssyncadd.s32 @!p0 $0xFFFFF300  }
0xd2: {  	_ =	swait.ge @!p0 [sflag:s1], $0xD00  }
0xd3: {  	[sflag:s1] =	ssyncset.done @!p0 $0x0  }
0xd4: {  	[sflag:s1] =	ssyncadd.s32 @!p0 $0xFFFFF300  }
0xd5: {  	_ =	swait.ge @!p0 [sflag:s1], $0xD00  }
0xd6: {  	[sflag:s1] =	ssyncset.done @!p0 $0x0  }
0xd7: {  	[sflag:s1] =	ssyncadd.s32 @!p0 $0xFFFFF300  }
0xd8: {  	_ =	swait.ge @!p0 [sflag:s1], $0xD00  }
0xd9: {  	s5 =	rddreg [dreg:$0x4]  }
0xda: {  	s4 =	sshll.u32 s30, $0xE;
	s6 =	simm.s32 $0x3400;
	s12 =	rddreg [dreg:$0x3]  }
0xdb: {  	[sflag:s1] =	ssyncset.done @!p0 $0x0;
	s13 =	rddreg [dreg:$0x5];
	s4 =	sadd.s32 s5, s4  }
0xdc: {  	[sflag:s1] =	ssyncadd.s32 @!p0 $0xFFFFF300;
	s5 =	simm.s32 $0x0;
	s1 =	sadd.s32 s12, s4  }
0xdd: {  	[hbm4b:s1+s5] =	stream.linear.scatter [tilespmem:s6], [sflag:$0x3], $0xD00, $0x38;
	[tilespmem:$0x1D400] =	vst v63  }
0xde: {  	s14 =	simm.s32 $0x4100;
	s15 =	rddreg [dreg:$0x6];
	s1 =	sadd.s32 s4, s13  }
0xdf: {  	[hbm4b:s1+s5] =	stream.linear.scatter [tilespmem:s14], [sflag:$0x3], $0xD00, $0x38;
	[tilespmem:$0x1D400] =	vst v63  }
0xe0: {  	s16 =	simm.s32 $0x4E00;
	s17 =	rddreg [dreg:$0x7];
	s1 =	sadd.s32 s4, s15  }
0xe1: {  	[hbm4b:s1+s5] =	stream.linear.scatter [tilespmem:s16], [sflag:$0x3], $0xD00, $0x38;
	[tilespmem:$0x1D400] =	vst v63  }
0xe2: {  	s22 =	simm.s32 $0x5B00;
	s23 =	rddreg [dreg:$0xf];
	s1 =	sadd.s32 s4, s17  }
0xe3: {  	[hbm4b:s1+s5] =	stream.linear.scatter [tilespmem:s22], [sflag:$0x3], $0xD00, $0x38;
	[tilespmem:$0x1D400] =	vst v63  }
0xe4: {  	s24 =	simm.s32 $0x6800;
	s25 =	rddreg [dreg:$0x8];
	s1 =	sadd.s32 s4, s23  }
0xe5: {  	[hbm4b:s1+s5] =	stream.linear.scatter [tilespmem:s24], [sflag:$0x3], $0xD00, $0x38;
	[tilespmem:$0x1D400] =	vst v63  }
0xe6: {  	s26 =	simm.s32 $0x7500;
	s29 =	rddreg [dreg:$0x9];
	s1 =	sadd.s32 s4, s25  }
0xe7: {  	[hbm4b:s1+s5] =	stream.linear.scatter [tilespmem:s26], [sflag:$0x3], $0xD00, $0x38;
	[tilespmem:$0x1D400] =	vst v63  }
0xe8: {  	s31 =	simm.s32 $0x8200;
	s6 =	rddreg [dreg:$0xa];
	s1 =	sadd.s32 s4, s29  }
0xe9: {  	[hbm4b:s1+s5] =	stream.linear.scatter [tilespmem:s31], [sflag:$0x3], $0xD00, $0x38;
	[tilespmem:$0x1D400] =	vst v63  }
0xea: {  	s7 =	simm.s32 $0x8F00;
	s8 =	rddreg [dreg:$0xb];
	s1 =	sadd.s32 s4, s6  }
0xeb: {  	[hbm4b:s1+s5] =	stream.linear.scatter [tilespmem:s7], [sflag:$0x3], $0xD00, $0x38;
	[tilespmem:$0x1D400] =	vst v63  }
0xec: {  	s9 =	simm.s32 $0x9C00;
	s10 =	rddreg [dreg:$0xc];
	s1 =	sadd.s32 s4, s8  }
0xed: {  	[hbm4b:s1+s5] =	stream.linear.scatter [tilespmem:s9], [sflag:$0x3], $0xD00, $0x38;
	[tilespmem:$0x1D400] =	vst v63  }
0xee: {  	s11 =	simm.s32 $0xA900;
	s12 =	rddreg [dreg:$0xd];
	s1 =	sadd.s32 s4, s10  }
0xef: {  	[hbm4b:s1+s5] =	stream.linear.scatter [tilespmem:s11], [sflag:$0x3], $0xD00, $0x38;
	[tilespmem:$0x1D400] =	vst v63  }
0xf0: {  	s13 =	simm.s32 $0xB600;
	s14 =	rddreg [dreg:$0xe];
	s1 =	sadd.s32 s4, s12  }
0xf1: {  	[hbm4b:s1+s5] =	stream.linear.scatter [tilespmem:s13], [sflag:$0x3], $0xD00, $0x38;
	[tilespmem:$0x1D400] =	vst v63  }
0xf2: {  	s15 =	simm.s32 $0xC300;
	s16 =	rddreg [dreg:$0x10];
	s1 =	sadd.s32 s4, s14  }
0xf3: {  	[hbm4b:s1+s5] =	stream.linear.scatter [tilespmem:s15], [sflag:$0x3], $0xD00, $0x38;
	[tilespmem:$0x1D400] =	vst v63  }
0xf4: {  	s17 =	simm.s32 $0xD000;
	s1 =	sadd.s32 s4, s16  }
0xf5: {  	[hbm4b:s1+s5] =	stream.linear.scatter [tilespmem:s17], [sflag:$0x3], $0xD00, $0x38;
	[tilespmem:$0x1D400] =	vst v63  }
0xf6: {  	s22 =	sadd.s32 s4, s18;
	s23 =	simm.s32 $0xDD00  }
0xf7: {  	[hbm4b:s22+s5] =	stream.linear.scatter [tilespmem:s23], [sflag:$0x3], $0xD00, $0x38;
	[tilespmem:$0x1D400] =	vst v63  }
0xf8: {  	s24 =	sadd.s32 s4, s20;
	s25 =	simm.s32 $0xEA00  }
0xf9: {  	[hbm4b:s24+s5] =	stream.linear.scatter [tilespmem:s25], [sflag:$0x3], $0xD00, $0x38;
	[tilespmem:$0x1D400] =	vst v63  }
0xfa: {  	s26 =	sadd.s32 s4, s21;
	s29 =	simm.s32 $0xF700  }
0xfb: {  	[hbm4b:s26+s5] =	stream.linear.scatter [tilespmem:s29], [sflag:$0x3], $0xD00, $0x38;
	[tilespmem:$0x1D400] =	vst v63  }
0xfc: {  	v1 =	vld [tilespmem:s28+$0x0];
	_ =	sdelay $0x4  }
0xfd: {  	v1 =	vshll.u32 v1, $0x4  }
0xfe: {  	(v2sf) =	vpush v1, $0x0  }
0xff: {  	(v2sf) =	vpush v1, $0x1  }
0x100: {  	(v2sf) =	vpush v1, $0x2;
	_ =	sdelay $0x1  }
0x101: {  	s31 =	sand.u32 $0xF, s19;
	(v2sf) =	vpush v1, $0x4  }
0x102: {  	s1 =	smul.u32 $0xD00, s31  }
0x103: {  	(v2sf) =	vpush v1, $0x3  }
0x104: {  	s22 =	sshrl.u32 s1, $0x2;
	s23 =	sshllo.u32 s30, $0x1;
	(v2sf) =	vpush v1, $0x5  }
0x105: {  	s1 =	smov.u32 s28;
	s25 =	simm.s32 $0x0;
	s26 =	simm.s32 $0x2000;
	(v2sf) =	vpush v1, $0x6  }
.LBB2_7:
0x106: {  	p0 =	sne.s32 s26, $0x32000  }
0x107: {  	s10 =	sadd.s32 $0x10480, s25;
	s4 =	sadd.s32 $0x10980, s25;
	s29 =	smov.u32 s26  }
0x108: {  	s26 =	sadd.s32 $0x2000, s26;
	s7 =	sadd.s32 $0x10780, s25;
	s31 =	sadd.s32 $0x10A00, s25;
	(v2sf) =	vpush v1, $0x7  }
0x109: {  	s9 =	sadd.s32 $0x10680, s25;
	s6 =	sadd.s32 $0x10800, s25;
	s24 =	sadd.s32 $0x10A80, s25  }
0x10a: {  	s11 =	sadd.s32 $0x10400, s25;
	s12 =	sadd.s32 $0x10600, s25;
	(v2sf) =	vpush v1, $0x8  }
0x10b: {  	s13 =	sadd.s32 $0x10700, s25;
	s1 =	sadd.s32 $0x10, s1  }
0x10c: {  	s14 =	sadd.s32 $0x10500, s25;
	s5 =	sadd.s32 $0x10900, s25;
	s8 =	spop (v2sf);
	(v2sf) =	vpush v1, $0x9  }
0x10d: {  	s15 =	sand.u32 $0x1FFFFFF0, s8;
	s8 =	sadd.s32 $0x10880, s25;
	s16 =	spop (v2sf)  }
0x10e: {  	s15 =	sadd.s32 s3, s15;
	s16 =	sand.u32 $0x1FFFFFF0, s16;
	s17 =	spop (v2sf);
	(v2sf) =	vpush v1, $0xA  }
0x10f: {  	[tilespmem:s11], [sflag:$0x2] =	stream.linear.gather [hbm4b:s15+s2], $0x80, $0x38;
	[tilespmem:$0x1D400] =	vst v63  }
0x110: {  	s11 =	sadd.s32 s3, s16;
	s15 =	sadd.s32 $0x10580, s25;
	s16 =	spop (v2sf);
	(v2sf) =	vpush v1, $0xB  }
0x111: {  	[tilespmem:s10], [sflag:$0x2] =	stream.linear.gather [hbm4b:s11+s2], $0x80, $0x38;
	[tilespmem:$0x1D400] =	vst v63  }
0x112: {  	s10 =	sand.u32 $0x1FFFFFF0, s17;
	s11 =	sand.u32 $0x1FFFFFF0, s16;
	s16 =	spop (v2sf);
	(v2sf) =	vpush v1, $0xC  }
0x113: {  	s10 =	sadd.s32 s3, s10;
	s16 =	sand.u32 $0x1FFFFFF0, s16;
	s17 =	spop (v2sf)  }
0x114: {  	[tilespmem:s14], [sflag:$0x2] =	stream.linear.gather [hbm4b:s10+s2], $0x80, $0x38;
	(v2sf) =	vpush v1, $0xD;
	[tilespmem:$0x1D400] =	vst v63  }
0x115: {  	s10 =	sadd.s32 s3, s16;
	s14 =	sand.u32 $0x1FFFFFF0, s17;
	s16 =	spop (v2sf)  }
0x116: {  	[tilespmem:s15], [sflag:$0x2] =	stream.linear.gather [hbm4b:s10+s2], $0x80, $0x38;
	(v2sf) =	vpush v1, $0xE;
	[tilespmem:$0x1D400] =	vst v63  }
0x117: {  	s10 =	sadd.s32 s3, s11;
	s11 =	sand.u32 $0x1FFFFFF0, s16;
	s15 =	spop (v2sf)  }
0x118: {  	[tilespmem:s12], [sflag:$0x2] =	stream.linear.gather [hbm4b:s10+s2], $0x80, $0x38;
	(v2sf) =	vpush v1, $0xF;
	[tilespmem:$0x1D400] =	vst v63  }
0x119: {  	s10 =	sadd.s32 s3, s14;
	s12 =	sand.u32 $0x1FFFFFF0, s15;
	s14 =	spop (v2sf)  }
0x11a: {  	[tilespmem:s9], [sflag:$0x2] =	stream.linear.gather [hbm4b:s10+s2], $0x80, $0x38;
	[tilespmem:$0x1D400] =	vst v63  }
0x11b: {  	s9 =	sadd.s32 s3, s11;
	s10 =	sand.u32 $0x1FFFFFF0, s14;
	s11 =	spop (v2sf)  }
0x11c: {  	[tilespmem:s13], [sflag:$0x2] =	stream.linear.gather [hbm4b:s9+s2], $0x80, $0x38;
	[tilespmem:$0x1D400] =	vst v63  }
0x11d: {  	s9 =	sadd.s32 s3, s12;
	s11 =	sand.u32 $0x1FFFFFF0, s11;
	s12 =	spop (v2sf)  }
0x11e: {  	[tilespmem:s7], [sflag:$0x2] =	stream.linear.gather [hbm4b:s9+s2], $0x80, $0x38;
	[tilespmem:$0x1D400] =	vst v63  }
0x11f: {  	s7 =	sadd.s32 s3, s10;
	s9 =	sand.u32 $0x1FFFFFF0, s12;
	s10 =	spop (v2sf)  }
0x120: {  	[tilespmem:s6], [sflag:$0x2] =	stream.linear.gather [hbm4b:s7+s2], $0x80, $0x38;
	[tilespmem:$0x1D400] =	vst v63  }
0x121: {  	s6 =	sadd.s32 s3, s11;
	s7 =	sand.u32 $0x1FFFFFF0, s10;
	s10 =	spop (v2sf)  }
0x122: {  	[tilespmem:s8], [sflag:$0x2] =	stream.linear.gather [hbm4b:s6+s2], $0x80, $0x38;
	[tilespmem:$0x1D400] =	vst v63  }
0x123: {  	s6 =	sadd.s32 s3, s9;
	s8 =	sand.u32 $0x1FFFFFF0, s10;
	s9 =	spop (v2sf)  }
0x124: {  	[tilespmem:s5], [sflag:$0x2] =	stream.linear.gather [hbm4b:s6+s2], $0x80, $0x38;
	[tilespmem:$0x1D400] =	vst v63  }
0x125: {  	s5 =	sadd.s32 s3, s7;
	s6 =	sand.u32 $0x1FFFFFF0, s9;
	s7 =	spop (v2sf)  }
0x126: {  	[tilespmem:s4], [sflag:$0x2] =	stream.linear.gather [hbm4b:s5+s2], $0x80, $0x38;
	[tilespmem:$0x1D400] =	vst v63  }
0x127: {  	s4 =	sadd.s32 s3, s8;
	s5 =	sand.u32 $0x1FFFFFF0, s7;
	s7 =	spop (v2sf)  }
0x128: {  	[tilespmem:s31], [sflag:$0x2] =	stream.linear.gather [hbm4b:s4+s2], $0x80, $0x38;
	[tilespmem:$0x1D400] =	vst v63  }
0x129: {  	s4 =	sadd.s32 s3, s6;
	s6 =	sand.u32 $0x1FFFFFF0, s7  }
0x12a: {  	[tilespmem:s24], [sflag:$0x2] =	stream.linear.gather [hbm4b:s4+s2], $0x80, $0x38;
	[tilespmem:$0x1D400] =	vst v63  }
0x12b: {  	s5 =	sadd.s32 s3, s5;
	s4 =	sadd.s32 $0x10B00, s25  }
0x12c: {  	[tilespmem:s4], [sflag:$0x2] =	stream.linear.gather [hbm4b:s5+s2], $0x80, $0x38;
	[tilespmem:$0x1D400] =	vst v63  }
0x12d: {  	s4 =	sadd.s32 $0x10B80, s25;
	s5 =	sadd.s32 s3, s6  }
0x12e: {  	[tilespmem:s4], [sflag:$0x2] =	stream.linear.gather [hbm4b:s5+s2], $0x80, $0x38;
	[tilespmem:$0x1D400] =	vst v63  }
0x12f: {  	v1 =	vld [tilespmem:s1+$0x0];
	_ =	sdelay $0x4  }
0x130: {  	v1 =	vshll.u32 v1, $0x4  }
0x131: {  	(v2sf) =	vpush v1, $0x0  }
0x132: {  	(v2sf) =	vpush v1, $0x1  }
0x133: {  	(v2sf) =	vpush v1, $0x2;
	_ =	sdelay $0x1  }
0x134: {  	(v2sf) =	vpush v1, $0x4  }
.Ltmp2:
0x135: {  	(pc) =	sbr.rel @p0 .LBB2_7-.Ltmp2, $3  }
0x136: {  	(v2sf) =	vpush v1, $0x3  }
0x137: {  	(v2sf) =	vpush v1, $0x5;
	_ =	sdelay $0x1  }
0x138: {  	s25 =	sshra.s32 s29, $0x2;
	(v2sf) =	vpush v1, $0x6  }
0x139: {  	_ =	sdelay $0x4  }
0x13a: {  	s5 =	sadd.s32 $0x10400, s25;
	s1 =	spop (v2sf)  }
0x13b: {  	s13 =	sadd.s32 $0x10480, s25;
	(v2sf) =	vpush v1, $0x7;
	s1 =	sand.u32 $0x1FFFFFF0, s1;
	s4 =	spop (v2sf)  }
0x13c: {  	s1 =	sadd.s32 s3, s1;
	s4 =	sand.u32 $0x1FFFFFF0, s4;
	s14 =	spop (v2sf)  }
0x13d: {  	[tilespmem:s5], [sflag:$0x2] =	stream.linear.gather [hbm4b:s1+s2], $0x80, $0x38;
	[tilespmem:$0x1D400] =	vst v63  }
0x13e: {  	s4 =	sadd.s32 s3, s4;
	s15 =	sand.u32 $0x1FFFFFF0, s14;
	s17 =	spop (v2sf)  }
0x13f: {  	[tilespmem:s13], [sflag:$0x2] =	stream.linear.gather [hbm4b:s4+s2], $0x80, $0x38;
	[tilespmem:$0x1D400] =	vst v63  }
0x140: {  	s16 =	sadd.s32 $0x10500, s25;
	s1 =	sadd.s32 s3, s15;
	s24 =	spop (v2sf);
	(v2sf) =	vpush v1, $0x8  }
0x141: {  	[tilespmem:s16], [sflag:$0x2] =	stream.linear.gather [hbm4b:s1+s2], $0x80, $0x38;
	[tilespmem:$0x1D400] =	vst v63  }
0x142: {  	s1 =	sand.u32 $0x1FFFFFF0, s24;
	(v2sf) =	vpush v1, $0x9  }
0x143: {  	s26 =	sadd.s32 $0x10580, s25;
	s29 =	sand.u32 $0x1FFFFFF0, s17;
	s1 =	sadd.s32 s3, s1  }
0x144: {  	(v2sf) =	vpush v1, $0xA;
	[tilespmem:s26], [sflag:$0x2] =	stream.linear.gather [hbm4b:s1+s2], $0x80, $0x38;
	[tilespmem:$0x1D400] =	vst v63  }
0x145: {  	s31 =	sadd.s32 $0x10600, s25;
	s4 =	spop (v2sf);
	s1 =	sadd.s32 s3, s29  }
0x146: {  	[tilespmem:s31], [sflag:$0x2] =	stream.linear.gather [hbm4b:s1+s2], $0x80, $0x38;
	[tilespmem:$0x1D400] =	vst v63  }
0x147: {  	s1 =	sand.u32 $0x1FFFFFF0, s4  }
0x148: {  	s5 =	sadd.s32 $0x10680, s25;
	s6 =	spop (v2sf);
	s1 =	sadd.s32 s3, s1  }
0x149: {  	[tilespmem:s5], [sflag:$0x2] =	stream.linear.gather [hbm4b:s1+s2], $0x80, $0x38;
	[tilespmem:$0x1D400] =	vst v63  }
0x14a: {  	s8 =	spop (v2sf);
	(v2sf) =	vpush v1, $0xB  }
0x14b: {  	s1 =	sand.u32 $0x1FFFFFF0, s6  }
0x14c: {  	s7 =	sadd.s32 $0x10700, s25;
	s1 =	sadd.s32 s3, s1  }
0x14d: {  	[tilespmem:s7], [sflag:$0x2] =	stream.linear.gather [hbm4b:s1+s2], $0x80, $0x38;
	[tilespmem:$0x1D400] =	vst v63  }
0x14e: {  	s1 =	sand.u32 $0x1FFFFFF0, s8  }
0x14f: {  	s9 =	sadd.s32 $0x10780, s25;
	s1 =	sadd.s32 s3, s1;
	s10 =	spop (v2sf);
	(v2sf) =	vpush v1, $0xC  }
0x150: {  	[tilespmem:s9], [sflag:$0x2] =	stream.linear.gather [hbm4b:s1+s2], $0x80, $0x38;
	[tilespmem:$0x1D400] =	vst v63  }
0x151: {  	s12 =	spop (v2sf);
	(v2sf) =	vpush v1, $0xD  }
0x152: {  	s1 =	sand.u32 $0x1FFFFFF0, s10  }
0x153: {  	s11 =	sadd.s32 $0x10800, s25;
	s1 =	sadd.s32 s3, s1;
	s14 =	spop (v2sf)  }
0x154: {  	(v2sf) =	vpush v1, $0xE;
	[tilespmem:s11], [sflag:$0x2] =	stream.linear.gather [hbm4b:s1+s2], $0x80, $0x38;
	[tilespmem:$0x1D400] =	vst v63  }
0x155: {  	s1 =	sand.u32 $0x1FFFFFF0, s12  }
0x156: {  	s13 =	sadd.s32 $0x10880, s25;
	s1 =	sadd.s32 s3, s1  }
0x157: {  	[tilespmem:s13], [sflag:$0x2] =	stream.linear.gather [hbm4b:s1+s2], $0x80, $0x38;
	[tilespmem:$0x1D400] =	vst v63  }
0x158: {  	s1 =	sand.u32 $0x1FFFFFF0, s14  }
0x159: {  	s15 =	sadd.s32 $0x10900, s25;
	s1 =	sadd.s32 s3, s1;
	s16 =	spop (v2sf);
	(v2sf) =	vpush v1, $0xF  }
0x15a: {  	[tilespmem:s15], [sflag:$0x2] =	stream.linear.gather [hbm4b:s1+s2], $0x80, $0x38;
	[tilespmem:$0x1D400] =	vst v63  }
0x15b: {  	s1 =	sand.u32 $0x1FFFFFF0, s16  }
0x15c: {  	s17 =	sadd.s32 $0x10980, s25;
	s1 =	sadd.s32 s3, s1  }
0x15d: {  	[tilespmem:s17], [sflag:$0x2] =	stream.linear.gather [hbm4b:s1+s2], $0x80, $0x38;
	[tilespmem:$0x1D400] =	vst v63  }
0x15e: {  	s24 =	spop (v2sf)  }
0x15f: {  	s1 =	sand.u32 $0x1FFFFFF0, s24  }
0x160: {  	s26 =	sadd.s32 $0x10A00, s25;
	s29 =	spop (v2sf);
	s1 =	sadd.s32 s3, s1  }
0x161: {  	[tilespmem:s26], [sflag:$0x2] =	stream.linear.gather [hbm4b:s1+s2], $0x80, $0x38;
	[tilespmem:$0x1D400] =	vst v63  }
0x162: {  	s1 =	sand.u32 $0x1FFFFFF0, s29  }
0x163: {  	s31 =	sadd.s32 $0x10A80, s25;
	s4 =	spop (v2sf);
	s1 =	sadd.s32 s3, s1  }
0x164: {  	[tilespmem:s31], [sflag:$0x2] =	stream.linear.gather [hbm4b:s1+s2], $0x80, $0x38;
	[tilespmem:$0x1D400] =	vst v63  }
0x165: {  	s1 =	sand.u32 $0x1FFFFFF0, s4  }
0x166: {  	s5 =	sadd.s32 $0x10B00, s25;
	s1 =	sadd.s32 s3, s1  }
0x167: {  	[tilespmem:s5], [sflag:$0x2] =	stream.linear.gather [hbm4b:s1+s2], $0x80, $0x38;
	[tilespmem:$0x1D400] =	vst v63  }
0x168: {  	s6 =	spop (v2sf)  }
0x169: {  	s1 =	sand.u32 $0x1FFFFFF0, s6  }
0x16a: {  	s7 =	sadd.s32 $0x10B80, s25;
	s8 =	simm.s32 $0x2;
	s1 =	sadd.s32 s3, s1  }
0x16b: {  	[tilespmem:s7], [sflag:$0x2] =	stream.linear.gather [hbm4b:s1+s2], $0x80, $0x38;
	[tilespmem:$0x1D400] =	vst v63  }
0x16c: {  	_ =	swait.ge [sflag:s8], $0xD000  }
0x16d: {  	[sflag:s8] =	ssyncset.done $0x0  }
0x16e: {  	[sflag:s8] =	ssyncadd.s32 $0xFFFF3000  }
0x16f: {  	_ =	swait.ge [sflag:s0], $0xD00  }
0x170: {  	[sflag:s0] =	ssyncset.done $0x0  }
0x171: {  	[sflag:s0] =	ssyncadd.s32 $0xFFFFF300  }
0x172: {  	_ =	swait.ge [sflag:s0], $0xD00  }
0x173: {  	[sflag:s0] =	ssyncset.done $0x0  }
0x174: {  	[sflag:s0] =	ssyncadd.s32 $0xFFFFF300  }
0x175: {  	_ =	swait.ge [sflag:s0], $0xD00  }
0x176: {  	[sflag:s0] =	ssyncset.done $0x0  }
0x177: {  	[sflag:s0] =	ssyncadd.s32 $0xFFFFF300  }
0x178: {  	_ =	swait.ge [sflag:s0], $0xD00  }
0x179: {  	[sflag:s0] =	ssyncset.done $0x0  }
0x17a: {  	[sflag:s0] =	ssyncadd.s32 $0xFFFFF300  }
0x17b: {  	_ =	swait.ge [sflag:s0], $0xD00  }
0x17c: {  	[sflag:s0] =	ssyncset.done $0x0  }
0x17d: {  	[sflag:s0] =	ssyncadd.s32 $0xFFFFF300  }
0x17e: {  	_ =	swait.ge [sflag:s0], $0xD00  }
0x17f: {  	[sflag:s0] =	ssyncset.done $0x0  }
0x180: {  	[sflag:s0] =	ssyncadd.s32 $0xFFFFF300  }
0x181: {  	_ =	swait.ge [sflag:s0], $0xD00  }
0x182: {  	[sflag:s0] =	ssyncset.done $0x0  }
0x183: {  	[sflag:s0] =	ssyncadd.s32 $0xFFFFF300  }
0x184: {  	_ =	swait.ge [sflag:s0], $0xD00  }
0x185: {  	[sflag:s0] =	ssyncset.done $0x0  }
0x186: {  	[sflag:s0] =	ssyncadd.s32 $0xFFFFF300  }
0x187: {  	_ =	swait.ge [sflag:s0], $0xD00  }
0x188: {  	[sflag:s0] =	ssyncset.done $0x0  }
0x189: {  	[sflag:s0] =	ssyncadd.s32 $0xFFFFF300  }
0x18a: {  	_ =	swait.ge [sflag:s0], $0xD00  }
0x18b: {  	[sflag:s0] =	ssyncset.done $0x0  }
0x18c: {  	[sflag:s0] =	ssyncadd.s32 $0xFFFFF300  }
0x18d: {  	_ =	swait.ge [sflag:s0], $0xD00  }
0x18e: {  	[sflag:s0] =	ssyncset.done $0x0  }
0x18f: {  	[sflag:s0] =	ssyncadd.s32 $0xFFFFF300  }
0x190: {  	_ =	swait.ge [sflag:s0], $0xD00  }
0x191: {  	[sflag:s0] =	ssyncset.done $0x0  }
0x192: {  	[sflag:s0] =	ssyncadd.s32 $0xFFFFF300  }
0x193: {  	_ =	swait.ge [sflag:s0], $0xD00  }
0x194: {  	[sflag:s0] =	ssyncset.done $0x0  }
0x195: {  	[sflag:s0] =	ssyncadd.s32 $0xFFFFF300  }
0x196: {  	_ =	swait.ge [sflag:s0], $0xD00  }
0x197: {  	[sflag:s0] =	ssyncset.done $0x0  }
0x198: {  	[sflag:s0] =	ssyncadd.s32 $0xFFFFF300  }
0x199: {  	_ =	swait.ge [sflag:s0], $0xD00  }
0x19a: {  	[sflag:s0] =	ssyncset.done $0x0  }
0x19b: {  	[sflag:s0] =	ssyncadd.s32 $0xFFFFF300  }
0x19c: {  	s9 =	sshll.u32 s23, $0xD;
	_ =	swait.ge [sflag:s0], $0xD00  }
0x19d: {  	s5 =	simm.s32 $0x0;
	s6 =	simm.s32 $0x10400;
	s10 =	rddreg [dreg:$0x4]  }
0x19e: {  	[sflag:s0] =	ssyncset.done $0x0;
	s11 =	rddreg [dreg:$0x3];
	s1 =	sadd.s32 s10, s9  }
0x19f: {  	s12 =	rddreg [dreg:$0x5];
	[sflag:s0] =	ssyncadd.s32 $0xFFFFF300;
	s4 =	sadd.s32 s11, s1  }
0x1a0: {  	[hbm4b:s4+s5] =	stream.linear.scatter [tilespmem:s6], [sflag:$0x4], $0xD00, $0x38;
	[tilespmem:$0x1D400] =	vst v63  }
0x1a1: {  	s13 =	simm.s32 $0x11100;
	s14 =	rddreg [dreg:$0x6];
	s4 =	sadd.s32 s1, s12  }
0x1a2: {  	[hbm4b:s4+s5] =	stream.linear.scatter [tilespmem:s13], [sflag:$0x4], $0xD00, $0x38;
	[tilespmem:$0x1D400] =	vst v63  }
0x1a3: {  	s15 =	simm.s32 $0x11E00;
	s16 =	rddreg [dreg:$0x7];
	s4 =	sadd.s32 s1, s14  }
0x1a4: {  	[hbm4b:s4+s5] =	stream.linear.scatter [tilespmem:s15], [sflag:$0x4], $0xD00, $0x38;
	[tilespmem:$0x1D400] =	vst v63  }
0x1a5: {  	s17 =	simm.s32 $0x12B00;
	s23 =	rddreg [dreg:$0xf];
	s4 =	sadd.s32 s1, s16  }
0x1a6: {  	[hbm4b:s4+s5] =	stream.linear.scatter [tilespmem:s17], [sflag:$0x4], $0xD00, $0x38;
	[tilespmem:$0x1D400] =	vst v63  }
0x1a7: {  	s24 =	simm.s32 $0x13800;
	s25 =	rddreg [dreg:$0x8];
	s4 =	sadd.s32 s1, s23  }
0x1a8: {  	[hbm4b:s4+s5] =	stream.linear.scatter [tilespmem:s24], [sflag:$0x4], $0xD00, $0x38;
	[tilespmem:$0x1D400] =	vst v63  }
0x1a9: {  	s26 =	simm.s32 $0x14500;
	s29 =	rddreg [dreg:$0x9];
	s4 =	sadd.s32 s1, s25  }
0x1aa: {  	[hbm4b:s4+s5] =	stream.linear.scatter [tilespmem:s26], [sflag:$0x4], $0xD00, $0x38;
	[tilespmem:$0x1D400] =	vst v63  }
0x1ab: {  	s31 =	simm.s32 $0x15200;
	s7 =	rddreg [dreg:$0xa];
	s4 =	sadd.s32 s1, s29  }
0x1ac: {  	[hbm4b:s4+s5] =	stream.linear.scatter [tilespmem:s31], [sflag:$0x4], $0xD00, $0x38;
	[tilespmem:$0x1D400] =	vst v63  }
0x1ad: {  	s8 =	simm.s32 $0x15F00;
	s9 =	rddreg [dreg:$0xb];
	s4 =	sadd.s32 s1, s7  }
0x1ae: {  	[hbm4b:s4+s5] =	stream.linear.scatter [tilespmem:s8], [sflag:$0x4], $0xD00, $0x38;
	[tilespmem:$0x1D400] =	vst v63  }
0x1af: {  	s10 =	simm.s32 $0x16C00;
	s11 =	rddreg [dreg:$0xc];
	s4 =	sadd.s32 s1, s9  }
0x1b0: {  	[hbm4b:s4+s5] =	stream.linear.scatter [tilespmem:s10], [sflag:$0x4], $0xD00, $0x38;
	[tilespmem:$0x1D400] =	vst v63  }
0x1b1: {  	s12 =	simm.s32 $0x17900;
	s13 =	rddreg [dreg:$0xd];
	s4 =	sadd.s32 s1, s11  }
0x1b2: {  	[hbm4b:s4+s5] =	stream.linear.scatter [tilespmem:s12], [sflag:$0x4], $0xD00, $0x38;
	[tilespmem:$0x1D400] =	vst v63  }
0x1b3: {  	s14 =	simm.s32 $0x18600;
	s15 =	rddreg [dreg:$0xe];
	s4 =	sadd.s32 s1, s13  }
0x1b4: {  	[hbm4b:s4+s5] =	stream.linear.scatter [tilespmem:s14], [sflag:$0x4], $0xD00, $0x38;
	[tilespmem:$0x1D400] =	vst v63  }
0x1b5: {  	s16 =	simm.s32 $0x19300;
	s17 =	rddreg [dreg:$0x10];
	s4 =	sadd.s32 s1, s15  }
0x1b6: {  	[hbm4b:s4+s5] =	stream.linear.scatter [tilespmem:s16], [sflag:$0x4], $0xD00, $0x38;
	[tilespmem:$0x1D400] =	vst v63  }
0x1b7: {  	s23 =	simm.s32 $0x1A000;
	s4 =	sadd.s32 s1, s17  }
0x1b8: {  	[hbm4b:s4+s5] =	stream.linear.scatter [tilespmem:s23], [sflag:$0x4], $0xD00, $0x38;
	[tilespmem:$0x1D400] =	vst v63  }
0x1b9: {  	s24 =	sadd.s32 s1, s18;
	s25 =	simm.s32 $0x1AD00  }
0x1ba: {  	[hbm4b:s24+s5] =	stream.linear.scatter [tilespmem:s25], [sflag:$0x4], $0xD00, $0x38;
	[tilespmem:$0x1D400] =	vst v63  }
0x1bb: {  	s26 =	sadd.s32 s1, s20;
	s29 =	simm.s32 $0x1BA00  }
0x1bc: {  	[hbm4b:s26+s5] =	stream.linear.scatter [tilespmem:s29], [sflag:$0x4], $0xD00, $0x38;
	[tilespmem:$0x1D400] =	vst v63  }
0x1bd: {  	s31 =	simm.s32 $0x1C700;
	s1 =	sadd.s32 s1, s21  }
0x1be: {  	[hbm4b:s1+s5] =	stream.linear.scatter [tilespmem:s31], [sflag:$0x4], $0xD00, $0x38;
	[tilespmem:$0x1D400] =	vst v63  }
0x1bf: {  	v1 =	vld [tilespmem:s22+$0x0];
	_ =	sdelay $0x4  }
0x1c0: {  	v1 =	vshll.u32 v1, $0x4  }
0x1c1: {  	(v2sf) =	vpush v1, $0x0  }
0x1c2: {  	(v2sf) =	vpush v1, $0x1  }
0x1c3: {  	(v2sf) =	vpush v1, $0x2;
	_ =	sdelay $0x1  }
0x1c4: {  	(v2sf) =	vpush v1, $0x4;
	_ =	sdelay $0x1  }
0x1c5: {  	(v2sf) =	vpush v1, $0x3  }
0x1c6: {  	(v2sf) =	vpush v1, $0x5  }
0x1c7: {  	s23 =	simm.s32 $0x0;
	s25 =	simm.s32 $0x2000;
	(v2sf) =	vpush v1, $0x6  }
.LBB2_9:
0x1c8: {  	p0 =	sne.s32 s25, $0x32000  }
0x1c9: {  	s10 =	sadd.s32 $0x3480, s23;
	s4 =	sadd.s32 $0x3980, s23;
	s1 =	smov.u32 s25  }
0x1ca: {  	s25 =	sadd.s32 $0x2000, s25;
	s7 =	sadd.s32 $0x3780, s23;
	s24 =	sadd.s32 $0x3A00, s23;
	(v2sf) =	vpush v1, $0x7  }
0x1cb: {  	s9 =	sadd.s32 $0x3680, s23;
	s6 =	sadd.s32 $0x3800, s23;
	s26 =	sadd.s32 $0x3A80, s23  }
0x1cc: {  	s11 =	sadd.s32 $0x3400, s23;
	s12 =	sadd.s32 $0x3600, s23;
	(v2sf) =	vpush v1, $0x8  }
0x1cd: {  	s13 =	sadd.s32 $0x3700, s23;
	s22 =	sadd.s32 $0x10, s22  }
0x1ce: {  	s14 =	sadd.s32 $0x3500, s23;
	s5 =	sadd.s32 $0x3900, s23;
	s8 =	spop (v2sf);
	(v2sf) =	vpush v1, $0x9  }
0x1cf: {  	s15 =	sand.u32 $0x1FFFFFF0, s8;
	s8 =	sadd.s32 $0x3880, s23;
	s16 =	spop (v2sf)  }
0x1d0: {  	s15 =	sadd.s32 s3, s15;
	s16 =	sand.u32 $0x1FFFFFF0, s16;
	s17 =	spop (v2sf);
	(v2sf) =	vpush v1, $0xA  }
0x1d1: {  	[tilespmem:s11], [sflag:$0x1] =	stream.linear.gather [hbm4b:s15+s2], $0x80, $0x38;
	[tilespmem:$0x1D400] =	vst v63  }
0x1d2: {  	s11 =	sadd.s32 s3, s16;
	s15 =	sadd.s32 $0x3580, s23;
	s16 =	spop (v2sf);
	(v2sf) =	vpush v1, $0xB  }
0x1d3: {  	[tilespmem:s10], [sflag:$0x1] =	stream.linear.gather [hbm4b:s11+s2], $0x80, $0x38;
	[tilespmem:$0x1D400] =	vst v63  }
0x1d4: {  	s10 =	sand.u32 $0x1FFFFFF0, s17;
	s11 =	sand.u32 $0x1FFFFFF0, s16;
	s16 =	spop (v2sf);
	(v2sf) =	vpush v1, $0xC  }
0x1d5: {  	s10 =	sadd.s32 s3, s10;
	s16 =	sand.u32 $0x1FFFFFF0, s16;
	s17 =	spop (v2sf)  }
0x1d6: {  	[tilespmem:s14], [sflag:$0x1] =	stream.linear.gather [hbm4b:s10+s2], $0x80, $0x38;
	(v2sf) =	vpush v1, $0xD;
	[tilespmem:$0x1D400] =	vst v63  }
0x1d7: {  	s10 =	sadd.s32 s3, s16;
	s14 =	sand.u32 $0x1FFFFFF0, s17;
	s16 =	spop (v2sf)  }
0x1d8: {  	[tilespmem:s15], [sflag:$0x1] =	stream.linear.gather [hbm4b:s10+s2], $0x80, $0x38;
	(v2sf) =	vpush v1, $0xE;
	[tilespmem:$0x1D400] =	vst v63  }
0x1d9: {  	s10 =	sadd.s32 s3, s11;
	s11 =	sand.u32 $0x1FFFFFF0, s16;
	s15 =	spop (v2sf)  }
0x1da: {  	[tilespmem:s12], [sflag:$0x1] =	stream.linear.gather [hbm4b:s10+s2], $0x80, $0x38;
	(v2sf) =	vpush v1, $0xF;
	[tilespmem:$0x1D400] =	vst v63  }
0x1db: {  	s10 =	sadd.s32 s3, s14;
	s12 =	sand.u32 $0x1FFFFFF0, s15;
	s14 =	spop (v2sf)  }
0x1dc: {  	[tilespmem:s9], [sflag:$0x1] =	stream.linear.gather [hbm4b:s10+s2], $0x80, $0x38;
	[tilespmem:$0x1D400] =	vst v63  }
0x1dd: {  	s9 =	sadd.s32 s3, s11;
	s10 =	sand.u32 $0x1FFFFFF0, s14;
	s11 =	spop (v2sf)  }
0x1de: {  	[tilespmem:s13], [sflag:$0x1] =	stream.linear.gather [hbm4b:s9+s2], $0x80, $0x38;
	[tilespmem:$0x1D400] =	vst v63  }
0x1df: {  	s9 =	sadd.s32 s3, s12;
	s11 =	sand.u32 $0x1FFFFFF0, s11;
	s12 =	spop (v2sf)  }
0x1e0: {  	[tilespmem:s7], [sflag:$0x1] =	stream.linear.gather [hbm4b:s9+s2], $0x80, $0x38;
	[tilespmem:$0x1D400] =	vst v63  }
0x1e1: {  	s7 =	sadd.s32 s3, s10;
	s9 =	sand.u32 $0x1FFFFFF0, s12;
	s10 =	spop (v2sf)  }
0x1e2: {  	[tilespmem:s6], [sflag:$0x1] =	stream.linear.gather [hbm4b:s7+s2], $0x80, $0x38;
	[tilespmem:$0x1D400] =	vst v63  }
0x1e3: {  	s6 =	sadd.s32 s3, s11;
	s7 =	sand.u32 $0x1FFFFFF0, s10;
	s10 =	spop (v2sf)  }
0x1e4: {  	[tilespmem:s8], [sflag:$0x1] =	stream.linear.gather [hbm4b:s6+s2], $0x80, $0x38;
	[tilespmem:$0x1D400] =	vst v63  }
0x1e5: {  	s6 =	sadd.s32 s3, s9;
	s8 =	sand.u32 $0x1FFFFFF0, s10;
	s9 =	spop (v2sf)  }
0x1e6: {  	[tilespmem:s5], [sflag:$0x1] =	stream.linear.gather [hbm4b:s6+s2], $0x80, $0x38;
	[tilespmem:$0x1D400] =	vst v63  }
0x1e7: {  	s5 =	sadd.s32 s3, s7;
	s6 =	sand.u32 $0x1FFFFFF0, s9;
	s7 =	spop (v2sf)  }
0x1e8: {  	[tilespmem:s4], [sflag:$0x1] =	stream.linear.gather [hbm4b:s5+s2], $0x80, $0x38;
	[tilespmem:$0x1D400] =	vst v63  }
0x1e9: {  	s4 =	sadd.s32 s3, s8;
	s5 =	sand.u32 $0x1FFFFFF0, s7;
	s7 =	spop (v2sf)  }
0x1ea: {  	[tilespmem:s24], [sflag:$0x1] =	stream.linear.gather [hbm4b:s4+s2], $0x80, $0x38;
	[tilespmem:$0x1D400] =	vst v63  }
0x1eb: {  	s4 =	sadd.s32 s3, s6;
	s6 =	sand.u32 $0x1FFFFFF0, s7  }
0x1ec: {  	[tilespmem:s26], [sflag:$0x1] =	stream.linear.gather [hbm4b:s4+s2], $0x80, $0x38;
	[tilespmem:$0x1D400] =	vst v63  }
0x1ed: {  	s5 =	sadd.s32 s3, s5;
	s4 =	sadd.s32 $0x3B00, s23  }
0x1ee: {  	[tilespmem:s4], [sflag:$0x1] =	stream.linear.gather [hbm4b:s5+s2], $0x80, $0x38;
	[tilespmem:$0x1D400] =	vst v63  }
0x1ef: {  	s4 =	sadd.s32 $0x3B80, s23;
	s5 =	sadd.s32 s3, s6  }
0x1f0: {  	[tilespmem:s4], [sflag:$0x1] =	stream.linear.gather [hbm4b:s5+s2], $0x80, $0x38;
	[tilespmem:$0x1D400] =	vst v63  }
0x1f1: {  	v1 =	vld [tilespmem:s22+$0x0];
	_ =	sdelay $0x4  }
0x1f2: {  	v1 =	vshll.u32 v1, $0x4  }
0x1f3: {  	(v2sf) =	vpush v1, $0x0  }
0x1f4: {  	(v2sf) =	vpush v1, $0x1  }
0x1f5: {  	(v2sf) =	vpush v1, $0x2;
	_ =	sdelay $0x1  }
0x1f6: {  	(v2sf) =	vpush v1, $0x4  }
.Ltmp3:
0x1f7: {  	(pc) =	sbr.rel @p0 .LBB2_9-.Ltmp3, $3  }
0x1f8: {  	(v2sf) =	vpush v1, $0x3  }
0x1f9: {  	(v2sf) =	vpush v1, $0x5;
	_ =	sdelay $0x1  }
0x1fa: {  	s23 =	sshra.s32 s1, $0x2;
	(v2sf) =	vpush v1, $0x6  }
0x1fb: {  	_ =	sdelay $0x1  }
0x1fc: {  	s6 =	sadd.s32 $0x3480, s23;
	s5 =	sadd.s32 $0x3980, s23;
	s7 =	sadd.s32 $0x3780, s23  }
0x1fd: {  	s1 =	sadd.s32 $0x3A00, s23;
	(v2sf) =	vpush v1, $0x7;
	s8 =	sadd.s32 $0x3680, s23;
	s9 =	sadd.s32 $0x3800, s23  }
0x1fe: {  	s4 =	sadd.s32 $0x3A80, s23;
	s10 =	sadd.s32 $0x3400, s23;
	s11 =	sadd.s32 $0x3600, s23  }
0x1ff: {  	s12 =	sadd.s32 $0x3700, s23;
	s14 =	sadd.s32 $0x3500, s23;
	(v2sf) =	vpush v1, $0x8;
	s13 =	spop (v2sf)  }
0x200: {  	s30 =	sadd.s32 $0x1, s30;
	s13 =	sand.u32 $0x1FFFFFF0, s13;
	s15 =	spop (v2sf)  }
0x201: {  	(v2sf) =	vpush v1, $0x9;
	s13 =	sadd.s32 s3, s13;
	s15 =	sand.u32 $0x1FFFFFF0, s15;
	s16 =	spop (v2sf)  }
0x202: {  	[tilespmem:s10], [sflag:$0x1] =	stream.linear.gather [hbm4b:s13+s2], $0x80, $0x38;
	[tilespmem:$0x1D400] =	vst v63  }
0x203: {  	(v2sf) =	vpush v1, $0xA;
	s17 =	sadd.s32 s3, s15;
	s24 =	sand.u32 $0x1FFFFFF0, s16;
	s22 =	spop (v2sf)  }
0x204: {  	[tilespmem:s6], [sflag:$0x1] =	stream.linear.gather [hbm4b:s17+s2], $0x80, $0x38;
	[tilespmem:$0x1D400] =	vst v63  }
0x205: {  	s10 =	sadd.s32 $0x3900, s23;
	(v2sf) =	vpush v1, $0xB;
	s13 =	sadd.s32 s3, s24;
	s25 =	spop (v2sf)  }
0x206: {  	s6 =	sadd.s32 $0x3880, s23;
	s17 =	sadd.s32 $0x3580, s23;
	s16 =	sand.u32 $0x1FFFFFF0, s25  }
0x207: {  	(v2sf) =	vpush v1, $0xC;
	[tilespmem:s14], [sflag:$0x1] =	stream.linear.gather [hbm4b:s13+s2], $0x80, $0x38;
	[tilespmem:$0x1D400] =	vst v63  }
0x208: {  	s26 =	sand.u32 $0x1FFFFFF0, s22;
	s29 =	spop (v2sf);
	s31 =	sadd.s32 s3, s16  }
0x209: {  	(v2sf) =	vpush v1, $0xD;
	[tilespmem:s17], [sflag:$0x1] =	stream.linear.gather [hbm4b:s31+s2], $0x80, $0x38;
	[tilespmem:$0x1D400] =	vst v63  }
0x20a: {  	s13 =	sadd.s32 s3, s26;
	s14 =	sand.u32 $0x1FFFFFF0, s29;
	s16 =	spop (v2sf)  }
0x20b: {  	[tilespmem:s11], [sflag:$0x1] =	stream.linear.gather [hbm4b:s13+s2], $0x80, $0x38;
	[tilespmem:$0x1D400] =	vst v63  }
0x20c: {  	s14 =	sadd.s32 s3, s14;
	s17 =	sand.u32 $0x1FFFFFF0, s16;
	s22 =	spop (v2sf)  }
0x20d: {  	(v2sf) =	vpush v1, $0xE;
	[tilespmem:s8], [sflag:$0x1] =	stream.linear.gather [hbm4b:s14+s2], $0x80, $0x38;
	[tilespmem:$0x1D400] =	vst v63  }
0x20e: {  	s24 =	sand.u32 $0x1FFFFFF0, s22;
	s25 =	spop (v2sf);
	s11 =	sadd.s32 s3, s17  }
0x20f: {  	(v2sf) =	vpush v1, $0xF;
	[tilespmem:s12], [sflag:$0x1] =	stream.linear.gather [hbm4b:s11+s2], $0x80, $0x38;
	[tilespmem:$0x1D400] =	vst v63  }
0x210: {  	s26 =	sand.u32 $0x1FFFFFF0, s25;
	s8 =	sadd.s32 s3, s24;
	s29 =	spop (v2sf)  }
0x211: {  	[tilespmem:s7], [sflag:$0x1] =	stream.linear.gather [hbm4b:s8+s2], $0x80, $0x38;
	[tilespmem:$0x1D400] =	vst v63  }
0x212: {  	s11 =	sadd.s32 s3, s26;
	s31 =	sand.u32 $0x1FFFFFF0, s29;
	s12 =	spop (v2sf)  }
0x213: {  	[tilespmem:s9], [sflag:$0x1] =	stream.linear.gather [hbm4b:s11+s2], $0x80, $0x38;
	[tilespmem:$0x1D400] =	vst v63  }
0x214: {  	s8 =	sand.u32 $0x1FFFFFF0, s12;
	s7 =	sadd.s32 s3, s31;
	s13 =	spop (v2sf)  }
0x215: {  	[tilespmem:s6], [sflag:$0x1] =	stream.linear.gather [hbm4b:s7+s2], $0x80, $0x38;
	[tilespmem:$0x1D400] =	vst v63  }
0x216: {  	s8 =	sadd.s32 s3, s8;
	s14 =	sand.u32 $0x1FFFFFF0, s13;
	s15 =	spop (v2sf)  }
0x217: {  	[tilespmem:s10], [sflag:$0x1] =	stream.linear.gather [hbm4b:s8+s2], $0x80, $0x38;
	[tilespmem:$0x1D400] =	vst v63  }
0x218: {  	s6 =	sadd.s32 s3, s14;
	s7 =	sand.u32 $0x1FFFFFF0, s15;
	s16 =	spop (v2sf)  }
0x219: {  	[tilespmem:s5], [sflag:$0x1] =	stream.linear.gather [hbm4b:s6+s2], $0x80, $0x38;
	[tilespmem:$0x1D400] =	vst v63  }
0x21a: {  	s28 =	sadd.s32 $0x340, s28;
	s17 =	sand.u32 $0x1FFFFFF0, s16;
	s7 =	sadd.s32 s3, s7  }
0x21b: {  	[tilespmem:s1], [sflag:$0x1] =	stream.linear.gather [hbm4b:s7+s2], $0x80, $0x38;
	[tilespmem:$0x1D400] =	vst v63  }
0x21c: {  	p0 =	sne.s32 s30, $0x10;
	s22 =	spop (v2sf);
	s5 =	sadd.s32 s3, s17  }
0x21d: {  	[tilespmem:s4], [sflag:$0x1] =	stream.linear.gather [hbm4b:s5+s2], $0x80, $0x38;
	[tilespmem:$0x1D400] =	vst v63  }
.Ltmp4:
0x21e: {  	s24 =	sand.u32 $0x1FFFFFF0, s22;
	s25 =	spop (v2sf);
	(pc) =	sbr.rel @p0 .LBB2_6-.Ltmp4, $4  }
0x21f: {  	s29 =	sadd.s32 $0x3B00, s23;
	s26 =	sand.u32 $0x1FFFFFF0, s25;
	s1 =	sadd.s32 s3, s24  }
0x220: {  	[tilespmem:s29], [sflag:$0x1] =	stream.linear.gather [hbm4b:s1+s2], $0x80, $0x38;
	[tilespmem:$0x1D400] =	vst v63  }
0x221: {  	s19 =	sadd.s32 $0x1, s19;
	s31 =	sadd.s32 $0x3B80, s23;
	s4 =	sadd.s32 s3, s26  }
0x222: {  	[tilespmem:s31], [sflag:$0x1] =	stream.linear.gather [hbm4b:s4+s2], $0x80, $0x38;
	[tilespmem:$0x1D400] =	vst v63  }
0x223: {  	s1 =	simm.s32 $0x1  }
0x224: {  	_ =	swait.ge [sflag:s1], $0xD000  }
0x225: {  	[sflag:s1] =	ssyncset.done $0x0  }
0x226: {  	s4 =	simm.s32 $0x4;
	[sflag:s1] =	ssyncadd.s32 $0xFFFF3000  }
0x227: {  	_ =	swait.ge [sflag:s4], $0xD00  }
0x228: {  	[sflag:s4] =	ssyncset.done $0x0  }
0x229: {  	[sflag:s4] =	ssyncadd.s32 $0xFFFFF300  }
0x22a: {  	_ =	swait.ge [sflag:s4], $0xD00  }
0x22b: {  	[sflag:s4] =	ssyncset.done $0x0  }
0x22c: {  	[sflag:s4] =	ssyncadd.s32 $0xFFFFF300  }
0x22d: {  	_ =	swait.ge [sflag:s4], $0xD00  }
0x22e: {  	[sflag:s4] =	ssyncset.done $0x0  }
0x22f: {  	[sflag:s4] =	ssyncadd.s32 $0xFFFFF300  }
0x230: {  	_ =	swait.ge [sflag:s4], $0xD00  }
0x231: {  	[sflag:s4] =	ssyncset.done $0x0  }
0x232: {  	[sflag:s4] =	ssyncadd.s32 $0xFFFFF300  }
0x233: {  	_ =	swait.ge [sflag:s4], $0xD00  }
0x234: {  	[sflag:s4] =	ssyncset.done $0x0  }
0x235: {  	[sflag:s4] =	ssyncadd.s32 $0xFFFFF300  }
0x236: {  	_ =	swait.ge [sflag:s4], $0xD00  }
0x237: {  	[sflag:s4] =	ssyncset.done $0x0  }
0x238: {  	[sflag:s4] =	ssyncadd.s32 $0xFFFFF300  }
0x239: {  	_ =	swait.ge [sflag:s4], $0xD00  }
0x23a: {  	[sflag:s4] =	ssyncset.done $0x0  }
0x23b: {  	[sflag:s4] =	ssyncadd.s32 $0xFFFFF300  }
0x23c: {  	_ =	swait.ge [sflag:s4], $0xD00  }
0x23d: {  	[sflag:s4] =	ssyncset.done $0x0  }
0x23e: {  	[sflag:s4] =	ssyncadd.s32 $0xFFFFF300  }
0x23f: {  	_ =	swait.ge [sflag:s4], $0xD00  }
0x240: {  	[sflag:s4] =	ssyncset.done $0x0  }
0x241: {  	[sflag:s4] =	ssyncadd.s32 $0xFFFFF300  }
0x242: {  	_ =	swait.ge [sflag:s4], $0xD00  }
0x243: {  	[sflag:s4] =	ssyncset.done $0x0  }
0x244: {  	[sflag:s4] =	ssyncadd.s32 $0xFFFFF300  }
0x245: {  	_ =	swait.ge [sflag:s4], $0xD00  }
0x246: {  	[sflag:s4] =	ssyncset.done $0x0  }
0x247: {  	[sflag:s4] =	ssyncadd.s32 $0xFFFFF300  }
0x248: {  	_ =	swait.ge [sflag:s4], $0xD00  }
0x249: {  	[sflag:s4] =	ssyncset.done $0x0  }
0x24a: {  	[sflag:s4] =	ssyncadd.s32 $0xFFFFF300  }
0x24b: {  	_ =	swait.ge [sflag:s4], $0xD00  }
0x24c: {  	[sflag:s4] =	ssyncset.done $0x0  }
0x24d: {  	[sflag:s4] =	ssyncadd.s32 $0xFFFFF300  }
0x24e: {  	_ =	swait.ge [sflag:s4], $0xD00  }
0x24f: {  	[sflag:s4] =	ssyncset.done $0x0  }
0x250: {  	[sflag:s4] =	ssyncadd.s32 $0xFFFFF300  }
0x251: {  	_ =	swait.ge [sflag:s4], $0xD00  }
0x252: {  	[sflag:s4] =	ssyncset.done $0x0  }
0x253: {  	[sflag:s4] =	ssyncadd.s32 $0xFFFFF300  }
0x254: {  	_ =	swait.ge [sflag:s4], $0xD00  }
0x255: {  	s5 =	rddreg [dreg:$0x13]  }
0x256: {  	s31 =	rddreg [dreg:$0x12];
	s5 =	sadd.s32 $0x1, s5  }
0x257: {  	p0 =	sne.s32 s5, s31  }
.Ltmp5:
0x258: {  	_ = 	snop;
	(pc) =	sbr.rel @p0 .LBB2_1-.Ltmp5, $3  }
0x259: {  	_ =	sdelay $0x1  }
0x25a: {  	[sflag:s4] =	ssyncset.done $0x0  }
0x25b: {  	[sflag:s4] =	ssyncadd.s32 $0xFFFFF300  }
0x25c: {  	_ =	sfence.sel $0x180000  }
0x25d: {  	[bflag:$0x0] =	sbarrier.arrive $0xFFFF  }
0x25e: {  	_ =	strace $0x90000047  }
0x25f: {  	s0 =	stileid.u32;
	[bflag:$0x2] =	sbarrier.arrive $0xFFFF  }
0x260: {  	p0 =	sne.s32 s0, $0x0;
	s0 =	rddreg [dreg:$0x2]  }
0x261: {  	s0 =	sadd.s32 @!p0 $0x100000, s0  }
0x262: {  	[sflag:s0] =	ssyncadd.tile.s32 @!p0 $0x1;
	_ =	shalt  }
.Lfunc_end2:
_tile_overlayer_lowered:
.L_overlay_start_2:
0x263: {  	(tag) =	ssettag $0x2  }
0x264: {  	s0 =	rddreg [dreg:$0x0];
	s2 =	stileid.u32  }
0x265: {  	s1 =	rddreg [dreg:$0x1];
	p0 =	sne.s32 s2, $0x0  }
0x266: {  	s3 =	rddreg [dreg:$0x2];
	[bflag:$0x3] =	sbarrier.arrive $0xFFFF;
	s2 =	simm.s32 @!p0 $0x1C05  }
0x267: {  	[timem:s3], [sflag:s2] =	dma.local @!p0 [hbm:s0], s1  }
0x268: {  	s0 =	simm.s32 @!p0 $0x5  }
0x269: {  	_ =	swait.ge @!p0 [sflag:s0], s1  }
0x26a: {  	s1 =	ssub.s32 @!p0 $0x0, s1;
	[sflag:s0] =	ssyncset.done @!p0 $0x0  }
0x26b: {  	[sflag:s0] =	ssyncadd.s32 @!p0 s1  }
0x26c: {  	[bflag:$0x3] =	sbarrier.arrive $0xFFFF  }
0x26d: {  	_ =	shalt  }

</sc_bundles>
